<compile_context>
chip_gen: v7x
topology: tpu7x:2x2x1
jax: 0.10.2.dev20260603
libtpu: 0.0.44.dev20260713+nightly
codegen_flags: <defaults>
</compile_context>

<pallas_src>
import functools

import jax
import jax.numpy as jnp
from jax import lax
from jax.experimental import pallas as pl
from jax.experimental.pallas import tpu as pltpu
from jax.experimental.pallas import tpu_sc as plsc

N_NODES = 10000
D = 128
E = 320000

NC = 2
NS = 16
NW = NC * NS
EPW = E // NW
C = 200
CI = 208
NCH = EPW // C
NP = NCH // 2
G = 16
FR = 17


def _sc_kernel(z_hbm, src_hbm, dst_hbm, out_hbm,
               sidx, didx,
               srows0, drows0, srows1, drows1,
               outpair, fold, sem0, sem1, semo):
    wid = lax.axis_index("s") * NC + lax.axis_index("c")
    base = wid * EPW

    pltpu.sync_copy(src_hbm.at[pl.ds(base, EPW + 16)], sidx)
    pltpu.sync_copy(dst_hbm.at[pl.ds(base, EPW + 16)], didx)

    def start(j, sb, db, sem):
        pltpu.async_copy(z_hbm.at[sidx.at[pl.ds(j * C, C)]], sb.at[pl.ds(0, C)], sem)
        pltpu.async_copy(z_hbm.at[didx.at[pl.ds(j * C, C)]], db.at[pl.ds(0, C)], sem)

    def wait_rows(j, sb, db, sem):
        pltpu.make_async_copy(z_hbm.at[sidx.at[pl.ds(j * C, C)]], sb.at[pl.ds(0, C)], sem).wait()
        pltpu.make_async_copy(z_hbm.at[didx.at[pl.ds(j * C, C)]], db.at[pl.ds(0, C)], sem).wait()

    iota = lax.iota(jnp.int32, G)

    def compute(q, sb, db):
        @plsc.parallel_loop(0, CI // G, 1, unroll=1)
        def group_body(t):
            off = t * (G * FR)
            for e in range(G):
                i = t * G + e
                acc = sb[i, pl.ds(0, 16)] * db[i, pl.ds(0, 16)]
                for k in range(1, D // 16):
                    acc = acc + (sb[i, pl.ds(k * 16, 16)]
                                 * db[i, pl.ds(k * 16, 16)])
                fold[pl.ds(off + e * FR, G)] = acc
            stride = iota * FR + off
            tot = plsc.load_gather(fold, [stride])
            for k in range(1, G):
                tot = tot + plsc.load_gather(fold, [stride + k])
            outpair[pl.ds(q * C + t * G, G)] = 1.0 / (1.0 + jnp.exp(-tot))

    def out_region(p):
        return out_hbm.at[pl.ds(base + p * 2 * C, 2 * C)]

    start(0, srows0, drows0, sem0)
    pltpu.async_copy(outpair.at[pl.ds(0, 2 * C)], out_region(0), semo)

    def pair_body(p, _):
        j0 = 2 * p
        j1 = j0 + 1
        start(j1, srows1, drows1, sem1)

        pltpu.make_async_copy(outpair.at[pl.ds(0, 2 * C)], out_region(0),
                              semo).wait()

        wait_rows(j0, srows0, drows0, sem0)
        compute(0, srows0, drows0)

        jn = lax.rem(j0 + 2, NCH)
        start(jn, srows0, drows0, sem0)

        wait_rows(j1, srows1, drows1, sem1)
        compute(1, srows1, drows1)

        pltpu.async_copy(outpair.at[pl.ds(0, 2 * C)], out_region(p), semo)
        return 0

    lax.fori_loop(0, NP, pair_body, 0)
    pltpu.make_async_copy(outpair.at[pl.ds(0, 2 * C)], out_region(0),
                          semo).wait()
    wait_rows(0, srows0, drows0, sem0)


@jax.jit
def kernel(z, edge_index):
    edge_index = edge_index.astype(jnp.int32)
    pad = jnp.zeros((2, 16), jnp.int32)
    edge_index = jnp.concatenate([edge_index, pad], axis=1)
    src = edge_index[0]
    dst = edge_index[1]

    mesh = plsc.VectorSubcoreMesh(core_axis_name="c", subcore_axis_name="s")
    run = functools.partial(
        pl.kernel,
        out_type=jax.ShapeDtypeStruct((E,), jnp.float32),
        mesh=mesh,
        compiler_params=pltpu.CompilerParams(needs_layout_passes=False),
        scratch_types=[
            pltpu.VMEM((EPW + 16,), jnp.int32),
            pltpu.VMEM((EPW + 16,), jnp.int32),
            pltpu.VMEM((CI, D), jnp.float32),
            pltpu.VMEM((CI, D), jnp.float32),
            pltpu.VMEM((CI, D), jnp.float32),
            pltpu.VMEM((CI, D), jnp.float32),
            pltpu.VMEM((2 * C + G,), jnp.float32),
            pltpu.VMEM((CI * FR,), jnp.float32),
            pltpu.SemaphoreType.DMA,
            pltpu.SemaphoreType.DMA,
            pltpu.SemaphoreType.DMA,
        ],
    )(_sc_kernel)
    return run(z, src, dst)

# --- scband reference (transcript-rebuilt; emitter-appended) ---
"""Pipeline reference for scband-inner-product-decoder-51771535786607 (READ-ONLY COPY).

The authoritative reference and input builder live on the scoring server;
editing this copy changes nothing except your own understanding.
"""

import jax, jax.numpy as jnp
import numpy as np


def setup_inputs(seed: int = 0) -> dict:
    key = jax.random.key(seed)
    k1, k2 = jax.random.split(key)
    z = jax.random.normal(k1, (10000, 128), dtype=jnp.float32)
    edge_index = jax.random.randint(k2, (2, 320000), 0, 10000, dtype=jnp.int64)
    return {"z": z, "edge_index": edge_index}


def reference(z, edge_index):
    # value = (z[edge_index[0]] * z[edge_index[1]]).sum(dim=1)
    src = jnp.take(z, edge_index[0], axis=0)
    dst = jnp.take(z, edge_index[1], axis=0)
    value = (src * dst).sum(axis=1)
    return jax.nn.sigmoid(value)

if __name__ == "__main__":
    import jax
    _d = setup_inputs()
    print(jax.jit(kernel)(*tuple(_d.values())))

</pallas_src>

<mosaic_0001>
#map = affine_map<(d0, d1) -> (0, 0)>
#map1 = affine_map<(d0, d1) -> (0)>
module attributes {stable_mosaic.version = 14 : i64} {
  func.func @_sc_kernel(%arg0: i32, %arg1: i32, %arg2: memref<10000x128xf32, #tpu.memory_space<hbm>>, %arg3: memref<320016xi32, #tpu.memory_space<hbm>>, %arg4: memref<320016xi32, #tpu.memory_space<hbm>>, %arg5: memref<320000xf32, #tpu.memory_space<hbm>>, %arg6: memref<10016xi32, #tpu.memory_space<vmem>>, %arg7: memref<10016xi32, #tpu.memory_space<vmem>>, %arg8: memref<208x128xf32, #tpu.memory_space<vmem>>, %arg9: memref<208x128xf32, #tpu.memory_space<vmem>>, %arg10: memref<208x128xf32, #tpu.memory_space<vmem>>, %arg11: memref<208x128xf32, #tpu.memory_space<vmem>>, %arg12: memref<416xf32, #tpu.memory_space<vmem>>, %arg13: memref<3536xf32, #tpu.memory_space<vmem>>, %arg14: memref<!tpu.dma_semaphore, #tpu.memory_space<semaphore_mem>>, %arg15: memref<!tpu.dma_semaphore, #tpu.memory_space<semaphore_mem>>, %arg16: memref<!tpu.dma_semaphore, #tpu.memory_space<semaphore_mem>>) attributes {dimension_semantics = [#tpu.dimension_semantics<core_parallel>, #tpu.dimension_semantics<subcore_parallel>], iteration_bounds = array<i64: 2, 16>, scalar_prefetch = 0 : i64, scratch_operands = 11 : i64, tpu.core_type = #tpu.core_type<sc_vector_subcore>, window_params = [{transform_indices = #map}, {transform_indices = #map1}, {transform_indices = #map1}, {transform_indices = #map1}]} {
    %mul3A = arith.constant 2 : i32
    %mul3A_0 = arith.muli %arg1, %mul3A : i32
    %add3A = arith.addi %mul3A_0, %arg0 : i32
    %mul3A_1 = arith.constant 10000 : i32
    %mul3A_2 = arith.muli %add3A, %mul3A_1 : i32
    "tpu.region"() ({
      %run_scoped3A = tpu.sem_alloc : memref<!tpu.dma_semaphore, #tpu.memory_space<semaphore_mem>>
      %dma_start3A_55 = tpu.memref_slice %arg3[%mul3A_2] : memref<320016xi32, #tpu.memory_space<hbm>> -> memref<10016xi32, #tpu.memory_space<hbm>>
      %dma_start3A_56 = tpu.memref_slice %arg3[%mul3A_2] : memref<320016xi32, #tpu.memory_space<hbm>> -> memref<10016xi32, #tpu.memory_space<hbm>>
      tpu.enqueue_dma source(%dma_start3A_56 : memref<10016xi32, #tpu.memory_space<hbm>>) target(%arg6 : memref<10016xi32, #tpu.memory_space<vmem>>) target_semaphore(%run_scoped3A : memref<!tpu.dma_semaphore, #tpu.memory_space<semaphore_mem>>)
      %dma_wait3A_57 = tpu.memref_slice %arg3[%mul3A_2] : memref<320016xi32, #tpu.memory_space<hbm>> -> memref<10016xi32, #tpu.memory_space<hbm>>
      %dma_wait3A_58 = tpu.memref_slice %arg3[%mul3A_2] : memref<320016xi32, #tpu.memory_space<hbm>> -> memref<10016xi32, #tpu.memory_space<hbm>>
      tpu.wait_dma2 semaphore(%run_scoped3A : memref<!tpu.dma_semaphore, #tpu.memory_space<semaphore_mem>>) src(%dma_wait3A_58 : memref<10016xi32, #tpu.memory_space<hbm>>) dst(%arg6 : memref<10016xi32, #tpu.memory_space<vmem>>)
      tpu.yield
    }) : () -> ()
    "tpu.region"() ({
      %run_scoped3A = tpu.sem_alloc : memref<!tpu.dma_semaphore, #tpu.memory_space<semaphore_mem>>
      %dma_start3A_55 = tpu.memref_slice %arg4[%mul3A_2] : memref<320016xi32, #tpu.memory_space<hbm>> -> memref<10016xi32, #tpu.memory_space<hbm>>
      %dma_start3A_56 = tpu.memref_slice %arg4[%mul3A_2] : memref<320016xi32, #tpu.memory_space<hbm>> -> memref<10016xi32, #tpu.memory_space<hbm>>
      tpu.enqueue_dma source(%dma_start3A_56 : memref<10016xi32, #tpu.memory_space<hbm>>) target(%arg7 : memref<10016xi32, #tpu.memory_space<vmem>>) target_semaphore(%run_scoped3A : memref<!tpu.dma_semaphore, #tpu.memory_space<semaphore_mem>>)
      %dma_wait3A_57 = tpu.memref_slice %arg4[%mul3A_2] : memref<320016xi32, #tpu.memory_space<hbm>> -> memref<10016xi32, #tpu.memory_space<hbm>>
      %dma_wait3A_58 = tpu.memref_slice %arg4[%mul3A_2] : memref<320016xi32, #tpu.memory_space<hbm>> -> memref<10016xi32, #tpu.memory_space<hbm>>
      tpu.wait_dma2 semaphore(%run_scoped3A : memref<!tpu.dma_semaphore, #tpu.memory_space<semaphore_mem>>) src(%dma_wait3A_58 : memref<10016xi32, #tpu.memory_space<hbm>>) dst(%arg7 : memref<10016xi32, #tpu.memory_space<vmem>>)
      tpu.yield
    }) : () -> ()
    %iota3A = tpu.iota {dimensions = array<i32: 0>} : vector<16xi32>
    %dma_start3A = arith.constant 0 : i32
    %dma_start3A_3 = arith.constant 0 : i32
    %dma_start3A_4 = tpu.memref_slice %arg8[%dma_start3A, %dma_start3A_3] : memref<208x128xf32, #tpu.memory_space<vmem>> -> memref<200x128xf32, #tpu.memory_space<vmem>>
    %dma_start3A_5 = arith.constant 0 : i32
    %dma_start3A_6 = tpu.memref_slice %arg6[%dma_start3A_5] : memref<10016xi32, #tpu.memory_space<vmem>> -> memref<200xi32, #tpu.memory_space<vmem>>
    %dma_start3A_7 = arith.constant 0 : i32
    %dma_start3A_8 = arith.constant 0 : i32
    %dma_start3A_9 = tpu.memref_slice %arg2[%dma_start3A_7, %dma_start3A_8] : memref<10000x128xf32, #tpu.memory_space<hbm>> -> memref<10000x128xf32, #tpu.memory_space<hbm>>
    tpu.enqueue_indirect_dma source(%dma_start3A_9 : memref<10000x128xf32, #tpu.memory_space<hbm>>) target(%dma_start3A_4 : memref<200x128xf32, #tpu.memory_space<vmem>>) offsets(%dma_start3A_6 : memref<200xi32, #tpu.memory_space<vmem>>) semaphore(%arg14 : memref<!tpu.dma_semaphore, #tpu.memory_space<semaphore_mem>>)
    %dma_start3A_10 = arith.constant 0 : i32
    %dma_start3A_11 = arith.constant 0 : i32
    %dma_start3A_12 = tpu.memref_slice %arg9[%dma_start3A_10, %dma_start3A_11] : memref<208x128xf32, #tpu.memory_space<vmem>> -> memref<200x128xf32, #tpu.memory_space<vmem>>
    %dma_start3A_13 = arith.constant 0 : i32
    %dma_start3A_14 = tpu.memref_slice %arg7[%dma_start3A_13] : memref<10016xi32, #tpu.memory_space<vmem>> -> memref<200xi32, #tpu.memory_space<vmem>>
    %dma_start3A_15 = arith.constant 0 : i32
    %dma_start3A_16 = arith.constant 0 : i32
    %dma_start3A_17 = tpu.memref_slice %arg2[%dma_start3A_15, %dma_start3A_16] : memref<10000x128xf32, #tpu.memory_space<hbm>> -> memref<10000x128xf32, #tpu.memory_space<hbm>>
    tpu.enqueue_indirect_dma source(%dma_start3A_17 : memref<10000x128xf32, #tpu.memory_space<hbm>>) target(%dma_start3A_12 : memref<200x128xf32, #tpu.memory_space<vmem>>) offsets(%dma_start3A_14 : memref<200xi32, #tpu.memory_space<vmem>>) semaphore(%arg14 : memref<!tpu.dma_semaphore, #tpu.memory_space<semaphore_mem>>)
    %add3A_18 = arith.constant 0 : i32
    %add3A_19 = arith.addi %mul3A_2, %add3A_18 : i32
    %dma_start3A_20 = arith.constant 0 : i32
    %dma_start3A_21 = tpu.memref_slice %arg12[%dma_start3A_20] : memref<416xf32, #tpu.memory_space<vmem>> -> memref<400xf32, #tpu.memory_space<vmem>>
    %dma_start3A_22 = tpu.memref_slice %arg5[%add3A_19] : memref<320000xf32, #tpu.memory_space<hbm>> -> memref<400xf32, #tpu.memory_space<hbm>>
    %dma_start3A_23 = tpu.memref_slice %arg5[%add3A_19] : memref<320000xf32, #tpu.memory_space<hbm>> -> memref<400xf32, #tpu.memory_space<hbm>>
    %dma_start3A_24 = arith.constant 0 : i32
    %dma_start3A_25 = tpu.memref_slice %arg12[%dma_start3A_24] : memref<416xf32, #tpu.memory_space<vmem>> -> memref<400xf32, #tpu.memory_space<vmem>>
    tpu.enqueue_dma source(%dma_start3A_25 : memref<400xf32, #tpu.memory_space<vmem>>) target(%dma_start3A_23 : memref<400xf32, #tpu.memory_space<hbm>>) target_semaphore(%arg16 : memref<!tpu.dma_semaphore, #tpu.memory_space<semaphore_mem>>)
    %scan3A = arith.constant 0 : i32
    %scan3A_26 = arith.constant 0 : i32
    %scan3A_27 = arith.constant 25 : i32
    %scan3A_28 = arith.addi %scan3A_26, %scan3A_27 : i32
    %scan3A_29 = arith.constant 1 : i32
    %scan3A_30 = scf.for %scan3A_55 = %scan3A_26 to %scan3A_28 step %scan3A_29 iter_args(%scan3A_56 = %scan3A) -> (i32)  : i32 {
      %mul3A_57 = arith.constant 2 : i32
      %mul3A_58 = arith.muli %mul3A_57, %scan3A_55 : i32
      %add3A_59 = arith.constant 1 : i32
      %add3A_60 = arith.addi %mul3A_58, %add3A_59 : i32
      %mul3A_61 = arith.constant 200 : i32
      %mul3A_62 = arith.muli %add3A_60, %mul3A_61 : i32
      %dma_start3A_63 = arith.constant 0 : i32
      %dma_start3A_64 = arith.constant 0 : i32
      %dma_start3A_65 = tpu.memref_slice %arg10[%dma_start3A_63, %dma_start3A_64] : memref<208x128xf32, #tpu.memory_space<vmem>> -> memref<200x128xf32, #tpu.memory_space<vmem>>
      %dma_start3A_66 = tpu.memref_slice %arg6[%mul3A_62] : memref<10016xi32, #tpu.memory_space<vmem>> -> memref<200xi32, #tpu.memory_space<vmem>>
      %dma_start3A_67 = arith.constant 0 : i32
      %dma_start3A_68 = arith.constant 0 : i32
      %dma_start3A_69 = tpu.memref_slice %arg2[%dma_start3A_67, %dma_start3A_68] : memref<10000x128xf32, #tpu.memory_space<hbm>> -> memref<10000x128xf32, #tpu.memory_space<hbm>>
      tpu.enqueue_indirect_dma source(%dma_start3A_69 : memref<10000x128xf32, #tpu.memory_space<hbm>>) target(%dma_start3A_65 : memref<200x128xf32, #tpu.memory_space<vmem>>) offsets(%dma_start3A_66 : memref<200xi32, #tpu.memory_space<vmem>>) semaphore(%arg15 : memref<!tpu.dma_semaphore, #tpu.memory_space<semaphore_mem>>)
      %mul3A_70 = arith.constant 200 : i32
      %mul3A_71 = arith.muli %add3A_60, %mul3A_70 : i32
      %dma_start3A_72 = arith.constant 0 : i32
      %dma_start3A_73 = arith.constant 0 : i32
      %dma_start3A_74 = tpu.memref_slice %arg11[%dma_start3A_72, %dma_start3A_73] : memref<208x128xf32, #tpu.memory_space<vmem>> -> memref<200x128xf32, #tpu.memory_space<vmem>>
      %dma_start3A_75 = tpu.memref_slice %arg7[%mul3A_71] : memref<10016xi32, #tpu.memory_space<vmem>> -> memref<200xi32, #tpu.memory_space<vmem>>
      %dma_start3A_76 = arith.constant 0 : i32
      %dma_start3A_77 = arith.constant 0 : i32
      %dma_start3A_78 = tpu.memref_slice %arg2[%dma_start3A_76, %dma_start3A_77] : memref<10000x128xf32, #tpu.memory_space<hbm>> -> memref<10000x128xf32, #tpu.memory_space<hbm>>
      tpu.enqueue_indirect_dma source(%dma_start3A_78 : memref<10000x128xf32, #tpu.memory_space<hbm>>) target(%dma_start3A_74 : memref<200x128xf32, #tpu.memory_space<vmem>>) offsets(%dma_start3A_75 : memref<200xi32, #tpu.memory_space<vmem>>) semaphore(%arg15 : memref<!tpu.dma_semaphore, #tpu.memory_space<semaphore_mem>>)
      %add3A_79 = arith.constant 0 : i32
      %add3A_80 = arith.addi %mul3A_2, %add3A_79 : i32
      %dma_wait3A_81 = arith.constant 0 : i32
      %dma_wait3A_82 = tpu.memref_slice %arg12[%dma_wait3A_81] : memref<416xf32, #tpu.memory_space<vmem>> -> memref<400xf32, #tpu.memory_space<vmem>>
      %dma_wait3A_83 = tpu.memref_slice %arg5[%add3A_80] : memref<320000xf32, #tpu.memory_space<hbm>> -> memref<400xf32, #tpu.memory_space<hbm>>
      %dma_wait3A_84 = tpu.memref_slice %arg5[%add3A_80] : memref<320000xf32, #tpu.memory_space<hbm>> -> memref<400xf32, #tpu.memory_space<hbm>>
      %dma_wait3A_85 = arith.constant 0 : i32
      %dma_wait3A_86 = tpu.memref_slice %arg12[%dma_wait3A_85] : memref<416xf32, #tpu.memory_space<vmem>> -> memref<400xf32, #tpu.memory_space<vmem>>
      tpu.wait_dma2 semaphore(%arg16 : memref<!tpu.dma_semaphore, #tpu.memory_space<semaphore_mem>>) src(%dma_wait3A_86 : memref<400xf32, #tpu.memory_space<vmem>>) dst(%dma_wait3A_84 : memref<400xf32, #tpu.memory_space<hbm>>)
      %mul3A_87 = arith.constant 200 : i32
      %mul3A_88 = arith.muli %mul3A_58, %mul3A_87 : i32
      %dma_wait3A_89 = arith.constant 0 : i32
      %dma_wait3A_90 = arith.constant 0 : i32
      %dma_wait3A_91 = tpu.memref_slice %arg8[%dma_wait3A_89, %dma_wait3A_90] : memref<208x128xf32, #tpu.memory_space<vmem>> -> memref<200x128xf32, #tpu.memory_space<vmem>>
      %dma_wait3A_92 = tpu.memref_slice %arg6[%mul3A_88] : memref<10016xi32, #tpu.memory_space<vmem>> -> memref<200xi32, #tpu.memory_space<vmem>>
      %dma_wait3A_93 = arith.constant 0 : i32
      %dma_wait3A_94 = arith.constant 0 : i32
      %dma_wait3A_95 = tpu.memref_slice %arg2[%dma_wait3A_93, %dma_wait3A_94] : memref<10000x128xf32, #tpu.memory_space<hbm>> -> memref<10000x128xf32, #tpu.memory_space<hbm>>
      tpu.wait_indirect_dma semaphore(%arg14 : memref<!tpu.dma_semaphore, #tpu.memory_space<semaphore_mem>>) src(%dma_wait3A_95 : memref<10000x128xf32, #tpu.memory_space<hbm>>) dst(%dma_wait3A_91 : memref<200x128xf32, #tpu.memory_space<vmem>>)
      %mul3A_96 = arith.constant 200 : i32
      %mul3A_97 = arith.muli %mul3A_58, %mul3A_96 : i32
      %dma_wait3A_98 = arith.constant 0 : i32
      %dma_wait3A_99 = arith.constant 0 : i32
      %dma_wait3A_100 = tpu.memref_slice %arg9[%dma_wait3A_98, %dma_wait3A_99] : memref<208x128xf32, #tpu.memory_space<vmem>> -> memref<200x128xf32, #tpu.memory_space<vmem>>
      %dma_wait3A_101 = tpu.memref_slice %arg7[%mul3A_97] : memref<10016xi32, #tpu.memory_space<vmem>> -> memref<200xi32, #tpu.memory_space<vmem>>
      %dma_wait3A_102 = arith.constant 0 : i32
      %dma_wait3A_103 = arith.constant 0 : i32
      %dma_wait3A_104 = tpu.memref_slice %arg2[%dma_wait3A_102, %dma_wait3A_103] : memref<10000x128xf32, #tpu.memory_space<hbm>> -> memref<10000x128xf32, #tpu.memory_space<hbm>>
      tpu.wait_indirect_dma semaphore(%arg14 : memref<!tpu.dma_semaphore, #tpu.memory_space<semaphore_mem>>) src(%dma_wait3A_104 : memref<10000x128xf32, #tpu.memory_space<hbm>>) dst(%dma_wait3A_100 : memref<200x128xf32, #tpu.memory_space<vmem>>)
      %parallel_loop3A = arith.constant 0 : i32
      %parallel_loop3A_105 = arith.constant 13 : i32
      %parallel_loop3A_106 = arith.constant 1 : i32
      scf.for %parallel_loop3A_161 = %parallel_loop3A to %parallel_loop3A_105 step %parallel_loop3A_106  : i32 {
        %parallel_loop3A_162 = arith.constant 272 : i32
        %parallel_loop3A_163 = arith.muli %parallel_loop3A_161, %parallel_loop3A_162 : i32
        %parallel_loop3A_164 = arith.constant 16 : i32
        %parallel_loop3A_165 = arith.muli %parallel_loop3A_161, %parallel_loop3A_164 : i32
        %parallel_loop3A_166 = arith.constant 0 : i32
        %parallel_loop3A_167 = arith.addi %parallel_loop3A_165, %parallel_loop3A_166 : i32
        %parallel_loop3A_168 = arith.index_cast %parallel_loop3A_167 : i32 to index
        %parallel_loop3A_169 = arith.constant 0 : index
        %parallel_loop3A_170 = tpu.vector_load %arg8[%parallel_loop3A_168, %parallel_loop3A_169] {strides = array<i32>} : memref<208x128xf32, #tpu.memory_space<vmem>>, vector<16xf32>,
        %parallel_loop3A_171 = arith.index_cast %parallel_loop3A_167 : i32 to index
        %parallel_loop3A_172 = arith.constant 0 : index
        %parallel_loop3A_173 = tpu.vector_load %arg9[%parallel_loop3A_171, %parallel_loop3A_172] {strides = array<i32>} : memref<208x128xf32, #tpu.memory_space<vmem>>, vector<16xf32>,
        %parallel_loop3A_174 = arith.mulf %parallel_loop3A_170, %parallel_loop3A_173 : vector<16xf32>
        %parallel_loop3A_175 = arith.index_cast %parallel_loop3A_167 : i32 to index
        %parallel_loop3A_176 = arith.constant 16 : index
        %parallel_loop3A_177 = tpu.vector_load %arg8[%parallel_loop3A_175, %parallel_loop3A_176] {strides = array<i32>} : memref<208x128xf32, #tpu.memory_space<vmem>>, vector<16xf32>,
        %parallel_loop3A_178 = arith.index_cast %parallel_loop3A_167 : i32 to index
        %parallel_loop3A_179 = arith.constant 16 : index
        %parallel_loop3A_180 = tpu.vector_load %arg9[%parallel_loop3A_178, %parallel_loop3A_179] {strides = array<i32>} : memref<208x128xf32, #tpu.memory_space<vmem>>, vector<16xf32>,
        %parallel_loop3A_181 = arith.mulf %parallel_loop3A_177, %parallel_loop3A_180 : vector<16xf32>
        %parallel_loop3A_182 = arith.addf %parallel_loop3A_174, %parallel_loop3A_181 : vector<16xf32>
        %parallel_loop3A_183 = arith.index_cast %parallel_loop3A_167 : i32 to index
        %parallel_loop3A_184 = arith.constant 32 : index
        %parallel_loop3A_185 = tpu.vector_load %arg8[%parallel_loop3A_183, %parallel_loop3A_184] {strides = array<i32>} : memref<208x128xf32, #tpu.memory_space<vmem>>, vector<16xf32>,
        %parallel_loop3A_186 = arith.index_cast %parallel_loop3A_167 : i32 to index
        %parallel_loop3A_187 = arith.constant 32 : index
        %parallel_loop3A_188 = tpu.vector_load %arg9[%parallel_loop3A_186, %parallel_loop3A_187] {strides = array<i32>} : memref<208x128xf32, #tpu.memory_space<vmem>>, vector<16xf32>,
        %parallel_loop3A_189 = arith.mulf %parallel_loop3A_185, %parallel_loop3A_188 : vector<16xf32>
        %parallel_loop3A_190 = arith.addf %parallel_loop3A_182, %parallel_loop3A_189 : vector<16xf32>
        %parallel_loop3A_191 = arith.index_cast %parallel_loop3A_167 : i32 to index
        %parallel_loop3A_192 = arith.constant 48 : index
        %parallel_loop3A_193 = tpu.vector_load %arg8[%parallel_loop3A_191, %parallel_loop3A_192] {strides = array<i32>} : memref<208x128xf32, #tpu.memory_space<vmem>>, vector<16xf32>,
        %parallel_loop3A_194 = arith.index_cast %parallel_loop3A_167 : i32 to index
        %parallel_loop3A_195 = arith.constant 48 : index
        %parallel_loop3A_196 = tpu.vector_load %arg9[%parallel_loop3A_194, %parallel_loop3A_195] {strides = array<i32>} : memref<208x128xf32, #tpu.memory_space<vmem>>, vector<16xf32>,
        %parallel_loop3A_197 = arith.mulf %parallel_loop3A_193, %parallel_loop3A_196 : vector<16xf32>
        %parallel_loop3A_198 = arith.addf %parallel_loop3A_190, %parallel_loop3A_197 : vector<16xf32>
        %parallel_loop3A_199 = arith.index_cast %parallel_loop3A_167 : i32 to index
        %parallel_loop3A_200 = arith.constant 64 : index
        %parallel_loop3A_201 = tpu.vector_load %arg8[%parallel_loop3A_199, %parallel_loop3A_200] {strides = array<i32>} : memref<208x128xf32, #tpu.memory_space<vmem>>, vector<16xf32>,
        %parallel_loop3A_202 = arith.index_cast %parallel_loop3A_167 : i32 to index
        %parallel_loop3A_203 = arith.constant 64 : index
        %parallel_loop3A_204 = tpu.vector_load %arg9[%parallel_loop3A_202, %parallel_loop3A_203] {strides = array<i32>} : memref<208x128xf32, #tpu.memory_space<vmem>>, vector<16xf32>,
        %parallel_loop3A_205 = arith.mulf %parallel_loop3A_201, %parallel_loop3A_204 : vector<16xf32>
        %parallel_loop3A_206 = arith.addf %parallel_loop3A_198, %parallel_loop3A_205 : vector<16xf32>
        %parallel_loop3A_207 = arith.index_cast %parallel_loop3A_167 : i32 to index
        %parallel_loop3A_208 = arith.constant 80 : index
        %parallel_loop3A_209 = tpu.vector_load %arg8[%parallel_loop3A_207, %parallel_loop3A_208] {strides = array<i32>} : memref<208x128xf32, #tpu.memory_space<vmem>>, vector<16xf32>,
        %parallel_loop3A_210 = arith.index_cast %parallel_loop3A_167 : i32 to index
        %parallel_loop3A_211 = arith.constant 80 : index
        %parallel_loop3A_212 = tpu.vector_load %arg9[%parallel_loop3A_210, %parallel_loop3A_211] {strides = array<i32>} : memref<208x128xf32, #tpu.memory_space<vmem>>, vector<16xf32>,
        %parallel_loop3A_213 = arith.mulf %parallel_loop3A_209, %parallel_loop3A_212 : vector<16xf32>
        %parallel_loop3A_214 = arith.addf %parallel_loop3A_206, %parallel_loop3A_213 : vector<16xf32>
        %parallel_loop3A_215 = arith.index_cast %parallel_loop3A_167 : i32 to index
        %parallel_loop3A_216 = arith.constant 96 : index
        %parallel_loop3A_217 = tpu.vector_load %arg8[%parallel_loop3A_215, %parallel_loop3A_216] {strides = array<i32>} : memref<208x128xf32, #tpu.memory_space<vmem>>, vector<16xf32>,
        %parallel_loop3A_218 = arith.index_cast %parallel_loop3A_167 : i32 to index
        %parallel_loop3A_219 = arith.constant 96 : index
        %parallel_loop3A_220 = tpu.vector_load %arg9[%parallel_loop3A_218, %parallel_loop3A_219] {strides = array<i32>} : memref<208x128xf32, #tpu.memory_space<vmem>>, vector<16xf32>,
        %parallel_loop3A_221 = arith.mulf %parallel_loop3A_217, %parallel_loop3A_220 : vector<16xf32>
        %parallel_loop3A_222 = arith.addf %parallel_loop3A_214, %parallel_loop3A_221 : vector<16xf32>
        %parallel_loop3A_223 = arith.index_cast %parallel_loop3A_167 : i32 to index
        %parallel_loop3A_224 = arith.constant 112 : index
        %parallel_loop3A_225 = tpu.vector_load %arg8[%parallel_loop3A_223, %parallel_loop3A_224] {strides = array<i32>} : memref<208x128xf32, #tpu.memory_space<vmem>>, vector<16xf32>,
        %parallel_loop3A_226 = arith.index_cast %parallel_loop3A_167 : i32 to index
        %parallel_loop3A_227 = arith.constant 112 : index
        %parallel_loop3A_228 = tpu.vector_load %arg9[%parallel_loop3A_226, %parallel_loop3A_227] {strides = array<i32>} : memref<208x128xf32, #tpu.memory_space<vmem>>, vector<16xf32>,
        %parallel_loop3A_229 = arith.mulf %parallel_loop3A_225, %parallel_loop3A_228 : vector<16xf32>
        %parallel_loop3A_230 = arith.addf %parallel_loop3A_222, %parallel_loop3A_229 : vector<16xf32>
        %parallel_loop3A_231 = arith.constant 0 : i32
        %parallel_loop3A_232 = arith.addi %parallel_loop3A_163, %parallel_loop3A_231 : i32
        %parallel_loop3A_233 = arith.index_cast %parallel_loop3A_232 : i32 to index
        %parallel_loop3A_234 = tpu.vector_load %arg13[%parallel_loop3A_233] {strides = array<i32>} : memref<3536xf32, #tpu.memory_space<vmem>>, vector<16xf32>,
        tpu.vector_store %arg13[%parallel_loop3A_233], %parallel_loop3A_230 {strides = array<i32>} : memref<3536xf32, #tpu.memory_space<vmem>>, vector<16xf32>,
        %parallel_loop3A_235 = arith.constant 16 : i32
        %parallel_loop3A_236 = arith.muli %parallel_loop3A_161, %parallel_loop3A_235 : i32
        %parallel_loop3A_237 = arith.constant 1 : i32
        %parallel_loop3A_238 = arith.addi %parallel_loop3A_236, %parallel_loop3A_237 : i32
        %parallel_loop3A_239 = arith.index_cast %parallel_loop3A_238 : i32 to index
        %parallel_loop3A_240 = arith.constant 0 : index
        %parallel_loop3A_241 = tpu.vector_load %arg8[%parallel_loop3A_239, %parallel_loop3A_240] {strides = array<i32>} : memref<208x128xf32, #tpu.memory_space<vmem>>, vector<16xf32>,
        %parallel_loop3A_242 = arith.index_cast %parallel_loop3A_238 : i32 to index
        %parallel_loop3A_243 = arith.constant 0 : index
        %parallel_loop3A_244 = tpu.vector_load %arg9[%parallel_loop3A_242, %parallel_loop3A_243] {strides = array<i32>} : memref<208x128xf32, #tpu.memory_space<vmem>>, vector<16xf32>,
        %parallel_loop3A_245 = arith.mulf %parallel_loop3A_241, %parallel_loop3A_244 : vector<16xf32>
        %parallel_loop3A_246 = arith.index_cast %parallel_loop3A_238 : i32 to index
        %parallel_loop3A_247 = arith.constant 16 : index
        %parallel_loop3A_248 = tpu.vector_load %arg8[%parallel_loop3A_246, %parallel_loop3A_247] {strides = array<i32>} : memref<208x128xf32, #tpu.memory_space<vmem>>, vector<16xf32>,
        %parallel_loop3A_249 = arith.index_cast %parallel_loop3A_238 : i32 to index
        %parallel_loop3A_250 = arith.constant 16 : index
        %parallel_loop3A_251 = tpu.vector_load %arg9[%parallel_loop3A_249, %parallel_loop3A_250] {strides = array<i32>} : memref<208x128xf32, #tpu.memory_space<vmem>>, vector<16xf32>,
        %parallel_loop3A_252 = arith.mulf %parallel_loop3A_248, %parallel_loop3A_251 : vector<16xf32>
        %parallel_loop3A_253 = arith.addf %parallel_loop3A_245, %parallel_loop3A_252 : vector<16xf32>
        %parallel_loop3A_254 = arith.index_cast %parallel_loop3A_238 : i32 to index
        %parallel_loop3A_255 = arith.constant 32 : index
        %parallel_loop3A_256 = tpu.vector_load %arg8[%parallel_loop3A_254, %parallel_loop3A_255] {strides = array<i32>} : memref<208x128xf32, #tpu.memory_space<vmem>>, vector<16xf32>,
        %parallel_loop3A_257 = arith.index_cast %parallel_loop3A_238 : i32 to index
        %parallel_loop3A_258 = arith.constant 32 : index
        %parallel_loop3A_259 = tpu.vector_load %arg9[%parallel_loop3A_257, %parallel_loop3A_258] {strides = array<i32>} : memref<208x128xf32, #tpu.memory_space<vmem>>, vector<16xf32>,
        %parallel_loop3A_260 = arith.mulf %parallel_loop3A_256, %parallel_loop3A_259 : vector<16xf32>
        %parallel_loop3A_261 = arith.addf %parallel_loop3A_253, %parallel_loop3A_260 : vector<16xf32>
        %parallel_loop3A_262 = arith.index_cast %parallel_loop3A_238 : i32 to index
        %parallel_loop3A_263 = arith.constant 48 : index
        %parallel_loop3A_264 = tpu.vector_load %arg8[%parallel_loop3A_262, %parallel_loop3A_263] {strides = array<i32>} : memref<208x128xf32, #tpu.memory_space<vmem>>, vector<16xf32>,
        %parallel_loop3A_265 = arith.index_cast %parallel_loop3A_238 : i32 to index
        %parallel_loop3A_266 = arith.constant 48 : index
        %parallel_loop3A_267 = tpu.vector_load %arg9[%parallel_loop3A_265, %parallel_loop3A_266] {strides = array<i32>} : memref<208x128xf32, #tpu.memory_space<vmem>>, vector<16xf32>,
        %parallel_loop3A_268 = arith.mulf %parallel_loop3A_264, %parallel_loop3A_267 : vector<16xf32>
        %parallel_loop3A_269 = arith.addf %parallel_loop3A_261, %parallel_loop3A_268 : vector<16xf32>
        %parallel_loop3A_270 = arith.index_cast %parallel_loop3A_238 : i32 to index
        %parallel_loop3A_271 = arith.constant 64 : index
        %parallel_loop3A_272 = tpu.vector_load %arg8[%parallel_loop3A_270, %parallel_loop3A_271] {strides = array<i32>} : memref<208x128xf32, #tpu.memory_space<vmem>>, vector<16xf32>,
        %parallel_loop3A_273 = arith.index_cast %parallel_loop3A_238 : i32 to index
        %parallel_loop3A_274 = arith.constant 64 : index
        %parallel_loop3A_275 = tpu.vector_load %arg9[%parallel_loop3A_273, %parallel_loop3A_274] {strides = array<i32>} : memref<208x128xf32, #tpu.memory_space<vmem>>, vector<16xf32>,
        %parallel_loop3A_276 = arith.mulf %parallel_loop3A_272, %parallel_loop3A_275 : vector<16xf32>
        %parallel_loop3A_277 = arith.addf %parallel_loop3A_269, %parallel_loop3A_276 : vector<16xf32>
        %parallel_loop3A_278 = arith.index_cast %parallel_loop3A_238 : i32 to index
        %parallel_loop3A_279 = arith.constant 80 : index
        %parallel_loop3A_280 = tpu.vector_load %arg8[%parallel_loop3A_278, %parallel_loop3A_279] {strides = array<i32>} : memref<208x128xf32, #tpu.memory_space<vmem>>, vector<16xf32>,
        %parallel_loop3A_281 = arith.index_cast %parallel_loop3A_238 : i32 to index
        %parallel_loop3A_282 = arith.constant 80 : index
        %parallel_loop3A_283 = tpu.vector_load %arg9[%parallel_loop3A_281, %parallel_loop3A_282] {strides = array<i32>} : memref<208x128xf32, #tpu.memory_space<vmem>>, vector<16xf32>,
        %parallel_loop3A_284 = arith.mulf %parallel_loop3A_280, %parallel_loop3A_283 : vector<16xf32>
        %parallel_loop3A_285 = arith.addf %parallel_loop3A_277, %parallel_loop3A_284 : vector<16xf32>
        %parallel_loop3A_286 = arith.index_cast %parallel_loop3A_238 : i32 to index
        %parallel_loop3A_287 = arith.constant 96 : index
        %parallel_loop3A_288 = tpu.vector_load %arg8[%parallel_loop3A_286, %parallel_loop3A_287] {strides = array<i32>} : memref<208x128xf32, #tpu.memory_space<vmem>>, vector<16xf32>,
        %parallel_loop3A_289 = arith.index_cast %parallel_loop3A_238 : i32 to index
        %parallel_loop3A_290 = arith.constant 96 : index
        %parallel_loop3A_291 = tpu.vector_load %arg9[%parallel_loop3A_289, %parallel_loop3A_290] {strides = array<i32>} : memref<208x128xf32, #tpu.memory_space<vmem>>, vector<16xf32>,
        %parallel_loop3A_292 = arith.mulf %parallel_loop3A_288, %parallel_loop3A_291 : vector<16xf32>
        %parallel_loop3A_293 = arith.addf %parallel_loop3A_285, %parallel_loop3A_292 : vector<16xf32>
        %parallel_loop3A_294 = arith.index_cast %parallel_loop3A_238 : i32 to index
        %parallel_loop3A_295 = arith.constant 112 : index
        %parallel_loop3A_296 = tpu.vector_load %arg8[%parallel_loop3A_294, %parallel_loop3A_295] {strides = array<i32>} : memref<208x128xf32, #tpu.memory_space<vmem>>, vector<16xf32>,
        %parallel_loop3A_297 = arith.index_cast %parallel_loop3A_238 : i32 to index
        %parallel_loop3A_298 = arith.constant 112 : index
        %parallel_loop3A_299 = tpu.vector_load %arg9[%parallel_loop3A_297, %parallel_loop3A_298] {strides = array<i32>} : memref<208x128xf32, #tpu.memory_space<vmem>>, vector<16xf32>,
        %parallel_loop3A_300 = arith.mulf %parallel_loop3A_296, %parallel_loop3A_299 : vector<16xf32>
        %parallel_loop3A_301 = arith.addf %parallel_loop3A_293, %parallel_loop3A_300 : vector<16xf32>
        %parallel_loop3A_302 = arith.constant 17 : i32
        %parallel_loop3A_303 = arith.addi %parallel_loop3A_163, %parallel_loop3A_302 : i32
        %parallel_loop3A_304 = arith.index_cast %parallel_loop3A_303 : i32 to index
        %parallel_loop3A_305 = tpu.vector_load %arg13[%parallel_loop3A_304] {strides = array<i32>} : memref<3536xf32, #tpu.memory_space<vmem>>, vector<16xf32>,
        tpu.vector_store %arg13[%parallel_loop3A_304], %parallel_loop3A_301 {strides = array<i32>} : memref<3536xf32, #tpu.memory_space<vmem>>, vector<16xf32>,
        %parallel_loop3A_306 = arith.constant 16 : i32
        %parallel_loop3A_307 = arith.muli %parallel_loop3A_161, %parallel_loop3A_306 : i32
        %parallel_loop3A_308 = arith.constant 2 : i32
        %parallel_loop3A_309 = arith.addi %parallel_loop3A_307, %parallel_loop3A_308 : i32
        %parallel_loop3A_310 = arith.index_cast %parallel_loop3A_309 : i32 to index
        %parallel_loop3A_311 = arith.constant 0 : index
        %parallel_loop3A_312 = tpu.vector_load %arg8[%parallel_loop3A_310, %parallel_loop3A_311] {strides = array<i32>} : memref<208x128xf32, #tpu.memory_space<vmem>>, vector<16xf32>,
        %parallel_loop3A_313 = arith.index_cast %parallel_loop3A_309 : i32 to index
        %parallel_loop3A_314 = arith.constant 0 : index
        %parallel_loop3A_315 = tpu.vector_load %arg9[%parallel_loop3A_313, %parallel_loop3A_314] {strides = array<i32>} : memref<208x128xf32, #tpu.memory_space<vmem>>, vector<16xf32>,
        %parallel_loop3A_316 = arith.mulf %parallel_loop3A_312, %parallel_loop3A_315 : vector<16xf32>
        %parallel_loop3A_317 = arith.index_cast %parallel_loop3A_309 : i32 to index
        %parallel_loop3A_318 = arith.constant 16 : index
        %parallel_loop3A_319 = tpu.vector_load %arg8[%parallel_loop3A_317, %parallel_loop3A_318] {strides = array<i32>} : memref<208x128xf32, #tpu.memory_space<vmem>>, vector<16xf32>,
        %parallel_loop3A_320 = arith.index_cast %parallel_loop3A_309 : i32 to index
        %parallel_loop3A_321 = arith.constant 16 : index
        %parallel_loop3A_322 = tpu.vector_load %arg9[%parallel_loop3A_320, %parallel_loop3A_321] {strides = array<i32>} : memref<208x128xf32, #tpu.memory_space<vmem>>, vector<16xf32>,
        %parallel_loop3A_323 = arith.mulf %parallel_loop3A_319, %parallel_loop3A_322 : vector<16xf32>
        %parallel_loop3A_324 = arith.addf %parallel_loop3A_316, %parallel_loop3A_323 : vector<16xf32>
        %parallel_loop3A_325 = arith.index_cast %parallel_loop3A_309 : i32 to index
        %parallel_loop3A_326 = arith.constant 32 : index
        %parallel_loop3A_327 = tpu.vector_load %arg8[%parallel_loop3A_325, %parallel_loop3A_326] {strides = array<i32>} : memref<208x128xf32, #tpu.memory_space<vmem>>, vector<16xf32>,
        %parallel_loop3A_328 = arith.index_cast %parallel_loop3A_309 : i32 to index
        %parallel_loop3A_329 = arith.constant 32 : index
        %parallel_loop3A_330 = tpu.vector_load %arg9[%parallel_loop3A_328, %parallel_loop3A_329] {strides = array<i32>} : memref<208x128xf32, #tpu.memory_space<vmem>>, vector<16xf32>,
        %parallel_loop3A_331 = arith.mulf %parallel_loop3A_327, %parallel_loop3A_330 : vector<16xf32>
        %parallel_loop3A_332 = arith.addf %parallel_loop3A_324, %parallel_loop3A_331 : vector<16xf32>
        %parallel_loop3A_333 = arith.index_cast %parallel_loop3A_309 : i32 to index
        %parallel_loop3A_334 = arith.constant 48 : index
        %parallel_loop3A_335 = tpu.vector_load %arg8[%parallel_loop3A_333, %parallel_loop3A_334] {strides = array<i32>} : memref<208x128xf32, #tpu.memory_space<vmem>>, vector<16xf32>,
        %parallel_loop3A_336 = arith.index_cast %parallel_loop3A_309 : i32 to index
        %parallel_loop3A_337 = arith.constant 48 : index
        %parallel_loop3A_338 = tpu.vector_load %arg9[%parallel_loop3A_336, %parallel_loop3A_337] {strides = array<i32>} : memref<208x128xf32, #tpu.memory_space<vmem>>, vector<16xf32>,
        %parallel_loop3A_339 = arith.mulf %parallel_loop3A_335, %parallel_loop3A_338 : vector<16xf32>
        %parallel_loop3A_340 = arith.addf %parallel_loop3A_332, %parallel_loop3A_339 : vector<16xf32>
        %parallel_loop3A_341 = arith.index_cast %parallel_loop3A_309 : i32 to index
        %parallel_loop3A_342 = arith.constant 64 : index
        %parallel_loop3A_343 = tpu.vector_load %arg8[%parallel_loop3A_341, %parallel_loop3A_342] {strides = array<i32>} : memref<208x128xf32, #tpu.memory_space<vmem>>, vector<16xf32>,
        %parallel_loop3A_344 = arith.index_cast %parallel_loop3A_309 : i32 to index
        %parallel_loop3A_345 = arith.constant 64 : index
        %parallel_loop3A_346 = tpu.vector_load %arg9[%parallel_loop3A_344, %parallel_loop3A_345] {strides = array<i32>} : memref<208x128xf32, #tpu.memory_space<vmem>>, vector<16xf32>,
        %parallel_loop3A_347 = arith.mulf %parallel_loop3A_343, %parallel_loop3A_346 : vector<16xf32>
        %parallel_loop3A_348 = arith.addf %parallel_loop3A_340, %parallel_loop3A_347 : vector<16xf32>
        %parallel_loop3A_349 = arith.index_cast %parallel_loop3A_309 : i32 to index
        %parallel_loop3A_350 = arith.constant 80 : index
        %parallel_loop3A_351 = tpu.vector_load %arg8[%parallel_loop3A_349, %parallel_loop3A_350] {strides = array<i32>} : memref<208x128xf32, #tpu.memory_space<vmem>>, vector<16xf32>,
        %parallel_loop3A_352 = arith.index_cast %parallel_loop3A_309 : i32 to index
        %parallel_loop3A_353 = arith.constant 80 : index
        %parallel_loop3A_354 = tpu.vector_load %arg9[%parallel_loop3A_352, %parallel_loop3A_353] {strides = array<i32>} : memref<208x128xf32, #tpu.memory_space<vmem>>, vector<16xf32>,
        %parallel_loop3A_355 = arith.mulf %parallel_loop3A_351, %parallel_loop3A_354 : vector<16xf32>
        %parallel_loop3A_356 = arith.addf %parallel_loop3A_348, %parallel_loop3A_355 : vector<16xf32>
        %parallel_loop3A_357 = arith.index_cast %parallel_loop3A_309 : i32 to index
        %parallel_loop3A_358 = arith.constant 96 : index
        %parallel_loop3A_359 = tpu.vector_load %arg8[%parallel_loop3A_357, %parallel_loop3A_358] {strides = array<i32>} : memref<208x128xf32, #tpu.memory_space<vmem>>, vector<16xf32>,
        %parallel_loop3A_360 = arith.index_cast %parallel_loop3A_309 : i32 to index
        %parallel_loop3A_361 = arith.constant 96 : index
        %parallel_loop3A_362 = tpu.vector_load %arg9[%parallel_loop3A_360, %parallel_loop3A_361] {strides = array<i32>} : memref<208x128xf32, #tpu.memory_space<vmem>>, vector<16xf32>,
        %parallel_loop3A_363 = arith.mulf %parallel_loop3A_359, %parallel_loop3A_362 : vector<16xf32>
        %parallel_loop3A_364 = arith.addf %parallel_loop3A_356, %parallel_loop3A_363 : vector<16xf32>
        %parallel_loop3A_365 = arith.index_cast %parallel_loop3A_309 : i32 to index
        %parallel_loop3A_366 = arith.constant 112 : index
        %parallel_loop3A_367 = tpu.vector_load %arg8[%parallel_loop3A_365, %parallel_loop3A_366] {strides = array<i32>} : memref<208x128xf32, #tpu.memory_space<vmem>>, vector<16xf32>,
        %parallel_loop3A_368 = arith.index_cast %parallel_loop3A_309 : i32 to index
        %parallel_loop3A_369 = arith.constant 112 : index
        %parallel_loop3A_370 = tpu.vector_load %arg9[%parallel_loop3A_368, %parallel_loop3A_369] {strides = array<i32>} : memref<208x128xf32, #tpu.memory_space<vmem>>, vector<16xf32>,
        %parallel_loop3A_371 = arith.mulf %parallel_loop3A_367, %parallel_loop3A_370 : vector<16xf32>
        %parallel_loop3A_372 = arith.addf %parallel_loop3A_364, %parallel_loop3A_371 : vector<16xf32>
        %parallel_loop3A_373 = arith.constant 34 : i32
        %parallel_loop3A_374 = arith.addi %parallel_loop3A_163, %parallel_loop3A_373 : i32
        %parallel_loop3A_375 = arith.index_cast %parallel_loop3A_374 : i32 to index
        %parallel_loop3A_376 = tpu.vector_load %arg13[%parallel_loop3A_375] {strides = array<i32>} : memref<3536xf32, #tpu.memory_space<vmem>>, vector<16xf32>,
        tpu.vector_store %arg13[%parallel_loop3A_375], %parallel_loop3A_372 {strides = array<i32>} : memref<3536xf32, #tpu.memory_space<vmem>>, vector<16xf32>,
        %parallel_loop3A_377 = arith.constant 16 : i32
        %parallel_loop3A_378 = arith.muli %parallel_loop3A_161, %parallel_loop3A_377 : i32
        %parallel_loop3A_379 = arith.constant 3 : i32
        %parallel_loop3A_380 = arith.addi %parallel_loop3A_378, %parallel_loop3A_379 : i32
        %parallel_loop3A_381 = arith.index_cast %parallel_loop3A_380 : i32 to index
        %parallel_loop3A_382 = arith.constant 0 : index
        %parallel_loop3A_383 = tpu.vector_load %arg8[%parallel_loop3A_381, %parallel_loop3A_382] {strides = array<i32>} : memref<208x128xf32, #tpu.memory_space<vmem>>, vector<16xf32>,
        %parallel_loop3A_384 = arith.index_cast %parallel_loop3A_380 : i32 to index
        %parallel_loop3A_385 = arith.constant 0 : index
        %parallel_loop3A_386 = tpu.vector_load %arg9[%parallel_loop3A_384, %parallel_loop3A_385] {strides = array<i32>} : memref<208x128xf32, #tpu.memory_space<vmem>>, vector<16xf32>,
        %parallel_loop3A_387 = arith.mulf %parallel_loop3A_383, %parallel_loop3A_386 : vector<16xf32>
        %parallel_loop3A_388 = arith.index_cast %parallel_loop3A_380 : i32 to index
        %parallel_loop3A_389 = arith.constant 16 : index
        %parallel_loop3A_390 = tpu.vector_load %arg8[%parallel_loop3A_388, %parallel_loop3A_389] {strides = array<i32>} : memref<208x128xf32, #tpu.memory_space<vmem>>, vector<16xf32>,
        %parallel_loop3A_391 = arith.index_cast %parallel_loop3A_380 : i32 to index
        %parallel_loop3A_392 = arith.constant 16 : index
        %parallel_loop3A_393 = tpu.vector_load %arg9[%parallel_loop3A_391, %parallel_loop3A_392] {strides = array<i32>} : memref<208x128xf32, #tpu.memory_space<vmem>>, vector<16xf32>,
        %parallel_loop3A_394 = arith.mulf %parallel_loop3A_390, %parallel_loop3A_393 : vector<16xf32>
        %parallel_loop3A_395 = arith.addf %parallel_loop3A_387, %parallel_loop3A_394 : vector<16xf32>
        %parallel_loop3A_396 = arith.index_cast %parallel_loop3A_380 : i32 to index
        %parallel_loop3A_397 = arith.constant 32 : index
        %parallel_loop3A_398 = tpu.vector_load %arg8[%parallel_loop3A_396, %parallel_loop3A_397] {strides = array<i32>} : memref<208x128xf32, #tpu.memory_space<vmem>>, vector<16xf32>,
        %parallel_loop3A_399 = arith.index_cast %parallel_loop3A_380 : i32 to index
        %parallel_loop3A_400 = arith.constant 32 : index
        %parallel_loop3A_401 = tpu.vector_load %arg9[%parallel_loop3A_399, %parallel_loop3A_400] {strides = array<i32>} : memref<208x128xf32, #tpu.memory_space<vmem>>, vector<16xf32>,
        %parallel_loop3A_402 = arith.mulf %parallel_loop3A_398, %parallel_loop3A_401 : vector<16xf32>
        %parallel_loop3A_403 = arith.addf %parallel_loop3A_395, %parallel_loop3A_402 : vector<16xf32>
        %parallel_loop3A_404 = arith.index_cast %parallel_loop3A_380 : i32 to index
        %parallel_loop3A_405 = arith.constant 48 : index
        %parallel_loop3A_406 = tpu.vector_load %arg8[%parallel_loop3A_404, %parallel_loop3A_405] {strides = array<i32>} : memref<208x128xf32, #tpu.memory_space<vmem>>, vector<16xf32>,
        %parallel_loop3A_407 = arith.index_cast %parallel_loop3A_380 : i32 to index
        %parallel_loop3A_408 = arith.constant 48 : index
        %parallel_loop3A_409 = tpu.vector_load %arg9[%parallel_loop3A_407, %parallel_loop3A_408] {strides = array<i32>} : memref<208x128xf32, #tpu.memory_space<vmem>>, vector<16xf32>,
        %parallel_loop3A_410 = arith.mulf %parallel_loop3A_406, %parallel_loop3A_409 : vector<16xf32>
        %parallel_loop3A_411 = arith.addf %parallel_loop3A_403, %parallel_loop3A_410 : vector<16xf32>
        %parallel_loop3A_412 = arith.index_cast %parallel_loop3A_380 : i32 to index
        %parallel_loop3A_413 = arith.constant 64 : index
        %parallel_loop3A_414 = tpu.vector_load %arg8[%parallel_loop3A_412, %parallel_loop3A_413] {strides = array<i32>} : memref<208x128xf32, #tpu.memory_space<vmem>>, vector<16xf32>,
        %parallel_loop3A_415 = arith.index_cast %parallel_loop3A_380 : i32 to index
        %parallel_loop3A_416 = arith.constant 64 : index
        %parallel_loop3A_417 = tpu.vector_load %arg9[%parallel_loop3A_415, %parallel_loop3A_416] {strides = array<i32>} : memref<208x128xf32, #tpu.memory_space<vmem>>, vector<16xf32>,
        %parallel_loop3A_418 = arith.mulf %parallel_loop3A_414, %parallel_loop3A_417 : vector<16xf32>
        %parallel_loop3A_419 = arith.addf %parallel_loop3A_411, %parallel_loop3A_418 : vector<16xf32>
        %parallel_loop3A_420 = arith.index_cast %parallel_loop3A_380 : i32 to index
        %parallel_loop3A_421 = arith.constant 80 : index
        %parallel_loop3A_422 = tpu.vector_load %arg8[%parallel_loop3A_420, %parallel_loop3A_421] {strides = array<i32>} : memref<208x128xf32, #tpu.memory_space<vmem>>, vector<16xf32>,
        %parallel_loop3A_423 = arith.index_cast %parallel_loop3A_380 : i32 to index
        %parallel_loop3A_424 = arith.constant 80 : index
        %parallel_loop3A_425 = tpu.vector_load %arg9[%parallel_loop3A_423, %parallel_loop3A_424] {strides = array<i32>} : memref<208x128xf32, #tpu.memory_space<vmem>>, vector<16xf32>,
        %parallel_loop3A_426 = arith.mulf %parallel_loop3A_422, %parallel_loop3A_425 : vector<16xf32>
        %parallel_loop3A_427 = arith.addf %parallel_loop3A_419, %parallel_loop3A_426 : vector<16xf32>
        %parallel_loop3A_428 = arith.index_cast %parallel_loop3A_380 : i32 to index
        %parallel_loop3A_429 = arith.constant 96 : index
        %parallel_loop3A_430 = tpu.vector_load %arg8[%parallel_loop3A_428, %parallel_loop3A_429] {strides = array<i32>} : memref<208x128xf32, #tpu.memory_space<vmem>>, vector<16xf32>,
        %parallel_loop3A_431 = arith.index_cast %parallel_loop3A_380 : i32 to index
        %parallel_loop3A_432 = arith.constant 96 : index
        %parallel_loop3A_433 = tpu.vector_load %arg9[%parallel_loop3A_431, %parallel_loop3A_432] {strides = array<i32>} : memref<208x128xf32, #tpu.memory_space<vmem>>, vector<16xf32>,
        %parallel_loop3A_434 = arith.mulf %parallel_loop3A_430, %parallel_loop3A_433 : vector<16xf32>
        %parallel_loop3A_435 = arith.addf %parallel_loop3A_427, %parallel_loop3A_434 : vector<16xf32>
        %parallel_loop3A_436 = arith.index_cast %parallel_loop3A_380 : i32 to index
        %parallel_loop3A_437 = arith.constant 112 : index
        %parallel_loop3A_438 = tpu.vector_load %arg8[%parallel_loop3A_436, %parallel_loop3A_437] {strides = array<i32>} : memref<208x128xf32, #tpu.memory_space<vmem>>, vector<16xf32>,
        %parallel_loop3A_439 = arith.index_cast %parallel_loop3A_380 : i32 to index
        %parallel_loop3A_440 = arith.constant 112 : index
        %parallel_loop3A_441 = tpu.vector_load %arg9[%parallel_loop3A_439, %parallel_loop3A_440] {strides = array<i32>} : memref<208x128xf32, #tpu.memory_space<vmem>>, vector<16xf32>,
        %parallel_loop3A_442 = arith.mulf %parallel_loop3A_438, %parallel_loop3A_441 : vector<16xf32>
        %parallel_loop3A_443 = arith.addf %parallel_loop3A_435, %parallel_loop3A_442 : vector<16xf32>
        %parallel_loop3A_444 = arith.constant 51 : i32
        %parallel_loop3A_445 = arith.addi %parallel_loop3A_163, %parallel_loop3A_444 : i32
        %parallel_loop3A_446 = arith.index_cast %parallel_loop3A_445 : i32 to index
        %parallel_loop3A_447 = tpu.vector_load %arg13[%parallel_loop3A_446] {strides = array<i32>} : memref<3536xf32, #tpu.memory_space<vmem>>, vector<16xf32>,
        tpu.vector_store %arg13[%parallel_loop3A_446], %parallel_loop3A_443 {strides = array<i32>} : memref<3536xf32, #tpu.memory_space<vmem>>, vector<16xf32>,
        %parallel_loop3A_448 = arith.constant 16 : i32
        %parallel_loop3A_449 = arith.muli %parallel_loop3A_161, %parallel_loop3A_448 : i32
        %parallel_loop3A_450 = arith.constant 4 : i32
        %parallel_loop3A_451 = arith.addi %parallel_loop3A_449, %parallel_loop3A_450 : i32
        %parallel_loop3A_452 = arith.index_cast %parallel_loop3A_451 : i32 to index
        %parallel_loop3A_453 = arith.constant 0 : index
        %parallel_loop3A_454 = tpu.vector_load %arg8[%parallel_loop3A_452, %parallel_loop3A_453] {strides = array<i32>} : memref<208x128xf32, #tpu.memory_space<vmem>>, vector<16xf32>,
        %parallel_loop3A_455 = arith.index_cast %parallel_loop3A_451 : i32 to index
        %parallel_loop3A_456 = arith.constant 0 : index
        %parallel_loop3A_457 = tpu.vector_load %arg9[%parallel_loop3A_455, %parallel_loop3A_456] {strides = array<i32>} : memref<208x128xf32, #tpu.memory_space<vmem>>, vector<16xf32>,
        %parallel_loop3A_458 = arith.mulf %parallel_loop3A_454, %parallel_loop3A_457 : vector<16xf32>
        %parallel_loop3A_459 = arith.index_cast %parallel_loop3A_451 : i32 to index
        %parallel_loop3A_460 = arith.constant 16 : index
        %parallel_loop3A_461 = tpu.vector_load %arg8[%parallel_loop3A_459, %parallel_loop3A_460] {strides = array<i32>} : memref<208x128xf32, #tpu.memory_space<vmem>>, vector<16xf32>,
        %parallel_loop3A_462 = arith.index_cast %parallel_loop3A_451 : i32 to index
        %parallel_loop3A_463 = arith.constant 16 : index
        %parallel_loop3A_464 = tpu.vector_load %arg9[%parallel_loop3A_462, %parallel_loop3A_463] {strides = array<i32>} : memref<208x128xf32, #tpu.memory_space<vmem>>, vector<16xf32>,
        %parallel_loop3A_465 = arith.mulf %parallel_loop3A_461, %parallel_loop3A_464 : vector<16xf32>
        %parallel_loop3A_466 = arith.addf %parallel_loop3A_458, %parallel_loop3A_465 : vector<16xf32>
        %parallel_loop3A_467 = arith.index_cast %parallel_loop3A_451 : i32 to index
        %parallel_loop3A_468 = arith.constant 32 : index
        %parallel_loop3A_469 = tpu.vector_load %arg8[%parallel_loop3A_467, %parallel_loop3A_468] {strides = array<i32>} : memref<208x128xf32, #tpu.memory_space<vmem>>, vector<16xf32>,
        %parallel_loop3A_470 = arith.index_cast %parallel_loop3A_451 : i32 to index
        %parallel_loop3A_471 = arith.constant 32 : index
        %parallel_loop3A_472 = tpu.vector_load %arg9[%parallel_loop3A_470, %parallel_loop3A_471] {strides = array<i32>} : memref<208x128xf32, #tpu.memory_space<vmem>>, vector<16xf32>,
        %parallel_loop3A_473 = arith.mulf %parallel_loop3A_469, %parallel_loop3A_472 : vector<16xf32>
        %parallel_loop3A_474 = arith.addf %parallel_loop3A_466, %parallel_loop3A_473 : vector<16xf32>
        %parallel_loop3A_475 = arith.index_cast %parallel_loop3A_451 : i32 to index
        %parallel_loop3A_476 = arith.constant 48 : index
        %parallel_loop3A_477 = tpu.vector_load %arg8[%parallel_loop3A_475, %parallel_loop3A_476] {strides = array<i32>} : memref<208x128xf32, #tpu.memory_space<vmem>>, vector<16xf32>,
        %parallel_loop3A_478 = arith.index_cast %parallel_loop3A_451 : i32 to index
        %parallel_loop3A_479 = arith.constant 48 : index
        %parallel_loop3A_480 = tpu.vector_load %arg9[%parallel_loop3A_478, %parallel_loop3A_479] {strides = array<i32>} : memref<208x128xf32, #tpu.memory_space<vmem>>, vector<16xf32>,
        %parallel_loop3A_481 = arith.mulf %parallel_loop3A_477, %parallel_loop3A_480 : vector<16xf32>
        %parallel_loop3A_482 = arith.addf %parallel_loop3A_474, %parallel_loop3A_481 : vector<16xf32>
        %parallel_loop3A_483 = arith.index_cast %parallel_loop3A_451 : i32 to index
        %parallel_loop3A_484 = arith.constant 64 : index
        %parallel_loop3A_485 = tpu.vector_load %arg8[%parallel_loop3A_483, %parallel_loop3A_484] {strides = array<i32>} : memref<208x128xf32, #tpu.memory_space<vmem>>, vector<16xf32>,
        %parallel_loop3A_486 = arith.index_cast %parallel_loop3A_451 : i32 to index
        %parallel_loop3A_487 = arith.constant 64 : index
        %parallel_loop3A_488 = tpu.vector_load %arg9[%parallel_loop3A_486, %parallel_loop3A_487] {strides = array<i32>} : memref<208x128xf32, #tpu.memory_space<vmem>>, vector<16xf32>,
        %parallel_loop3A_489 = arith.mulf %parallel_loop3A_485, %parallel_loop3A_488 : vector<16xf32>
        %parallel_loop3A_490 = arith.addf %parallel_loop3A_482, %parallel_loop3A_489 : vector<16xf32>
        %parallel_loop3A_491 = arith.index_cast %parallel_loop3A_451 : i32 to index
        %parallel_loop3A_492 = arith.constant 80 : index
        %parallel_loop3A_493 = tpu.vector_load %arg8[%parallel_loop3A_491, %parallel_loop3A_492] {strides = array<i32>} : memref<208x128xf32, #tpu.memory_space<vmem>>, vector<16xf32>,
        %parallel_loop3A_494 = arith.index_cast %parallel_loop3A_451 : i32 to index
        %parallel_loop3A_495 = arith.constant 80 : index
        %parallel_loop3A_496 = tpu.vector_load %arg9[%parallel_loop3A_494, %parallel_loop3A_495] {strides = array<i32>} : memref<208x128xf32, #tpu.memory_space<vmem>>, vector<16xf32>,
        %parallel_loop3A_497 = arith.mulf %parallel_loop3A_493, %parallel_loop3A_496 : vector<16xf32>
        %parallel_loop3A_498 = arith.addf %parallel_loop3A_490, %parallel_loop3A_497 : vector<16xf32>
        %parallel_loop3A_499 = arith.index_cast %parallel_loop3A_451 : i32 to index
        %parallel_loop3A_500 = arith.constant 96 : index
        %parallel_loop3A_501 = tpu.vector_load %arg8[%parallel_loop3A_499, %parallel_loop3A_500] {strides = array<i32>} : memref<208x128xf32, #tpu.memory_space<vmem>>, vector<16xf32>,
        %parallel_loop3A_502 = arith.index_cast %parallel_loop3A_451 : i32 to index
        %parallel_loop3A_503 = arith.constant 96 : index
        %parallel_loop3A_504 = tpu.vector_load %arg9[%parallel_loop3A_502, %parallel_loop3A_503] {strides = array<i32>} : memref<208x128xf32, #tpu.memory_space<vmem>>, vector<16xf32>,
        %parallel_loop3A_505 = arith.mulf %parallel_loop3A_501, %parallel_loop3A_504 : vector<16xf32>
        %parallel_loop3A_506 = arith.addf %parallel_loop3A_498, %parallel_loop3A_505 : vector<16xf32>
        %parallel_loop3A_507 = arith.index_cast %parallel_loop3A_451 : i32 to index
        %parallel_loop3A_508 = arith.constant 112 : index
        %parallel_loop3A_509 = tpu.vector_load %arg8[%parallel_loop3A_507, %parallel_loop3A_508] {strides = array<i32>} : memref<208x128xf32, #tpu.memory_space<vmem>>, vector<16xf32>,
        %parallel_loop3A_510 = arith.index_cast %parallel_loop3A_451 : i32 to index
        %parallel_loop3A_511 = arith.constant 112 : index
        %parallel_loop3A_512 = tpu.vector_load %arg9[%parallel_loop3A_510, %parallel_loop3A_511] {strides = array<i32>} : memref<208x128xf32, #tpu.memory_space<vmem>>, vector<16xf32>,
        %parallel_loop3A_513 = arith.mulf %parallel_loop3A_509, %parallel_loop3A_512 : vector<16xf32>
        %parallel_loop3A_514 = arith.addf %parallel_loop3A_506, %parallel_loop3A_513 : vector<16xf32>
        %parallel_loop3A_515 = arith.constant 68 : i32
        %parallel_loop3A_516 = arith.addi %parallel_loop3A_163, %parallel_loop3A_515 : i32
        %parallel_loop3A_517 = arith.index_cast %parallel_loop3A_516 : i32 to index
        %parallel_loop3A_518 = tpu.vector_load %arg13[%parallel_loop3A_517] {strides = array<i32>} : memref<3536xf32, #tpu.memory_space<vmem>>, vector<16xf32>,
        tpu.vector_store %arg13[%parallel_loop3A_517], %parallel_loop3A_514 {strides = array<i32>} : memref<3536xf32, #tpu.memory_space<vmem>>, vector<16xf32>,
        %parallel_loop3A_519 = arith.constant 16 : i32
        %parallel_loop3A_520 = arith.muli %parallel_loop3A_161, %parallel_loop3A_519 : i32
        %parallel_loop3A_521 = arith.constant 5 : i32
        %parallel_loop3A_522 = arith.addi %parallel_loop3A_520, %parallel_loop3A_521 : i32
        %parallel_loop3A_523 = arith.index_cast %parallel_loop3A_522 : i32 to index
        %parallel_loop3A_524 = arith.constant 0 : index
        %parallel_loop3A_525 = tpu.vector_load %arg8[%parallel_loop3A_523, %parallel_loop3A_524] {strides = array<i32>} : memref<208x128xf32, #tpu.memory_space<vmem>>, vector<16xf32>,
        %parallel_loop3A_526 = arith.index_cast %parallel_loop3A_522 : i32 to index
        %parallel_loop3A_527 = arith.constant 0 : index
        %parallel_loop3A_528 = tpu.vector_load %arg9[%parallel_loop3A_526, %parallel_loop3A_527] {strides = array<i32>} : memref<208x128xf32, #tpu.memory_space<vmem>>, vector<16xf32>,
        %parallel_loop3A_529 = arith.mulf %parallel_loop3A_525, %parallel_loop3A_528 : vector<16xf32>
        %parallel_loop3A_530 = arith.index_cast %parallel_loop3A_522 : i32 to index
        %parallel_loop3A_531 = arith.constant 16 : index
        %parallel_loop3A_532 = tpu.vector_load %arg8[%parallel_loop3A_530, %parallel_loop3A_531] {strides = array<i32>} : memref<208x128xf32, #tpu.memory_space<vmem>>, vector<16xf32>,
        %parallel_loop3A_533 = arith.index_cast %parallel_loop3A_522 : i32 to index
        %parallel_loop3A_534 = arith.constant 16 : index
        %parallel_loop3A_535 = tpu.vector_load %arg9[%parallel_loop3A_533, %parallel_loop3A_534] {strides = array<i32>} : memref<208x128xf32, #tpu.memory_space<vmem>>, vector<16xf32>,
        %parallel_loop3A_536 = arith.mulf %parallel_loop3A_532, %parallel_loop3A_535 : vector<16xf32>
        %parallel_loop3A_537 = arith.addf %parallel_loop3A_529, %parallel_loop3A_536 : vector<16xf32>
        %parallel_loop3A_538 = arith.index_cast %parallel_loop3A_522 : i32 to index
        %parallel_loop3A_539 = arith.constant 32 : index
        %parallel_loop3A_540 = tpu.vector_load %arg8[%parallel_loop3A_538, %parallel_loop3A_539] {strides = array<i32>} : memref<208x128xf32, #tpu.memory_space<vmem>>, vector<16xf32>,
        %parallel_loop3A_541 = arith.index_cast %parallel_loop3A_522 : i32 to index
        %parallel_loop3A_542 = arith.constant 32 : index
        %parallel_loop3A_543 = tpu.vector_load %arg9[%parallel_loop3A_541, %parallel_loop3A_542] {strides = array<i32>} : memref<208x128xf32, #tpu.memory_space<vmem>>, vector<16xf32>,
        %parallel_loop3A_544 = arith.mulf %parallel_loop3A_540, %parallel_loop3A_543 : vector<16xf32>
        %parallel_loop3A_545 = arith.addf %parallel_loop3A_537, %parallel_loop3A_544 : vector<16xf32>
        %parallel_loop3A_546 = arith.index_cast %parallel_loop3A_522 : i32 to index
        %parallel_loop3A_547 = arith.constant 48 : index
        %parallel_loop3A_548 = tpu.vector_load %arg8[%parallel_loop3A_546, %parallel_loop3A_547] {strides = array<i32>} : memref<208x128xf32, #tpu.memory_space<vmem>>, vector<16xf32>,
        %parallel_loop3A_549 = arith.index_cast %parallel_loop3A_522 : i32 to index
        %parallel_loop3A_550 = arith.constant 48 : index
        %parallel_loop3A_551 = tpu.vector_load %arg9[%parallel_loop3A_549, %parallel_loop3A_550] {strides = array<i32>} : memref<208x128xf32, #tpu.memory_space<vmem>>, vector<16xf32>,
        %parallel_loop3A_552 = arith.mulf %parallel_loop3A_548, %parallel_loop3A_551 : vector<16xf32>
        %parallel_loop3A_553 = arith.addf %parallel_loop3A_545, %parallel_loop3A_552 : vector<16xf32>
        %parallel_loop3A_554 = arith.index_cast %parallel_loop3A_522 : i32 to index
        %parallel_loop3A_555 = arith.constant 64 : index
        %parallel_loop3A_556 = tpu.vector_load %arg8[%parallel_loop3A_554, %parallel_loop3A_555] {strides = array<i32>} : memref<208x128xf32, #tpu.memory_space<vmem>>, vector<16xf32>,
        %parallel_loop3A_557 = arith.index_cast %parallel_loop3A_522 : i32 to index
        %parallel_loop3A_558 = arith.constant 64 : index
        %parallel_loop3A_559 = tpu.vector_load %arg9[%parallel_loop3A_557, %parallel_loop3A_558] {strides = array<i32>} : memref<208x128xf32, #tpu.memory_space<vmem>>, vector<16xf32>,
        %parallel_loop3A_560 = arith.mulf %parallel_loop3A_556, %parallel_loop3A_559 : vector<16xf32>
        %parallel_loop3A_561 = arith.addf %parallel_loop3A_553, %parallel_loop3A_560 : vector<16xf32>
        %parallel_loop3A_562 = arith.index_cast %parallel_loop3A_522 : i32 to index
        %parallel_loop3A_563 = arith.constant 80 : index
        %parallel_loop3A_564 = tpu.vector_load %arg8[%parallel_loop3A_562, %parallel_loop3A_563] {strides = array<i32>} : memref<208x128xf32, #tpu.memory_space<vmem>>, vector<16xf32>,
        %parallel_loop3A_565 = arith.index_cast %parallel_loop3A_522 : i32 to index
        %parallel_loop3A_566 = arith.constant 80 : index
        %parallel_loop3A_567 = tpu.vector_load %arg9[%parallel_loop3A_565, %parallel_loop3A_566] {strides = array<i32>} : memref<208x128xf32, #tpu.memory_space<vmem>>, vector<16xf32>,
        %parallel_loop3A_568 = arith.mulf %parallel_loop3A_564, %parallel_loop3A_567 : vector<16xf32>
        %parallel_loop3A_569 = arith.addf %parallel_loop3A_561, %parallel_loop3A_568 : vector<16xf32>
        %parallel_loop3A_570 = arith.index_cast %parallel_loop3A_522 : i32 to index
        %parallel_loop3A_571 = arith.constant 96 : index
        %parallel_loop3A_572 = tpu.vector_load %arg8[%parallel_loop3A_570, %parallel_loop3A_571] {strides = array<i32>} : memref<208x128xf32, #tpu.memory_space<vmem>>, vector<16xf32>,
        %parallel_loop3A_573 = arith.index_cast %parallel_loop3A_522 : i32 to index
        %parallel_loop3A_574 = arith.constant 96 : index
        %parallel_loop3A_575 = tpu.vector_load %arg9[%parallel_loop3A_573, %parallel_loop3A_574] {strides = array<i32>} : memref<208x128xf32, #tpu.memory_space<vmem>>, vector<16xf32>,
        %parallel_loop3A_576 = arith.mulf %parallel_loop3A_572, %parallel_loop3A_575 : vector<16xf32>
        %parallel_loop3A_577 = arith.addf %parallel_loop3A_569, %parallel_loop3A_576 : vector<16xf32>
        %parallel_loop3A_578 = arith.index_cast %parallel_loop3A_522 : i32 to index
        %parallel_loop3A_579 = arith.constant 112 : index
        %parallel_loop3A_580 = tpu.vector_load %arg8[%parallel_loop3A_578, %parallel_loop3A_579] {strides = array<i32>} : memref<208x128xf32, #tpu.memory_space<vmem>>, vector<16xf32>,
        %parallel_loop3A_581 = arith.index_cast %parallel_loop3A_522 : i32 to index
        %parallel_loop3A_582 = arith.constant 112 : index
        %parallel_loop3A_583 = tpu.vector_load %arg9[%parallel_loop3A_581, %parallel_loop3A_582] {strides = array<i32>} : memref<208x128xf32, #tpu.memory_space<vmem>>, vector<16xf32>,
        %parallel_loop3A_584 = arith.mulf %parallel_loop3A_580, %parallel_loop3A_583 : vector<16xf32>
        %parallel_loop3A_585 = arith.addf %parallel_loop3A_577, %parallel_loop3A_584 : vector<16xf32>
        %parallel_loop3A_586 = arith.constant 85 : i32
        %parallel_loop3A_587 = arith.addi %parallel_loop3A_163, %parallel_loop3A_586 : i32
        %parallel_loop3A_588 = arith.index_cast %parallel_loop3A_587 : i32 to index
        %parallel_loop3A_589 = tpu.vector_load %arg13[%parallel_loop3A_588] {strides = array<i32>} : memref<3536xf32, #tpu.memory_space<vmem>>, vector<16xf32>,
        tpu.vector_store %arg13[%parallel_loop3A_588], %parallel_loop3A_585 {strides = array<i32>} : memref<3536xf32, #tpu.memory_space<vmem>>, vector<16xf32>,
        %parallel_loop3A_590 = arith.constant 16 : i32
        %parallel_loop3A_591 = arith.muli %parallel_loop3A_161, %parallel_loop3A_590 : i32
        %parallel_loop3A_592 = arith.constant 6 : i32
        %parallel_loop3A_593 = arith.addi %parallel_loop3A_591, %parallel_loop3A_592 : i32
        %parallel_loop3A_594 = arith.index_cast %parallel_loop3A_593 : i32 to index
        %parallel_loop3A_595 = arith.constant 0 : index
        %parallel_loop3A_596 = tpu.vector_load %arg8[%parallel_loop3A_594, %parallel_loop3A_595] {strides = array<i32>} : memref<208x128xf32, #tpu.memory_space<vmem>>, vector<16xf32>,
        %parallel_loop3A_597 = arith.index_cast %parallel_loop3A_593 : i32 to index
        %parallel_loop3A_598 = arith.constant 0 : index
        %parallel_loop3A_599 = tpu.vector_load %arg9[%parallel_loop3A_597, %parallel_loop3A_598] {strides = array<i32>} : memref<208x128xf32, #tpu.memory_space<vmem>>, vector<16xf32>,
        %parallel_loop3A_600 = arith.mulf %parallel_loop3A_596, %parallel_loop3A_599 : vector<16xf32>
        %parallel_loop3A_601 = arith.index_cast %parallel_loop3A_593 : i32 to index
        %parallel_loop3A_602 = arith.constant 16 : index
        %parallel_loop3A_603 = tpu.vector_load %arg8[%parallel_loop3A_601, %parallel_loop3A_602] {strides = array<i32>} : memref<208x128xf32, #tpu.memory_space<vmem>>, vector<16xf32>,
        %parallel_loop3A_604 = arith.index_cast %parallel_loop3A_593 : i32 to index
        %parallel_loop3A_605 = arith.constant 16 : index
        %parallel_loop3A_606 = tpu.vector_load %arg9[%parallel_loop3A_604, %parallel_loop3A_605] {strides = array<i32>} : memref<208x128xf32, #tpu.memory_space<vmem>>, vector<16xf32>,
        %parallel_loop3A_607 = arith.mulf %parallel_loop3A_603, %parallel_loop3A_606 : vector<16xf32>
        %parallel_loop3A_608 = arith.addf %parallel_loop3A_600, %parallel_loop3A_607 : vector<16xf32>
        %parallel_loop3A_609 = arith.index_cast %parallel_loop3A_593 : i32 to index
        %parallel_loop3A_610 = arith.constant 32 : index
        %parallel_loop3A_611 = tpu.vector_load %arg8[%parallel_loop3A_609, %parallel_loop3A_610] {strides = array<i32>} : memref<208x128xf32, #tpu.memory_space<vmem>>, vector<16xf32>,
        %parallel_loop3A_612 = arith.index_cast %parallel_loop3A_593 : i32 to index
        %parallel_loop3A_613 = arith.constant 32 : index
        %parallel_loop3A_614 = tpu.vector_load %arg9[%parallel_loop3A_612, %parallel_loop3A_613] {strides = array<i32>} : memref<208x128xf32, #tpu.memory_space<vmem>>, vector<16xf32>,
        %parallel_loop3A_615 = arith.mulf %parallel_loop3A_611, %parallel_loop3A_614 : vector<16xf32>
        %parallel_loop3A_616 = arith.addf %parallel_loop3A_608, %parallel_loop3A_615 : vector<16xf32>
        %parallel_loop3A_617 = arith.index_cast %parallel_loop3A_593 : i32 to index
        %parallel_loop3A_618 = arith.constant 48 : index
        %parallel_loop3A_619 = tpu.vector_load %arg8[%parallel_loop3A_617, %parallel_loop3A_618] {strides = array<i32>} : memref<208x128xf32, #tpu.memory_space<vmem>>, vector<16xf32>,
        %parallel_loop3A_620 = arith.index_cast %parallel_loop3A_593 : i32 to index
        %parallel_loop3A_621 = arith.constant 48 : index
        %parallel_loop3A_622 = tpu.vector_load %arg9[%parallel_loop3A_620, %parallel_loop3A_621] {strides = array<i32>} : memref<208x128xf32, #tpu.memory_space<vmem>>, vector<16xf32>,
        %parallel_loop3A_623 = arith.mulf %parallel_loop3A_619, %parallel_loop3A_622 : vector<16xf32>
        %parallel_loop3A_624 = arith.addf %parallel_loop3A_616, %parallel_loop3A_623 : vector<16xf32>
        %parallel_loop3A_625 = arith.index_cast %parallel_loop3A_593 : i32 to index
        %parallel_loop3A_626 = arith.constant 64 : index
        %parallel_loop3A_627 = tpu.vector_load %arg8[%parallel_loop3A_625, %parallel_loop3A_626] {strides = array<i32>} : memref<208x128xf32, #tpu.memory_space<vmem>>, vector<16xf32>,
        %parallel_loop3A_628 = arith.index_cast %parallel_loop3A_593 : i32 to index
        %parallel_loop3A_629 = arith.constant 64 : index
        %parallel_loop3A_630 = tpu.vector_load %arg9[%parallel_loop3A_628, %parallel_loop3A_629] {strides = array<i32>} : memref<208x128xf32, #tpu.memory_space<vmem>>, vector<16xf32>,
        %parallel_loop3A_631 = arith.mulf %parallel_loop3A_627, %parallel_loop3A_630 : vector<16xf32>
        %parallel_loop3A_632 = arith.addf %parallel_loop3A_624, %parallel_loop3A_631 : vector<16xf32>
        %parallel_loop3A_633 = arith.index_cast %parallel_loop3A_593 : i32 to index
        %parallel_loop3A_634 = arith.constant 80 : index
        %parallel_loop3A_635 = tpu.vector_load %arg8[%parallel_loop3A_633, %parallel_loop3A_634] {strides = array<i32>} : memref<208x128xf32, #tpu.memory_space<vmem>>, vector<16xf32>,
        %parallel_loop3A_636 = arith.index_cast %parallel_loop3A_593 : i32 to index
        %parallel_loop3A_637 = arith.constant 80 : index
        %parallel_loop3A_638 = tpu.vector_load %arg9[%parallel_loop3A_636, %parallel_loop3A_637] {strides = array<i32>} : memref<208x128xf32, #tpu.memory_space<vmem>>, vector<16xf32>,
        %parallel_loop3A_639 = arith.mulf %parallel_loop3A_635, %parallel_loop3A_638 : vector<16xf32>
        %parallel_loop3A_640 = arith.addf %parallel_loop3A_632, %parallel_loop3A_639 : vector<16xf32>
        %parallel_loop3A_641 = arith.index_cast %parallel_loop3A_593 : i32 to index
        %parallel_loop3A_642 = arith.constant 96 : index
        %parallel_loop3A_643 = tpu.vector_load %arg8[%parallel_loop3A_641, %parallel_loop3A_642] {strides = array<i32>} : memref<208x128xf32, #tpu.memory_space<vmem>>, vector<16xf32>,
        %parallel_loop3A_644 = arith.index_cast %parallel_loop3A_593 : i32 to index
        %parallel_loop3A_645 = arith.constant 96 : index
        %parallel_loop3A_646 = tpu.vector_load %arg9[%parallel_loop3A_644, %parallel_loop3A_645] {strides = array<i32>} : memref<208x128xf32, #tpu.memory_space<vmem>>, vector<16xf32>,
        %parallel_loop3A_647 = arith.mulf %parallel_loop3A_643, %parallel_loop3A_646 : vector<16xf32>
        %parallel_loop3A_648 = arith.addf %parallel_loop3A_640, %parallel_loop3A_647 : vector<16xf32>
        %parallel_loop3A_649 = arith.index_cast %parallel_loop3A_593 : i32 to index
        %parallel_loop3A_650 = arith.constant 112 : index
        %parallel_loop3A_651 = tpu.vector_load %arg8[%parallel_loop3A_649, %parallel_loop3A_650] {strides = array<i32>} : memref<208x128xf32, #tpu.memory_space<vmem>>, vector<16xf32>,
        %parallel_loop3A_652 = arith.index_cast %parallel_loop3A_593 : i32 to index
        %parallel_loop3A_653 = arith.constant 112 : index
        %parallel_loop3A_654 = tpu.vector_load %arg9[%parallel_loop3A_652, %parallel_loop3A_653] {strides = array<i32>} : memref<208x128xf32, #tpu.memory_space<vmem>>, vector<16xf32>,
        %parallel_loop3A_655 = arith.mulf %parallel_loop3A_651, %parallel_loop3A_654 : vector<16xf32>
        %parallel_loop3A_656 = arith.addf %parallel_loop3A_648, %parallel_loop3A_655 : vector<16xf32>
        %parallel_loop3A_657 = arith.constant 102 : i32
        %parallel_loop3A_658 = arith.addi %parallel_loop3A_163, %parallel_loop3A_657 : i32
        %parallel_loop3A_659 = arith.index_cast %parallel_loop3A_658 : i32 to index
        %parallel_loop3A_660 = tpu.vector_load %arg13[%parallel_loop3A_659] {strides = array<i32>} : memref<3536xf32, #tpu.memory_space<vmem>>, vector<16xf32>,
        tpu.vector_store %arg13[%parallel_loop3A_659], %parallel_loop3A_656 {strides = array<i32>} : memref<3536xf32, #tpu.memory_space<vmem>>, vector<16xf32>,
        %parallel_loop3A_661 = arith.constant 16 : i32
        %parallel_loop3A_662 = arith.muli %parallel_loop3A_161, %parallel_loop3A_661 : i32
        %parallel_loop3A_663 = arith.constant 7 : i32
        %parallel_loop3A_664 = arith.addi %parallel_loop3A_662, %parallel_loop3A_663 : i32
        %parallel_loop3A_665 = arith.index_cast %parallel_loop3A_664 : i32 to index
        %parallel_loop3A_666 = arith.constant 0 : index
        %parallel_loop3A_667 = tpu.vector_load %arg8[%parallel_loop3A_665, %parallel_loop3A_666] {strides = array<i32>} : memref<208x128xf32, #tpu.memory_space<vmem>>, vector<16xf32>,
        %parallel_loop3A_668 = arith.index_cast %parallel_loop3A_664 : i32 to index
        %parallel_loop3A_669 = arith.constant 0 : index
        %parallel_loop3A_670 = tpu.vector_load %arg9[%parallel_loop3A_668, %parallel_loop3A_669] {strides = array<i32>} : memref<208x128xf32, #tpu.memory_space<vmem>>, vector<16xf32>,
        %parallel_loop3A_671 = arith.mulf %parallel_loop3A_667, %parallel_loop3A_670 : vector<16xf32>
        %parallel_loop3A_672 = arith.index_cast %parallel_loop3A_664 : i32 to index
        %parallel_loop3A_673 = arith.constant 16 : index
        %parallel_loop3A_674 = tpu.vector_load %arg8[%parallel_loop3A_672, %parallel_loop3A_673] {strides = array<i32>} : memref<208x128xf32, #tpu.memory_space<vmem>>, vector<16xf32>,
        %parallel_loop3A_675 = arith.index_cast %parallel_loop3A_664 : i32 to index
        %parallel_loop3A_676 = arith.constant 16 : index
        %parallel_loop3A_677 = tpu.vector_load %arg9[%parallel_loop3A_675, %parallel_loop3A_676] {strides = array<i32>} : memref<208x128xf32, #tpu.memory_space<vmem>>, vector<16xf32>,
        %parallel_loop3A_678 = arith.mulf %parallel_loop3A_674, %parallel_loop3A_677 : vector<16xf32>
        %parallel_loop3A_679 = arith.addf %parallel_loop3A_671, %parallel_loop3A_678 : vector<16xf32>
        %parallel_loop3A_680 = arith.index_cast %parallel_loop3A_664 : i32 to index
        %parallel_loop3A_681 = arith.constant 32 : index
        %parallel_loop3A_682 = tpu.vector_load %arg8[%parallel_loop3A_680, %parallel_loop3A_681] {strides = array<i32>} : memref<208x128xf32, #tpu.memory_space<vmem>>, vector<16xf32>,
        %parallel_loop3A_683 = arith.index_cast %parallel_loop3A_664 : i32 to index
        %parallel_loop3A_684 = arith.constant 32 : index
        %parallel_loop3A_685 = tpu.vector_load %arg9[%parallel_loop3A_683, %parallel_loop3A_684] {strides = array<i32>} : memref<208x128xf32, #tpu.memory_space<vmem>>, vector<16xf32>,
        %parallel_loop3A_686 = arith.mulf %parallel_loop3A_682, %parallel_loop3A_685 : vector<16xf32>
        %parallel_loop3A_687 = arith.addf %parallel_loop3A_679, %parallel_loop3A_686 : vector<16xf32>
        %parallel_loop3A_688 = arith.index_cast %parallel_loop3A_664 : i32 to index
        %parallel_loop3A_689 = arith.constant 48 : index
        %parallel_loop3A_690 = tpu.vector_load %arg8[%parallel_loop3A_688, %parallel_loop3A_689] {strides = array<i32>} : memref<208x128xf32, #tpu.memory_space<vmem>>, vector<16xf32>,
        %parallel_loop3A_691 = arith.index_cast %parallel_loop3A_664 : i32 to index
        %parallel_loop3A_692 = arith.constant 48 : index
        %parallel_loop3A_693 = tpu.vector_load %arg9[%parallel_loop3A_691, %parallel_loop3A_692] {strides = array<i32>} : memref<208x128xf32, #tpu.memory_space<vmem>>, vector<16xf32>,
        %parallel_loop3A_694 = arith.mulf %parallel_loop3A_690, %parallel_loop3A_693 : vector<16xf32>
        %parallel_loop3A_695 = arith.addf %parallel_loop3A_687, %parallel_loop3A_694 : vector<16xf32>
        %parallel_loop3A_696 = arith.index_cast %parallel_loop3A_664 : i32 to index
        %parallel_loop3A_697 = arith.constant 64 : index
        %parallel_loop3A_698 = tpu.vector_load %arg8[%parallel_loop3A_696, %parallel_loop3A_697] {strides = array<i32>} : memref<208x128xf32, #tpu.memory_space<vmem>>, vector<16xf32>,
        %parallel_loop3A_699 = arith.index_cast %parallel_loop3A_664 : i32 to index
        %parallel_loop3A_700 = arith.constant 64 : index
        %parallel_loop3A_701 = tpu.vector_load %arg9[%parallel_loop3A_699, %parallel_loop3A_700] {strides = array<i32>} : memref<208x128xf32, #tpu.memory_space<vmem>>, vector<16xf32>,
        %parallel_loop3A_702 = arith.mulf %parallel_loop3A_698, %parallel_loop3A_701 : vector<16xf32>
        %parallel_loop3A_703 = arith.addf %parallel_loop3A_695, %parallel_loop3A_702 : vector<16xf32>
        %parallel_loop3A_704 = arith.index_cast %parallel_loop3A_664 : i32 to index
        %parallel_loop3A_705 = arith.constant 80 : index
        %parallel_loop3A_706 = tpu.vector_load %arg8[%parallel_loop3A_704, %parallel_loop3A_705] {strides = array<i32>} : memref<208x128xf32, #tpu.memory_space<vmem>>, vector<16xf32>,
        %parallel_loop3A_707 = arith.index_cast %parallel_loop3A_664 : i32 to index
        %parallel_loop3A_708 = arith.constant 80 : index
        %parallel_loop3A_709 = tpu.vector_load %arg9[%parallel_loop3A_707, %parallel_loop3A_708] {strides = array<i32>} : memref<208x128xf32, #tpu.memory_space<vmem>>, vector<16xf32>,
        %parallel_loop3A_710 = arith.mulf %parallel_loop3A_706, %parallel_loop3A_709 : vector<16xf32>
        %parallel_loop3A_711 = arith.addf %parallel_loop3A_703, %parallel_loop3A_710 : vector<16xf32>
        %parallel_loop3A_712 = arith.index_cast %parallel_loop3A_664 : i32 to index
        %parallel_loop3A_713 = arith.constant 96 : index
        %parallel_loop3A_714 = tpu.vector_load %arg8[%parallel_loop3A_712, %parallel_loop3A_713] {strides = array<i32>} : memref<208x128xf32, #tpu.memory_space<vmem>>, vector<16xf32>,
        %parallel_loop3A_715 = arith.index_cast %parallel_loop3A_664 : i32 to index
        %parallel_loop3A_716 = arith.constant 96 : index
        %parallel_loop3A_717 = tpu.vector_load %arg9[%parallel_loop3A_715, %parallel_loop3A_716] {strides = array<i32>} : memref<208x128xf32, #tpu.memory_space<vmem>>, vector<16xf32>,
        %parallel_loop3A_718 = arith.mulf %parallel_loop3A_714, %parallel_loop3A_717 : vector<16xf32>
        %parallel_loop3A_719 = arith.addf %parallel_loop3A_711, %parallel_loop3A_718 : vector<16xf32>
        %parallel_loop3A_720 = arith.index_cast %parallel_loop3A_664 : i32 to index
        %parallel_loop3A_721 = arith.constant 112 : index
        %parallel_loop3A_722 = tpu.vector_load %arg8[%parallel_loop3A_720, %parallel_loop3A_721] {strides = array<i32>} : memref<208x128xf32, #tpu.memory_space<vmem>>, vector<16xf32>,
        %parallel_loop3A_723 = arith.index_cast %parallel_loop3A_664 : i32 to index
        %parallel_loop3A_724 = arith.constant 112 : index
        %parallel_loop3A_725 = tpu.vector_load %arg9[%parallel_loop3A_723, %parallel_loop3A_724] {strides = array<i32>} : memref<208x128xf32, #tpu.memory_space<vmem>>, vector<16xf32>,
        %parallel_loop3A_726 = arith.mulf %parallel_loop3A_722, %parallel_loop3A_725 : vector<16xf32>
        %parallel_loop3A_727 = arith.addf %parallel_loop3A_719, %parallel_loop3A_726 : vector<16xf32>
        %parallel_loop3A_728 = arith.constant 119 : i32
        %parallel_loop3A_729 = arith.addi %parallel_loop3A_163, %parallel_loop3A_728 : i32
        %parallel_loop3A_730 = arith.index_cast %parallel_loop3A_729 : i32 to index
        %parallel_loop3A_731 = tpu.vector_load %arg13[%parallel_loop3A_730] {strides = array<i32>} : memref<3536xf32, #tpu.memory_space<vmem>>, vector<16xf32>,
        tpu.vector_store %arg13[%parallel_loop3A_730], %parallel_loop3A_727 {strides = array<i32>} : memref<3536xf32, #tpu.memory_space<vmem>>, vector<16xf32>,
        %parallel_loop3A_732 = arith.constant 16 : i32
        %parallel_loop3A_733 = arith.muli %parallel_loop3A_161, %parallel_loop3A_732 : i32
        %parallel_loop3A_734 = arith.constant 8 : i32
        %parallel_loop3A_735 = arith.addi %parallel_loop3A_733, %parallel_loop3A_734 : i32
        %parallel_loop3A_736 = arith.index_cast %parallel_loop3A_735 : i32 to index
        %parallel_loop3A_737 = arith.constant 0 : index
        %parallel_loop3A_738 = tpu.vector_load %arg8[%parallel_loop3A_736, %parallel_loop3A_737] {strides = array<i32>} : memref<208x128xf32, #tpu.memory_space<vmem>>, vector<16xf32>,
        %parallel_loop3A_739 = arith.index_cast %parallel_loop3A_735 : i32 to index
        %parallel_loop3A_740 = arith.constant 0 : index
        %parallel_loop3A_741 = tpu.vector_load %arg9[%parallel_loop3A_739, %parallel_loop3A_740] {strides = array<i32>} : memref<208x128xf32, #tpu.memory_space<vmem>>, vector<16xf32>,
        %parallel_loop3A_742 = arith.mulf %parallel_loop3A_738, %parallel_loop3A_741 : vector<16xf32>
        %parallel_loop3A_743 = arith.index_cast %parallel_loop3A_735 : i32 to index
        %parallel_loop3A_744 = arith.constant 16 : index
        %parallel_loop3A_745 = tpu.vector_load %arg8[%parallel_loop3A_743, %parallel_loop3A_744] {strides = array<i32>} : memref<208x128xf32, #tpu.memory_space<vmem>>, vector<16xf32>,
        %parallel_loop3A_746 = arith.index_cast %parallel_loop3A_735 : i32 to index
        %parallel_loop3A_747 = arith.constant 16 : index
        %parallel_loop3A_748 = tpu.vector_load %arg9[%parallel_loop3A_746, %parallel_loop3A_747] {strides = array<i32>} : memref<208x128xf32, #tpu.memory_space<vmem>>, vector<16xf32>,
        %parallel_loop3A_749 = arith.mulf %parallel_loop3A_745, %parallel_loop3A_748 : vector<16xf32>
        %parallel_loop3A_750 = arith.addf %parallel_loop3A_742, %parallel_loop3A_749 : vector<16xf32>
        %parallel_loop3A_751 = arith.index_cast %parallel_loop3A_735 : i32 to index
        %parallel_loop3A_752 = arith.constant 32 : index
        %parallel_loop3A_753 = tpu.vector_load %arg8[%parallel_loop3A_751, %parallel_loop3A_752] {strides = array<i32>} : memref<208x128xf32, #tpu.memory_space<vmem>>, vector<16xf32>,
        %parallel_loop3A_754 = arith.index_cast %parallel_loop3A_735 : i32 to index
        %parallel_loop3A_755 = arith.constant 32 : index
        %parallel_loop3A_756 = tpu.vector_load %arg9[%parallel_loop3A_754, %parallel_loop3A_755] {strides = array<i32>} : memref<208x128xf32, #tpu.memory_space<vmem>>, vector<16xf32>,
        %parallel_loop3A_757 = arith.mulf %parallel_loop3A_753, %parallel_loop3A_756 : vector<16xf32>
        %parallel_loop3A_758 = arith.addf %parallel_loop3A_750, %parallel_loop3A_757 : vector<16xf32>
        %parallel_loop3A_759 = arith.index_cast %parallel_loop3A_735 : i32 to index
        %parallel_loop3A_760 = arith.constant 48 : index
        %parallel_loop3A_761 = tpu.vector_load %arg8[%parallel_loop3A_759, %parallel_loop3A_760] {strides = array<i32>} : memref<208x128xf32, #tpu.memory_space<vmem>>, vector<16xf32>,
        %parallel_loop3A_762 = arith.index_cast %parallel_loop3A_735 : i32 to index
        %parallel_loop3A_763 = arith.constant 48 : index
        %parallel_loop3A_764 = tpu.vector_load %arg9[%parallel_loop3A_762, %parallel_loop3A_763] {strides = array<i32>} : memref<208x128xf32, #tpu.memory_space<vmem>>, vector<16xf32>,
        %parallel_loop3A_765 = arith.mulf %parallel_loop3A_761, %parallel_loop3A_764 : vector<16xf32>
        %parallel_loop3A_766 = arith.addf %parallel_loop3A_758, %parallel_loop3A_765 : vector<16xf32>
        %parallel_loop3A_767 = arith.index_cast %parallel_loop3A_735 : i32 to index
        %parallel_loop3A_768 = arith.constant 64 : index
        %parallel_loop3A_769 = tpu.vector_load %arg8[%parallel_loop3A_767, %parallel_loop3A_768] {strides = array<i32>} : memref<208x128xf32, #tpu.memory_space<vmem>>, vector<16xf32>,
        %parallel_loop3A_770 = arith.index_cast %parallel_loop3A_735 : i32 to index
        %parallel_loop3A_771 = arith.constant 64 : index
        %parallel_loop3A_772 = tpu.vector_load %arg9[%parallel_loop3A_770, %parallel_loop3A_771] {strides = array<i32>} : memref<208x128xf32, #tpu.memory_space<vmem>>, vector<16xf32>,
        %parallel_loop3A_773 = arith.mulf %parallel_loop3A_769, %parallel_loop3A_772 : vector<16xf32>
        %parallel_loop3A_774 = arith.addf %parallel_loop3A_766, %parallel_loop3A_773 : vector<16xf32>
        %parallel_loop3A_775 = arith.index_cast %parallel_loop3A_735 : i32 to index
        %parallel_loop3A_776 = arith.constant 80 : index
        %parallel_loop3A_777 = tpu.vector_load %arg8[%parallel_loop3A_775, %parallel_loop3A_776] {strides = array<i32>} : memref<208x128xf32, #tpu.memory_space<vmem>>, vector<16xf32>,
        %parallel_loop3A_778 = arith.index_cast %parallel_loop3A_735 : i32 to index
        %parallel_loop3A_779 = arith.constant 80 : index
        %parallel_loop3A_780 = tpu.vector_load %arg9[%parallel_loop3A_778, %parallel_loop3A_779] {strides = array<i32>} : memref<208x128xf32, #tpu.memory_space<vmem>>, vector<16xf32>,
        %parallel_loop3A_781 = arith.mulf %parallel_loop3A_777, %parallel_loop3A_780 : vector<16xf32>
        %parallel_loop3A_782 = arith.addf %parallel_loop3A_774, %parallel_loop3A_781 : vector<16xf32>
        %parallel_loop3A_783 = arith.index_cast %parallel_loop3A_735 : i32 to index
        %parallel_loop3A_784 = arith.constant 96 : index
        %parallel_loop3A_785 = tpu.vector_load %arg8[%parallel_loop3A_783, %parallel_loop3A_784] {strides = array<i32>} : memref<208x128xf32, #tpu.memory_space<vmem>>, vector<16xf32>,
        %parallel_loop3A_786 = arith.index_cast %parallel_loop3A_735 : i32 to index
        %parallel_loop3A_787 = arith.constant 96 : index
        %parallel_loop3A_788 = tpu.vector_load %arg9[%parallel_loop3A_786, %parallel_loop3A_787] {strides = array<i32>} : memref<208x128xf32, #tpu.memory_space<vmem>>, vector<16xf32>,
        %parallel_loop3A_789 = arith.mulf %parallel_loop3A_785, %parallel_loop3A_788 : vector<16xf32>
        %parallel_loop3A_790 = arith.addf %parallel_loop3A_782, %parallel_loop3A_789 : vector<16xf32>
        %parallel_loop3A_791 = arith.index_cast %parallel_loop3A_735 : i32 to index
        %parallel_loop3A_792 = arith.constant 112 : index
        %parallel_loop3A_793 = tpu.vector_load %arg8[%parallel_loop3A_791, %parallel_loop3A_792] {strides = array<i32>} : memref<208x128xf32, #tpu.memory_space<vmem>>, vector<16xf32>,
        %parallel_loop3A_794 = arith.index_cast %parallel_loop3A_735 : i32 to index
        %parallel_loop3A_795 = arith.constant 112 : index
        %parallel_loop3A_796 = tpu.vector_load %arg9[%parallel_loop3A_794, %parallel_loop3A_795] {strides = array<i32>} : memref<208x128xf32, #tpu.memory_space<vmem>>, vector<16xf32>,
        %parallel_loop3A_797 = arith.mulf %parallel_loop3A_793, %parallel_loop3A_796 : vector<16xf32>
        %parallel_loop3A_798 = arith.addf %parallel_loop3A_790, %parallel_loop3A_797 : vector<16xf32>
        %parallel_loop3A_799 = arith.constant 136 : i32
        %parallel_loop3A_800 = arith.addi %parallel_loop3A_163, %parallel_loop3A_799 : i32
        %parallel_loop3A_801 = arith.index_cast %parallel_loop3A_800 : i32 to index
        %parallel_loop3A_802 = tpu.vector_load %arg13[%parallel_loop3A_801] {strides = array<i32>} : memref<3536xf32, #tpu.memory_space<vmem>>, vector<16xf32>,
        tpu.vector_store %arg13[%parallel_loop3A_801], %parallel_loop3A_798 {strides = array<i32>} : memref<3536xf32, #tpu.memory_space<vmem>>, vector<16xf32>,
        %parallel_loop3A_803 = arith.constant 16 : i32
        %parallel_loop3A_804 = arith.muli %parallel_loop3A_161, %parallel_loop3A_803 : i32
        %parallel_loop3A_805 = arith.constant 9 : i32
        %parallel_loop3A_806 = arith.addi %parallel_loop3A_804, %parallel_loop3A_805 : i32
        %parallel_loop3A_807 = arith.index_cast %parallel_loop3A_806 : i32 to index
        %parallel_loop3A_808 = arith.constant 0 : index
        %parallel_loop3A_809 = tpu.vector_load %arg8[%parallel_loop3A_807, %parallel_loop3A_808] {strides = array<i32>} : memref<208x128xf32, #tpu.memory_space<vmem>>, vector<16xf32>,
        %parallel_loop3A_810 = arith.index_cast %parallel_loop3A_806 : i32 to index
        %parallel_loop3A_811 = arith.constant 0 : index
        %parallel_loop3A_812 = tpu.vector_load %arg9[%parallel_loop3A_810, %parallel_loop3A_811] {strides = array<i32>} : memref<208x128xf32, #tpu.memory_space<vmem>>, vector<16xf32>,
        %parallel_loop3A_813 = arith.mulf %parallel_loop3A_809, %parallel_loop3A_812 : vector<16xf32>
        %parallel_loop3A_814 = arith.index_cast %parallel_loop3A_806 : i32 to index
        %parallel_loop3A_815 = arith.constant 16 : index
        %parallel_loop3A_816 = tpu.vector_load %arg8[%parallel_loop3A_814, %parallel_loop3A_815] {strides = array<i32>} : memref<208x128xf32, #tpu.memory_space<vmem>>, vector<16xf32>,
        %parallel_loop3A_817 = arith.index_cast %parallel_loop3A_806 : i32 to index
        %parallel_loop3A_818 = arith.constant 16 : index
        %parallel_loop3A_819 = tpu.vector_load %arg9[%parallel_loop3A_817, %parallel_loop3A_818] {strides = array<i32>} : memref<208x128xf32, #tpu.memory_space<vmem>>, vector<16xf32>,
        %parallel_loop3A_820 = arith.mulf %parallel_loop3A_816, %parallel_loop3A_819 : vector<16xf32>
        %parallel_loop3A_821 = arith.addf %parallel_loop3A_813, %parallel_loop3A_820 : vector<16xf32>
        %parallel_loop3A_822 = arith.index_cast %parallel_loop3A_806 : i32 to index
        %parallel_loop3A_823 = arith.constant 32 : index
        %parallel_loop3A_824 = tpu.vector_load %arg8[%parallel_loop3A_822, %parallel_loop3A_823] {strides = array<i32>} : memref<208x128xf32, #tpu.memory_space<vmem>>, vector<16xf32>,
        %parallel_loop3A_825 = arith.index_cast %parallel_loop3A_806 : i32 to index
        %parallel_loop3A_826 = arith.constant 32 : index
        %parallel_loop3A_827 = tpu.vector_load %arg9[%parallel_loop3A_825, %parallel_loop3A_826] {strides = array<i32>} : memref<208x128xf32, #tpu.memory_space<vmem>>, vector<16xf32>,
        %parallel_loop3A_828 = arith.mulf %parallel_loop3A_824, %parallel_loop3A_827 : vector<16xf32>
        %parallel_loop3A_829 = arith.addf %parallel_loop3A_821, %parallel_loop3A_828 : vector<16xf32>
        %parallel_loop3A_830 = arith.index_cast %parallel_loop3A_806 : i32 to index
        %parallel_loop3A_831 = arith.constant 48 : index
        %parallel_loop3A_832 = tpu.vector_load %arg8[%parallel_loop3A_830, %parallel_loop3A_831] {strides = array<i32>} : memref<208x128xf32, #tpu.memory_space<vmem>>, vector<16xf32>,
        %parallel_loop3A_833 = arith.index_cast %parallel_loop3A_806 : i32 to index
        %parallel_loop3A_834 = arith.constant 48 : index
        %parallel_loop3A_835 = tpu.vector_load %arg9[%parallel_loop3A_833, %parallel_loop3A_834] {strides = array<i32>} : memref<208x128xf32, #tpu.memory_space<vmem>>, vector<16xf32>,
        %parallel_loop3A_836 = arith.mulf %parallel_loop3A_832, %parallel_loop3A_835 : vector<16xf32>
        %parallel_loop3A_837 = arith.addf %parallel_loop3A_829, %parallel_loop3A_836 : vector<16xf32>
        %parallel_loop3A_838 = arith.index_cast %parallel_loop3A_806 : i32 to index
        %parallel_loop3A_839 = arith.constant 64 : index
        %parallel_loop3A_840 = tpu.vector_load %arg8[%parallel_loop3A_838, %parallel_loop3A_839] {strides = array<i32>} : memref<208x128xf32, #tpu.memory_space<vmem>>, vector<16xf32>,
        %parallel_loop3A_841 = arith.index_cast %parallel_loop3A_806 : i32 to index
        %parallel_loop3A_842 = arith.constant 64 : index
        %parallel_loop3A_843 = tpu.vector_load %arg9[%parallel_loop3A_841, %parallel_loop3A_842] {strides = array<i32>} : memref<208x128xf32, #tpu.memory_space<vmem>>, vector<16xf32>,
        %parallel_loop3A_844 = arith.mulf %parallel_loop3A_840, %parallel_loop3A_843 : vector<16xf32>
        %parallel_loop3A_845 = arith.addf %parallel_loop3A_837, %parallel_loop3A_844 : vector<16xf32>
        %parallel_loop3A_846 = arith.index_cast %parallel_loop3A_806 : i32 to index
        %parallel_loop3A_847 = arith.constant 80 : index
        %parallel_loop3A_848 = tpu.vector_load %arg8[%parallel_loop3A_846, %parallel_loop3A_847] {strides = array<i32>} : memref<208x128xf32, #tpu.memory_space<vmem>>, vector<16xf32>,
        %parallel_loop3A_849 = arith.index_cast %parallel_loop3A_806 : i32 to index
        %parallel_loop3A_850 = arith.constant 80 : index
        %parallel_loop3A_851 = tpu.vector_load %arg9[%parallel_loop3A_849, %parallel_loop3A_850] {strides = array<i32>} : memref<208x128xf32, #tpu.memory_space<vmem>>, vector<16xf32>,
        %parallel_loop3A_852 = arith.mulf %parallel_loop3A_848, %parallel_loop3A_851 : vector<16xf32>
        %parallel_loop3A_853 = arith.addf %parallel_loop3A_845, %parallel_loop3A_852 : vector<16xf32>
        %parallel_loop3A_854 = arith.index_cast %parallel_loop3A_806 : i32 to index
        %parallel_loop3A_855 = arith.constant 96 : index
        %parallel_loop3A_856 = tpu.vector_load %arg8[%parallel_loop3A_854, %parallel_loop3A_855] {strides = array<i32>} : memref<208x128xf32, #tpu.memory_space<vmem>>, vector<16xf32>,
        %parallel_loop3A_857 = arith.index_cast %parallel_loop3A_806 : i32 to index
        %parallel_loop3A_858 = arith.constant 96 : index
        %parallel_loop3A_859 = tpu.vector_load %arg9[%parallel_loop3A_857, %parallel_loop3A_858] {strides = array<i32>} : memref<208x128xf32, #tpu.memory_space<vmem>>, vector<16xf32>,
        %parallel_loop3A_860 = arith.mulf %parallel_loop3A_856, %parallel_loop3A_859 : vector<16xf32>
        %parallel_loop3A_861 = arith.addf %parallel_loop3A_853, %parallel_loop3A_860 : vector<16xf32>
        %parallel_loop3A_862 = arith.index_cast %parallel_loop3A_806 : i32 to index
        %parallel_loop3A_863 = arith.constant 112 : index
        %parallel_loop3A_864 = tpu.vector_load %arg8[%parallel_loop3A_862, %parallel_loop3A_863] {strides = array<i32>} : memref<208x128xf32, #tpu.memory_space<vmem>>, vector<16xf32>,
        %parallel_loop3A_865 = arith.index_cast %parallel_loop3A_806 : i32 to index
        %parallel_loop3A_866 = arith.constant 112 : index
        %parallel_loop3A_867 = tpu.vector_load %arg9[%parallel_loop3A_865, %parallel_loop3A_866] {strides = array<i32>} : memref<208x128xf32, #tpu.memory_space<vmem>>, vector<16xf32>,
        %parallel_loop3A_868 = arith.mulf %parallel_loop3A_864, %parallel_loop3A_867 : vector<16xf32>
        %parallel_loop3A_869 = arith.addf %parallel_loop3A_861, %parallel_loop3A_868 : vector<16xf32>
        %parallel_loop3A_870 = arith.constant 153 : i32
        %parallel_loop3A_871 = arith.addi %parallel_loop3A_163, %parallel_loop3A_870 : i32
        %parallel_loop3A_872 = arith.index_cast %parallel_loop3A_871 : i32 to index
        %parallel_loop3A_873 = tpu.vector_load %arg13[%parallel_loop3A_872] {strides = array<i32>} : memref<3536xf32, #tpu.memory_space<vmem>>, vector<16xf32>,
        tpu.vector_store %arg13[%parallel_loop3A_872], %parallel_loop3A_869 {strides = array<i32>} : memref<3536xf32, #tpu.memory_space<vmem>>, vector<16xf32>,
        %parallel_loop3A_874 = arith.constant 16 : i32
        %parallel_loop3A_875 = arith.muli %parallel_loop3A_161, %parallel_loop3A_874 : i32
        %parallel_loop3A_876 = arith.constant 10 : i32
        %parallel_loop3A_877 = arith.addi %parallel_loop3A_875, %parallel_loop3A_876 : i32
        %parallel_loop3A_878 = arith.index_cast %parallel_loop3A_877 : i32 to index
        %parallel_loop3A_879 = arith.constant 0 : index
        %parallel_loop3A_880 = tpu.vector_load %arg8[%parallel_loop3A_878, %parallel_loop3A_879] {strides = array<i32>} : memref<208x128xf32, #tpu.memory_space<vmem>>, vector<16xf32>,
        %parallel_loop3A_881 = arith.index_cast %parallel_loop3A_877 : i32 to index
        %parallel_loop3A_882 = arith.constant 0 : index
        %parallel_loop3A_883 = tpu.vector_load %arg9[%parallel_loop3A_881, %parallel_loop3A_882] {strides = array<i32>} : memref<208x128xf32, #tpu.memory_space<vmem>>, vector<16xf32>,
        %parallel_loop3A_884 = arith.mulf %parallel_loop3A_880, %parallel_loop3A_883 : vector<16xf32>
        %parallel_loop3A_885 = arith.index_cast %parallel_loop3A_877 : i32 to index
        %parallel_loop3A_886 = arith.constant 16 : index
        %parallel_loop3A_887 = tpu.vector_load %arg8[%parallel_loop3A_885, %parallel_loop3A_886] {strides = array<i32>} : memref<208x128xf32, #tpu.memory_space<vmem>>, vector<16xf32>,
        %parallel_loop3A_888 = arith.index_cast %parallel_loop3A_877 : i32 to index
        %parallel_loop3A_889 = arith.constant 16 : index
        %parallel_loop3A_890 = tpu.vector_load %arg9[%parallel_loop3A_888, %parallel_loop3A_889] {strides = array<i32>} : memref<208x128xf32, #tpu.memory_space<vmem>>, vector<16xf32>,
        %parallel_loop3A_891 = arith.mulf %parallel_loop3A_887, %parallel_loop3A_890 : vector<16xf32>
        %parallel_loop3A_892 = arith.addf %parallel_loop3A_884, %parallel_loop3A_891 : vector<16xf32>
        %parallel_loop3A_893 = arith.index_cast %parallel_loop3A_877 : i32 to index
        %parallel_loop3A_894 = arith.constant 32 : index
        %parallel_loop3A_895 = tpu.vector_load %arg8[%parallel_loop3A_893, %parallel_loop3A_894] {strides = array<i32>} : memref<208x128xf32, #tpu.memory_space<vmem>>, vector<16xf32>,
        %parallel_loop3A_896 = arith.index_cast %parallel_loop3A_877 : i32 to index
        %parallel_loop3A_897 = arith.constant 32 : index
        %parallel_loop3A_898 = tpu.vector_load %arg9[%parallel_loop3A_896, %parallel_loop3A_897] {strides = array<i32>} : memref<208x128xf32, #tpu.memory_space<vmem>>, vector<16xf32>,
        %parallel_loop3A_899 = arith.mulf %parallel_loop3A_895, %parallel_loop3A_898 : vector<16xf32>
        %parallel_loop3A_900 = arith.addf %parallel_loop3A_892, %parallel_loop3A_899 : vector<16xf32>
        %parallel_loop3A_901 = arith.index_cast %parallel_loop3A_877 : i32 to index
        %parallel_loop3A_902 = arith.constant 48 : index
        %parallel_loop3A_903 = tpu.vector_load %arg8[%parallel_loop3A_901, %parallel_loop3A_902] {strides = array<i32>} : memref<208x128xf32, #tpu.memory_space<vmem>>, vector<16xf32>,
        %parallel_loop3A_904 = arith.index_cast %parallel_loop3A_877 : i32 to index
        %parallel_loop3A_905 = arith.constant 48 : index
        %parallel_loop3A_906 = tpu.vector_load %arg9[%parallel_loop3A_904, %parallel_loop3A_905] {strides = array<i32>} : memref<208x128xf32, #tpu.memory_space<vmem>>, vector<16xf32>,
        %parallel_loop3A_907 = arith.mulf %parallel_loop3A_903, %parallel_loop3A_906 : vector<16xf32>
        %parallel_loop3A_908 = arith.addf %parallel_loop3A_900, %parallel_loop3A_907 : vector<16xf32>
        %parallel_loop3A_909 = arith.index_cast %parallel_loop3A_877 : i32 to index
        %parallel_loop3A_910 = arith.constant 64 : index
        %parallel_loop3A_911 = tpu.vector_load %arg8[%parallel_loop3A_909, %parallel_loop3A_910] {strides = array<i32>} : memref<208x128xf32, #tpu.memory_space<vmem>>, vector<16xf32>,
        %parallel_loop3A_912 = arith.index_cast %parallel_loop3A_877 : i32 to index
        %parallel_loop3A_913 = arith.constant 64 : index
        %parallel_loop3A_914 = tpu.vector_load %arg9[%parallel_loop3A_912, %parallel_loop3A_913] {strides = array<i32>} : memref<208x128xf32, #tpu.memory_space<vmem>>, vector<16xf32>,
        %parallel_loop3A_915 = arith.mulf %parallel_loop3A_911, %parallel_loop3A_914 : vector<16xf32>
        %parallel_loop3A_916 = arith.addf %parallel_loop3A_908, %parallel_loop3A_915 : vector<16xf32>
        %parallel_loop3A_917 = arith.index_cast %parallel_loop3A_877 : i32 to index
        %parallel_loop3A_918 = arith.constant 80 : index
        %parallel_loop3A_919 = tpu.vector_load %arg8[%parallel_loop3A_917, %parallel_loop3A_918] {strides = array<i32>} : memref<208x128xf32, #tpu.memory_space<vmem>>, vector<16xf32>,
        %parallel_loop3A_920 = arith.index_cast %parallel_loop3A_877 : i32 to index
        %parallel_loop3A_921 = arith.constant 80 : index
        %parallel_loop3A_922 = tpu.vector_load %arg9[%parallel_loop3A_920, %parallel_loop3A_921] {strides = array<i32>} : memref<208x128xf32, #tpu.memory_space<vmem>>, vector<16xf32>,
        %parallel_loop3A_923 = arith.mulf %parallel_loop3A_919, %parallel_loop3A_922 : vector<16xf32>
        %parallel_loop3A_924 = arith.addf %parallel_loop3A_916, %parallel_loop3A_923 : vector<16xf32>
        %parallel_loop3A_925 = arith.index_cast %parallel_loop3A_877 : i32 to index
        %parallel_loop3A_926 = arith.constant 96 : index
        %parallel_loop3A_927 = tpu.vector_load %arg8[%parallel_loop3A_925, %parallel_loop3A_926] {strides = array<i32>} : memref<208x128xf32, #tpu.memory_space<vmem>>, vector<16xf32>,
        %parallel_loop3A_928 = arith.index_cast %parallel_loop3A_877 : i32 to index
        %parallel_loop3A_929 = arith.constant 96 : index
        %parallel_loop3A_930 = tpu.vector_load %arg9[%parallel_loop3A_928, %parallel_loop3A_929] {strides = array<i32>} : memref<208x128xf32, #tpu.memory_space<vmem>>, vector<16xf32>,
        %parallel_loop3A_931 = arith.mulf %parallel_loop3A_927, %parallel_loop3A_930 : vector<16xf32>
        %parallel_loop3A_932 = arith.addf %parallel_loop3A_924, %parallel_loop3A_931 : vector<16xf32>
        %parallel_loop3A_933 = arith.index_cast %parallel_loop3A_877 : i32 to index
        %parallel_loop3A_934 = arith.constant 112 : index
        %parallel_loop3A_935 = tpu.vector_load %arg8[%parallel_loop3A_933, %parallel_loop3A_934] {strides = array<i32>} : memref<208x128xf32, #tpu.memory_space<vmem>>, vector<16xf32>,
        %parallel_loop3A_936 = arith.index_cast %parallel_loop3A_877 : i32 to index
        %parallel_loop3A_937 = arith.constant 112 : index
        %parallel_loop3A_938 = tpu.vector_load %arg9[%parallel_loop3A_936, %parallel_loop3A_937] {strides = array<i32>} : memref<208x128xf32, #tpu.memory_space<vmem>>, vector<16xf32>,
        %parallel_loop3A_939 = arith.mulf %parallel_loop3A_935, %parallel_loop3A_938 : vector<16xf32>
        %parallel_loop3A_940 = arith.addf %parallel_loop3A_932, %parallel_loop3A_939 : vector<16xf32>
        %parallel_loop3A_941 = arith.constant 170 : i32
        %parallel_loop3A_942 = arith.addi %parallel_loop3A_163, %parallel_loop3A_941 : i32
        %parallel_loop3A_943 = arith.index_cast %parallel_loop3A_942 : i32 to index
        %parallel_loop3A_944 = tpu.vector_load %arg13[%parallel_loop3A_943] {strides = array<i32>} : memref<3536xf32, #tpu.memory_space<vmem>>, vector<16xf32>,
        tpu.vector_store %arg13[%parallel_loop3A_943], %parallel_loop3A_940 {strides = array<i32>} : memref<3536xf32, #tpu.memory_space<vmem>>, vector<16xf32>,
        %parallel_loop3A_945 = arith.constant 16 : i32
        %parallel_loop3A_946 = arith.muli %parallel_loop3A_161, %parallel_loop3A_945 : i32
        %parallel_loop3A_947 = arith.constant 11 : i32
        %parallel_loop3A_948 = arith.addi %parallel_loop3A_946, %parallel_loop3A_947 : i32
        %parallel_loop3A_949 = arith.index_cast %parallel_loop3A_948 : i32 to index
        %parallel_loop3A_950 = arith.constant 0 : index
        %parallel_loop3A_951 = tpu.vector_load %arg8[%parallel_loop3A_949, %parallel_loop3A_950] {strides = array<i32>} : memref<208x128xf32, #tpu.memory_space<vmem>>, vector<16xf32>,
        %parallel_loop3A_952 = arith.index_cast %parallel_loop3A_948 : i32 to index
        %parallel_loop3A_953 = arith.constant 0 : index
        %parallel_loop3A_954 = tpu.vector_load %arg9[%parallel_loop3A_952, %parallel_loop3A_953] {strides = array<i32>} : memref<208x128xf32, #tpu.memory_space<vmem>>, vector<16xf32>,
        %parallel_loop3A_955 = arith.mulf %parallel_loop3A_951, %parallel_loop3A_954 : vector<16xf32>
        %parallel_loop3A_956 = arith.index_cast %parallel_loop3A_948 : i32 to index
        %parallel_loop3A_957 = arith.constant 16 : index
        %parallel_loop3A_958 = tpu.vector_load %arg8[%parallel_loop3A_956, %parallel_loop3A_957] {strides = array<i32>} : memref<208x128xf32, #tpu.memory_space<vmem>>, vector<16xf32>,
        %parallel_loop3A_959 = arith.index_cast %parallel_loop3A_948 : i32 to index
        %parallel_loop3A_960 = arith.constant 16 : index
        %parallel_loop3A_961 = tpu.vector_load %arg9[%parallel_loop3A_959, %parallel_loop3A_960] {strides = array<i32>} : memref<208x128xf32, #tpu.memory_space<vmem>>, vector<16xf32>,
        %parallel_loop3A_962 = arith.mulf %parallel_loop3A_958, %parallel_loop3A_961 : vector<16xf32>
        %parallel_loop3A_963 = arith.addf %parallel_loop3A_955, %parallel_loop3A_962 : vector<16xf32>
        %parallel_loop3A_964 = arith.index_cast %parallel_loop3A_948 : i32 to index
        %parallel_loop3A_965 = arith.constant 32 : index
        %parallel_loop3A_966 = tpu.vector_load %arg8[%parallel_loop3A_964, %parallel_loop3A_965] {strides = array<i32>} : memref<208x128xf32, #tpu.memory_space<vmem>>, vector<16xf32>,
        %parallel_loop3A_967 = arith.index_cast %parallel_loop3A_948 : i32 to index
        %parallel_loop3A_968 = arith.constant 32 : index
        %parallel_loop3A_969 = tpu.vector_load %arg9[%parallel_loop3A_967, %parallel_loop3A_968] {strides = array<i32>} : memref<208x128xf32, #tpu.memory_space<vmem>>, vector<16xf32>,
        %parallel_loop3A_970 = arith.mulf %parallel_loop3A_966, %parallel_loop3A_969 : vector<16xf32>
        %parallel_loop3A_971 = arith.addf %parallel_loop3A_963, %parallel_loop3A_970 : vector<16xf32>
        %parallel_loop3A_972 = arith.index_cast %parallel_loop3A_948 : i32 to index
        %parallel_loop3A_973 = arith.constant 48 : index
        %parallel_loop3A_974 = tpu.vector_load %arg8[%parallel_loop3A_972, %parallel_loop3A_973] {strides = array<i32>} : memref<208x128xf32, #tpu.memory_space<vmem>>, vector<16xf32>,
        %parallel_loop3A_975 = arith.index_cast %parallel_loop3A_948 : i32 to index
        %parallel_loop3A_976 = arith.constant 48 : index
        %parallel_loop3A_977 = tpu.vector_load %arg9[%parallel_loop3A_975, %parallel_loop3A_976] {strides = array<i32>} : memref<208x128xf32, #tpu.memory_space<vmem>>, vector<16xf32>,
        %parallel_loop3A_978 = arith.mulf %parallel_loop3A_974, %parallel_loop3A_977 : vector<16xf32>
        %parallel_loop3A_979 = arith.addf %parallel_loop3A_971, %parallel_loop3A_978 : vector<16xf32>
        %parallel_loop3A_980 = arith.index_cast %parallel_loop3A_948 : i32 to index
        %parallel_loop3A_981 = arith.constant 64 : index
        %parallel_loop3A_982 = tpu.vector_load %arg8[%parallel_loop3A_980, %parallel_loop3A_981] {strides = array<i32>} : memref<208x128xf32, #tpu.memory_space<vmem>>, vector<16xf32>,
        %parallel_loop3A_983 = arith.index_cast %parallel_loop3A_948 : i32 to index
        %parallel_loop3A_984 = arith.constant 64 : index
        %parallel_loop3A_985 = tpu.vector_load %arg9[%parallel_loop3A_983, %parallel_loop3A_984] {strides = array<i32>} : memref<208x128xf32, #tpu.memory_space<vmem>>, vector<16xf32>,
        %parallel_loop3A_986 = arith.mulf %parallel_loop3A_982, %parallel_loop3A_985 : vector<16xf32>
        %parallel_loop3A_987 = arith.addf %parallel_loop3A_979, %parallel_loop3A_986 : vector<16xf32>
        %parallel_loop3A_988 = arith.index_cast %parallel_loop3A_948 : i32 to index
        %parallel_loop3A_989 = arith.constant 80 : index
        %parallel_loop3A_990 = tpu.vector_load %arg8[%parallel_loop3A_988, %parallel_loop3A_989] {strides = array<i32>} : memref<208x128xf32, #tpu.memory_space<vmem>>, vector<16xf32>,
        %parallel_loop3A_991 = arith.index_cast %parallel_loop3A_948 : i32 to index
        %parallel_loop3A_992 = arith.constant 80 : index
        %parallel_loop3A_993 = tpu.vector_load %arg9[%parallel_loop3A_991, %parallel_loop3A_992] {strides = array<i32>} : memref<208x128xf32, #tpu.memory_space<vmem>>, vector<16xf32>,
        %parallel_loop3A_994 = arith.mulf %parallel_loop3A_990, %parallel_loop3A_993 : vector<16xf32>
        %parallel_loop3A_995 = arith.addf %parallel_loop3A_987, %parallel_loop3A_994 : vector<16xf32>
        %parallel_loop3A_996 = arith.index_cast %parallel_loop3A_948 : i32 to index
        %parallel_loop3A_997 = arith.constant 96 : index
        %parallel_loop3A_998 = tpu.vector_load %arg8[%parallel_loop3A_996, %parallel_loop3A_997] {strides = array<i32>} : memref<208x128xf32, #tpu.memory_space<vmem>>, vector<16xf32>,
        %parallel_loop3A_999 = arith.index_cast %parallel_loop3A_948 : i32 to index
        %parallel_loop3A_1000 = arith.constant 96 : index
        %parallel_loop3A_1001 = tpu.vector_load %arg9[%parallel_loop3A_999, %parallel_loop3A_1000] {strides = array<i32>} : memref<208x128xf32, #tpu.memory_space<vmem>>, vector<16xf32>,
        %parallel_loop3A_1002 = arith.mulf %parallel_loop3A_998, %parallel_loop3A_1001 : vector<16xf32>
        %parallel_loop3A_1003 = arith.addf %parallel_loop3A_995, %parallel_loop3A_1002 : vector<16xf32>
        %parallel_loop3A_1004 = arith.index_cast %parallel_loop3A_948 : i32 to index
        %parallel_loop3A_1005 = arith.constant 112 : index
        %parallel_loop3A_1006 = tpu.vector_load %arg8[%parallel_loop3A_1004, %parallel_loop3A_1005] {strides = array<i32>} : memref<208x128xf32, #tpu.memory_space<vmem>>, vector<16xf32>,
        %parallel_loop3A_1007 = arith.index_cast %parallel_loop3A_948 : i32 to index
        %parallel_loop3A_1008 = arith.constant 112 : index
        %parallel_loop3A_1009 = tpu.vector_load %arg9[%parallel_loop3A_1007, %parallel_loop3A_1008] {strides = array<i32>} : memref<208x128xf32, #tpu.memory_space<vmem>>, vector<16xf32>,
        %parallel_loop3A_1010 = arith.mulf %parallel_loop3A_1006, %parallel_loop3A_1009 : vector<16xf32>
        %parallel_loop3A_1011 = arith.addf %parallel_loop3A_1003, %parallel_loop3A_1010 : vector<16xf32>
        %parallel_loop3A_1012 = arith.constant 187 : i32
        %parallel_loop3A_1013 = arith.addi %parallel_loop3A_163, %parallel_loop3A_1012 : i32
        %parallel_loop3A_1014 = arith.index_cast %parallel_loop3A_1013 : i32 to index
        %parallel_loop3A_1015 = tpu.vector_load %arg13[%parallel_loop3A_1014] {strides = array<i32>} : memref<3536xf32, #tpu.memory_space<vmem>>, vector<16xf32>,
        tpu.vector_store %arg13[%parallel_loop3A_1014], %parallel_loop3A_1011 {strides = array<i32>} : memref<3536xf32, #tpu.memory_space<vmem>>, vector<16xf32>,
        %parallel_loop3A_1016 = arith.constant 16 : i32
        %parallel_loop3A_1017 = arith.muli %parallel_loop3A_161, %parallel_loop3A_1016 : i32
        %parallel_loop3A_1018 = arith.constant 12 : i32
        %parallel_loop3A_1019 = arith.addi %parallel_loop3A_1017, %parallel_loop3A_1018 : i32
        %parallel_loop3A_1020 = arith.index_cast %parallel_loop3A_1019 : i32 to index
        %parallel_loop3A_1021 = arith.constant 0 : index
        %parallel_loop3A_1022 = tpu.vector_load %arg8[%parallel_loop3A_1020, %parallel_loop3A_1021] {strides = array<i32>} : memref<208x128xf32, #tpu.memory_space<vmem>>, vector<16xf32>,
        %parallel_loop3A_1023 = arith.index_cast %parallel_loop3A_1019 : i32 to index
        %parallel_loop3A_1024 = arith.constant 0 : index
        %parallel_loop3A_1025 = tpu.vector_load %arg9[%parallel_loop3A_1023, %parallel_loop3A_1024] {strides = array<i32>} : memref<208x128xf32, #tpu.memory_space<vmem>>, vector<16xf32>,
        %parallel_loop3A_1026 = arith.mulf %parallel_loop3A_1022, %parallel_loop3A_1025 : vector<16xf32>
        %parallel_loop3A_1027 = arith.index_cast %parallel_loop3A_1019 : i32 to index
        %parallel_loop3A_1028 = arith.constant 16 : index
        %parallel_loop3A_1029 = tpu.vector_load %arg8[%parallel_loop3A_1027, %parallel_loop3A_1028] {strides = array<i32>} : memref<208x128xf32, #tpu.memory_space<vmem>>, vector<16xf32>,
        %parallel_loop3A_1030 = arith.index_cast %parallel_loop3A_1019 : i32 to index
        %parallel_loop3A_1031 = arith.constant 16 : index
        %parallel_loop3A_1032 = tpu.vector_load %arg9[%parallel_loop3A_1030, %parallel_loop3A_1031] {strides = array<i32>} : memref<208x128xf32, #tpu.memory_space<vmem>>, vector<16xf32>,
        %parallel_loop3A_1033 = arith.mulf %parallel_loop3A_1029, %parallel_loop3A_1032 : vector<16xf32>
        %parallel_loop3A_1034 = arith.addf %parallel_loop3A_1026, %parallel_loop3A_1033 : vector<16xf32>
        %parallel_loop3A_1035 = arith.index_cast %parallel_loop3A_1019 : i32 to index
        %parallel_loop3A_1036 = arith.constant 32 : index
        %parallel_loop3A_1037 = tpu.vector_load %arg8[%parallel_loop3A_1035, %parallel_loop3A_1036] {strides = array<i32>} : memref<208x128xf32, #tpu.memory_space<vmem>>, vector<16xf32>,
        %parallel_loop3A_1038 = arith.index_cast %parallel_loop3A_1019 : i32 to index
        %parallel_loop3A_1039 = arith.constant 32 : index
        %parallel_loop3A_1040 = tpu.vector_load %arg9[%parallel_loop3A_1038, %parallel_loop3A_1039] {strides = array<i32>} : memref<208x128xf32, #tpu.memory_space<vmem>>, vector<16xf32>,
        %parallel_loop3A_1041 = arith.mulf %parallel_loop3A_1037, %parallel_loop3A_1040 : vector<16xf32>
        %parallel_loop3A_1042 = arith.addf %parallel_loop3A_1034, %parallel_loop3A_1041 : vector<16xf32>
        %parallel_loop3A_1043 = arith.index_cast %parallel_loop3A_1019 : i32 to index
        %parallel_loop3A_1044 = arith.constant 48 : index
        %parallel_loop3A_1045 = tpu.vector_load %arg8[%parallel_loop3A_1043, %parallel_loop3A_1044] {strides = array<i32>} : memref<208x128xf32, #tpu.memory_space<vmem>>, vector<16xf32>,
        %parallel_loop3A_1046 = arith.index_cast %parallel_loop3A_1019 : i32 to index
        %parallel_loop3A_1047 = arith.constant 48 : index
        %parallel_loop3A_1048 = tpu.vector_load %arg9[%parallel_loop3A_1046, %parallel_loop3A_1047] {strides = array<i32>} : memref<208x128xf32, #tpu.memory_space<vmem>>, vector<16xf32>,
        %parallel_loop3A_1049 = arith.mulf %parallel_loop3A_1045, %parallel_loop3A_1048 : vector<16xf32>
        %parallel_loop3A_1050 = arith.addf %parallel_loop3A_1042, %parallel_loop3A_1049 : vector<16xf32>
        %parallel_loop3A_1051 = arith.index_cast %parallel_loop3A_1019 : i32 to index
        %parallel_loop3A_1052 = arith.constant 64 : index
        %parallel_loop3A_1053 = tpu.vector_load %arg8[%parallel_loop3A_1051, %parallel_loop3A_1052] {strides = array<i32>} : memref<208x128xf32, #tpu.memory_space<vmem>>, vector<16xf32>,
        %parallel_loop3A_1054 = arith.index_cast %parallel_loop3A_1019 : i32 to index
        %parallel_loop3A_1055 = arith.constant 64 : index
        %parallel_loop3A_1056 = tpu.vector_load %arg9[%parallel_loop3A_1054, %parallel_loop3A_1055] {strides = array<i32>} : memref<208x128xf32, #tpu.memory_space<vmem>>, vector<16xf32>,
        %parallel_loop3A_1057 = arith.mulf %parallel_loop3A_1053, %parallel_loop3A_1056 : vector<16xf32>
        %parallel_loop3A_1058 = arith.addf %parallel_loop3A_1050, %parallel_loop3A_1057 : vector<16xf32>
        %parallel_loop3A_1059 = arith.index_cast %parallel_loop3A_1019 : i32 to index
        %parallel_loop3A_1060 = arith.constant 80 : index
        %parallel_loop3A_1061 = tpu.vector_load %arg8[%parallel_loop3A_1059, %parallel_loop3A_1060] {strides = array<i32>} : memref<208x128xf32, #tpu.memory_space<vmem>>, vector<16xf32>,
        %parallel_loop3A_1062 = arith.index_cast %parallel_loop3A_1019 : i32 to index
        %parallel_loop3A_1063 = arith.constant 80 : index
        %parallel_loop3A_1064 = tpu.vector_load %arg9[%parallel_loop3A_1062, %parallel_loop3A_1063] {strides = array<i32>} : memref<208x128xf32, #tpu.memory_space<vmem>>, vector<16xf32>,
        %parallel_loop3A_1065 = arith.mulf %parallel_loop3A_1061, %parallel_loop3A_1064 : vector<16xf32>
        %parallel_loop3A_1066 = arith.addf %parallel_loop3A_1058, %parallel_loop3A_1065 : vector<16xf32>
        %parallel_loop3A_1067 = arith.index_cast %parallel_loop3A_1019 : i32 to index
        %parallel_loop3A_1068 = arith.constant 96 : index
        %parallel_loop3A_1069 = tpu.vector_load %arg8[%parallel_loop3A_1067, %parallel_loop3A_1068] {strides = array<i32>} : memref<208x128xf32, #tpu.memory_space<vmem>>, vector<16xf32>,
        %parallel_loop3A_1070 = arith.index_cast %parallel_loop3A_1019 : i32 to index
        %parallel_loop3A_1071 = arith.constant 96 : index
        %parallel_loop3A_1072 = tpu.vector_load %arg9[%parallel_loop3A_1070, %parallel_loop3A_1071] {strides = array<i32>} : memref<208x128xf32, #tpu.memory_space<vmem>>, vector<16xf32>,
        %parallel_loop3A_1073 = arith.mulf %parallel_loop3A_1069, %parallel_loop3A_1072 : vector<16xf32>
        %parallel_loop3A_1074 = arith.addf %parallel_loop3A_1066, %parallel_loop3A_1073 : vector<16xf32>
        %parallel_loop3A_1075 = arith.index_cast %parallel_loop3A_1019 : i32 to index
        %parallel_loop3A_1076 = arith.constant 112 : index
        %parallel_loop3A_1077 = tpu.vector_load %arg8[%parallel_loop3A_1075, %parallel_loop3A_1076] {strides = array<i32>} : memref<208x128xf32, #tpu.memory_space<vmem>>, vector<16xf32>,
        %parallel_loop3A_1078 = arith.index_cast %parallel_loop3A_1019 : i32 to index
        %parallel_loop3A_1079 = arith.constant 112 : index
        %parallel_loop3A_1080 = tpu.vector_load %arg9[%parallel_loop3A_1078, %parallel_loop3A_1079] {strides = array<i32>} : memref<208x128xf32, #tpu.memory_space<vmem>>, vector<16xf32>,
        %parallel_loop3A_1081 = arith.mulf %parallel_loop3A_1077, %parallel_loop3A_1080 : vector<16xf32>
        %parallel_loop3A_1082 = arith.addf %parallel_loop3A_1074, %parallel_loop3A_1081 : vector<16xf32>
        %parallel_loop3A_1083 = arith.constant 204 : i32
        %parallel_loop3A_1084 = arith.addi %parallel_loop3A_163, %parallel_loop3A_1083 : i32
        %parallel_loop3A_1085 = arith.index_cast %parallel_loop3A_1084 : i32 to index
        %parallel_loop3A_1086 = tpu.vector_load %arg13[%parallel_loop3A_1085] {strides = array<i32>} : memref<3536xf32, #tpu.memory_space<vmem>>, vector<16xf32>,
        tpu.vector_store %arg13[%parallel_loop3A_1085], %parallel_loop3A_1082 {strides = array<i32>} : memref<3536xf32, #tpu.memory_space<vmem>>, vector<16xf32>,
        %parallel_loop3A_1087 = arith.constant 16 : i32
        %parallel_loop3A_1088 = arith.muli %parallel_loop3A_161, %parallel_loop3A_1087 : i32
        %parallel_loop3A_1089 = arith.constant 13 : i32
        %parallel_loop3A_1090 = arith.addi %parallel_loop3A_1088, %parallel_loop3A_1089 : i32
        %parallel_loop3A_1091 = arith.index_cast %parallel_loop3A_1090 : i32 to index
        %parallel_loop3A_1092 = arith.constant 0 : index
        %parallel_loop3A_1093 = tpu.vector_load %arg8[%parallel_loop3A_1091, %parallel_loop3A_1092] {strides = array<i32>} : memref<208x128xf32, #tpu.memory_space<vmem>>, vector<16xf32>,
        %parallel_loop3A_1094 = arith.index_cast %parallel_loop3A_1090 : i32 to index
        %parallel_loop3A_1095 = arith.constant 0 : index
        %parallel_loop3A_1096 = tpu.vector_load %arg9[%parallel_loop3A_1094, %parallel_loop3A_1095] {strides = array<i32>} : memref<208x128xf32, #tpu.memory_space<vmem>>, vector<16xf32>,
        %parallel_loop3A_1097 = arith.mulf %parallel_loop3A_1093, %parallel_loop3A_1096 : vector<16xf32>
        %parallel_loop3A_1098 = arith.index_cast %parallel_loop3A_1090 : i32 to index
        %parallel_loop3A_1099 = arith.constant 16 : index
        %parallel_loop3A_1100 = tpu.vector_load %arg8[%parallel_loop3A_1098, %parallel_loop3A_1099] {strides = array<i32>} : memref<208x128xf32, #tpu.memory_space<vmem>>, vector<16xf32>,
        %parallel_loop3A_1101 = arith.index_cast %parallel_loop3A_1090 : i32 to index
        %parallel_loop3A_1102 = arith.constant 16 : index
        %parallel_loop3A_1103 = tpu.vector_load %arg9[%parallel_loop3A_1101, %parallel_loop3A_1102] {strides = array<i32>} : memref<208x128xf32, #tpu.memory_space<vmem>>, vector<16xf32>,
        %parallel_loop3A_1104 = arith.mulf %parallel_loop3A_1100, %parallel_loop3A_1103 : vector<16xf32>
        %parallel_loop3A_1105 = arith.addf %parallel_loop3A_1097, %parallel_loop3A_1104 : vector<16xf32>
        %parallel_loop3A_1106 = arith.index_cast %parallel_loop3A_1090 : i32 to index
        %parallel_loop3A_1107 = arith.constant 32 : index
        %parallel_loop3A_1108 = tpu.vector_load %arg8[%parallel_loop3A_1106, %parallel_loop3A_1107] {strides = array<i32>} : memref<208x128xf32, #tpu.memory_space<vmem>>, vector<16xf32>,
        %parallel_loop3A_1109 = arith.index_cast %parallel_loop3A_1090 : i32 to index
        %parallel_loop3A_1110 = arith.constant 32 : index
        %parallel_loop3A_1111 = tpu.vector_load %arg9[%parallel_loop3A_1109, %parallel_loop3A_1110] {strides = array<i32>} : memref<208x128xf32, #tpu.memory_space<vmem>>, vector<16xf32>,
        %parallel_loop3A_1112 = arith.mulf %parallel_loop3A_1108, %parallel_loop3A_1111 : vector<16xf32>
        %parallel_loop3A_1113 = arith.addf %parallel_loop3A_1105, %parallel_loop3A_1112 : vector<16xf32>
        %parallel_loop3A_1114 = arith.index_cast %parallel_loop3A_1090 : i32 to index
        %parallel_loop3A_1115 = arith.constant 48 : index
        %parallel_loop3A_1116 = tpu.vector_load %arg8[%parallel_loop3A_1114, %parallel_loop3A_1115] {strides = array<i32>} : memref<208x128xf32, #tpu.memory_space<vmem>>, vector<16xf32>,
        %parallel_loop3A_1117 = arith.index_cast %parallel_loop3A_1090 : i32 to index
        %parallel_loop3A_1118 = arith.constant 48 : index
        %parallel_loop3A_1119 = tpu.vector_load %arg9[%parallel_loop3A_1117, %parallel_loop3A_1118] {strides = array<i32>} : memref<208x128xf32, #tpu.memory_space<vmem>>, vector<16xf32>,
        %parallel_loop3A_1120 = arith.mulf %parallel_loop3A_1116, %parallel_loop3A_1119 : vector<16xf32>
        %parallel_loop3A_1121 = arith.addf %parallel_loop3A_1113, %parallel_loop3A_1120 : vector<16xf32>
        %parallel_loop3A_1122 = arith.index_cast %parallel_loop3A_1090 : i32 to index
        %parallel_loop3A_1123 = arith.constant 64 : index
        %parallel_loop3A_1124 = tpu.vector_load %arg8[%parallel_loop3A_1122, %parallel_loop3A_1123] {strides = array<i32>} : memref<208x128xf32, #tpu.memory_space<vmem>>, vector<16xf32>,
        %parallel_loop3A_1125 = arith.index_cast %parallel_loop3A_1090 : i32 to index
        %parallel_loop3A_1126 = arith.constant 64 : index
        %parallel_loop3A_1127 = tpu.vector_load %arg9[%parallel_loop3A_1125, %parallel_loop3A_1126] {strides = array<i32>} : memref<208x128xf32, #tpu.memory_space<vmem>>, vector<16xf32>,
        %parallel_loop3A_1128 = arith.mulf %parallel_loop3A_1124, %parallel_loop3A_1127 : vector<16xf32>
        %parallel_loop3A_1129 = arith.addf %parallel_loop3A_1121, %parallel_loop3A_1128 : vector<16xf32>
        %parallel_loop3A_1130 = arith.index_cast %parallel_loop3A_1090 : i32 to index
        %parallel_loop3A_1131 = arith.constant 80 : index
        %parallel_loop3A_1132 = tpu.vector_load %arg8[%parallel_loop3A_1130, %parallel_loop3A_1131] {strides = array<i32>} : memref<208x128xf32, #tpu.memory_space<vmem>>, vector<16xf32>,
        %parallel_loop3A_1133 = arith.index_cast %parallel_loop3A_1090 : i32 to index
        %parallel_loop3A_1134 = arith.constant 80 : index
        %parallel_loop3A_1135 = tpu.vector_load %arg9[%parallel_loop3A_1133, %parallel_loop3A_1134] {strides = array<i32>} : memref<208x128xf32, #tpu.memory_space<vmem>>, vector<16xf32>,
        %parallel_loop3A_1136 = arith.mulf %parallel_loop3A_1132, %parallel_loop3A_1135 : vector<16xf32>
        %parallel_loop3A_1137 = arith.addf %parallel_loop3A_1129, %parallel_loop3A_1136 : vector<16xf32>
        %parallel_loop3A_1138 = arith.index_cast %parallel_loop3A_1090 : i32 to index
        %parallel_loop3A_1139 = arith.constant 96 : index
        %parallel_loop3A_1140 = tpu.vector_load %arg8[%parallel_loop3A_1138, %parallel_loop3A_1139] {strides = array<i32>} : memref<208x128xf32, #tpu.memory_space<vmem>>, vector<16xf32>,
        %parallel_loop3A_1141 = arith.index_cast %parallel_loop3A_1090 : i32 to index
        %parallel_loop3A_1142 = arith.constant 96 : index
        %parallel_loop3A_1143 = tpu.vector_load %arg9[%parallel_loop3A_1141, %parallel_loop3A_1142] {strides = array<i32>} : memref<208x128xf32, #tpu.memory_space<vmem>>, vector<16xf32>,
        %parallel_loop3A_1144 = arith.mulf %parallel_loop3A_1140, %parallel_loop3A_1143 : vector<16xf32>
        %parallel_loop3A_1145 = arith.addf %parallel_loop3A_1137, %parallel_loop3A_1144 : vector<16xf32>
        %parallel_loop3A_1146 = arith.index_cast %parallel_loop3A_1090 : i32 to index
        %parallel_loop3A_1147 = arith.constant 112 : index
        %parallel_loop3A_1148 = tpu.vector_load %arg8[%parallel_loop3A_1146, %parallel_loop3A_1147] {strides = array<i32>} : memref<208x128xf32, #tpu.memory_space<vmem>>, vector<16xf32>,
        %parallel_loop3A_1149 = arith.index_cast %parallel_loop3A_1090 : i32 to index
        %parallel_loop3A_1150 = arith.constant 112 : index
        %parallel_loop3A_1151 = tpu.vector_load %arg9[%parallel_loop3A_1149, %parallel_loop3A_1150] {strides = array<i32>} : memref<208x128xf32, #tpu.memory_space<vmem>>, vector<16xf32>,
        %parallel_loop3A_1152 = arith.mulf %parallel_loop3A_1148, %parallel_loop3A_1151 : vector<16xf32>
        %parallel_loop3A_1153 = arith.addf %parallel_loop3A_1145, %parallel_loop3A_1152 : vector<16xf32>
        %parallel_loop3A_1154 = arith.constant 221 : i32
        %parallel_loop3A_1155 = arith.addi %parallel_loop3A_163, %parallel_loop3A_1154 : i32
        %parallel_loop3A_1156 = arith.index_cast %parallel_loop3A_1155 : i32 to index
        %parallel_loop3A_1157 = tpu.vector_load %arg13[%parallel_loop3A_1156] {strides = array<i32>} : memref<3536xf32, #tpu.memory_space<vmem>>, vector<16xf32>,
        tpu.vector_store %arg13[%parallel_loop3A_1156], %parallel_loop3A_1153 {strides = array<i32>} : memref<3536xf32, #tpu.memory_space<vmem>>, vector<16xf32>,
        %parallel_loop3A_1158 = arith.constant 16 : i32
        %parallel_loop3A_1159 = arith.muli %parallel_loop3A_161, %parallel_loop3A_1158 : i32
        %parallel_loop3A_1160 = arith.constant 14 : i32
        %parallel_loop3A_1161 = arith.addi %parallel_loop3A_1159, %parallel_loop3A_1160 : i32
        %parallel_loop3A_1162 = arith.index_cast %parallel_loop3A_1161 : i32 to index
        %parallel_loop3A_1163 = arith.constant 0 : index
        %parallel_loop3A_1164 = tpu.vector_load %arg8[%parallel_loop3A_1162, %parallel_loop3A_1163] {strides = array<i32>} : memref<208x128xf32, #tpu.memory_space<vmem>>, vector<16xf32>,
        %parallel_loop3A_1165 = arith.index_cast %parallel_loop3A_1161 : i32 to index
        %parallel_loop3A_1166 = arith.constant 0 : index
        %parallel_loop3A_1167 = tpu.vector_load %arg9[%parallel_loop3A_1165, %parallel_loop3A_1166] {strides = array<i32>} : memref<208x128xf32, #tpu.memory_space<vmem>>, vector<16xf32>,
        %parallel_loop3A_1168 = arith.mulf %parallel_loop3A_1164, %parallel_loop3A_1167 : vector<16xf32>
        %parallel_loop3A_1169 = arith.index_cast %parallel_loop3A_1161 : i32 to index
        %parallel_loop3A_1170 = arith.constant 16 : index
        %parallel_loop3A_1171 = tpu.vector_load %arg8[%parallel_loop3A_1169, %parallel_loop3A_1170] {strides = array<i32>} : memref<208x128xf32, #tpu.memory_space<vmem>>, vector<16xf32>,
        %parallel_loop3A_1172 = arith.index_cast %parallel_loop3A_1161 : i32 to index
        %parallel_loop3A_1173 = arith.constant 16 : index
        %parallel_loop3A_1174 = tpu.vector_load %arg9[%parallel_loop3A_1172, %parallel_loop3A_1173] {strides = array<i32>} : memref<208x128xf32, #tpu.memory_space<vmem>>, vector<16xf32>,
        %parallel_loop3A_1175 = arith.mulf %parallel_loop3A_1171, %parallel_loop3A_1174 : vector<16xf32>
        %parallel_loop3A_1176 = arith.addf %parallel_loop3A_1168, %parallel_loop3A_1175 : vector<16xf32>
        %parallel_loop3A_1177 = arith.index_cast %parallel_loop3A_1161 : i32 to index
        %parallel_loop3A_1178 = arith.constant 32 : index
        %parallel_loop3A_1179 = tpu.vector_load %arg8[%parallel_loop3A_1177, %parallel_loop3A_1178] {strides = array<i32>} : memref<208x128xf32, #tpu.memory_space<vmem>>, vector<16xf32>,
        %parallel_loop3A_1180 = arith.index_cast %parallel_loop3A_1161 : i32 to index
        %parallel_loop3A_1181 = arith.constant 32 : index
        %parallel_loop3A_1182 = tpu.vector_load %arg9[%parallel_loop3A_1180, %parallel_loop3A_1181] {strides = array<i32>} : memref<208x128xf32, #tpu.memory_space<vmem>>, vector<16xf32>,
        %parallel_loop3A_1183 = arith.mulf %parallel_loop3A_1179, %parallel_loop3A_1182 : vector<16xf32>
        %parallel_loop3A_1184 = arith.addf %parallel_loop3A_1176, %parallel_loop3A_1183 : vector<16xf32>
        %parallel_loop3A_1185 = arith.index_cast %parallel_loop3A_1161 : i32 to index
        %parallel_loop3A_1186 = arith.constant 48 : index
        %parallel_loop3A_1187 = tpu.vector_load %arg8[%parallel_loop3A_1185, %parallel_loop3A_1186] {strides = array<i32>} : memref<208x128xf32, #tpu.memory_space<vmem>>, vector<16xf32>,
        %parallel_loop3A_1188 = arith.index_cast %parallel_loop3A_1161 : i32 to index
        %parallel_loop3A_1189 = arith.constant 48 : index
        %parallel_loop3A_1190 = tpu.vector_load %arg9[%parallel_loop3A_1188, %parallel_loop3A_1189] {strides = array<i32>} : memref<208x128xf32, #tpu.memory_space<vmem>>, vector<16xf32>,
        %parallel_loop3A_1191 = arith.mulf %parallel_loop3A_1187, %parallel_loop3A_1190 : vector<16xf32>
        %parallel_loop3A_1192 = arith.addf %parallel_loop3A_1184, %parallel_loop3A_1191 : vector<16xf32>
        %parallel_loop3A_1193 = arith.index_cast %parallel_loop3A_1161 : i32 to index
        %parallel_loop3A_1194 = arith.constant 64 : index
        %parallel_loop3A_1195 = tpu.vector_load %arg8[%parallel_loop3A_1193, %parallel_loop3A_1194] {strides = array<i32>} : memref<208x128xf32, #tpu.memory_space<vmem>>, vector<16xf32>,
        %parallel_loop3A_1196 = arith.index_cast %parallel_loop3A_1161 : i32 to index
        %parallel_loop3A_1197 = arith.constant 64 : index
        %parallel_loop3A_1198 = tpu.vector_load %arg9[%parallel_loop3A_1196, %parallel_loop3A_1197] {strides = array<i32>} : memref<208x128xf32, #tpu.memory_space<vmem>>, vector<16xf32>,
        %parallel_loop3A_1199 = arith.mulf %parallel_loop3A_1195, %parallel_loop3A_1198 : vector<16xf32>
        %parallel_loop3A_1200 = arith.addf %parallel_loop3A_1192, %parallel_loop3A_1199 : vector<16xf32>
        %parallel_loop3A_1201 = arith.index_cast %parallel_loop3A_1161 : i32 to index
        %parallel_loop3A_1202 = arith.constant 80 : index
        %parallel_loop3A_1203 = tpu.vector_load %arg8[%parallel_loop3A_1201, %parallel_loop3A_1202] {strides = array<i32>} : memref<208x128xf32, #tpu.memory_space<vmem>>, vector<16xf32>,
        %parallel_loop3A_1204 = arith.index_cast %parallel_loop3A_1161 : i32 to index
        %parallel_loop3A_1205 = arith.constant 80 : index
        %parallel_loop3A_1206 = tpu.vector_load %arg9[%parallel_loop3A_1204, %parallel_loop3A_1205] {strides = array<i32>} : memref<208x128xf32, #tpu.memory_space<vmem>>, vector<16xf32>,
        %parallel_loop3A_1207 = arith.mulf %parallel_loop3A_1203, %parallel_loop3A_1206 : vector<16xf32>
        %parallel_loop3A_1208 = arith.addf %parallel_loop3A_1200, %parallel_loop3A_1207 : vector<16xf32>
        %parallel_loop3A_1209 = arith.index_cast %parallel_loop3A_1161 : i32 to index
        %parallel_loop3A_1210 = arith.constant 96 : index
        %parallel_loop3A_1211 = tpu.vector_load %arg8[%parallel_loop3A_1209, %parallel_loop3A_1210] {strides = array<i32>} : memref<208x128xf32, #tpu.memory_space<vmem>>, vector<16xf32>,
        %parallel_loop3A_1212 = arith.index_cast %parallel_loop3A_1161 : i32 to index
        %parallel_loop3A_1213 = arith.constant 96 : index
        %parallel_loop3A_1214 = tpu.vector_load %arg9[%parallel_loop3A_1212, %parallel_loop3A_1213] {strides = array<i32>} : memref<208x128xf32, #tpu.memory_space<vmem>>, vector<16xf32>,
        %parallel_loop3A_1215 = arith.mulf %parallel_loop3A_1211, %parallel_loop3A_1214 : vector<16xf32>
        %parallel_loop3A_1216 = arith.addf %parallel_loop3A_1208, %parallel_loop3A_1215 : vector<16xf32>
        %parallel_loop3A_1217 = arith.index_cast %parallel_loop3A_1161 : i32 to index
        %parallel_loop3A_1218 = arith.constant 112 : index
        %parallel_loop3A_1219 = tpu.vector_load %arg8[%parallel_loop3A_1217, %parallel_loop3A_1218] {strides = array<i32>} : memref<208x128xf32, #tpu.memory_space<vmem>>, vector<16xf32>,
        %parallel_loop3A_1220 = arith.index_cast %parallel_loop3A_1161 : i32 to index
        %parallel_loop3A_1221 = arith.constant 112 : index
        %parallel_loop3A_1222 = tpu.vector_load %arg9[%parallel_loop3A_1220, %parallel_loop3A_1221] {strides = array<i32>} : memref<208x128xf32, #tpu.memory_space<vmem>>, vector<16xf32>,
        %parallel_loop3A_1223 = arith.mulf %parallel_loop3A_1219, %parallel_loop3A_1222 : vector<16xf32>
        %parallel_loop3A_1224 = arith.addf %parallel_loop3A_1216, %parallel_loop3A_1223 : vector<16xf32>
        %parallel_loop3A_1225 = arith.constant 238 : i32
        %parallel_loop3A_1226 = arith.addi %parallel_loop3A_163, %parallel_loop3A_1225 : i32
        %parallel_loop3A_1227 = arith.index_cast %parallel_loop3A_1226 : i32 to index
        %parallel_loop3A_1228 = tpu.vector_load %arg13[%parallel_loop3A_1227] {strides = array<i32>} : memref<3536xf32, #tpu.memory_space<vmem>>, vector<16xf32>,
        tpu.vector_store %arg13[%parallel_loop3A_1227], %parallel_loop3A_1224 {strides = array<i32>} : memref<3536xf32, #tpu.memory_space<vmem>>, vector<16xf32>,
        %parallel_loop3A_1229 = arith.constant 16 : i32
        %parallel_loop3A_1230 = arith.muli %parallel_loop3A_161, %parallel_loop3A_1229 : i32
        %parallel_loop3A_1231 = arith.constant 15 : i32
        %parallel_loop3A_1232 = arith.addi %parallel_loop3A_1230, %parallel_loop3A_1231 : i32
        %parallel_loop3A_1233 = arith.index_cast %parallel_loop3A_1232 : i32 to index
        %parallel_loop3A_1234 = arith.constant 0 : index
        %parallel_loop3A_1235 = tpu.vector_load %arg8[%parallel_loop3A_1233, %parallel_loop3A_1234] {strides = array<i32>} : memref<208x128xf32, #tpu.memory_space<vmem>>, vector<16xf32>,
        %parallel_loop3A_1236 = arith.index_cast %parallel_loop3A_1232 : i32 to index
        %parallel_loop3A_1237 = arith.constant 0 : index
        %parallel_loop3A_1238 = tpu.vector_load %arg9[%parallel_loop3A_1236, %parallel_loop3A_1237] {strides = array<i32>} : memref<208x128xf32, #tpu.memory_space<vmem>>, vector<16xf32>,
        %parallel_loop3A_1239 = arith.mulf %parallel_loop3A_1235, %parallel_loop3A_1238 : vector<16xf32>
        %parallel_loop3A_1240 = arith.index_cast %parallel_loop3A_1232 : i32 to index
        %parallel_loop3A_1241 = arith.constant 16 : index
        %parallel_loop3A_1242 = tpu.vector_load %arg8[%parallel_loop3A_1240, %parallel_loop3A_1241] {strides = array<i32>} : memref<208x128xf32, #tpu.memory_space<vmem>>, vector<16xf32>,
        %parallel_loop3A_1243 = arith.index_cast %parallel_loop3A_1232 : i32 to index
        %parallel_loop3A_1244 = arith.constant 16 : index
        %parallel_loop3A_1245 = tpu.vector_load %arg9[%parallel_loop3A_1243, %parallel_loop3A_1244] {strides = array<i32>} : memref<208x128xf32, #tpu.memory_space<vmem>>, vector<16xf32>,
        %parallel_loop3A_1246 = arith.mulf %parallel_loop3A_1242, %parallel_loop3A_1245 : vector<16xf32>
        %parallel_loop3A_1247 = arith.addf %parallel_loop3A_1239, %parallel_loop3A_1246 : vector<16xf32>
        %parallel_loop3A_1248 = arith.index_cast %parallel_loop3A_1232 : i32 to index
        %parallel_loop3A_1249 = arith.constant 32 : index
        %parallel_loop3A_1250 = tpu.vector_load %arg8[%parallel_loop3A_1248, %parallel_loop3A_1249] {strides = array<i32>} : memref<208x128xf32, #tpu.memory_space<vmem>>, vector<16xf32>,
        %parallel_loop3A_1251 = arith.index_cast %parallel_loop3A_1232 : i32 to index
        %parallel_loop3A_1252 = arith.constant 32 : index
        %parallel_loop3A_1253 = tpu.vector_load %arg9[%parallel_loop3A_1251, %parallel_loop3A_1252] {strides = array<i32>} : memref<208x128xf32, #tpu.memory_space<vmem>>, vector<16xf32>,
        %parallel_loop3A_1254 = arith.mulf %parallel_loop3A_1250, %parallel_loop3A_1253 : vector<16xf32>
        %parallel_loop3A_1255 = arith.addf %parallel_loop3A_1247, %parallel_loop3A_1254 : vector<16xf32>
        %parallel_loop3A_1256 = arith.index_cast %parallel_loop3A_1232 : i32 to index
        %parallel_loop3A_1257 = arith.constant 48 : index
        %parallel_loop3A_1258 = tpu.vector_load %arg8[%parallel_loop3A_1256, %parallel_loop3A_1257] {strides = array<i32>} : memref<208x128xf32, #tpu.memory_space<vmem>>, vector<16xf32>,
        %parallel_loop3A_1259 = arith.index_cast %parallel_loop3A_1232 : i32 to index
        %parallel_loop3A_1260 = arith.constant 48 : index
        %parallel_loop3A_1261 = tpu.vector_load %arg9[%parallel_loop3A_1259, %parallel_loop3A_1260] {strides = array<i32>} : memref<208x128xf32, #tpu.memory_space<vmem>>, vector<16xf32>,
        %parallel_loop3A_1262 = arith.mulf %parallel_loop3A_1258, %parallel_loop3A_1261 : vector<16xf32>
        %parallel_loop3A_1263 = arith.addf %parallel_loop3A_1255, %parallel_loop3A_1262 : vector<16xf32>
        %parallel_loop3A_1264 = arith.index_cast %parallel_loop3A_1232 : i32 to index
        %parallel_loop3A_1265 = arith.constant 64 : index
        %parallel_loop3A_1266 = tpu.vector_load %arg8[%parallel_loop3A_1264, %parallel_loop3A_1265] {strides = array<i32>} : memref<208x128xf32, #tpu.memory_space<vmem>>, vector<16xf32>,
        %parallel_loop3A_1267 = arith.index_cast %parallel_loop3A_1232 : i32 to index
        %parallel_loop3A_1268 = arith.constant 64 : index
        %parallel_loop3A_1269 = tpu.vector_load %arg9[%parallel_loop3A_1267, %parallel_loop3A_1268] {strides = array<i32>} : memref<208x128xf32, #tpu.memory_space<vmem>>, vector<16xf32>,
        %parallel_loop3A_1270 = arith.mulf %parallel_loop3A_1266, %parallel_loop3A_1269 : vector<16xf32>
        %parallel_loop3A_1271 = arith.addf %parallel_loop3A_1263, %parallel_loop3A_1270 : vector<16xf32>
        %parallel_loop3A_1272 = arith.index_cast %parallel_loop3A_1232 : i32 to index
        %parallel_loop3A_1273 = arith.constant 80 : index
        %parallel_loop3A_1274 = tpu.vector_load %arg8[%parallel_loop3A_1272, %parallel_loop3A_1273] {strides = array<i32>} : memref<208x128xf32, #tpu.memory_space<vmem>>, vector<16xf32>,
        %parallel_loop3A_1275 = arith.index_cast %parallel_loop3A_1232 : i32 to index
        %parallel_loop3A_1276 = arith.constant 80 : index
        %parallel_loop3A_1277 = tpu.vector_load %arg9[%parallel_loop3A_1275, %parallel_loop3A_1276] {strides = array<i32>} : memref<208x128xf32, #tpu.memory_space<vmem>>, vector<16xf32>,
        %parallel_loop3A_1278 = arith.mulf %parallel_loop3A_1274, %parallel_loop3A_1277 : vector<16xf32>
        %parallel_loop3A_1279 = arith.addf %parallel_loop3A_1271, %parallel_loop3A_1278 : vector<16xf32>
        %parallel_loop3A_1280 = arith.index_cast %parallel_loop3A_1232 : i32 to index
        %parallel_loop3A_1281 = arith.constant 96 : index
        %parallel_loop3A_1282 = tpu.vector_load %arg8[%parallel_loop3A_1280, %parallel_loop3A_1281] {strides = array<i32>} : memref<208x128xf32, #tpu.memory_space<vmem>>, vector<16xf32>,
        %parallel_loop3A_1283 = arith.index_cast %parallel_loop3A_1232 : i32 to index
        %parallel_loop3A_1284 = arith.constant 96 : index
        %parallel_loop3A_1285 = tpu.vector_load %arg9[%parallel_loop3A_1283, %parallel_loop3A_1284] {strides = array<i32>} : memref<208x128xf32, #tpu.memory_space<vmem>>, vector<16xf32>,
        %parallel_loop3A_1286 = arith.mulf %parallel_loop3A_1282, %parallel_loop3A_1285 : vector<16xf32>
        %parallel_loop3A_1287 = arith.addf %parallel_loop3A_1279, %parallel_loop3A_1286 : vector<16xf32>
        %parallel_loop3A_1288 = arith.index_cast %parallel_loop3A_1232 : i32 to index
        %parallel_loop3A_1289 = arith.constant 112 : index
        %parallel_loop3A_1290 = tpu.vector_load %arg8[%parallel_loop3A_1288, %parallel_loop3A_1289] {strides = array<i32>} : memref<208x128xf32, #tpu.memory_space<vmem>>, vector<16xf32>,
        %parallel_loop3A_1291 = arith.index_cast %parallel_loop3A_1232 : i32 to index
        %parallel_loop3A_1292 = arith.constant 112 : index
        %parallel_loop3A_1293 = tpu.vector_load %arg9[%parallel_loop3A_1291, %parallel_loop3A_1292] {strides = array<i32>} : memref<208x128xf32, #tpu.memory_space<vmem>>, vector<16xf32>,
        %parallel_loop3A_1294 = arith.mulf %parallel_loop3A_1290, %parallel_loop3A_1293 : vector<16xf32>
        %parallel_loop3A_1295 = arith.addf %parallel_loop3A_1287, %parallel_loop3A_1294 : vector<16xf32>
        %parallel_loop3A_1296 = arith.constant 255 : i32
        %parallel_loop3A_1297 = arith.addi %parallel_loop3A_163, %parallel_loop3A_1296 : i32
        %parallel_loop3A_1298 = arith.index_cast %parallel_loop3A_1297 : i32 to index
        %parallel_loop3A_1299 = tpu.vector_load %arg13[%parallel_loop3A_1298] {strides = array<i32>} : memref<3536xf32, #tpu.memory_space<vmem>>, vector<16xf32>,
        tpu.vector_store %arg13[%parallel_loop3A_1298], %parallel_loop3A_1295 {strides = array<i32>} : memref<3536xf32, #tpu.memory_space<vmem>>, vector<16xf32>,
        %parallel_loop3A_1300 = arith.constant 17 : i32
        %parallel_loop3A_1301 = vector.broadcast %parallel_loop3A_1300 : i32 to vector<16xi32>
        %parallel_loop3A_1302 = arith.muli %iota3A, %parallel_loop3A_1301 : vector<16xi32>
        %parallel_loop3A_1303 = vector.broadcast %parallel_loop3A_163 : i32 to vector<16xi32>
        %parallel_loop3A_1304 = arith.addi %parallel_loop3A_1302, %parallel_loop3A_1303 : vector<16xi32>
        %parallel_loop3A_1305 = tpu.vector_load_idx %arg13[%parallel_loop3A_1304] : memref<3536xf32, #tpu.memory_space<vmem>>[vector<16xi32>], vector<16xf32>,
        %parallel_loop3A_1306 = arith.constant 1 : i32
        %parallel_loop3A_1307 = vector.broadcast %parallel_loop3A_1306 : i32 to vector<16xi32>
        %parallel_loop3A_1308 = arith.addi %parallel_loop3A_1304, %parallel_loop3A_1307 : vector<16xi32>
        %parallel_loop3A_1309 = tpu.vector_load_idx %arg13[%parallel_loop3A_1308] : memref<3536xf32, #tpu.memory_space<vmem>>[vector<16xi32>], vector<16xf32>,
        %parallel_loop3A_1310 = arith.addf %parallel_loop3A_1305, %parallel_loop3A_1309 : vector<16xf32>
        %parallel_loop3A_1311 = arith.constant 2 : i32
        %parallel_loop3A_1312 = vector.broadcast %parallel_loop3A_1311 : i32 to vector<16xi32>
        %parallel_loop3A_1313 = arith.addi %parallel_loop3A_1304, %parallel_loop3A_1312 : vector<16xi32>
        %parallel_loop3A_1314 = tpu.vector_load_idx %arg13[%parallel_loop3A_1313] : memref<3536xf32, #tpu.memory_space<vmem>>[vector<16xi32>], vector<16xf32>,
        %parallel_loop3A_1315 = arith.addf %parallel_loop3A_1310, %parallel_loop3A_1314 : vector<16xf32>
        %parallel_loop3A_1316 = arith.constant 3 : i32
        %parallel_loop3A_1317 = vector.broadcast %parallel_loop3A_1316 : i32 to vector<16xi32>
        %parallel_loop3A_1318 = arith.addi %parallel_loop3A_1304, %parallel_loop3A_1317 : vector<16xi32>
        %parallel_loop3A_1319 = tpu.vector_load_idx %arg13[%parallel_loop3A_1318] : memref<3536xf32, #tpu.memory_space<vmem>>[vector<16xi32>], vector<16xf32>,
        %parallel_loop3A_1320 = arith.addf %parallel_loop3A_1315, %parallel_loop3A_1319 : vector<16xf32>
        %parallel_loop3A_1321 = arith.constant 4 : i32
        %parallel_loop3A_1322 = vector.broadcast %parallel_loop3A_1321 : i32 to vector<16xi32>
        %parallel_loop3A_1323 = arith.addi %parallel_loop3A_1304, %parallel_loop3A_1322 : vector<16xi32>
        %parallel_loop3A_1324 = tpu.vector_load_idx %arg13[%parallel_loop3A_1323] : memref<3536xf32, #tpu.memory_space<vmem>>[vector<16xi32>], vector<16xf32>,
        %parallel_loop3A_1325 = arith.addf %parallel_loop3A_1320, %parallel_loop3A_1324 : vector<16xf32>
        %parallel_loop3A_1326 = arith.constant 5 : i32
        %parallel_loop3A_1327 = vector.broadcast %parallel_loop3A_1326 : i32 to vector<16xi32>
        %parallel_loop3A_1328 = arith.addi %parallel_loop3A_1304, %parallel_loop3A_1327 : vector<16xi32>
        %parallel_loop3A_1329 = tpu.vector_load_idx %arg13[%parallel_loop3A_1328] : memref<3536xf32, #tpu.memory_space<vmem>>[vector<16xi32>], vector<16xf32>,
        %parallel_loop3A_1330 = arith.addf %parallel_loop3A_1325, %parallel_loop3A_1329 : vector<16xf32>
        %parallel_loop3A_1331 = arith.constant 6 : i32
        %parallel_loop3A_1332 = vector.broadcast %parallel_loop3A_1331 : i32 to vector<16xi32>
        %parallel_loop3A_1333 = arith.addi %parallel_loop3A_1304, %parallel_loop3A_1332 : vector<16xi32>
        %parallel_loop3A_1334 = tpu.vector_load_idx %arg13[%parallel_loop3A_1333] : memref<3536xf32, #tpu.memory_space<vmem>>[vector<16xi32>], vector<16xf32>,
        %parallel_loop3A_1335 = arith.addf %parallel_loop3A_1330, %parallel_loop3A_1334 : vector<16xf32>
        %parallel_loop3A_1336 = arith.constant 7 : i32
        %parallel_loop3A_1337 = vector.broadcast %parallel_loop3A_1336 : i32 to vector<16xi32>
        %parallel_loop3A_1338 = arith.addi %parallel_loop3A_1304, %parallel_loop3A_1337 : vector<16xi32>
        %parallel_loop3A_1339 = tpu.vector_load_idx %arg13[%parallel_loop3A_1338] : memref<3536xf32, #tpu.memory_space<vmem>>[vector<16xi32>], vector<16xf32>,
        %parallel_loop3A_1340 = arith.addf %parallel_loop3A_1335, %parallel_loop3A_1339 : vector<16xf32>
        %parallel_loop3A_1341 = arith.constant 8 : i32
        %parallel_loop3A_1342 = vector.broadcast %parallel_loop3A_1341 : i32 to vector<16xi32>
        %parallel_loop3A_1343 = arith.addi %parallel_loop3A_1304, %parallel_loop3A_1342 : vector<16xi32>
        %parallel_loop3A_1344 = tpu.vector_load_idx %arg13[%parallel_loop3A_1343] : memref<3536xf32, #tpu.memory_space<vmem>>[vector<16xi32>], vector<16xf32>,
        %parallel_loop3A_1345 = arith.addf %parallel_loop3A_1340, %parallel_loop3A_1344 : vector<16xf32>
        %parallel_loop3A_1346 = arith.constant 9 : i32
        %parallel_loop3A_1347 = vector.broadcast %parallel_loop3A_1346 : i32 to vector<16xi32>
        %parallel_loop3A_1348 = arith.addi %parallel_loop3A_1304, %parallel_loop3A_1347 : vector<16xi32>
        %parallel_loop3A_1349 = tpu.vector_load_idx %arg13[%parallel_loop3A_1348] : memref<3536xf32, #tpu.memory_space<vmem>>[vector<16xi32>], vector<16xf32>,
        %parallel_loop3A_1350 = arith.addf %parallel_loop3A_1345, %parallel_loop3A_1349 : vector<16xf32>
        %parallel_loop3A_1351 = arith.constant 10 : i32
        %parallel_loop3A_1352 = vector.broadcast %parallel_loop3A_1351 : i32 to vector<16xi32>
        %parallel_loop3A_1353 = arith.addi %parallel_loop3A_1304, %parallel_loop3A_1352 : vector<16xi32>
        %parallel_loop3A_1354 = tpu.vector_load_idx %arg13[%parallel_loop3A_1353] : memref<3536xf32, #tpu.memory_space<vmem>>[vector<16xi32>], vector<16xf32>,
        %parallel_loop3A_1355 = arith.addf %parallel_loop3A_1350, %parallel_loop3A_1354 : vector<16xf32>
        %parallel_loop3A_1356 = arith.constant 11 : i32
        %parallel_loop3A_1357 = vector.broadcast %parallel_loop3A_1356 : i32 to vector<16xi32>
        %parallel_loop3A_1358 = arith.addi %parallel_loop3A_1304, %parallel_loop3A_1357 : vector<16xi32>
        %parallel_loop3A_1359 = tpu.vector_load_idx %arg13[%parallel_loop3A_1358] : memref<3536xf32, #tpu.memory_space<vmem>>[vector<16xi32>], vector<16xf32>,
        %parallel_loop3A_1360 = arith.addf %parallel_loop3A_1355, %parallel_loop3A_1359 : vector<16xf32>
        %parallel_loop3A_1361 = arith.constant 12 : i32
        %parallel_loop3A_1362 = vector.broadcast %parallel_loop3A_1361 : i32 to vector<16xi32>
        %parallel_loop3A_1363 = arith.addi %parallel_loop3A_1304, %parallel_loop3A_1362 : vector<16xi32>
        %parallel_loop3A_1364 = tpu.vector_load_idx %arg13[%parallel_loop3A_1363] : memref<3536xf32, #tpu.memory_space<vmem>>[vector<16xi32>], vector<16xf32>,
        %parallel_loop3A_1365 = arith.addf %parallel_loop3A_1360, %parallel_loop3A_1364 : vector<16xf32>
        %parallel_loop3A_1366 = arith.constant 13 : i32
        %parallel_loop3A_1367 = vector.broadcast %parallel_loop3A_1366 : i32 to vector<16xi32>
        %parallel_loop3A_1368 = arith.addi %parallel_loop3A_1304, %parallel_loop3A_1367 : vector<16xi32>
        %parallel_loop3A_1369 = tpu.vector_load_idx %arg13[%parallel_loop3A_1368] : memref<3536xf32, #tpu.memory_space<vmem>>[vector<16xi32>], vector<16xf32>,
        %parallel_loop3A_1370 = arith.addf %parallel_loop3A_1365, %parallel_loop3A_1369 : vector<16xf32>
        %parallel_loop3A_1371 = arith.constant 14 : i32
        %parallel_loop3A_1372 = vector.broadcast %parallel_loop3A_1371 : i32 to vector<16xi32>
        %parallel_loop3A_1373 = arith.addi %parallel_loop3A_1304, %parallel_loop3A_1372 : vector<16xi32>
        %parallel_loop3A_1374 = tpu.vector_load_idx %arg13[%parallel_loop3A_1373] : memref<3536xf32, #tpu.memory_space<vmem>>[vector<16xi32>], vector<16xf32>,
        %parallel_loop3A_1375 = arith.addf %parallel_loop3A_1370, %parallel_loop3A_1374 : vector<16xf32>
        %parallel_loop3A_1376 = arith.constant 15 : i32
        %parallel_loop3A_1377 = vector.broadcast %parallel_loop3A_1376 : i32 to vector<16xi32>
        %parallel_loop3A_1378 = arith.addi %parallel_loop3A_1304, %parallel_loop3A_1377 : vector<16xi32>
        %parallel_loop3A_1379 = tpu.vector_load_idx %arg13[%parallel_loop3A_1378] : memref<3536xf32, #tpu.memory_space<vmem>>[vector<16xi32>], vector<16xf32>,
        %parallel_loop3A_1380 = arith.addf %parallel_loop3A_1375, %parallel_loop3A_1379 : vector<16xf32>
        %parallel_loop3A_1381 = arith.constant 0.000000e+00 : f32
        %parallel_loop3A_1382 = vector.broadcast %parallel_loop3A_1381 : f32 to vector<16xf32>
        %parallel_loop3A_1383 = arith.subf %parallel_loop3A_1382, %parallel_loop3A_1380 : vector<16xf32>
        %parallel_loop3A_1384 = math.exp %parallel_loop3A_1383 : vector<16xf32>
        %parallel_loop3A_1385 = arith.constant 1.000000e+00 : f32
        %parallel_loop3A_1386 = vector.broadcast %parallel_loop3A_1385 : f32 to vector<16xf32>
        %parallel_loop3A_1387 = arith.addf %parallel_loop3A_1386, %parallel_loop3A_1384 : vector<16xf32>
        %parallel_loop3A_1388 = arith.constant 1.000000e+00 : f32
        %parallel_loop3A_1389 = vector.broadcast %parallel_loop3A_1388 : f32 to vector<16xf32>
        %parallel_loop3A_1390 = arith.divf %parallel_loop3A_1389, %parallel_loop3A_1387 : vector<16xf32>
        %parallel_loop3A_1391 = arith.constant 16 : i32
        %parallel_loop3A_1392 = arith.muli %parallel_loop3A_161, %parallel_loop3A_1391 : i32
        %parallel_loop3A_1393 = arith.constant 0 : i32
        %parallel_loop3A_1394 = arith.addi %parallel_loop3A_1393, %parallel_loop3A_1392 : i32
        %parallel_loop3A_1395 = arith.index_cast %parallel_loop3A_1394 : i32 to index
        %parallel_loop3A_1396 = tpu.vector_load %arg12[%parallel_loop3A_1395] {strides = array<i32>} : memref<416xf32, #tpu.memory_space<vmem>>, vector<16xf32>,
        tpu.vector_store %arg12[%parallel_loop3A_1395], %parallel_loop3A_1390 {strides = array<i32>} : memref<416xf32, #tpu.memory_space<vmem>>, vector<16xf32>,
      } {sc.loop_unroll_factor = 1 : i64, sc.parallel_access}
      %add3A_107 = arith.constant 2 : i32
      %add3A_108 = arith.addi %mul3A_58, %add3A_107 : i32
      %rem3A = arith.constant 50 : i32
      %rem3A_109 = arith.remsi %add3A_108, %rem3A : i32
      %mul3A_110 = arith.constant 200 : i32
      %mul3A_111 = arith.muli %rem3A_109, %mul3A_110 : i32
      %dma_start3A_112 = arith.constant 0 : i32
      %dma_start3A_113 = arith.constant 0 : i32
      %dma_start3A_114 = tpu.memref_slice %arg8[%dma_start3A_112, %dma_start3A_113] : memref<208x128xf32, #tpu.memory_space<vmem>> -> memref<200x128xf32, #tpu.memory_space<vmem>>
      %dma_start3A_115 = tpu.memref_slice %arg6[%mul3A_111] : memref<10016xi32, #tpu.memory_space<vmem>> -> memref<200xi32, #tpu.memory_space<vmem>>
      %dma_start3A_116 = arith.constant 0 : i32
      %dma_start3A_117 = arith.constant 0 : i32
      %dma_start3A_118 = tpu.memref_slice %arg2[%dma_start3A_116, %dma_start3A_117] : memref<10000x128xf32, #tpu.memory_space<hbm>> -> memref<10000x128xf32, #tpu.memory_space<hbm>>
      tpu.enqueue_indirect_dma source(%dma_start3A_118 : memref<10000x128xf32, #tpu.memory_space<hbm>>) target(%dma_start3A_114 : memref<200x128xf32, #tpu.memory_space<vmem>>) offsets(%dma_start3A_115 : memref<200xi32, #tpu.memory_space<vmem>>) semaphore(%arg14 : memref<!tpu.dma_semaphore, #tpu.memory_space<semaphore_mem>>)
      %mul3A_119 = arith.constant 200 : i32
      %mul3A_120 = arith.muli %rem3A_109, %mul3A_119 : i32
      %dma_start3A_121 = arith.constant 0 : i32
      %dma_start3A_122 = arith.constant 0 : i32
      %dma_start3A_123 = tpu.memref_slice %arg9[%dma_start3A_121, %dma_start3A_122] : memref<208x128xf32, #tpu.memory_space<vmem>> -> memref<200x128xf32, #tpu.memory_space<vmem>>
      %dma_start3A_124 = tpu.memref_slice %arg7[%mul3A_120] : memref<10016xi32, #tpu.memory_space<vmem>> -> memref<200xi32, #tpu.memory_space<vmem>>
      %dma_start3A_125 = arith.constant 0 : i32
      %dma_start3A_126 = arith.constant 0 : i32
      %dma_start3A_127 = tpu.memref_slice %arg2[%dma_start3A_125, %dma_start3A_126] : memref<10000x128xf32, #tpu.memory_space<hbm>> -> memref<10000x128xf32, #tpu.memory_space<hbm>>
      tpu.enqueue_indirect_dma source(%dma_start3A_127 : memref<10000x128xf32, #tpu.memory_space<hbm>>) target(%dma_start3A_123 : memref<200x128xf32, #tpu.memory_space<vmem>>) offsets(%dma_start3A_124 : memref<200xi32, #tpu.memory_space<vmem>>) semaphore(%arg14 : memref<!tpu.dma_semaphore, #tpu.memory_space<semaphore_mem>>)
      %mul3A_128 = arith.constant 200 : i32
      %mul3A_129 = arith.muli %add3A_60, %mul3A_128 : i32
      %dma_wait3A_130 = arith.constant 0 : i32
      %dma_wait3A_131 = arith.constant 0 : i32
      %dma_wait3A_132 = tpu.memref_slice %arg10[%dma_wait3A_130, %dma_wait3A_131] : memref<208x128xf32, #tpu.memory_space<vmem>> -> memref<200x128xf32, #tpu.memory_space<vmem>>
      %dma_wait3A_133 = tpu.memref_slice %arg6[%mul3A_129] : memref<10016xi32, #tpu.memory_space<vmem>> -> memref<200xi32, #tpu.memory_space<vmem>>
      %dma_wait3A_134 = arith.constant 0 : i32
      %dma_wait3A_135 = arith.constant 0 : i32
      %dma_wait3A_136 = tpu.memref_slice %arg2[%dma_wait3A_134, %dma_wait3A_135] : memref<10000x128xf32, #tpu.memory_space<hbm>> -> memref<10000x128xf32, #tpu.memory_space<hbm>>
      tpu.wait_indirect_dma semaphore(%arg15 : memref<!tpu.dma_semaphore, #tpu.memory_space<semaphore_mem>>) src(%dma_wait3A_136 : memref<10000x128xf32, #tpu.memory_space<hbm>>) dst(%dma_wait3A_132 : memref<200x128xf32, #tpu.memory_space<vmem>>)
      %mul3A_137 = arith.constant 200 : i32
      %mul3A_138 = arith.muli %add3A_60, %mul3A_137 : i32
      %dma_wait3A_139 = arith.constant 0 : i32
      %dma_wait3A_140 = arith.constant 0 : i32
      %dma_wait3A_141 = tpu.memref_slice %arg11[%dma_wait3A_139, %dma_wait3A_140] : memref<208x128xf32, #tpu.memory_space<vmem>> -> memref<200x128xf32, #tpu.memory_space<vmem>>
      %dma_wait3A_142 = tpu.memref_slice %arg7[%mul3A_138] : memref<10016xi32, #tpu.memory_space<vmem>> -> memref<200xi32, #tpu.memory_space<vmem>>
      %dma_wait3A_143 = arith.constant 0 : i32
      %dma_wait3A_144 = arith.constant 0 : i32
      %dma_wait3A_145 = tpu.memref_slice %arg2[%dma_wait3A_143, %dma_wait3A_144] : memref<10000x128xf32, #tpu.memory_space<hbm>> -> memref<10000x128xf32, #tpu.memory_space<hbm>>
      tpu.wait_indirect_dma semaphore(%arg15 : memref<!tpu.dma_semaphore, #tpu.memory_space<semaphore_mem>>) src(%dma_wait3A_145 : memref<10000x128xf32, #tpu.memory_space<hbm>>) dst(%dma_wait3A_141 : memref<200x128xf32, #tpu.memory_space<vmem>>)
      %parallel_loop3A_146 = arith.constant 0 : i32
      %parallel_loop3A_147 = arith.constant 13 : i32
      %parallel_loop3A_148 = arith.constant 1 : i32
      scf.for %parallel_loop3A_161 = %parallel_loop3A_146 to %parallel_loop3A_147 step %parallel_loop3A_148  : i32 {
        %parallel_loop3A_162 = arith.constant 272 : i32
        %parallel_loop3A_163 = arith.muli %parallel_loop3A_161, %parallel_loop3A_162 : i32
        %parallel_loop3A_164 = arith.constant 16 : i32
        %parallel_loop3A_165 = arith.muli %parallel_loop3A_161, %parallel_loop3A_164 : i32
        %parallel_loop3A_166 = arith.constant 0 : i32
        %parallel_loop3A_167 = arith.addi %parallel_loop3A_165, %parallel_loop3A_166 : i32
        %parallel_loop3A_168 = arith.index_cast %parallel_loop3A_167 : i32 to index
        %parallel_loop3A_169 = arith.constant 0 : index
        %parallel_loop3A_170 = tpu.vector_load %arg10[%parallel_loop3A_168, %parallel_loop3A_169] {strides = array<i32>} : memref<208x128xf32, #tpu.memory_space<vmem>>, vector<16xf32>,
        %parallel_loop3A_171 = arith.index_cast %parallel_loop3A_167 : i32 to index
        %parallel_loop3A_172 = arith.constant 0 : index
        %parallel_loop3A_173 = tpu.vector_load %arg11[%parallel_loop3A_171, %parallel_loop3A_172] {strides = array<i32>} : memref<208x128xf32, #tpu.memory_space<vmem>>, vector<16xf32>,
        %parallel_loop3A_174 = arith.mulf %parallel_loop3A_170, %parallel_loop3A_173 : vector<16xf32>
        %parallel_loop3A_175 = arith.index_cast %parallel_loop3A_167 : i32 to index
        %parallel_loop3A_176 = arith.constant 16 : index
        %parallel_loop3A_177 = tpu.vector_load %arg10[%parallel_loop3A_175, %parallel_loop3A_176] {strides = array<i32>} : memref<208x128xf32, #tpu.memory_space<vmem>>, vector<16xf32>,
        %parallel_loop3A_178 = arith.index_cast %parallel_loop3A_167 : i32 to index
        %parallel_loop3A_179 = arith.constant 16 : index
        %parallel_loop3A_180 = tpu.vector_load %arg11[%parallel_loop3A_178, %parallel_loop3A_179] {strides = array<i32>} : memref<208x128xf32, #tpu.memory_space<vmem>>, vector<16xf32>,
        %parallel_loop3A_181 = arith.mulf %parallel_loop3A_177, %parallel_loop3A_180 : vector<16xf32>
        %parallel_loop3A_182 = arith.addf %parallel_loop3A_174, %parallel_loop3A_181 : vector<16xf32>
        %parallel_loop3A_183 = arith.index_cast %parallel_loop3A_167 : i32 to index
        %parallel_loop3A_184 = arith.constant 32 : index
        %parallel_loop3A_185 = tpu.vector_load %arg10[%parallel_loop3A_183, %parallel_loop3A_184] {strides = array<i32>} : memref<208x128xf32, #tpu.memory_space<vmem>>, vector<16xf32>,
        %parallel_loop3A_186 = arith.index_cast %parallel_loop3A_167 : i32 to index
        %parallel_loop3A_187 = arith.constant 32 : index
        %parallel_loop3A_188 = tpu.vector_load %arg11[%parallel_loop3A_186, %parallel_loop3A_187] {strides = array<i32>} : memref<208x128xf32, #tpu.memory_space<vmem>>, vector<16xf32>,
        %parallel_loop3A_189 = arith.mulf %parallel_loop3A_185, %parallel_loop3A_188 : vector<16xf32>
        %parallel_loop3A_190 = arith.addf %parallel_loop3A_182, %parallel_loop3A_189 : vector<16xf32>
        %parallel_loop3A_191 = arith.index_cast %parallel_loop3A_167 : i32 to index
        %parallel_loop3A_192 = arith.constant 48 : index
        %parallel_loop3A_193 = tpu.vector_load %arg10[%parallel_loop3A_191, %parallel_loop3A_192] {strides = array<i32>} : memref<208x128xf32, #tpu.memory_space<vmem>>, vector<16xf32>,
        %parallel_loop3A_194 = arith.index_cast %parallel_loop3A_167 : i32 to index
        %parallel_loop3A_195 = arith.constant 48 : index
        %parallel_loop3A_196 = tpu.vector_load %arg11[%parallel_loop3A_194, %parallel_loop3A_195] {strides = array<i32>} : memref<208x128xf32, #tpu.memory_space<vmem>>, vector<16xf32>,
        %parallel_loop3A_197 = arith.mulf %parallel_loop3A_193, %parallel_loop3A_196 : vector<16xf32>
        %parallel_loop3A_198 = arith.addf %parallel_loop3A_190, %parallel_loop3A_197 : vector<16xf32>
        %parallel_loop3A_199 = arith.index_cast %parallel_loop3A_167 : i32 to index
        %parallel_loop3A_200 = arith.constant 64 : index
        %parallel_loop3A_201 = tpu.vector_load %arg10[%parallel_loop3A_199, %parallel_loop3A_200] {strides = array<i32>} : memref<208x128xf32, #tpu.memory_space<vmem>>, vector<16xf32>,
        %parallel_loop3A_202 = arith.index_cast %parallel_loop3A_167 : i32 to index
        %parallel_loop3A_203 = arith.constant 64 : index
        %parallel_loop3A_204 = tpu.vector_load %arg11[%parallel_loop3A_202, %parallel_loop3A_203] {strides = array<i32>} : memref<208x128xf32, #tpu.memory_space<vmem>>, vector<16xf32>,
        %parallel_loop3A_205 = arith.mulf %parallel_loop3A_201, %parallel_loop3A_204 : vector<16xf32>
        %parallel_loop3A_206 = arith.addf %parallel_loop3A_198, %parallel_loop3A_205 : vector<16xf32>
        %parallel_loop3A_207 = arith.index_cast %parallel_loop3A_167 : i32 to index
        %parallel_loop3A_208 = arith.constant 80 : index
        %parallel_loop3A_209 = tpu.vector_load %arg10[%parallel_loop3A_207, %parallel_loop3A_208] {strides = array<i32>} : memref<208x128xf32, #tpu.memory_space<vmem>>, vector<16xf32>,
        %parallel_loop3A_210 = arith.index_cast %parallel_loop3A_167 : i32 to index
        %parallel_loop3A_211 = arith.constant 80 : index
        %parallel_loop3A_212 = tpu.vector_load %arg11[%parallel_loop3A_210, %parallel_loop3A_211] {strides = array<i32>} : memref<208x128xf32, #tpu.memory_space<vmem>>, vector<16xf32>,
        %parallel_loop3A_213 = arith.mulf %parallel_loop3A_209, %parallel_loop3A_212 : vector<16xf32>
        %parallel_loop3A_214 = arith.addf %parallel_loop3A_206, %parallel_loop3A_213 : vector<16xf32>
        %parallel_loop3A_215 = arith.index_cast %parallel_loop3A_167 : i32 to index
        %parallel_loop3A_216 = arith.constant 96 : index
        %parallel_loop3A_217 = tpu.vector_load %arg10[%parallel_loop3A_215, %parallel_loop3A_216] {strides = array<i32>} : memref<208x128xf32, #tpu.memory_space<vmem>>, vector<16xf32>,
        %parallel_loop3A_218 = arith.index_cast %parallel_loop3A_167 : i32 to index
        %parallel_loop3A_219 = arith.constant 96 : index
        %parallel_loop3A_220 = tpu.vector_load %arg11[%parallel_loop3A_218, %parallel_loop3A_219] {strides = array<i32>} : memref<208x128xf32, #tpu.memory_space<vmem>>, vector<16xf32>,
        %parallel_loop3A_221 = arith.mulf %parallel_loop3A_217, %parallel_loop3A_220 : vector<16xf32>
        %parallel_loop3A_222 = arith.addf %parallel_loop3A_214, %parallel_loop3A_221 : vector<16xf32>
        %parallel_loop3A_223 = arith.index_cast %parallel_loop3A_167 : i32 to index
        %parallel_loop3A_224 = arith.constant 112 : index
        %parallel_loop3A_225 = tpu.vector_load %arg10[%parallel_loop3A_223, %parallel_loop3A_224] {strides = array<i32>} : memref<208x128xf32, #tpu.memory_space<vmem>>, vector<16xf32>,
        %parallel_loop3A_226 = arith.index_cast %parallel_loop3A_167 : i32 to index
        %parallel_loop3A_227 = arith.constant 112 : index
        %parallel_loop3A_228 = tpu.vector_load %arg11[%parallel_loop3A_226, %parallel_loop3A_227] {strides = array<i32>} : memref<208x128xf32, #tpu.memory_space<vmem>>, vector<16xf32>,
        %parallel_loop3A_229 = arith.mulf %parallel_loop3A_225, %parallel_loop3A_228 : vector<16xf32>
        %parallel_loop3A_230 = arith.addf %parallel_loop3A_222, %parallel_loop3A_229 : vector<16xf32>
        %parallel_loop3A_231 = arith.constant 0 : i32
        %parallel_loop3A_232 = arith.addi %parallel_loop3A_163, %parallel_loop3A_231 : i32
        %parallel_loop3A_233 = arith.index_cast %parallel_loop3A_232 : i32 to index
        %parallel_loop3A_234 = tpu.vector_load %arg13[%parallel_loop3A_233] {strides = array<i32>} : memref<3536xf32, #tpu.memory_space<vmem>>, vector<16xf32>,
        tpu.vector_store %arg13[%parallel_loop3A_233], %parallel_loop3A_230 {strides = array<i32>} : memref<3536xf32, #tpu.memory_space<vmem>>, vector<16xf32>,
        %parallel_loop3A_235 = arith.constant 16 : i32
        %parallel_loop3A_236 = arith.muli %parallel_loop3A_161, %parallel_loop3A_235 : i32
        %parallel_loop3A_237 = arith.constant 1 : i32
        %parallel_loop3A_238 = arith.addi %parallel_loop3A_236, %parallel_loop3A_237 : i32
        %parallel_loop3A_239 = arith.index_cast %parallel_loop3A_238 : i32 to index
        %parallel_loop3A_240 = arith.constant 0 : index
        %parallel_loop3A_241 = tpu.vector_load %arg10[%parallel_loop3A_239, %parallel_loop3A_240] {strides = array<i32>} : memref<208x128xf32, #tpu.memory_space<vmem>>, vector<16xf32>,
        %parallel_loop3A_242 = arith.index_cast %parallel_loop3A_238 : i32 to index
        %parallel_loop3A_243 = arith.constant 0 : index
        %parallel_loop3A_244 = tpu.vector_load %arg11[%parallel_loop3A_242, %parallel_loop3A_243] {strides = array<i32>} : memref<208x128xf32, #tpu.memory_space<vmem>>, vector<16xf32>,
        %parallel_loop3A_245 = arith.mulf %parallel_loop3A_241, %parallel_loop3A_244 : vector<16xf32>
        %parallel_loop3A_246 = arith.index_cast %parallel_loop3A_238 : i32 to index
        %parallel_loop3A_247 = arith.constant 16 : index
        %parallel_loop3A_248 = tpu.vector_load %arg10[%parallel_loop3A_246, %parallel_loop3A_247] {strides = array<i32>} : memref<208x128xf32, #tpu.memory_space<vmem>>, vector<16xf32>,
        %parallel_loop3A_249 = arith.index_cast %parallel_loop3A_238 : i32 to index
        %parallel_loop3A_250 = arith.constant 16 : index
        %parallel_loop3A_251 = tpu.vector_load %arg11[%parallel_loop3A_249, %parallel_loop3A_250] {strides = array<i32>} : memref<208x128xf32, #tpu.memory_space<vmem>>, vector<16xf32>,
        %parallel_loop3A_252 = arith.mulf %parallel_loop3A_248, %parallel_loop3A_251 : vector<16xf32>
        %parallel_loop3A_253 = arith.addf %parallel_loop3A_245, %parallel_loop3A_252 : vector<16xf32>
        %parallel_loop3A_254 = arith.index_cast %parallel_loop3A_238 : i32 to index
        %parallel_loop3A_255 = arith.constant 32 : index
        %parallel_loop3A_256 = tpu.vector_load %arg10[%parallel_loop3A_254, %parallel_loop3A_255] {strides = array<i32>} : memref<208x128xf32, #tpu.memory_space<vmem>>, vector<16xf32>,
        %parallel_loop3A_257 = arith.index_cast %parallel_loop3A_238 : i32 to index
        %parallel_loop3A_258 = arith.constant 32 : index
        %parallel_loop3A_259 = tpu.vector_load %arg11[%parallel_loop3A_257, %parallel_loop3A_258] {strides = array<i32>} : memref<208x128xf32, #tpu.memory_space<vmem>>, vector<16xf32>,
        %parallel_loop3A_260 = arith.mulf %parallel_loop3A_256, %parallel_loop3A_259 : vector<16xf32>
        %parallel_loop3A_261 = arith.addf %parallel_loop3A_253, %parallel_loop3A_260 : vector<16xf32>
        %parallel_loop3A_262 = arith.index_cast %parallel_loop3A_238 : i32 to index
        %parallel_loop3A_263 = arith.constant 48 : index
        %parallel_loop3A_264 = tpu.vector_load %arg10[%parallel_loop3A_262, %parallel_loop3A_263] {strides = array<i32>} : memref<208x128xf32, #tpu.memory_space<vmem>>, vector<16xf32>,
        %parallel_loop3A_265 = arith.index_cast %parallel_loop3A_238 : i32 to index
        %parallel_loop3A_266 = arith.constant 48 : index
        %parallel_loop3A_267 = tpu.vector_load %arg11[%parallel_loop3A_265, %parallel_loop3A_266] {strides = array<i32>} : memref<208x128xf32, #tpu.memory_space<vmem>>, vector<16xf32>,
        %parallel_loop3A_268 = arith.mulf %parallel_loop3A_264, %parallel_loop3A_267 : vector<16xf32>
        %parallel_loop3A_269 = arith.addf %parallel_loop3A_261, %parallel_loop3A_268 : vector<16xf32>
        %parallel_loop3A_270 = arith.index_cast %parallel_loop3A_238 : i32 to index
        %parallel_loop3A_271 = arith.constant 64 : index
        %parallel_loop3A_272 = tpu.vector_load %arg10[%parallel_loop3A_270, %parallel_loop3A_271] {strides = array<i32>} : memref<208x128xf32, #tpu.memory_space<vmem>>, vector<16xf32>,
        %parallel_loop3A_273 = arith.index_cast %parallel_loop3A_238 : i32 to index
        %parallel_loop3A_274 = arith.constant 64 : index
        %parallel_loop3A_275 = tpu.vector_load %arg11[%parallel_loop3A_273, %parallel_loop3A_274] {strides = array<i32>} : memref<208x128xf32, #tpu.memory_space<vmem>>, vector<16xf32>,
        %parallel_loop3A_276 = arith.mulf %parallel_loop3A_272, %parallel_loop3A_275 : vector<16xf32>
        %parallel_loop3A_277 = arith.addf %parallel_loop3A_269, %parallel_loop3A_276 : vector<16xf32>
        %parallel_loop3A_278 = arith.index_cast %parallel_loop3A_238 : i32 to index
        %parallel_loop3A_279 = arith.constant 80 : index
        %parallel_loop3A_280 = tpu.vector_load %arg10[%parallel_loop3A_278, %parallel_loop3A_279] {strides = array<i32>} : memref<208x128xf32, #tpu.memory_space<vmem>>, vector<16xf32>,
        %parallel_loop3A_281 = arith.index_cast %parallel_loop3A_238 : i32 to index
        %parallel_loop3A_282 = arith.constant 80 : index
        %parallel_loop3A_283 = tpu.vector_load %arg11[%parallel_loop3A_281, %parallel_loop3A_282] {strides = array<i32>} : memref<208x128xf32, #tpu.memory_space<vmem>>, vector<16xf32>,
        %parallel_loop3A_284 = arith.mulf %parallel_loop3A_280, %parallel_loop3A_283 : vector<16xf32>
        %parallel_loop3A_285 = arith.addf %parallel_loop3A_277, %parallel_loop3A_284 : vector<16xf32>
        %parallel_loop3A_286 = arith.index_cast %parallel_loop3A_238 : i32 to index
        %parallel_loop3A_287 = arith.constant 96 : index
        %parallel_loop3A_288 = tpu.vector_load %arg10[%parallel_loop3A_286, %parallel_loop3A_287] {strides = array<i32>} : memref<208x128xf32, #tpu.memory_space<vmem>>, vector<16xf32>,
        %parallel_loop3A_289 = arith.index_cast %parallel_loop3A_238 : i32 to index
        %parallel_loop3A_290 = arith.constant 96 : index
        %parallel_loop3A_291 = tpu.vector_load %arg11[%parallel_loop3A_289, %parallel_loop3A_290] {strides = array<i32>} : memref<208x128xf32, #tpu.memory_space<vmem>>, vector<16xf32>,
        %parallel_loop3A_292 = arith.mulf %parallel_loop3A_288, %parallel_loop3A_291 : vector<16xf32>
        %parallel_loop3A_293 = arith.addf %parallel_loop3A_285, %parallel_loop3A_292 : vector<16xf32>
        %parallel_loop3A_294 = arith.index_cast %parallel_loop3A_238 : i32 to index
        %parallel_loop3A_295 = arith.constant 112 : index
        %parallel_loop3A_296 = tpu.vector_load %arg10[%parallel_loop3A_294, %parallel_loop3A_295] {strides = array<i32>} : memref<208x128xf32, #tpu.memory_space<vmem>>, vector<16xf32>,
        %parallel_loop3A_297 = arith.index_cast %parallel_loop3A_238 : i32 to index
        %parallel_loop3A_298 = arith.constant 112 : index
        %parallel_loop3A_299 = tpu.vector_load %arg11[%parallel_loop3A_297, %parallel_loop3A_298] {strides = array<i32>} : memref<208x128xf32, #tpu.memory_space<vmem>>, vector<16xf32>,
        %parallel_loop3A_300 = arith.mulf %parallel_loop3A_296, %parallel_loop3A_299 : vector<16xf32>
        %parallel_loop3A_301 = arith.addf %parallel_loop3A_293, %parallel_loop3A_300 : vector<16xf32>
        %parallel_loop3A_302 = arith.constant 17 : i32
        %parallel_loop3A_303 = arith.addi %parallel_loop3A_163, %parallel_loop3A_302 : i32
        %parallel_loop3A_304 = arith.index_cast %parallel_loop3A_303 : i32 to index
        %parallel_loop3A_305 = tpu.vector_load %arg13[%parallel_loop3A_304] {strides = array<i32>} : memref<3536xf32, #tpu.memory_space<vmem>>, vector<16xf32>,
        tpu.vector_store %arg13[%parallel_loop3A_304], %parallel_loop3A_301 {strides = array<i32>} : memref<3536xf32, #tpu.memory_space<vmem>>, vector<16xf32>,
        %parallel_loop3A_306 = arith.constant 16 : i32
        %parallel_loop3A_307 = arith.muli %parallel_loop3A_161, %parallel_loop3A_306 : i32
        %parallel_loop3A_308 = arith.constant 2 : i32
        %parallel_loop3A_309 = arith.addi %parallel_loop3A_307, %parallel_loop3A_308 : i32
        %parallel_loop3A_310 = arith.index_cast %parallel_loop3A_309 : i32 to index
        %parallel_loop3A_311 = arith.constant 0 : index
        %parallel_loop3A_312 = tpu.vector_load %arg10[%parallel_loop3A_310, %parallel_loop3A_311] {strides = array<i32>} : memref<208x128xf32, #tpu.memory_space<vmem>>, vector<16xf32>,
        %parallel_loop3A_313 = arith.index_cast %parallel_loop3A_309 : i32 to index
        %parallel_loop3A_314 = arith.constant 0 : index
        %parallel_loop3A_315 = tpu.vector_load %arg11[%parallel_loop3A_313, %parallel_loop3A_314] {strides = array<i32>} : memref<208x128xf32, #tpu.memory_space<vmem>>, vector<16xf32>,
        %parallel_loop3A_316 = arith.mulf %parallel_loop3A_312, %parallel_loop3A_315 : vector<16xf32>
        %parallel_loop3A_317 = arith.index_cast %parallel_loop3A_309 : i32 to index
        %parallel_loop3A_318 = arith.constant 16 : index
        %parallel_loop3A_319 = tpu.vector_load %arg10[%parallel_loop3A_317, %parallel_loop3A_318] {strides = array<i32>} : memref<208x128xf32, #tpu.memory_space<vmem>>, vector<16xf32>,
        %parallel_loop3A_320 = arith.index_cast %parallel_loop3A_309 : i32 to index
        %parallel_loop3A_321 = arith.constant 16 : index
        %parallel_loop3A_322 = tpu.vector_load %arg11[%parallel_loop3A_320, %parallel_loop3A_321] {strides = array<i32>} : memref<208x128xf32, #tpu.memory_space<vmem>>, vector<16xf32>,
        %parallel_loop3A_323 = arith.mulf %parallel_loop3A_319, %parallel_loop3A_322 : vector<16xf32>
        %parallel_loop3A_324 = arith.addf %parallel_loop3A_316, %parallel_loop3A_323 : vector<16xf32>
        %parallel_loop3A_325 = arith.index_cast %parallel_loop3A_309 : i32 to index
        %parallel_loop3A_326 = arith.constant 32 : index
        %parallel_loop3A_327 = tpu.vector_load %arg10[%parallel_loop3A_325, %parallel_loop3A_326] {strides = array<i32>} : memref<208x128xf32, #tpu.memory_space<vmem>>, vector<16xf32>,
        %parallel_loop3A_328 = arith.index_cast %parallel_loop3A_309 : i32 to index
        %parallel_loop3A_329 = arith.constant 32 : index
        %parallel_loop3A_330 = tpu.vector_load %arg11[%parallel_loop3A_328, %parallel_loop3A_329] {strides = array<i32>} : memref<208x128xf32, #tpu.memory_space<vmem>>, vector<16xf32>,
        %parallel_loop3A_331 = arith.mulf %parallel_loop3A_327, %parallel_loop3A_330 : vector<16xf32>
        %parallel_loop3A_332 = arith.addf %parallel_loop3A_324, %parallel_loop3A_331 : vector<16xf32>
        %parallel_loop3A_333 = arith.index_cast %parallel_loop3A_309 : i32 to index
        %parallel_loop3A_334 = arith.constant 48 : index
        %parallel_loop3A_335 = tpu.vector_load %arg10[%parallel_loop3A_333, %parallel_loop3A_334] {strides = array<i32>} : memref<208x128xf32, #tpu.memory_space<vmem>>, vector<16xf32>,
        %parallel_loop3A_336 = arith.index_cast %parallel_loop3A_309 : i32 to index
        %parallel_loop3A_337 = arith.constant 48 : index
        %parallel_loop3A_338 = tpu.vector_load %arg11[%parallel_loop3A_336, %parallel_loop3A_337] {strides = array<i32>} : memref<208x128xf32, #tpu.memory_space<vmem>>, vector<16xf32>,
        %parallel_loop3A_339 = arith.mulf %parallel_loop3A_335, %parallel_loop3A_338 : vector<16xf32>
        %parallel_loop3A_340 = arith.addf %parallel_loop3A_332, %parallel_loop3A_339 : vector<16xf32>
        %parallel_loop3A_341 = arith.index_cast %parallel_loop3A_309 : i32 to index
        %parallel_loop3A_342 = arith.constant 64 : index
        %parallel_loop3A_343 = tpu.vector_load %arg10[%parallel_loop3A_341, %parallel_loop3A_342] {strides = array<i32>} : memref<208x128xf32, #tpu.memory_space<vmem>>, vector<16xf32>,
        %parallel_loop3A_344 = arith.index_cast %parallel_loop3A_309 : i32 to index
        %parallel_loop3A_345 = arith.constant 64 : index
        %parallel_loop3A_346 = tpu.vector_load %arg11[%parallel_loop3A_344, %parallel_loop3A_345] {strides = array<i32>} : memref<208x128xf32, #tpu.memory_space<vmem>>, vector<16xf32>,
        %parallel_loop3A_347 = arith.mulf %parallel_loop3A_343, %parallel_loop3A_346 : vector<16xf32>
        %parallel_loop3A_348 = arith.addf %parallel_loop3A_340, %parallel_loop3A_347 : vector<16xf32>
        %parallel_loop3A_349 = arith.index_cast %parallel_loop3A_309 : i32 to index
        %parallel_loop3A_350 = arith.constant 80 : index
        %parallel_loop3A_351 = tpu.vector_load %arg10[%parallel_loop3A_349, %parallel_loop3A_350] {strides = array<i32>} : memref<208x128xf32, #tpu.memory_space<vmem>>, vector<16xf32>,
        %parallel_loop3A_352 = arith.index_cast %parallel_loop3A_309 : i32 to index
        %parallel_loop3A_353 = arith.constant 80 : index
        %parallel_loop3A_354 = tpu.vector_load %arg11[%parallel_loop3A_352, %parallel_loop3A_353] {strides = array<i32>} : memref<208x128xf32, #tpu.memory_space<vmem>>, vector<16xf32>,
        %parallel_loop3A_355 = arith.mulf %parallel_loop3A_351, %parallel_loop3A_354 : vector<16xf32>
        %parallel_loop3A_356 = arith.addf %parallel_loop3A_348, %parallel_loop3A_355 : vector<16xf32>
        %parallel_loop3A_357 = arith.index_cast %parallel_loop3A_309 : i32 to index
        %parallel_loop3A_358 = arith.constant 96 : index
        %parallel_loop3A_359 = tpu.vector_load %arg10[%parallel_loop3A_357, %parallel_loop3A_358] {strides = array<i32>} : memref<208x128xf32, #tpu.memory_space<vmem>>, vector<16xf32>,
        %parallel_loop3A_360 = arith.index_cast %parallel_loop3A_309 : i32 to index
        %parallel_loop3A_361 = arith.constant 96 : index
        %parallel_loop3A_362 = tpu.vector_load %arg11[%parallel_loop3A_360, %parallel_loop3A_361] {strides = array<i32>} : memref<208x128xf32, #tpu.memory_space<vmem>>, vector<16xf32>,
        %parallel_loop3A_363 = arith.mulf %parallel_loop3A_359, %parallel_loop3A_362 : vector<16xf32>
        %parallel_loop3A_364 = arith.addf %parallel_loop3A_356, %parallel_loop3A_363 : vector<16xf32>
        %parallel_loop3A_365 = arith.index_cast %parallel_loop3A_309 : i32 to index
        %parallel_loop3A_366 = arith.constant 112 : index
        %parallel_loop3A_367 = tpu.vector_load %arg10[%parallel_loop3A_365, %parallel_loop3A_366] {strides = array<i32>} : memref<208x128xf32, #tpu.memory_space<vmem>>, vector<16xf32>,
        %parallel_loop3A_368 = arith.index_cast %parallel_loop3A_309 : i32 to index
        %parallel_loop3A_369 = arith.constant 112 : index
        %parallel_loop3A_370 = tpu.vector_load %arg11[%parallel_loop3A_368, %parallel_loop3A_369] {strides = array<i32>} : memref<208x128xf32, #tpu.memory_space<vmem>>, vector<16xf32>,
        %parallel_loop3A_371 = arith.mulf %parallel_loop3A_367, %parallel_loop3A_370 : vector<16xf32>
        %parallel_loop3A_372 = arith.addf %parallel_loop3A_364, %parallel_loop3A_371 : vector<16xf32>
        %parallel_loop3A_373 = arith.constant 34 : i32
        %parallel_loop3A_374 = arith.addi %parallel_loop3A_163, %parallel_loop3A_373 : i32
        %parallel_loop3A_375 = arith.index_cast %parallel_loop3A_374 : i32 to index
        %parallel_loop3A_376 = tpu.vector_load %arg13[%parallel_loop3A_375] {strides = array<i32>} : memref<3536xf32, #tpu.memory_space<vmem>>, vector<16xf32>,
        tpu.vector_store %arg13[%parallel_loop3A_375], %parallel_loop3A_372 {strides = array<i32>} : memref<3536xf32, #tpu.memory_space<vmem>>, vector<16xf32>,
        %parallel_loop3A_377 = arith.constant 16 : i32
        %parallel_loop3A_378 = arith.muli %parallel_loop3A_161, %parallel_loop3A_377 : i32
        %parallel_loop3A_379 = arith.constant 3 : i32
        %parallel_loop3A_380 = arith.addi %parallel_loop3A_378, %parallel_loop3A_379 : i32
        %parallel_loop3A_381 = arith.index_cast %parallel_loop3A_380 : i32 to index
        %parallel_loop3A_382 = arith.constant 0 : index
        %parallel_loop3A_383 = tpu.vector_load %arg10[%parallel_loop3A_381, %parallel_loop3A_382] {strides = array<i32>} : memref<208x128xf32, #tpu.memory_space<vmem>>, vector<16xf32>,
        %parallel_loop3A_384 = arith.index_cast %parallel_loop3A_380 : i32 to index
        %parallel_loop3A_385 = arith.constant 0 : index
        %parallel_loop3A_386 = tpu.vector_load %arg11[%parallel_loop3A_384, %parallel_loop3A_385] {strides = array<i32>} : memref<208x128xf32, #tpu.memory_space<vmem>>, vector<16xf32>,
        %parallel_loop3A_387 = arith.mulf %parallel_loop3A_383, %parallel_loop3A_386 : vector<16xf32>
        %parallel_loop3A_388 = arith.index_cast %parallel_loop3A_380 : i32 to index
        %parallel_loop3A_389 = arith.constant 16 : index
        %parallel_loop3A_390 = tpu.vector_load %arg10[%parallel_loop3A_388, %parallel_loop3A_389] {strides = array<i32>} : memref<208x128xf32, #tpu.memory_space<vmem>>, vector<16xf32>,
        %parallel_loop3A_391 = arith.index_cast %parallel_loop3A_380 : i32 to index
        %parallel_loop3A_392 = arith.constant 16 : index
        %parallel_loop3A_393 = tpu.vector_load %arg11[%parallel_loop3A_391, %parallel_loop3A_392] {strides = array<i32>} : memref<208x128xf32, #tpu.memory_space<vmem>>, vector<16xf32>,
        %parallel_loop3A_394 = arith.mulf %parallel_loop3A_390, %parallel_loop3A_393 : vector<16xf32>
        %parallel_loop3A_395 = arith.addf %parallel_loop3A_387, %parallel_loop3A_394 : vector<16xf32>
        %parallel_loop3A_396 = arith.index_cast %parallel_loop3A_380 : i32 to index
        %parallel_loop3A_397 = arith.constant 32 : index
        %parallel_loop3A_398 = tpu.vector_load %arg10[%parallel_loop3A_396, %parallel_loop3A_397] {strides = array<i32>} : memref<208x128xf32, #tpu.memory_space<vmem>>, vector<16xf32>,
        %parallel_loop3A_399 = arith.index_cast %parallel_loop3A_380 : i32 to index
        %parallel_loop3A_400 = arith.constant 32 : index
        %parallel_loop3A_401 = tpu.vector_load %arg11[%parallel_loop3A_399, %parallel_loop3A_400] {strides = array<i32>} : memref<208x128xf32, #tpu.memory_space<vmem>>, vector<16xf32>,
        %parallel_loop3A_402 = arith.mulf %parallel_loop3A_398, %parallel_loop3A_401 : vector<16xf32>
        %parallel_loop3A_403 = arith.addf %parallel_loop3A_395, %parallel_loop3A_402 : vector<16xf32>
        %parallel_loop3A_404 = arith.index_cast %parallel_loop3A_380 : i32 to index
        %parallel_loop3A_405 = arith.constant 48 : index
        %parallel_loop3A_406 = tpu.vector_load %arg10[%parallel_loop3A_404, %parallel_loop3A_405] {strides = array<i32>} : memref<208x128xf32, #tpu.memory_space<vmem>>, vector<16xf32>,
        %parallel_loop3A_407 = arith.index_cast %parallel_loop3A_380 : i32 to index
        %parallel_loop3A_408 = arith.constant 48 : index
        %parallel_loop3A_409 = tpu.vector_load %arg11[%parallel_loop3A_407, %parallel_loop3A_408] {strides = array<i32>} : memref<208x128xf32, #tpu.memory_space<vmem>>, vector<16xf32>,
        %parallel_loop3A_410 = arith.mulf %parallel_loop3A_406, %parallel_loop3A_409 : vector<16xf32>
        %parallel_loop3A_411 = arith.addf %parallel_loop3A_403, %parallel_loop3A_410 : vector<16xf32>
        %parallel_loop3A_412 = arith.index_cast %parallel_loop3A_380 : i32 to index
        %parallel_loop3A_413 = arith.constant 64 : index
        %parallel_loop3A_414 = tpu.vector_load %arg10[%parallel_loop3A_412, %parallel_loop3A_413] {strides = array<i32>} : memref<208x128xf32, #tpu.memory_space<vmem>>, vector<16xf32>,
        %parallel_loop3A_415 = arith.index_cast %parallel_loop3A_380 : i32 to index
        %parallel_loop3A_416 = arith.constant 64 : index
        %parallel_loop3A_417 = tpu.vector_load %arg11[%parallel_loop3A_415, %parallel_loop3A_416] {strides = array<i32>} : memref<208x128xf32, #tpu.memory_space<vmem>>, vector<16xf32>,
        %parallel_loop3A_418 = arith.mulf %parallel_loop3A_414, %parallel_loop3A_417 : vector<16xf32>
        %parallel_loop3A_419 = arith.addf %parallel_loop3A_411, %parallel_loop3A_418 : vector<16xf32>
        %parallel_loop3A_420 = arith.index_cast %parallel_loop3A_380 : i32 to index
        %parallel_loop3A_421 = arith.constant 80 : index
        %parallel_loop3A_422 = tpu.vector_load %arg10[%parallel_loop3A_420, %parallel_loop3A_421] {strides = array<i32>} : memref<208x128xf32, #tpu.memory_space<vmem>>, vector<16xf32>,
        %parallel_loop3A_423 = arith.index_cast %parallel_loop3A_380 : i32 to index
        %parallel_loop3A_424 = arith.constant 80 : index
        %parallel_loop3A_425 = tpu.vector_load %arg11[%parallel_loop3A_423, %parallel_loop3A_424] {strides = array<i32>} : memref<208x128xf32, #tpu.memory_space<vmem>>, vector<16xf32>,
        %parallel_loop3A_426 = arith.mulf %parallel_loop3A_422, %parallel_loop3A_425 : vector<16xf32>
        %parallel_loop3A_427 = arith.addf %parallel_loop3A_419, %parallel_loop3A_426 : vector<16xf32>
        %parallel_loop3A_428 = arith.index_cast %parallel_loop3A_380 : i32 to index
        %parallel_loop3A_429 = arith.constant 96 : index
        %parallel_loop3A_430 = tpu.vector_load %arg10[%parallel_loop3A_428, %parallel_loop3A_429] {strides = array<i32>} : memref<208x128xf32, #tpu.memory_space<vmem>>, vector<16xf32>,
        %parallel_loop3A_431 = arith.index_cast %parallel_loop3A_380 : i32 to index
        %parallel_loop3A_432 = arith.constant 96 : index
        %parallel_loop3A_433 = tpu.vector_load %arg11[%parallel_loop3A_431, %parallel_loop3A_432] {strides = array<i32>} : memref<208x128xf32, #tpu.memory_space<vmem>>, vector<16xf32>,
        %parallel_loop3A_434 = arith.mulf %parallel_loop3A_430, %parallel_loop3A_433 : vector<16xf32>
        %parallel_loop3A_435 = arith.addf %parallel_loop3A_427, %parallel_loop3A_434 : vector<16xf32>
        %parallel_loop3A_436 = arith.index_cast %parallel_loop3A_380 : i32 to index
        %parallel_loop3A_437 = arith.constant 112 : index
        %parallel_loop3A_438 = tpu.vector_load %arg10[%parallel_loop3A_436, %parallel_loop3A_437] {strides = array<i32>} : memref<208x128xf32, #tpu.memory_space<vmem>>, vector<16xf32>,
        %parallel_loop3A_439 = arith.index_cast %parallel_loop3A_380 : i32 to index
        %parallel_loop3A_440 = arith.constant 112 : index
        %parallel_loop3A_441 = tpu.vector_load %arg11[%parallel_loop3A_439, %parallel_loop3A_440] {strides = array<i32>} : memref<208x128xf32, #tpu.memory_space<vmem>>, vector<16xf32>,
        %parallel_loop3A_442 = arith.mulf %parallel_loop3A_438, %parallel_loop3A_441 : vector<16xf32>
        %parallel_loop3A_443 = arith.addf %parallel_loop3A_435, %parallel_loop3A_442 : vector<16xf32>
        %parallel_loop3A_444 = arith.constant 51 : i32
        %parallel_loop3A_445 = arith.addi %parallel_loop3A_163, %parallel_loop3A_444 : i32
        %parallel_loop3A_446 = arith.index_cast %parallel_loop3A_445 : i32 to index
        %parallel_loop3A_447 = tpu.vector_load %arg13[%parallel_loop3A_446] {strides = array<i32>} : memref<3536xf32, #tpu.memory_space<vmem>>, vector<16xf32>,
        tpu.vector_store %arg13[%parallel_loop3A_446], %parallel_loop3A_443 {strides = array<i32>} : memref<3536xf32, #tpu.memory_space<vmem>>, vector<16xf32>,
        %parallel_loop3A_448 = arith.constant 16 : i32
        %parallel_loop3A_449 = arith.muli %parallel_loop3A_161, %parallel_loop3A_448 : i32
        %parallel_loop3A_450 = arith.constant 4 : i32
        %parallel_loop3A_451 = arith.addi %parallel_loop3A_449, %parallel_loop3A_450 : i32
        %parallel_loop3A_452 = arith.index_cast %parallel_loop3A_451 : i32 to index
        %parallel_loop3A_453 = arith.constant 0 : index
        %parallel_loop3A_454 = tpu.vector_load %arg10[%parallel_loop3A_452, %parallel_loop3A_453] {strides = array<i32>} : memref<208x128xf32, #tpu.memory_space<vmem>>, vector<16xf32>,
        %parallel_loop3A_455 = arith.index_cast %parallel_loop3A_451 : i32 to index
        %parallel_loop3A_456 = arith.constant 0 : index
        %parallel_loop3A_457 = tpu.vector_load %arg11[%parallel_loop3A_455, %parallel_loop3A_456] {strides = array<i32>} : memref<208x128xf32, #tpu.memory_space<vmem>>, vector<16xf32>,
        %parallel_loop3A_458 = arith.mulf %parallel_loop3A_454, %parallel_loop3A_457 : vector<16xf32>
        %parallel_loop3A_459 = arith.index_cast %parallel_loop3A_451 : i32 to index
        %parallel_loop3A_460 = arith.constant 16 : index
        %parallel_loop3A_461 = tpu.vector_load %arg10[%parallel_loop3A_459, %parallel_loop3A_460] {strides = array<i32>} : memref<208x128xf32, #tpu.memory_space<vmem>>, vector<16xf32>,
        %parallel_loop3A_462 = arith.index_cast %parallel_loop3A_451 : i32 to index
        %parallel_loop3A_463 = arith.constant 16 : index
        %parallel_loop3A_464 = tpu.vector_load %arg11[%parallel_loop3A_462, %parallel_loop3A_463] {strides = array<i32>} : memref<208x128xf32, #tpu.memory_space<vmem>>, vector<16xf32>,
        %parallel_loop3A_465 = arith.mulf %parallel_loop3A_461, %parallel_loop3A_464 : vector<16xf32>
        %parallel_loop3A_466 = arith.addf %parallel_loop3A_458, %parallel_loop3A_465 : vector<16xf32>
        %parallel_loop3A_467 = arith.index_cast %parallel_loop3A_451 : i32 to index
        %parallel_loop3A_468 = arith.constant 32 : index
        %parallel_loop3A_469 = tpu.vector_load %arg10[%parallel_loop3A_467, %parallel_loop3A_468] {strides = array<i32>} : memref<208x128xf32, #tpu.memory_space<vmem>>, vector<16xf32>,
        %parallel_loop3A_470 = arith.index_cast %parallel_loop3A_451 : i32 to index
        %parallel_loop3A_471 = arith.constant 32 : index
        %parallel_loop3A_472 = tpu.vector_load %arg11[%parallel_loop3A_470, %parallel_loop3A_471] {strides = array<i32>} : memref<208x128xf32, #tpu.memory_space<vmem>>, vector<16xf32>,
        %parallel_loop3A_473 = arith.mulf %parallel_loop3A_469, %parallel_loop3A_472 : vector<16xf32>
        %parallel_loop3A_474 = arith.addf %parallel_loop3A_466, %parallel_loop3A_473 : vector<16xf32>
        %parallel_loop3A_475 = arith.index_cast %parallel_loop3A_451 : i32 to index
        %parallel_loop3A_476 = arith.constant 48 : index
        %parallel_loop3A_477 = tpu.vector_load %arg10[%parallel_loop3A_475, %parallel_loop3A_476] {strides = array<i32>} : memref<208x128xf32, #tpu.memory_space<vmem>>, vector<16xf32>,
        %parallel_loop3A_478 = arith.index_cast %parallel_loop3A_451 : i32 to index
        %parallel_loop3A_479 = arith.constant 48 : index
        %parallel_loop3A_480 = tpu.vector_load %arg11[%parallel_loop3A_478, %parallel_loop3A_479] {strides = array<i32>} : memref<208x128xf32, #tpu.memory_space<vmem>>, vector<16xf32>,
        %parallel_loop3A_481 = arith.mulf %parallel_loop3A_477, %parallel_loop3A_480 : vector<16xf32>
        %parallel_loop3A_482 = arith.addf %parallel_loop3A_474, %parallel_loop3A_481 : vector<16xf32>
        %parallel_loop3A_483 = arith.index_cast %parallel_loop3A_451 : i32 to index
        %parallel_loop3A_484 = arith.constant 64 : index
        %parallel_loop3A_485 = tpu.vector_load %arg10[%parallel_loop3A_483, %parallel_loop3A_484] {strides = array<i32>} : memref<208x128xf32, #tpu.memory_space<vmem>>, vector<16xf32>,
        %parallel_loop3A_486 = arith.index_cast %parallel_loop3A_451 : i32 to index
        %parallel_loop3A_487 = arith.constant 64 : index
        %parallel_loop3A_488 = tpu.vector_load %arg11[%parallel_loop3A_486, %parallel_loop3A_487] {strides = array<i32>} : memref<208x128xf32, #tpu.memory_space<vmem>>, vector<16xf32>,
        %parallel_loop3A_489 = arith.mulf %parallel_loop3A_485, %parallel_loop3A_488 : vector<16xf32>
        %parallel_loop3A_490 = arith.addf %parallel_loop3A_482, %parallel_loop3A_489 : vector<16xf32>
        %parallel_loop3A_491 = arith.index_cast %parallel_loop3A_451 : i32 to index
        %parallel_loop3A_492 = arith.constant 80 : index
        %parallel_loop3A_493 = tpu.vector_load %arg10[%parallel_loop3A_491, %parallel_loop3A_492] {strides = array<i32>} : memref<208x128xf32, #tpu.memory_space<vmem>>, vector<16xf32>,
        %parallel_loop3A_494 = arith.index_cast %parallel_loop3A_451 : i32 to index
        %parallel_loop3A_495 = arith.constant 80 : index
        %parallel_loop3A_496 = tpu.vector_load %arg11[%parallel_loop3A_494, %parallel_loop3A_495] {strides = array<i32>} : memref<208x128xf32, #tpu.memory_space<vmem>>, vector<16xf32>,
        %parallel_loop3A_497 = arith.mulf %parallel_loop3A_493, %parallel_loop3A_496 : vector<16xf32>
        %parallel_loop3A_498 = arith.addf %parallel_loop3A_490, %parallel_loop3A_497 : vector<16xf32>
        %parallel_loop3A_499 = arith.index_cast %parallel_loop3A_451 : i32 to index
        %parallel_loop3A_500 = arith.constant 96 : index
        %parallel_loop3A_501 = tpu.vector_load %arg10[%parallel_loop3A_499, %parallel_loop3A_500] {strides = array<i32>} : memref<208x128xf32, #tpu.memory_space<vmem>>, vector<16xf32>,
        %parallel_loop3A_502 = arith.index_cast %parallel_loop3A_451 : i32 to index
        %parallel_loop3A_503 = arith.constant 96 : index
        %parallel_loop3A_504 = tpu.vector_load %arg11[%parallel_loop3A_502, %parallel_loop3A_503] {strides = array<i32>} : memref<208x128xf32, #tpu.memory_space<vmem>>, vector<16xf32>,
        %parallel_loop3A_505 = arith.mulf %parallel_loop3A_501, %parallel_loop3A_504 : vector<16xf32>
        %parallel_loop3A_506 = arith.addf %parallel_loop3A_498, %parallel_loop3A_505 : vector<16xf32>
        %parallel_loop3A_507 = arith.index_cast %parallel_loop3A_451 : i32 to index
        %parallel_loop3A_508 = arith.constant 112 : index
        %parallel_loop3A_509 = tpu.vector_load %arg10[%parallel_loop3A_507, %parallel_loop3A_508] {strides = array<i32>} : memref<208x128xf32, #tpu.memory_space<vmem>>, vector<16xf32>,
        %parallel_loop3A_510 = arith.index_cast %parallel_loop3A_451 : i32 to index
        %parallel_loop3A_511 = arith.constant 112 : index
        %parallel_loop3A_512 = tpu.vector_load %arg11[%parallel_loop3A_510, %parallel_loop3A_511] {strides = array<i32>} : memref<208x128xf32, #tpu.memory_space<vmem>>, vector<16xf32>,
        %parallel_loop3A_513 = arith.mulf %parallel_loop3A_509, %parallel_loop3A_512 : vector<16xf32>
        %parallel_loop3A_514 = arith.addf %parallel_loop3A_506, %parallel_loop3A_513 : vector<16xf32>
        %parallel_loop3A_515 = arith.constant 68 : i32
        %parallel_loop3A_516 = arith.addi %parallel_loop3A_163, %parallel_loop3A_515 : i32
        %parallel_loop3A_517 = arith.index_cast %parallel_loop3A_516 : i32 to index
        %parallel_loop3A_518 = tpu.vector_load %arg13[%parallel_loop3A_517] {strides = array<i32>} : memref<3536xf32, #tpu.memory_space<vmem>>, vector<16xf32>,
        tpu.vector_store %arg13[%parallel_loop3A_517], %parallel_loop3A_514 {strides = array<i32>} : memref<3536xf32, #tpu.memory_space<vmem>>, vector<16xf32>,
        %parallel_loop3A_519 = arith.constant 16 : i32
        %parallel_loop3A_520 = arith.muli %parallel_loop3A_161, %parallel_loop3A_519 : i32
        %parallel_loop3A_521 = arith.constant 5 : i32
        %parallel_loop3A_522 = arith.addi %parallel_loop3A_520, %parallel_loop3A_521 : i32
        %parallel_loop3A_523 = arith.index_cast %parallel_loop3A_522 : i32 to index
        %parallel_loop3A_524 = arith.constant 0 : index
        %parallel_loop3A_525 = tpu.vector_load %arg10[%parallel_loop3A_523, %parallel_loop3A_524] {strides = array<i32>} : memref<208x128xf32, #tpu.memory_space<vmem>>, vector<16xf32>,
        %parallel_loop3A_526 = arith.index_cast %parallel_loop3A_522 : i32 to index
        %parallel_loop3A_527 = arith.constant 0 : index
        %parallel_loop3A_528 = tpu.vector_load %arg11[%parallel_loop3A_526, %parallel_loop3A_527] {strides = array<i32>} : memref<208x128xf32, #tpu.memory_space<vmem>>, vector<16xf32>,
        %parallel_loop3A_529 = arith.mulf %parallel_loop3A_525, %parallel_loop3A_528 : vector<16xf32>
        %parallel_loop3A_530 = arith.index_cast %parallel_loop3A_522 : i32 to index
        %parallel_loop3A_531 = arith.constant 16 : index
        %parallel_loop3A_532 = tpu.vector_load %arg10[%parallel_loop3A_530, %parallel_loop3A_531] {strides = array<i32>} : memref<208x128xf32, #tpu.memory_space<vmem>>, vector<16xf32>,
        %parallel_loop3A_533 = arith.index_cast %parallel_loop3A_522 : i32 to index
        %parallel_loop3A_534 = arith.constant 16 : index
        %parallel_loop3A_535 = tpu.vector_load %arg11[%parallel_loop3A_533, %parallel_loop3A_534] {strides = array<i32>} : memref<208x128xf32, #tpu.memory_space<vmem>>, vector<16xf32>,
        %parallel_loop3A_536 = arith.mulf %parallel_loop3A_532, %parallel_loop3A_535 : vector<16xf32>
        %parallel_loop3A_537 = arith.addf %parallel_loop3A_529, %parallel_loop3A_536 : vector<16xf32>
        %parallel_loop3A_538 = arith.index_cast %parallel_loop3A_522 : i32 to index
        %parallel_loop3A_539 = arith.constant 32 : index
        %parallel_loop3A_540 = tpu.vector_load %arg10[%parallel_loop3A_538, %parallel_loop3A_539] {strides = array<i32>} : memref<208x128xf32, #tpu.memory_space<vmem>>, vector<16xf32>,
        %parallel_loop3A_541 = arith.index_cast %parallel_loop3A_522 : i32 to index
        %parallel_loop3A_542 = arith.constant 32 : index
        %parallel_loop3A_543 = tpu.vector_load %arg11[%parallel_loop3A_541, %parallel_loop3A_542] {strides = array<i32>} : memref<208x128xf32, #tpu.memory_space<vmem>>, vector<16xf32>,
        %parallel_loop3A_544 = arith.mulf %parallel_loop3A_540, %parallel_loop3A_543 : vector<16xf32>
        %parallel_loop3A_545 = arith.addf %parallel_loop3A_537, %parallel_loop3A_544 : vector<16xf32>
        %parallel_loop3A_546 = arith.index_cast %parallel_loop3A_522 : i32 to index
        %parallel_loop3A_547 = arith.constant 48 : index
        %parallel_loop3A_548 = tpu.vector_load %arg10[%parallel_loop3A_546, %parallel_loop3A_547] {strides = array<i32>} : memref<208x128xf32, #tpu.memory_space<vmem>>, vector<16xf32>,
        %parallel_loop3A_549 = arith.index_cast %parallel_loop3A_522 : i32 to index
        %parallel_loop3A_550 = arith.constant 48 : index
        %parallel_loop3A_551 = tpu.vector_load %arg11[%parallel_loop3A_549, %parallel_loop3A_550] {strides = array<i32>} : memref<208x128xf32, #tpu.memory_space<vmem>>, vector<16xf32>,
        %parallel_loop3A_552 = arith.mulf %parallel_loop3A_548, %parallel_loop3A_551 : vector<16xf32>
        %parallel_loop3A_553 = arith.addf %parallel_loop3A_545, %parallel_loop3A_552 : vector<16xf32>
        %parallel_loop3A_554 = arith.index_cast %parallel_loop3A_522 : i32 to index
        %parallel_loop3A_555 = arith.constant 64 : index
        %parallel_loop3A_556 = tpu.vector_load %arg10[%parallel_loop3A_554, %parallel_loop3A_555] {strides = array<i32>} : memref<208x128xf32, #tpu.memory_space<vmem>>, vector<16xf32>,
        %parallel_loop3A_557 = arith.index_cast %parallel_loop3A_522 : i32 to index
        %parallel_loop3A_558 = arith.constant 64 : index
        %parallel_loop3A_559 = tpu.vector_load %arg11[%parallel_loop3A_557, %parallel_loop3A_558] {strides = array<i32>} : memref<208x128xf32, #tpu.memory_space<vmem>>, vector<16xf32>,
        %parallel_loop3A_560 = arith.mulf %parallel_loop3A_556, %parallel_loop3A_559 : vector<16xf32>
        %parallel_loop3A_561 = arith.addf %parallel_loop3A_553, %parallel_loop3A_560 : vector<16xf32>
        %parallel_loop3A_562 = arith.index_cast %parallel_loop3A_522 : i32 to index
        %parallel_loop3A_563 = arith.constant 80 : index
        %parallel_loop3A_564 = tpu.vector_load %arg10[%parallel_loop3A_562, %parallel_loop3A_563] {strides = array<i32>} : memref<208x128xf32, #tpu.memory_space<vmem>>, vector<16xf32>,
        %parallel_loop3A_565 = arith.index_cast %parallel_loop3A_522 : i32 to index
        %parallel_loop3A_566 = arith.constant 80 : index
        %parallel_loop3A_567 = tpu.vector_load %arg11[%parallel_loop3A_565, %parallel_loop3A_566] {strides = array<i32>} : memref<208x128xf32, #tpu.memory_space<vmem>>, vector<16xf32>,
        %parallel_loop3A_568 = arith.mulf %parallel_loop3A_564, %parallel_loop3A_567 : vector<16xf32>
        %parallel_loop3A_569 = arith.addf %parallel_loop3A_561, %parallel_loop3A_568 : vector<16xf32>
        %parallel_loop3A_570 = arith.index_cast %parallel_loop3A_522 : i32 to index
        %parallel_loop3A_571 = arith.constant 96 : index
        %parallel_loop3A_572 = tpu.vector_load %arg10[%parallel_loop3A_570, %parallel_loop3A_571] {strides = array<i32>} : memref<208x128xf32, #tpu.memory_space<vmem>>, vector<16xf32>,
        %parallel_loop3A_573 = arith.index_cast %parallel_loop3A_522 : i32 to index
        %parallel_loop3A_574 = arith.constant 96 : index
        %parallel_loop3A_575 = tpu.vector_load %arg11[%parallel_loop3A_573, %parallel_loop3A_574] {strides = array<i32>} : memref<208x128xf32, #tpu.memory_space<vmem>>, vector<16xf32>,
        %parallel_loop3A_576 = arith.mulf %parallel_loop3A_572, %parallel_loop3A_575 : vector<16xf32>
        %parallel_loop3A_577 = arith.addf %parallel_loop3A_569, %parallel_loop3A_576 : vector<16xf32>
        %parallel_loop3A_578 = arith.index_cast %parallel_loop3A_522 : i32 to index
        %parallel_loop3A_579 = arith.constant 112 : index
        %parallel_loop3A_580 = tpu.vector_load %arg10[%parallel_loop3A_578, %parallel_loop3A_579] {strides = array<i32>} : memref<208x128xf32, #tpu.memory_space<vmem>>, vector<16xf32>,
        %parallel_loop3A_581 = arith.index_cast %parallel_loop3A_522 : i32 to index
        %parallel_loop3A_582 = arith.constant 112 : index
        %parallel_loop3A_583 = tpu.vector_load %arg11[%parallel_loop3A_581, %parallel_loop3A_582] {strides = array<i32>} : memref<208x128xf32, #tpu.memory_space<vmem>>, vector<16xf32>,
        %parallel_loop3A_584 = arith.mulf %parallel_loop3A_580, %parallel_loop3A_583 : vector<16xf32>
        %parallel_loop3A_585 = arith.addf %parallel_loop3A_577, %parallel_loop3A_584 : vector<16xf32>
        %parallel_loop3A_586 = arith.constant 85 : i32
        %parallel_loop3A_587 = arith.addi %parallel_loop3A_163, %parallel_loop3A_586 : i32
        %parallel_loop3A_588 = arith.index_cast %parallel_loop3A_587 : i32 to index
        %parallel_loop3A_589 = tpu.vector_load %arg13[%parallel_loop3A_588] {strides = array<i32>} : memref<3536xf32, #tpu.memory_space<vmem>>, vector<16xf32>,
        tpu.vector_store %arg13[%parallel_loop3A_588], %parallel_loop3A_585 {strides = array<i32>} : memref<3536xf32, #tpu.memory_space<vmem>>, vector<16xf32>,
        %parallel_loop3A_590 = arith.constant 16 : i32
        %parallel_loop3A_591 = arith.muli %parallel_loop3A_161, %parallel_loop3A_590 : i32
        %parallel_loop3A_592 = arith.constant 6 : i32
        %parallel_loop3A_593 = arith.addi %parallel_loop3A_591, %parallel_loop3A_592 : i32
        %parallel_loop3A_594 = arith.index_cast %parallel_loop3A_593 : i32 to index
        %parallel_loop3A_595 = arith.constant 0 : index
        %parallel_loop3A_596 = tpu.vector_load %arg10[%parallel_loop3A_594, %parallel_loop3A_595] {strides = array<i32>} : memref<208x128xf32, #tpu.memory_space<vmem>>, vector<16xf32>,
        %parallel_loop3A_597 = arith.index_cast %parallel_loop3A_593 : i32 to index
        %parallel_loop3A_598 = arith.constant 0 : index
        %parallel_loop3A_599 = tpu.vector_load %arg11[%parallel_loop3A_597, %parallel_loop3A_598] {strides = array<i32>} : memref<208x128xf32, #tpu.memory_space<vmem>>, vector<16xf32>,
        %parallel_loop3A_600 = arith.mulf %parallel_loop3A_596, %parallel_loop3A_599 : vector<16xf32>
        %parallel_loop3A_601 = arith.index_cast %parallel_loop3A_593 : i32 to index
        %parallel_loop3A_602 = arith.constant 16 : index
        %parallel_loop3A_603 = tpu.vector_load %arg10[%parallel_loop3A_601, %parallel_loop3A_602] {strides = array<i32>} : memref<208x128xf32, #tpu.memory_space<vmem>>, vector<16xf32>,
        %parallel_loop3A_604 = arith.index_cast %parallel_loop3A_593 : i32 to index
        %parallel_loop3A_605 = arith.constant 16 : index
        %parallel_loop3A_606 = tpu.vector_load %arg11[%parallel_loop3A_604, %parallel_loop3A_605] {strides = array<i32>} : memref<208x128xf32, #tpu.memory_space<vmem>>, vector<16xf32>,
        %parallel_loop3A_607 = arith.mulf %parallel_loop3A_603, %parallel_loop3A_606 : vector<16xf32>
        %parallel_loop3A_608 = arith.addf %parallel_loop3A_600, %parallel_loop3A_607 : vector<16xf32>
        %parallel_loop3A_609 = arith.index_cast %parallel_loop3A_593 : i32 to index
        %parallel_loop3A_610 = arith.constant 32 : index
        %parallel_loop3A_611 = tpu.vector_load %arg10[%parallel_loop3A_609, %parallel_loop3A_610] {strides = array<i32>} : memref<208x128xf32, #tpu.memory_space<vmem>>, vector<16xf32>,
        %parallel_loop3A_612 = arith.index_cast %parallel_loop3A_593 : i32 to index
        %parallel_loop3A_613 = arith.constant 32 : index
        %parallel_loop3A_614 = tpu.vector_load %arg11[%parallel_loop3A_612, %parallel_loop3A_613] {strides = array<i32>} : memref<208x128xf32, #tpu.memory_space<vmem>>, vector<16xf32>,
        %parallel_loop3A_615 = arith.mulf %parallel_loop3A_611, %parallel_loop3A_614 : vector<16xf32>
        %parallel_loop3A_616 = arith.addf %parallel_loop3A_608, %parallel_loop3A_615 : vector<16xf32>
        %parallel_loop3A_617 = arith.index_cast %parallel_loop3A_593 : i32 to index
        %parallel_loop3A_618 = arith.constant 48 : index
        %parallel_loop3A_619 = tpu.vector_load %arg10[%parallel_loop3A_617, %parallel_loop3A_618] {strides = array<i32>} : memref<208x128xf32, #tpu.memory_space<vmem>>, vector<16xf32>,
        %parallel_loop3A_620 = arith.index_cast %parallel_loop3A_593 : i32 to index
        %parallel_loop3A_621 = arith.constant 48 : index
        %parallel_loop3A_622 = tpu.vector_load %arg11[%parallel_loop3A_620, %parallel_loop3A_621] {strides = array<i32>} : memref<208x128xf32, #tpu.memory_space<vmem>>, vector<16xf32>,
        %parallel_loop3A_623 = arith.mulf %parallel_loop3A_619, %parallel_loop3A_622 : vector<16xf32>
        %parallel_loop3A_624 = arith.addf %parallel_loop3A_616, %parallel_loop3A_623 : vector<16xf32>
        %parallel_loop3A_625 = arith.index_cast %parallel_loop3A_593 : i32 to index
        %parallel_loop3A_626 = arith.constant 64 : index
        %parallel_loop3A_627 = tpu.vector_load %arg10[%parallel_loop3A_625, %parallel_loop3A_626] {strides = array<i32>} : memref<208x128xf32, #tpu.memory_space<vmem>>, vector<16xf32>,
        %parallel_loop3A_628 = arith.index_cast %parallel_loop3A_593 : i32 to index
        %parallel_loop3A_629 = arith.constant 64 : index
        %parallel_loop3A_630 = tpu.vector_load %arg11[%parallel_loop3A_628, %parallel_loop3A_629] {strides = array<i32>} : memref<208x128xf32, #tpu.memory_space<vmem>>, vector<16xf32>,
        %parallel_loop3A_631 = arith.mulf %parallel_loop3A_627, %parallel_loop3A_630 : vector<16xf32>
        %parallel_loop3A_632 = arith.addf %parallel_loop3A_624, %parallel_loop3A_631 : vector<16xf32>
        %parallel_loop3A_633 = arith.index_cast %parallel_loop3A_593 : i32 to index
        %parallel_loop3A_634 = arith.constant 80 : index
        %parallel_loop3A_635 = tpu.vector_load %arg10[%parallel_loop3A_633, %parallel_loop3A_634] {strides = array<i32>} : memref<208x128xf32, #tpu.memory_space<vmem>>, vector<16xf32>,
        %parallel_loop3A_636 = arith.index_cast %parallel_loop3A_593 : i32 to index
        %parallel_loop3A_637 = arith.constant 80 : index
        %parallel_loop3A_638 = tpu.vector_load %arg11[%parallel_loop3A_636, %parallel_loop3A_637] {strides = array<i32>} : memref<208x128xf32, #tpu.memory_space<vmem>>, vector<16xf32>,
        %parallel_loop3A_639 = arith.mulf %parallel_loop3A_635, %parallel_loop3A_638 : vector<16xf32>
        %parallel_loop3A_640 = arith.addf %parallel_loop3A_632, %parallel_loop3A_639 : vector<16xf32>
        %parallel_loop3A_641 = arith.index_cast %parallel_loop3A_593 : i32 to index
        %parallel_loop3A_642 = arith.constant 96 : index
        %parallel_loop3A_643 = tpu.vector_load %arg10[%parallel_loop3A_641, %parallel_loop3A_642] {strides = array<i32>} : memref<208x128xf32, #tpu.memory_space<vmem>>, vector<16xf32>,
        %parallel_loop3A_644 = arith.index_cast %parallel_loop3A_593 : i32 to index
        %parallel_loop3A_645 = arith.constant 96 : index
        %parallel_loop3A_646 = tpu.vector_load %arg11[%parallel_loop3A_644, %parallel_loop3A_645] {strides = array<i32>} : memref<208x128xf32, #tpu.memory_space<vmem>>, vector<16xf32>,
        %parallel_loop3A_647 = arith.mulf %parallel_loop3A_643, %parallel_loop3A_646 : vector<16xf32>
        %parallel_loop3A_648 = arith.addf %parallel_loop3A_640, %parallel_loop3A_647 : vector<16xf32>
        %parallel_loop3A_649 = arith.index_cast %parallel_loop3A_593 : i32 to index
        %parallel_loop3A_650 = arith.constant 112 : index
        %parallel_loop3A_651 = tpu.vector_load %arg10[%parallel_loop3A_649, %parallel_loop3A_650] {strides = array<i32>} : memref<208x128xf32, #tpu.memory_space<vmem>>, vector<16xf32>,
        %parallel_loop3A_652 = arith.index_cast %parallel_loop3A_593 : i32 to index
        %parallel_loop3A_653 = arith.constant 112 : index
        %parallel_loop3A_654 = tpu.vector_load %arg11[%parallel_loop3A_652, %parallel_loop3A_653] {strides = array<i32>} : memref<208x128xf32, #tpu.memory_space<vmem>>, vector<16xf32>,
        %parallel_loop3A_655 = arith.mulf %parallel_loop3A_651, %parallel_loop3A_654 : vector<16xf32>
        %parallel_loop3A_656 = arith.addf %parallel_loop3A_648, %parallel_loop3A_655 : vector<16xf32>
        %parallel_loop3A_657 = arith.constant 102 : i32
        %parallel_loop3A_658 = arith.addi %parallel_loop3A_163, %parallel_loop3A_657 : i32
        %parallel_loop3A_659 = arith.index_cast %parallel_loop3A_658 : i32 to index
        %parallel_loop3A_660 = tpu.vector_load %arg13[%parallel_loop3A_659] {strides = array<i32>} : memref<3536xf32, #tpu.memory_space<vmem>>, vector<16xf32>,
        tpu.vector_store %arg13[%parallel_loop3A_659], %parallel_loop3A_656 {strides = array<i32>} : memref<3536xf32, #tpu.memory_space<vmem>>, vector<16xf32>,
        %parallel_loop3A_661 = arith.constant 16 : i32
        %parallel_loop3A_662 = arith.muli %parallel_loop3A_161, %parallel_loop3A_661 : i32
        %parallel_loop3A_663 = arith.constant 7 : i32
        %parallel_loop3A_664 = arith.addi %parallel_loop3A_662, %parallel_loop3A_663 : i32
        %parallel_loop3A_665 = arith.index_cast %parallel_loop3A_664 : i32 to index
        %parallel_loop3A_666 = arith.constant 0 : index
        %parallel_loop3A_667 = tpu.vector_load %arg10[%parallel_loop3A_665, %parallel_loop3A_666] {strides = array<i32>} : memref<208x128xf32, #tpu.memory_space<vmem>>, vector<16xf32>,
        %parallel_loop3A_668 = arith.index_cast %parallel_loop3A_664 : i32 to index
        %parallel_loop3A_669 = arith.constant 0 : index
        %parallel_loop3A_670 = tpu.vector_load %arg11[%parallel_loop3A_668, %parallel_loop3A_669] {strides = array<i32>} : memref<208x128xf32, #tpu.memory_space<vmem>>, vector<16xf32>,
        %parallel_loop3A_671 = arith.mulf %parallel_loop3A_667, %parallel_loop3A_670 : vector<16xf32>
        %parallel_loop3A_672 = arith.index_cast %parallel_loop3A_664 : i32 to index
        %parallel_loop3A_673 = arith.constant 16 : index
        %parallel_loop3A_674 = tpu.vector_load %arg10[%parallel_loop3A_672, %parallel_loop3A_673] {strides = array<i32>} : memref<208x128xf32, #tpu.memory_space<vmem>>, vector<16xf32>,
        %parallel_loop3A_675 = arith.index_cast %parallel_loop3A_664 : i32 to index
        %parallel_loop3A_676 = arith.constant 16 : index
        %parallel_loop3A_677 = tpu.vector_load %arg11[%parallel_loop3A_675, %parallel_loop3A_676] {strides = array<i32>} : memref<208x128xf32, #tpu.memory_space<vmem>>, vector<16xf32>,
        %parallel_loop3A_678 = arith.mulf %parallel_loop3A_674, %parallel_loop3A_677 : vector<16xf32>
        %parallel_loop3A_679 = arith.addf %parallel_loop3A_671, %parallel_loop3A_678 : vector<16xf32>
        %parallel_loop3A_680 = arith.index_cast %parallel_loop3A_664 : i32 to index
        %parallel_loop3A_681 = arith.constant 32 : index
        %parallel_loop3A_682 = tpu.vector_load %arg10[%parallel_loop3A_680, %parallel_loop3A_681] {strides = array<i32>} : memref<208x128xf32, #tpu.memory_space<vmem>>, vector<16xf32>,
        %parallel_loop3A_683 = arith.index_cast %parallel_loop3A_664 : i32 to index
        %parallel_loop3A_684 = arith.constant 32 : index
        %parallel_loop3A_685 = tpu.vector_load %arg11[%parallel_loop3A_683, %parallel_loop3A_684] {strides = array<i32>} : memref<208x128xf32, #tpu.memory_space<vmem>>, vector<16xf32>,
        %parallel_loop3A_686 = arith.mulf %parallel_loop3A_682, %parallel_loop3A_685 : vector<16xf32>
        %parallel_loop3A_687 = arith.addf %parallel_loop3A_679, %parallel_loop3A_686 : vector<16xf32>
        %parallel_loop3A_688 = arith.index_cast %parallel_loop3A_664 : i32 to index
        %parallel_loop3A_689 = arith.constant 48 : index
        %parallel_loop3A_690 = tpu.vector_load %arg10[%parallel_loop3A_688, %parallel_loop3A_689] {strides = array<i32>} : memref<208x128xf32, #tpu.memory_space<vmem>>, vector<16xf32>,
        %parallel_loop3A_691 = arith.index_cast %parallel_loop3A_664 : i32 to index
        %parallel_loop3A_692 = arith.constant 48 : index
        %parallel_loop3A_693 = tpu.vector_load %arg11[%parallel_loop3A_691, %parallel_loop3A_692] {strides = array<i32>} : memref<208x128xf32, #tpu.memory_space<vmem>>, vector<16xf32>,
        %parallel_loop3A_694 = arith.mulf %parallel_loop3A_690, %parallel_loop3A_693 : vector<16xf32>
        %parallel_loop3A_695 = arith.addf %parallel_loop3A_687, %parallel_loop3A_694 : vector<16xf32>
        %parallel_loop3A_696 = arith.index_cast %parallel_loop3A_664 : i32 to index
        %parallel_loop3A_697 = arith.constant 64 : index
        %parallel_loop3A_698 = tpu.vector_load %arg10[%parallel_loop3A_696, %parallel_loop3A_697] {strides = array<i32>} : memref<208x128xf32, #tpu.memory_space<vmem>>, vector<16xf32>,
        %parallel_loop3A_699 = arith.index_cast %parallel_loop3A_664 : i32 to index
        %parallel_loop3A_700 = arith.constant 64 : index
        %parallel_loop3A_701 = tpu.vector_load %arg11[%parallel_loop3A_699, %parallel_loop3A_700] {strides = array<i32>} : memref<208x128xf32, #tpu.memory_space<vmem>>, vector<16xf32>,
        %parallel_loop3A_702 = arith.mulf %parallel_loop3A_698, %parallel_loop3A_701 : vector<16xf32>
        %parallel_loop3A_703 = arith.addf %parallel_loop3A_695, %parallel_loop3A_702 : vector<16xf32>
        %parallel_loop3A_704 = arith.index_cast %parallel_loop3A_664 : i32 to index
        %parallel_loop3A_705 = arith.constant 80 : index
        %parallel_loop3A_706 = tpu.vector_load %arg10[%parallel_loop3A_704, %parallel_loop3A_705] {strides = array<i32>} : memref<208x128xf32, #tpu.memory_space<vmem>>, vector<16xf32>,
        %parallel_loop3A_707 = arith.index_cast %parallel_loop3A_664 : i32 to index
        %parallel_loop3A_708 = arith.constant 80 : index
        %parallel_loop3A_709 = tpu.vector_load %arg11[%parallel_loop3A_707, %parallel_loop3A_708] {strides = array<i32>} : memref<208x128xf32, #tpu.memory_space<vmem>>, vector<16xf32>,
        %parallel_loop3A_710 = arith.mulf %parallel_loop3A_706, %parallel_loop3A_709 : vector<16xf32>
        %parallel_loop3A_711 = arith.addf %parallel_loop3A_703, %parallel_loop3A_710 : vector<16xf32>
        %parallel_loop3A_712 = arith.index_cast %parallel_loop3A_664 : i32 to index
        %parallel_loop3A_713 = arith.constant 96 : index
        %parallel_loop3A_714 = tpu.vector_load %arg10[%parallel_loop3A_712, %parallel_loop3A_713] {strides = array<i32>} : memref<208x128xf32, #tpu.memory_space<vmem>>, vector<16xf32>,
        %parallel_loop3A_715 = arith.index_cast %parallel_loop3A_664 : i32 to index
        %parallel_loop3A_716 = arith.constant 96 : index
        %parallel_loop3A_717 = tpu.vector_load %arg11[%parallel_loop3A_715, %parallel_loop3A_716] {strides = array<i32>} : memref<208x128xf32, #tpu.memory_space<vmem>>, vector<16xf32>,
        %parallel_loop3A_718 = arith.mulf %parallel_loop3A_714, %parallel_loop3A_717 : vector<16xf32>
        %parallel_loop3A_719 = arith.addf %parallel_loop3A_711, %parallel_loop3A_718 : vector<16xf32>
        %parallel_loop3A_720 = arith.index_cast %parallel_loop3A_664 : i32 to index
        %parallel_loop3A_721 = arith.constant 112 : index
        %parallel_loop3A_722 = tpu.vector_load %arg10[%parallel_loop3A_720, %parallel_loop3A_721] {strides = array<i32>} : memref<208x128xf32, #tpu.memory_space<vmem>>, vector<16xf32>,
        %parallel_loop3A_723 = arith.index_cast %parallel_loop3A_664 : i32 to index
        %parallel_loop3A_724 = arith.constant 112 : index
        %parallel_loop3A_725 = tpu.vector_load %arg11[%parallel_loop3A_723, %parallel_loop3A_724] {strides = array<i32>} : memref<208x128xf32, #tpu.memory_space<vmem>>, vector<16xf32>,
        %parallel_loop3A_726 = arith.mulf %parallel_loop3A_722, %parallel_loop3A_725 : vector<16xf32>
        %parallel_loop3A_727 = arith.addf %parallel_loop3A_719, %parallel_loop3A_726 : vector<16xf32>
        %parallel_loop3A_728 = arith.constant 119 : i32
        %parallel_loop3A_729 = arith.addi %parallel_loop3A_163, %parallel_loop3A_728 : i32
        %parallel_loop3A_730 = arith.index_cast %parallel_loop3A_729 : i32 to index
        %parallel_loop3A_731 = tpu.vector_load %arg13[%parallel_loop3A_730] {strides = array<i32>} : memref<3536xf32, #tpu.memory_space<vmem>>, vector<16xf32>,
        tpu.vector_store %arg13[%parallel_loop3A_730], %parallel_loop3A_727 {strides = array<i32>} : memref<3536xf32, #tpu.memory_space<vmem>>, vector<16xf32>,
        %parallel_loop3A_732 = arith.constant 16 : i32
        %parallel_loop3A_733 = arith.muli %parallel_loop3A_161, %parallel_loop3A_732 : i32
        %parallel_loop3A_734 = arith.constant 8 : i32
        %parallel_loop3A_735 = arith.addi %parallel_loop3A_733, %parallel_loop3A_734 : i32
        %parallel_loop3A_736 = arith.index_cast %parallel_loop3A_735 : i32 to index
        %parallel_loop3A_737 = arith.constant 0 : index
        %parallel_loop3A_738 = tpu.vector_load %arg10[%parallel_loop3A_736, %parallel_loop3A_737] {strides = array<i32>} : memref<208x128xf32, #tpu.memory_space<vmem>>, vector<16xf32>,
        %parallel_loop3A_739 = arith.index_cast %parallel_loop3A_735 : i32 to index
        %parallel_loop3A_740 = arith.constant 0 : index
        %parallel_loop3A_741 = tpu.vector_load %arg11[%parallel_loop3A_739, %parallel_loop3A_740] {strides = array<i32>} : memref<208x128xf32, #tpu.memory_space<vmem>>, vector<16xf32>,
        %parallel_loop3A_742 = arith.mulf %parallel_loop3A_738, %parallel_loop3A_741 : vector<16xf32>
        %parallel_loop3A_743 = arith.index_cast %parallel_loop3A_735 : i32 to index
        %parallel_loop3A_744 = arith.constant 16 : index
        %parallel_loop3A_745 = tpu.vector_load %arg10[%parallel_loop3A_743, %parallel_loop3A_744] {strides = array<i32>} : memref<208x128xf32, #tpu.memory_space<vmem>>, vector<16xf32>,
        %parallel_loop3A_746 = arith.index_cast %parallel_loop3A_735 : i32 to index
        %parallel_loop3A_747 = arith.constant 16 : index
        %parallel_loop3A_748 = tpu.vector_load %arg11[%parallel_loop3A_746, %parallel_loop3A_747] {strides = array<i32>} : memref<208x128xf32, #tpu.memory_space<vmem>>, vector<16xf32>,
        %parallel_loop3A_749 = arith.mulf %parallel_loop3A_745, %parallel_loop3A_748 : vector<16xf32>
        %parallel_loop3A_750 = arith.addf %parallel_loop3A_742, %parallel_loop3A_749 : vector<16xf32>
        %parallel_loop3A_751 = arith.index_cast %parallel_loop3A_735 : i32 to index
        %parallel_loop3A_752 = arith.constant 32 : index
        %parallel_loop3A_753 = tpu.vector_load %arg10[%parallel_loop3A_751, %parallel_loop3A_752] {strides = array<i32>} : memref<208x128xf32, #tpu.memory_space<vmem>>, vector<16xf32>,
        %parallel_loop3A_754 = arith.index_cast %parallel_loop3A_735 : i32 to index
        %parallel_loop3A_755 = arith.constant 32 : index
        %parallel_loop3A_756 = tpu.vector_load %arg11[%parallel_loop3A_754, %parallel_loop3A_755] {strides = array<i32>} : memref<208x128xf32, #tpu.memory_space<vmem>>, vector<16xf32>,
        %parallel_loop3A_757 = arith.mulf %parallel_loop3A_753, %parallel_loop3A_756 : vector<16xf32>
        %parallel_loop3A_758 = arith.addf %parallel_loop3A_750, %parallel_loop3A_757 : vector<16xf32>
        %parallel_loop3A_759 = arith.index_cast %parallel_loop3A_735 : i32 to index
        %parallel_loop3A_760 = arith.constant 48 : index
        %parallel_loop3A_761 = tpu.vector_load %arg10[%parallel_loop3A_759, %parallel_loop3A_760] {strides = array<i32>} : memref<208x128xf32, #tpu.memory_space<vmem>>, vector<16xf32>,
        %parallel_loop3A_762 = arith.index_cast %parallel_loop3A_735 : i32 to index
        %parallel_loop3A_763 = arith.constant 48 : index
        %parallel_loop3A_764 = tpu.vector_load %arg11[%parallel_loop3A_762, %parallel_loop3A_763] {strides = array<i32>} : memref<208x128xf32, #tpu.memory_space<vmem>>, vector<16xf32>,
        %parallel_loop3A_765 = arith.mulf %parallel_loop3A_761, %parallel_loop3A_764 : vector<16xf32>
        %parallel_loop3A_766 = arith.addf %parallel_loop3A_758, %parallel_loop3A_765 : vector<16xf32>
        %parallel_loop3A_767 = arith.index_cast %parallel_loop3A_735 : i32 to index
        %parallel_loop3A_768 = arith.constant 64 : index
        %parallel_loop3A_769 = tpu.vector_load %arg10[%parallel_loop3A_767, %parallel_loop3A_768] {strides = array<i32>} : memref<208x128xf32, #tpu.memory_space<vmem>>, vector<16xf32>,
        %parallel_loop3A_770 = arith.index_cast %parallel_loop3A_735 : i32 to index
        %parallel_loop3A_771 = arith.constant 64 : index
        %parallel_loop3A_772 = tpu.vector_load %arg11[%parallel_loop3A_770, %parallel_loop3A_771] {strides = array<i32>} : memref<208x128xf32, #tpu.memory_space<vmem>>, vector<16xf32>,
        %parallel_loop3A_773 = arith.mulf %parallel_loop3A_769, %parallel_loop3A_772 : vector<16xf32>
        %parallel_loop3A_774 = arith.addf %parallel_loop3A_766, %parallel_loop3A_773 : vector<16xf32>
        %parallel_loop3A_775 = arith.index_cast %parallel_loop3A_735 : i32 to index
        %parallel_loop3A_776 = arith.constant 80 : index
        %parallel_loop3A_777 = tpu.vector_load %arg10[%parallel_loop3A_775, %parallel_loop3A_776] {strides = array<i32>} : memref<208x128xf32, #tpu.memory_space<vmem>>, vector<16xf32>,
        %parallel_loop3A_778 = arith.index_cast %parallel_loop3A_735 : i32 to index
        %parallel_loop3A_779 = arith.constant 80 : index
        %parallel_loop3A_780 = tpu.vector_load %arg11[%parallel_loop3A_778, %parallel_loop3A_779] {strides = array<i32>} : memref<208x128xf32, #tpu.memory_space<vmem>>, vector<16xf32>,
        %parallel_loop3A_781 = arith.mulf %parallel_loop3A_777, %parallel_loop3A_780 : vector<16xf32>
        %parallel_loop3A_782 = arith.addf %parallel_loop3A_774, %parallel_loop3A_781 : vector<16xf32>
        %parallel_loop3A_783 = arith.index_cast %parallel_loop3A_735 : i32 to index
        %parallel_loop3A_784 = arith.constant 96 : index
        %parallel_loop3A_785 = tpu.vector_load %arg10[%parallel_loop3A_783, %parallel_loop3A_784] {strides = array<i32>} : memref<208x128xf32, #tpu.memory_space<vmem>>, vector<16xf32>,
        %parallel_loop3A_786 = arith.index_cast %parallel_loop3A_735 : i32 to index
        %parallel_loop3A_787 = arith.constant 96 : index
        %parallel_loop3A_788 = tpu.vector_load %arg11[%parallel_loop3A_786, %parallel_loop3A_787] {strides = array<i32>} : memref<208x128xf32, #tpu.memory_space<vmem>>, vector<16xf32>,
        %parallel_loop3A_789 = arith.mulf %parallel_loop3A_785, %parallel_loop3A_788 : vector<16xf32>
        %parallel_loop3A_790 = arith.addf %parallel_loop3A_782, %parallel_loop3A_789 : vector<16xf32>
        %parallel_loop3A_791 = arith.index_cast %parallel_loop3A_735 : i32 to index
        %parallel_loop3A_792 = arith.constant 112 : index
        %parallel_loop3A_793 = tpu.vector_load %arg10[%parallel_loop3A_791, %parallel_loop3A_792] {strides = array<i32>} : memref<208x128xf32, #tpu.memory_space<vmem>>, vector<16xf32>,
        %parallel_loop3A_794 = arith.index_cast %parallel_loop3A_735 : i32 to index
        %parallel_loop3A_795 = arith.constant 112 : index
        %parallel_loop3A_796 = tpu.vector_load %arg11[%parallel_loop3A_794, %parallel_loop3A_795] {strides = array<i32>} : memref<208x128xf32, #tpu.memory_space<vmem>>, vector<16xf32>,
        %parallel_loop3A_797 = arith.mulf %parallel_loop3A_793, %parallel_loop3A_796 : vector<16xf32>
        %parallel_loop3A_798 = arith.addf %parallel_loop3A_790, %parallel_loop3A_797 : vector<16xf32>
        %parallel_loop3A_799 = arith.constant 136 : i32
        %parallel_loop3A_800 = arith.addi %parallel_loop3A_163, %parallel_loop3A_799 : i32
        %parallel_loop3A_801 = arith.index_cast %parallel_loop3A_800 : i32 to index
        %parallel_loop3A_802 = tpu.vector_load %arg13[%parallel_loop3A_801] {strides = array<i32>} : memref<3536xf32, #tpu.memory_space<vmem>>, vector<16xf32>,
        tpu.vector_store %arg13[%parallel_loop3A_801], %parallel_loop3A_798 {strides = array<i32>} : memref<3536xf32, #tpu.memory_space<vmem>>, vector<16xf32>,
        %parallel_loop3A_803 = arith.constant 16 : i32
        %parallel_loop3A_804 = arith.muli %parallel_loop3A_161, %parallel_loop3A_803 : i32
        %parallel_loop3A_805 = arith.constant 9 : i32
        %parallel_loop3A_806 = arith.addi %parallel_loop3A_804, %parallel_loop3A_805 : i32
        %parallel_loop3A_807 = arith.index_cast %parallel_loop3A_806 : i32 to index
        %parallel_loop3A_808 = arith.constant 0 : index
        %parallel_loop3A_809 = tpu.vector_load %arg10[%parallel_loop3A_807, %parallel_loop3A_808] {strides = array<i32>} : memref<208x128xf32, #tpu.memory_space<vmem>>, vector<16xf32>,
        %parallel_loop3A_810 = arith.index_cast %parallel_loop3A_806 : i32 to index
        %parallel_loop3A_811 = arith.constant 0 : index
        %parallel_loop3A_812 = tpu.vector_load %arg11[%parallel_loop3A_810, %parallel_loop3A_811] {strides = array<i32>} : memref<208x128xf32, #tpu.memory_space<vmem>>, vector<16xf32>,
        %parallel_loop3A_813 = arith.mulf %parallel_loop3A_809, %parallel_loop3A_812 : vector<16xf32>
        %parallel_loop3A_814 = arith.index_cast %parallel_loop3A_806 : i32 to index
        %parallel_loop3A_815 = arith.constant 16 : index
        %parallel_loop3A_816 = tpu.vector_load %arg10[%parallel_loop3A_814, %parallel_loop3A_815] {strides = array<i32>} : memref<208x128xf32, #tpu.memory_space<vmem>>, vector<16xf32>,
        %parallel_loop3A_817 = arith.index_cast %parallel_loop3A_806 : i32 to index
        %parallel_loop3A_818 = arith.constant 16 : index
        %parallel_loop3A_819 = tpu.vector_load %arg11[%parallel_loop3A_817, %parallel_loop3A_818] {strides = array<i32>} : memref<208x128xf32, #tpu.memory_space<vmem>>, vector<16xf32>,
        %parallel_loop3A_820 = arith.mulf %parallel_loop3A_816, %parallel_loop3A_819 : vector<16xf32>
        %parallel_loop3A_821 = arith.addf %parallel_loop3A_813, %parallel_loop3A_820 : vector<16xf32>
        %parallel_loop3A_822 = arith.index_cast %parallel_loop3A_806 : i32 to index
        %parallel_loop3A_823 = arith.constant 32 : index
        %parallel_loop3A_824 = tpu.vector_load %arg10[%parallel_loop3A_822, %parallel_loop3A_823] {strides = array<i32>} : memref<208x128xf32, #tpu.memory_space<vmem>>, vector<16xf32>,
        %parallel_loop3A_825 = arith.index_cast %parallel_loop3A_806 : i32 to index
        %parallel_loop3A_826 = arith.constant 32 : index
        %parallel_loop3A_827 = tpu.vector_load %arg11[%parallel_loop3A_825, %parallel_loop3A_826] {strides = array<i32>} : memref<208x128xf32, #tpu.memory_space<vmem>>, vector<16xf32>,
        %parallel_loop3A_828 = arith.mulf %parallel_loop3A_824, %parallel_loop3A_827 : vector<16xf32>
        %parallel_loop3A_829 = arith.addf %parallel_loop3A_821, %parallel_loop3A_828 : vector<16xf32>
        %parallel_loop3A_830 = arith.index_cast %parallel_loop3A_806 : i32 to index
        %parallel_loop3A_831 = arith.constant 48 : index
        %parallel_loop3A_832 = tpu.vector_load %arg10[%parallel_loop3A_830, %parallel_loop3A_831] {strides = array<i32>} : memref<208x128xf32, #tpu.memory_space<vmem>>, vector<16xf32>,
        %parallel_loop3A_833 = arith.index_cast %parallel_loop3A_806 : i32 to index
        %parallel_loop3A_834 = arith.constant 48 : index
        %parallel_loop3A_835 = tpu.vector_load %arg11[%parallel_loop3A_833, %parallel_loop3A_834] {strides = array<i32>} : memref<208x128xf32, #tpu.memory_space<vmem>>, vector<16xf32>,
        %parallel_loop3A_836 = arith.mulf %parallel_loop3A_832, %parallel_loop3A_835 : vector<16xf32>
        %parallel_loop3A_837 = arith.addf %parallel_loop3A_829, %parallel_loop3A_836 : vector<16xf32>
        %parallel_loop3A_838 = arith.index_cast %parallel_loop3A_806 : i32 to index
        %parallel_loop3A_839 = arith.constant 64 : index
        %parallel_loop3A_840 = tpu.vector_load %arg10[%parallel_loop3A_838, %parallel_loop3A_839] {strides = array<i32>} : memref<208x128xf32, #tpu.memory_space<vmem>>, vector<16xf32>,
        %parallel_loop3A_841 = arith.index_cast %parallel_loop3A_806 : i32 to index
        %parallel_loop3A_842 = arith.constant 64 : index
        %parallel_loop3A_843 = tpu.vector_load %arg11[%parallel_loop3A_841, %parallel_loop3A_842] {strides = array<i32>} : memref<208x128xf32, #tpu.memory_space<vmem>>, vector<16xf32>,
        %parallel_loop3A_844 = arith.mulf %parallel_loop3A_840, %parallel_loop3A_843 : vector<16xf32>
        %parallel_loop3A_845 = arith.addf %parallel_loop3A_837, %parallel_loop3A_844 : vector<16xf32>
        %parallel_loop3A_846 = arith.index_cast %parallel_loop3A_806 : i32 to index
        %parallel_loop3A_847 = arith.constant 80 : index
        %parallel_loop3A_848 = tpu.vector_load %arg10[%parallel_loop3A_846, %parallel_loop3A_847] {strides = array<i32>} : memref<208x128xf32, #tpu.memory_space<vmem>>, vector<16xf32>,
        %parallel_loop3A_849 = arith.index_cast %parallel_loop3A_806 : i32 to index
        %parallel_loop3A_850 = arith.constant 80 : index
        %parallel_loop3A_851 = tpu.vector_load %arg11[%parallel_loop3A_849, %parallel_loop3A_850] {strides = array<i32>} : memref<208x128xf32, #tpu.memory_space<vmem>>, vector<16xf32>,
        %parallel_loop3A_852 = arith.mulf %parallel_loop3A_848, %parallel_loop3A_851 : vector<16xf32>
        %parallel_loop3A_853 = arith.addf %parallel_loop3A_845, %parallel_loop3A_852 : vector<16xf32>
        %parallel_loop3A_854 = arith.index_cast %parallel_loop3A_806 : i32 to index
        %parallel_loop3A_855 = arith.constant 96 : index
        %parallel_loop3A_856 = tpu.vector_load %arg10[%parallel_loop3A_854, %parallel_loop3A_855] {strides = array<i32>} : memref<208x128xf32, #tpu.memory_space<vmem>>, vector<16xf32>,
        %parallel_loop3A_857 = arith.index_cast %parallel_loop3A_806 : i32 to index
        %parallel_loop3A_858 = arith.constant 96 : index
        %parallel_loop3A_859 = tpu.vector_load %arg11[%parallel_loop3A_857, %parallel_loop3A_858] {strides = array<i32>} : memref<208x128xf32, #tpu.memory_space<vmem>>, vector<16xf32>,
        %parallel_loop3A_860 = arith.mulf %parallel_loop3A_856, %parallel_loop3A_859 : vector<16xf32>
        %parallel_loop3A_861 = arith.addf %parallel_loop3A_853, %parallel_loop3A_860 : vector<16xf32>
        %parallel_loop3A_862 = arith.index_cast %parallel_loop3A_806 : i32 to index
        %parallel_loop3A_863 = arith.constant 112 : index
        %parallel_loop3A_864 = tpu.vector_load %arg10[%parallel_loop3A_862, %parallel_loop3A_863] {strides = array<i32>} : memref<208x128xf32, #tpu.memory_space<vmem>>, vector<16xf32>,
        %parallel_loop3A_865 = arith.index_cast %parallel_loop3A_806 : i32 to index
        %parallel_loop3A_866 = arith.constant 112 : index
        %parallel_loop3A_867 = tpu.vector_load %arg11[%parallel_loop3A_865, %parallel_loop3A_866] {strides = array<i32>} : memref<208x128xf32, #tpu.memory_space<vmem>>, vector<16xf32>,
        %parallel_loop3A_868 = arith.mulf %parallel_loop3A_864, %parallel_loop3A_867 : vector<16xf32>
        %parallel_loop3A_869 = arith.addf %parallel_loop3A_861, %parallel_loop3A_868 : vector<16xf32>
        %parallel_loop3A_870 = arith.constant 153 : i32
        %parallel_loop3A_871 = arith.addi %parallel_loop3A_163, %parallel_loop3A_870 : i32
        %parallel_loop3A_872 = arith.index_cast %parallel_loop3A_871 : i32 to index
        %parallel_loop3A_873 = tpu.vector_load %arg13[%parallel_loop3A_872] {strides = array<i32>} : memref<3536xf32, #tpu.memory_space<vmem>>, vector<16xf32>,
        tpu.vector_store %arg13[%parallel_loop3A_872], %parallel_loop3A_869 {strides = array<i32>} : memref<3536xf32, #tpu.memory_space<vmem>>, vector<16xf32>,
        %parallel_loop3A_874 = arith.constant 16 : i32
        %parallel_loop3A_875 = arith.muli %parallel_loop3A_161, %parallel_loop3A_874 : i32
        %parallel_loop3A_876 = arith.constant 10 : i32
        %parallel_loop3A_877 = arith.addi %parallel_loop3A_875, %parallel_loop3A_876 : i32
        %parallel_loop3A_878 = arith.index_cast %parallel_loop3A_877 : i32 to index
        %parallel_loop3A_879 = arith.constant 0 : index
        %parallel_loop3A_880 = tpu.vector_load %arg10[%parallel_loop3A_878, %parallel_loop3A_879] {strides = array<i32>} : memref<208x128xf32, #tpu.memory_space<vmem>>, vector<16xf32>,
        %parallel_loop3A_881 = arith.index_cast %parallel_loop3A_877 : i32 to index
        %parallel_loop3A_882 = arith.constant 0 : index
        %parallel_loop3A_883 = tpu.vector_load %arg11[%parallel_loop3A_881, %parallel_loop3A_882] {strides = array<i32>} : memref<208x128xf32, #tpu.memory_space<vmem>>, vector<16xf32>,
        %parallel_loop3A_884 = arith.mulf %parallel_loop3A_880, %parallel_loop3A_883 : vector<16xf32>
        %parallel_loop3A_885 = arith.index_cast %parallel_loop3A_877 : i32 to index
        %parallel_loop3A_886 = arith.constant 16 : index
        %parallel_loop3A_887 = tpu.vector_load %arg10[%parallel_loop3A_885, %parallel_loop3A_886] {strides = array<i32>} : memref<208x128xf32, #tpu.memory_space<vmem>>, vector<16xf32>,
        %parallel_loop3A_888 = arith.index_cast %parallel_loop3A_877 : i32 to index
        %parallel_loop3A_889 = arith.constant 16 : index
        %parallel_loop3A_890 = tpu.vector_load %arg11[%parallel_loop3A_888, %parallel_loop3A_889] {strides = array<i32>} : memref<208x128xf32, #tpu.memory_space<vmem>>, vector<16xf32>,
        %parallel_loop3A_891 = arith.mulf %parallel_loop3A_887, %parallel_loop3A_890 : vector<16xf32>
        %parallel_loop3A_892 = arith.addf %parallel_loop3A_884, %parallel_loop3A_891 : vector<16xf32>
        %parallel_loop3A_893 = arith.index_cast %parallel_loop3A_877 : i32 to index
        %parallel_loop3A_894 = arith.constant 32 : index
        %parallel_loop3A_895 = tpu.vector_load %arg10[%parallel_loop3A_893, %parallel_loop3A_894] {strides = array<i32>} : memref<208x128xf32, #tpu.memory_space<vmem>>, vector<16xf32>,
        %parallel_loop3A_896 = arith.index_cast %parallel_loop3A_877 : i32 to index
        %parallel_loop3A_897 = arith.constant 32 : index
        %parallel_loop3A_898 = tpu.vector_load %arg11[%parallel_loop3A_896, %parallel_loop3A_897] {strides = array<i32>} : memref<208x128xf32, #tpu.memory_space<vmem>>, vector<16xf32>,
        %parallel_loop3A_899 = arith.mulf %parallel_loop3A_895, %parallel_loop3A_898 : vector<16xf32>
        %parallel_loop3A_900 = arith.addf %parallel_loop3A_892, %parallel_loop3A_899 : vector<16xf32>
        %parallel_loop3A_901 = arith.index_cast %parallel_loop3A_877 : i32 to index
        %parallel_loop3A_902 = arith.constant 48 : index
        %parallel_loop3A_903 = tpu.vector_load %arg10[%parallel_loop3A_901, %parallel_loop3A_902] {strides = array<i32>} : memref<208x128xf32, #tpu.memory_space<vmem>>, vector<16xf32>,
        %parallel_loop3A_904 = arith.index_cast %parallel_loop3A_877 : i32 to index
        %parallel_loop3A_905 = arith.constant 48 : index
        %parallel_loop3A_906 = tpu.vector_load %arg11[%parallel_loop3A_904, %parallel_loop3A_905] {strides = array<i32>} : memref<208x128xf32, #tpu.memory_space<vmem>>, vector<16xf32>,
        %parallel_loop3A_907 = arith.mulf %parallel_loop3A_903, %parallel_loop3A_906 : vector<16xf32>
        %parallel_loop3A_908 = arith.addf %parallel_loop3A_900, %parallel_loop3A_907 : vector<16xf32>
        %parallel_loop3A_909 = arith.index_cast %parallel_loop3A_877 : i32 to index
        %parallel_loop3A_910 = arith.constant 64 : index
        %parallel_loop3A_911 = tpu.vector_load %arg10[%parallel_loop3A_909, %parallel_loop3A_910] {strides = array<i32>} : memref<208x128xf32, #tpu.memory_space<vmem>>, vector<16xf32>,
        %parallel_loop3A_912 = arith.index_cast %parallel_loop3A_877 : i32 to index
        %parallel_loop3A_913 = arith.constant 64 : index
        %parallel_loop3A_914 = tpu.vector_load %arg11[%parallel_loop3A_912, %parallel_loop3A_913] {strides = array<i32>} : memref<208x128xf32, #tpu.memory_space<vmem>>, vector<16xf32>,
        %parallel_loop3A_915 = arith.mulf %parallel_loop3A_911, %parallel_loop3A_914 : vector<16xf32>
        %parallel_loop3A_916 = arith.addf %parallel_loop3A_908, %parallel_loop3A_915 : vector<16xf32>
        %parallel_loop3A_917 = arith.index_cast %parallel_loop3A_877 : i32 to index
        %parallel_loop3A_918 = arith.constant 80 : index
        %parallel_loop3A_919 = tpu.vector_load %arg10[%parallel_loop3A_917, %parallel_loop3A_918] {strides = array<i32>} : memref<208x128xf32, #tpu.memory_space<vmem>>, vector<16xf32>,
        %parallel_loop3A_920 = arith.index_cast %parallel_loop3A_877 : i32 to index
        %parallel_loop3A_921 = arith.constant 80 : index
        %parallel_loop3A_922 = tpu.vector_load %arg11[%parallel_loop3A_920, %parallel_loop3A_921] {strides = array<i32>} : memref<208x128xf32, #tpu.memory_space<vmem>>, vector<16xf32>,
        %parallel_loop3A_923 = arith.mulf %parallel_loop3A_919, %parallel_loop3A_922 : vector<16xf32>
        %parallel_loop3A_924 = arith.addf %parallel_loop3A_916, %parallel_loop3A_923 : vector<16xf32>
        %parallel_loop3A_925 = arith.index_cast %parallel_loop3A_877 : i32 to index
        %parallel_loop3A_926 = arith.constant 96 : index
        %parallel_loop3A_927 = tpu.vector_load %arg10[%parallel_loop3A_925, %parallel_loop3A_926] {strides = array<i32>} : memref<208x128xf32, #tpu.memory_space<vmem>>, vector<16xf32>,
        %parallel_loop3A_928 = arith.index_cast %parallel_loop3A_877 : i32 to index
        %parallel_loop3A_929 = arith.constant 96 : index
        %parallel_loop3A_930 = tpu.vector_load %arg11[%parallel_loop3A_928, %parallel_loop3A_929] {strides = array<i32>} : memref<208x128xf32, #tpu.memory_space<vmem>>, vector<16xf32>,
        %parallel_loop3A_931 = arith.mulf %parallel_loop3A_927, %parallel_loop3A_930 : vector<16xf32>
        %parallel_loop3A_932 = arith.addf %parallel_loop3A_924, %parallel_loop3A_931 : vector<16xf32>
        %parallel_loop3A_933 = arith.index_cast %parallel_loop3A_877 : i32 to index
        %parallel_loop3A_934 = arith.constant 112 : index
        %parallel_loop3A_935 = tpu.vector_load %arg10[%parallel_loop3A_933, %parallel_loop3A_934] {strides = array<i32>} : memref<208x128xf32, #tpu.memory_space<vmem>>, vector<16xf32>,
        %parallel_loop3A_936 = arith.index_cast %parallel_loop3A_877 : i32 to index
        %parallel_loop3A_937 = arith.constant 112 : index
        %parallel_loop3A_938 = tpu.vector_load %arg11[%parallel_loop3A_936, %parallel_loop3A_937] {strides = array<i32>} : memref<208x128xf32, #tpu.memory_space<vmem>>, vector<16xf32>,
        %parallel_loop3A_939 = arith.mulf %parallel_loop3A_935, %parallel_loop3A_938 : vector<16xf32>
        %parallel_loop3A_940 = arith.addf %parallel_loop3A_932, %parallel_loop3A_939 : vector<16xf32>
        %parallel_loop3A_941 = arith.constant 170 : i32
        %parallel_loop3A_942 = arith.addi %parallel_loop3A_163, %parallel_loop3A_941 : i32
        %parallel_loop3A_943 = arith.index_cast %parallel_loop3A_942 : i32 to index
        %parallel_loop3A_944 = tpu.vector_load %arg13[%parallel_loop3A_943] {strides = array<i32>} : memref<3536xf32, #tpu.memory_space<vmem>>, vector<16xf32>,
        tpu.vector_store %arg13[%parallel_loop3A_943], %parallel_loop3A_940 {strides = array<i32>} : memref<3536xf32, #tpu.memory_space<vmem>>, vector<16xf32>,
        %parallel_loop3A_945 = arith.constant 16 : i32
        %parallel_loop3A_946 = arith.muli %parallel_loop3A_161, %parallel_loop3A_945 : i32
        %parallel_loop3A_947 = arith.constant 11 : i32
        %parallel_loop3A_948 = arith.addi %parallel_loop3A_946, %parallel_loop3A_947 : i32
        %parallel_loop3A_949 = arith.index_cast %parallel_loop3A_948 : i32 to index
        %parallel_loop3A_950 = arith.constant 0 : index
        %parallel_loop3A_951 = tpu.vector_load %arg10[%parallel_loop3A_949, %parallel_loop3A_950] {strides = array<i32>} : memref<208x128xf32, #tpu.memory_space<vmem>>, vector<16xf32>,
        %parallel_loop3A_952 = arith.index_cast %parallel_loop3A_948 : i32 to index
        %parallel_loop3A_953 = arith.constant 0 : index
        %parallel_loop3A_954 = tpu.vector_load %arg11[%parallel_loop3A_952, %parallel_loop3A_953] {strides = array<i32>} : memref<208x128xf32, #tpu.memory_space<vmem>>, vector<16xf32>,
        %parallel_loop3A_955 = arith.mulf %parallel_loop3A_951, %parallel_loop3A_954 : vector<16xf32>
        %parallel_loop3A_956 = arith.index_cast %parallel_loop3A_948 : i32 to index
        %parallel_loop3A_957 = arith.constant 16 : index
        %parallel_loop3A_958 = tpu.vector_load %arg10[%parallel_loop3A_956, %parallel_loop3A_957] {strides = array<i32>} : memref<208x128xf32, #tpu.memory_space<vmem>>, vector<16xf32>,
        %parallel_loop3A_959 = arith.index_cast %parallel_loop3A_948 : i32 to index
        %parallel_loop3A_960 = arith.constant 16 : index
        %parallel_loop3A_961 = tpu.vector_load %arg11[%parallel_loop3A_959, %parallel_loop3A_960] {strides = array<i32>} : memref<208x128xf32, #tpu.memory_space<vmem>>, vector<16xf32>,
        %parallel_loop3A_962 = arith.mulf %parallel_loop3A_958, %parallel_loop3A_961 : vector<16xf32>
        %parallel_loop3A_963 = arith.addf %parallel_loop3A_955, %parallel_loop3A_962 : vector<16xf32>
        %parallel_loop3A_964 = arith.index_cast %parallel_loop3A_948 : i32 to index
        %parallel_loop3A_965 = arith.constant 32 : index
        %parallel_loop3A_966 = tpu.vector_load %arg10[%parallel_loop3A_964, %parallel_loop3A_965] {strides = array<i32>} : memref<208x128xf32, #tpu.memory_space<vmem>>, vector<16xf32>,
        %parallel_loop3A_967 = arith.index_cast %parallel_loop3A_948 : i32 to index
        %parallel_loop3A_968 = arith.constant 32 : index
        %parallel_loop3A_969 = tpu.vector_load %arg11[%parallel_loop3A_967, %parallel_loop3A_968] {strides = array<i32>} : memref<208x128xf32, #tpu.memory_space<vmem>>, vector<16xf32>,
        %parallel_loop3A_970 = arith.mulf %parallel_loop3A_966, %parallel_loop3A_969 : vector<16xf32>
        %parallel_loop3A_971 = arith.addf %parallel_loop3A_963, %parallel_loop3A_970 : vector<16xf32>
        %parallel_loop3A_972 = arith.index_cast %parallel_loop3A_948 : i32 to index
        %parallel_loop3A_973 = arith.constant 48 : index
        %parallel_loop3A_974 = tpu.vector_load %arg10[%parallel_loop3A_972, %parallel_loop3A_973] {strides = array<i32>} : memref<208x128xf32, #tpu.memory_space<vmem>>, vector<16xf32>,
        %parallel_loop3A_975 = arith.index_cast %parallel_loop3A_948 : i32 to index
        %parallel_loop3A_976 = arith.constant 48 : index
        %parallel_loop3A_977 = tpu.vector_load %arg11[%parallel_loop3A_975, %parallel_loop3A_976] {strides = array<i32>} : memref<208x128xf32, #tpu.memory_space<vmem>>, vector<16xf32>,
        %parallel_loop3A_978 = arith.mulf %parallel_loop3A_974, %parallel_loop3A_977 : vector<16xf32>
        %parallel_loop3A_979 = arith.addf %parallel_loop3A_971, %parallel_loop3A_978 : vector<16xf32>
        %parallel_loop3A_980 = arith.index_cast %parallel_loop3A_948 : i32 to index
        %parallel_loop3A_981 = arith.constant 64 : index
        %parallel_loop3A_982 = tpu.vector_load %arg10[%parallel_loop3A_980, %parallel_loop3A_981] {strides = array<i32>} : memref<208x128xf32, #tpu.memory_space<vmem>>, vector<16xf32>,
        %parallel_loop3A_983 = arith.index_cast %parallel_loop3A_948 : i32 to index
        %parallel_loop3A_984 = arith.constant 64 : index
        %parallel_loop3A_985 = tpu.vector_load %arg11[%parallel_loop3A_983, %parallel_loop3A_984] {strides = array<i32>} : memref<208x128xf32, #tpu.memory_space<vmem>>, vector<16xf32>,
        %parallel_loop3A_986 = arith.mulf %parallel_loop3A_982, %parallel_loop3A_985 : vector<16xf32>
        %parallel_loop3A_987 = arith.addf %parallel_loop3A_979, %parallel_loop3A_986 : vector<16xf32>
        %parallel_loop3A_988 = arith.index_cast %parallel_loop3A_948 : i32 to index
        %parallel_loop3A_989 = arith.constant 80 : index
        %parallel_loop3A_990 = tpu.vector_load %arg10[%parallel_loop3A_988, %parallel_loop3A_989] {strides = array<i32>} : memref<208x128xf32, #tpu.memory_space<vmem>>, vector<16xf32>,
        %parallel_loop3A_991 = arith.index_cast %parallel_loop3A_948 : i32 to index
        %parallel_loop3A_992 = arith.constant 80 : index
        %parallel_loop3A_993 = tpu.vector_load %arg11[%parallel_loop3A_991, %parallel_loop3A_992] {strides = array<i32>} : memref<208x128xf32, #tpu.memory_space<vmem>>, vector<16xf32>,
        %parallel_loop3A_994 = arith.mulf %parallel_loop3A_990, %parallel_loop3A_993 : vector<16xf32>
        %parallel_loop3A_995 = arith.addf %parallel_loop3A_987, %parallel_loop3A_994 : vector<16xf32>
        %parallel_loop3A_996 = arith.index_cast %parallel_loop3A_948 : i32 to index
        %parallel_loop3A_997 = arith.constant 96 : index
        %parallel_loop3A_998 = tpu.vector_load %arg10[%parallel_loop3A_996, %parallel_loop3A_997] {strides = array<i32>} : memref<208x128xf32, #tpu.memory_space<vmem>>, vector<16xf32>,
        %parallel_loop3A_999 = arith.index_cast %parallel_loop3A_948 : i32 to index
        %parallel_loop3A_1000 = arith.constant 96 : index
        %parallel_loop3A_1001 = tpu.vector_load %arg11[%parallel_loop3A_999, %parallel_loop3A_1000] {strides = array<i32>} : memref<208x128xf32, #tpu.memory_space<vmem>>, vector<16xf32>,
        %parallel_loop3A_1002 = arith.mulf %parallel_loop3A_998, %parallel_loop3A_1001 : vector<16xf32>
        %parallel_loop3A_1003 = arith.addf %parallel_loop3A_995, %parallel_loop3A_1002 : vector<16xf32>
        %parallel_loop3A_1004 = arith.index_cast %parallel_loop3A_948 : i32 to index
        %parallel_loop3A_1005 = arith.constant 112 : index
        %parallel_loop3A_1006 = tpu.vector_load %arg10[%parallel_loop3A_1004, %parallel_loop3A_1005] {strides = array<i32>} : memref<208x128xf32, #tpu.memory_space<vmem>>, vector<16xf32>,
        %parallel_loop3A_1007 = arith.index_cast %parallel_loop3A_948 : i32 to index
        %parallel_loop3A_1008 = arith.constant 112 : index
        %parallel_loop3A_1009 = tpu.vector_load %arg11[%parallel_loop3A_1007, %parallel_loop3A_1008] {strides = array<i32>} : memref<208x128xf32, #tpu.memory_space<vmem>>, vector<16xf32>,
        %parallel_loop3A_1010 = arith.mulf %parallel_loop3A_1006, %parallel_loop3A_1009 : vector<16xf32>
        %parallel_loop3A_1011 = arith.addf %parallel_loop3A_1003, %parallel_loop3A_1010 : vector<16xf32>
        %parallel_loop3A_1012 = arith.constant 187 : i32
        %parallel_loop3A_1013 = arith.addi %parallel_loop3A_163, %parallel_loop3A_1012 : i32
        %parallel_loop3A_1014 = arith.index_cast %parallel_loop3A_1013 : i32 to index
        %parallel_loop3A_1015 = tpu.vector_load %arg13[%parallel_loop3A_1014] {strides = array<i32>} : memref<3536xf32, #tpu.memory_space<vmem>>, vector<16xf32>,
        tpu.vector_store %arg13[%parallel_loop3A_1014], %parallel_loop3A_1011 {strides = array<i32>} : memref<3536xf32, #tpu.memory_space<vmem>>, vector<16xf32>,
        %parallel_loop3A_1016 = arith.constant 16 : i32
        %parallel_loop3A_1017 = arith.muli %parallel_loop3A_161, %parallel_loop3A_1016 : i32
        %parallel_loop3A_1018 = arith.constant 12 : i32
        %parallel_loop3A_1019 = arith.addi %parallel_loop3A_1017, %parallel_loop3A_1018 : i32
        %parallel_loop3A_1020 = arith.index_cast %parallel_loop3A_1019 : i32 to index
        %parallel_loop3A_1021 = arith.constant 0 : index
        %parallel_loop3A_1022 = tpu.vector_load %arg10[%parallel_loop3A_1020, %parallel_loop3A_1021] {strides = array<i32>} : memref<208x128xf32, #tpu.memory_space<vmem>>, vector<16xf32>,
        %parallel_loop3A_1023 = arith.index_cast %parallel_loop3A_1019 : i32 to index
        %parallel_loop3A_1024 = arith.constant 0 : index
        %parallel_loop3A_1025 = tpu.vector_load %arg11[%parallel_loop3A_1023, %parallel_loop3A_1024] {strides = array<i32>} : memref<208x128xf32, #tpu.memory_space<vmem>>, vector<16xf32>,
        %parallel_loop3A_1026 = arith.mulf %parallel_loop3A_1022, %parallel_loop3A_1025 : vector<16xf32>
        %parallel_loop3A_1027 = arith.index_cast %parallel_loop3A_1019 : i32 to index
        %parallel_loop3A_1028 = arith.constant 16 : index
        %parallel_loop3A_1029 = tpu.vector_load %arg10[%parallel_loop3A_1027, %parallel_loop3A_1028] {strides = array<i32>} : memref<208x128xf32, #tpu.memory_space<vmem>>, vector<16xf32>,
        %parallel_loop3A_1030 = arith.index_cast %parallel_loop3A_1019 : i32 to index
        %parallel_loop3A_1031 = arith.constant 16 : index
        %parallel_loop3A_1032 = tpu.vector_load %arg11[%parallel_loop3A_1030, %parallel_loop3A_1031] {strides = array<i32>} : memref<208x128xf32, #tpu.memory_space<vmem>>, vector<16xf32>,
        %parallel_loop3A_1033 = arith.mulf %parallel_loop3A_1029, %parallel_loop3A_1032 : vector<16xf32>
        %parallel_loop3A_1034 = arith.addf %parallel_loop3A_1026, %parallel_loop3A_1033 : vector<16xf32>
        %parallel_loop3A_1035 = arith.index_cast %parallel_loop3A_1019 : i32 to index
        %parallel_loop3A_1036 = arith.constant 32 : index
        %parallel_loop3A_1037 = tpu.vector_load %arg10[%parallel_loop3A_1035, %parallel_loop3A_1036] {strides = array<i32>} : memref<208x128xf32, #tpu.memory_space<vmem>>, vector<16xf32>,
        %parallel_loop3A_1038 = arith.index_cast %parallel_loop3A_1019 : i32 to index
        %parallel_loop3A_1039 = arith.constant 32 : index
        %parallel_loop3A_1040 = tpu.vector_load %arg11[%parallel_loop3A_1038, %parallel_loop3A_1039] {strides = array<i32>} : memref<208x128xf32, #tpu.memory_space<vmem>>, vector<16xf32>,
        %parallel_loop3A_1041 = arith.mulf %parallel_loop3A_1037, %parallel_loop3A_1040 : vector<16xf32>
        %parallel_loop3A_1042 = arith.addf %parallel_loop3A_1034, %parallel_loop3A_1041 : vector<16xf32>
        %parallel_loop3A_1043 = arith.index_cast %parallel_loop3A_1019 : i32 to index
        %parallel_loop3A_1044 = arith.constant 48 : index
        %parallel_loop3A_1045 = tpu.vector_load %arg10[%parallel_loop3A_1043, %parallel_loop3A_1044] {strides = array<i32>} : memref<208x128xf32, #tpu.memory_space<vmem>>, vector<16xf32>,
        %parallel_loop3A_1046 = arith.index_cast %parallel_loop3A_1019 : i32 to index
        %parallel_loop3A_1047 = arith.constant 48 : index
        %parallel_loop3A_1048 = tpu.vector_load %arg11[%parallel_loop3A_1046, %parallel_loop3A_1047] {strides = array<i32>} : memref<208x128xf32, #tpu.memory_space<vmem>>, vector<16xf32>,
        %parallel_loop3A_1049 = arith.mulf %parallel_loop3A_1045, %parallel_loop3A_1048 : vector<16xf32>
        %parallel_loop3A_1050 = arith.addf %parallel_loop3A_1042, %parallel_loop3A_1049 : vector<16xf32>
        %parallel_loop3A_1051 = arith.index_cast %parallel_loop3A_1019 : i32 to index
        %parallel_loop3A_1052 = arith.constant 64 : index
        %parallel_loop3A_1053 = tpu.vector_load %arg10[%parallel_loop3A_1051, %parallel_loop3A_1052] {strides = array<i32>} : memref<208x128xf32, #tpu.memory_space<vmem>>, vector<16xf32>,
        %parallel_loop3A_1054 = arith.index_cast %parallel_loop3A_1019 : i32 to index
        %parallel_loop3A_1055 = arith.constant 64 : index
        %parallel_loop3A_1056 = tpu.vector_load %arg11[%parallel_loop3A_1054, %parallel_loop3A_1055] {strides = array<i32>} : memref<208x128xf32, #tpu.memory_space<vmem>>, vector<16xf32>,
        %parallel_loop3A_1057 = arith.mulf %parallel_loop3A_1053, %parallel_loop3A_1056 : vector<16xf32>
        %parallel_loop3A_1058 = arith.addf %parallel_loop3A_1050, %parallel_loop3A_1057 : vector<16xf32>
        %parallel_loop3A_1059 = arith.index_cast %parallel_loop3A_1019 : i32 to index
        %parallel_loop3A_1060 = arith.constant 80 : index
        %parallel_loop3A_1061 = tpu.vector_load %arg10[%parallel_loop3A_1059, %parallel_loop3A_1060] {strides = array<i32>} : memref<208x128xf32, #tpu.memory_space<vmem>>, vector<16xf32>,
        %parallel_loop3A_1062 = arith.index_cast %parallel_loop3A_1019 : i32 to index
        %parallel_loop3A_1063 = arith.constant 80 : index
        %parallel_loop3A_1064 = tpu.vector_load %arg11[%parallel_loop3A_1062, %parallel_loop3A_1063] {strides = array<i32>} : memref<208x128xf32, #tpu.memory_space<vmem>>, vector<16xf32>,
        %parallel_loop3A_1065 = arith.mulf %parallel_loop3A_1061, %parallel_loop3A_1064 : vector<16xf32>
        %parallel_loop3A_1066 = arith.addf %parallel_loop3A_1058, %parallel_loop3A_1065 : vector<16xf32>
        %parallel_loop3A_1067 = arith.index_cast %parallel_loop3A_1019 : i32 to index
        %parallel_loop3A_1068 = arith.constant 96 : index
        %parallel_loop3A_1069 = tpu.vector_load %arg10[%parallel_loop3A_1067, %parallel_loop3A_1068] {strides = array<i32>} : memref<208x128xf32, #tpu.memory_space<vmem>>, vector<16xf32>,
        %parallel_loop3A_1070 = arith.index_cast %parallel_loop3A_1019 : i32 to index
        %parallel_loop3A_1071 = arith.constant 96 : index
        %parallel_loop3A_1072 = tpu.vector_load %arg11[%parallel_loop3A_1070, %parallel_loop3A_1071] {strides = array<i32>} : memref<208x128xf32, #tpu.memory_space<vmem>>, vector<16xf32>,
        %parallel_loop3A_1073 = arith.mulf %parallel_loop3A_1069, %parallel_loop3A_1072 : vector<16xf32>
        %parallel_loop3A_1074 = arith.addf %parallel_loop3A_1066, %parallel_loop3A_1073 : vector<16xf32>
        %parallel_loop3A_1075 = arith.index_cast %parallel_loop3A_1019 : i32 to index
        %parallel_loop3A_1076 = arith.constant 112 : index
        %parallel_loop3A_1077 = tpu.vector_load %arg10[%parallel_loop3A_1075, %parallel_loop3A_1076] {strides = array<i32>} : memref<208x128xf32, #tpu.memory_space<vmem>>, vector<16xf32>,
        %parallel_loop3A_1078 = arith.index_cast %parallel_loop3A_1019 : i32 to index
        %parallel_loop3A_1079 = arith.constant 112 : index
        %parallel_loop3A_1080 = tpu.vector_load %arg11[%parallel_loop3A_1078, %parallel_loop3A_1079] {strides = array<i32>} : memref<208x128xf32, #tpu.memory_space<vmem>>, vector<16xf32>,
        %parallel_loop3A_1081 = arith.mulf %parallel_loop3A_1077, %parallel_loop3A_1080 : vector<16xf32>
        %parallel_loop3A_1082 = arith.addf %parallel_loop3A_1074, %parallel_loop3A_1081 : vector<16xf32>
        %parallel_loop3A_1083 = arith.constant 204 : i32
        %parallel_loop3A_1084 = arith.addi %parallel_loop3A_163, %parallel_loop3A_1083 : i32
        %parallel_loop3A_1085 = arith.index_cast %parallel_loop3A_1084 : i32 to index
        %parallel_loop3A_1086 = tpu.vector_load %arg13[%parallel_loop3A_1085] {strides = array<i32>} : memref<3536xf32, #tpu.memory_space<vmem>>, vector<16xf32>,
        tpu.vector_store %arg13[%parallel_loop3A_1085], %parallel_loop3A_1082 {strides = array<i32>} : memref<3536xf32, #tpu.memory_space<vmem>>, vector<16xf32>,
        %parallel_loop3A_1087 = arith.constant 16 : i32
        %parallel_loop3A_1088 = arith.muli %parallel_loop3A_161, %parallel_loop3A_1087 : i32
        %parallel_loop3A_1089 = arith.constant 13 : i32
        %parallel_loop3A_1090 = arith.addi %parallel_loop3A_1088, %parallel_loop3A_1089 : i32
        %parallel_loop3A_1091 = arith.index_cast %parallel_loop3A_1090 : i32 to index
        %parallel_loop3A_1092 = arith.constant 0 : index
        %parallel_loop3A_1093 = tpu.vector_load %arg10[%parallel_loop3A_1091, %parallel_loop3A_1092] {strides = array<i32>} : memref<208x128xf32, #tpu.memory_space<vmem>>, vector<16xf32>,
        %parallel_loop3A_1094 = arith.index_cast %parallel_loop3A_1090 : i32 to index
        %parallel_loop3A_1095 = arith.constant 0 : index
        %parallel_loop3A_1096 = tpu.vector_load %arg11[%parallel_loop3A_1094, %parallel_loop3A_1095] {strides = array<i32>} : memref<208x128xf32, #tpu.memory_space<vmem>>, vector<16xf32>,
        %parallel_loop3A_1097 = arith.mulf %parallel_loop3A_1093, %parallel_loop3A_1096 : vector<16xf32>
        %parallel_loop3A_1098 = arith.index_cast %parallel_loop3A_1090 : i32 to index
        %parallel_loop3A_1099 = arith.constant 16 : index
        %parallel_loop3A_1100 = tpu.vector_load %arg10[%parallel_loop3A_1098, %parallel_loop3A_1099] {strides = array<i32>} : memref<208x128xf32, #tpu.memory_space<vmem>>, vector<16xf32>,
        %parallel_loop3A_1101 = arith.index_cast %parallel_loop3A_1090 : i32 to index
        %parallel_loop3A_1102 = arith.constant 16 : index
        %parallel_loop3A_1103 = tpu.vector_load %arg11[%parallel_loop3A_1101, %parallel_loop3A_1102] {strides = array<i32>} : memref<208x128xf32, #tpu.memory_space<vmem>>, vector<16xf32>,
        %parallel_loop3A_1104 = arith.mulf %parallel_loop3A_1100, %parallel_loop3A_1103 : vector<16xf32>
        %parallel_loop3A_1105 = arith.addf %parallel_loop3A_1097, %parallel_loop3A_1104 : vector<16xf32>
        %parallel_loop3A_1106 = arith.index_cast %parallel_loop3A_1090 : i32 to index
        %parallel_loop3A_1107 = arith.constant 32 : index
        %parallel_loop3A_1108 = tpu.vector_load %arg10[%parallel_loop3A_1106, %parallel_loop3A_1107] {strides = array<i32>} : memref<208x128xf32, #tpu.memory_space<vmem>>, vector<16xf32>,
        %parallel_loop3A_1109 = arith.index_cast %parallel_loop3A_1090 : i32 to index
        %parallel_loop3A_1110 = arith.constant 32 : index
        %parallel_loop3A_1111 = tpu.vector_load %arg11[%parallel_loop3A_1109, %parallel_loop3A_1110] {strides = array<i32>} : memref<208x128xf32, #tpu.memory_space<vmem>>, vector<16xf32>,
        %parallel_loop3A_1112 = arith.mulf %parallel_loop3A_1108, %parallel_loop3A_1111 : vector<16xf32>
        %parallel_loop3A_1113 = arith.addf %parallel_loop3A_1105, %parallel_loop3A_1112 : vector<16xf32>
        %parallel_loop3A_1114 = arith.index_cast %parallel_loop3A_1090 : i32 to index
        %parallel_loop3A_1115 = arith.constant 48 : index
        %parallel_loop3A_1116 = tpu.vector_load %arg10[%parallel_loop3A_1114, %parallel_loop3A_1115] {strides = array<i32>} : memref<208x128xf32, #tpu.memory_space<vmem>>, vector<16xf32>,
        %parallel_loop3A_1117 = arith.index_cast %parallel_loop3A_1090 : i32 to index
        %parallel_loop3A_1118 = arith.constant 48 : index
        %parallel_loop3A_1119 = tpu.vector_load %arg11[%parallel_loop3A_1117, %parallel_loop3A_1118] {strides = array<i32>} : memref<208x128xf32, #tpu.memory_space<vmem>>, vector<16xf32>,
        %parallel_loop3A_1120 = arith.mulf %parallel_loop3A_1116, %parallel_loop3A_1119 : vector<16xf32>
        %parallel_loop3A_1121 = arith.addf %parallel_loop3A_1113, %parallel_loop3A_1120 : vector<16xf32>
        %parallel_loop3A_1122 = arith.index_cast %parallel_loop3A_1090 : i32 to index
        %parallel_loop3A_1123 = arith.constant 64 : index
        %parallel_loop3A_1124 = tpu.vector_load %arg10[%parallel_loop3A_1122, %parallel_loop3A_1123] {strides = array<i32>} : memref<208x128xf32, #tpu.memory_space<vmem>>, vector<16xf32>,
        %parallel_loop3A_1125 = arith.index_cast %parallel_loop3A_1090 : i32 to index
        %parallel_loop3A_1126 = arith.constant 64 : index
        %parallel_loop3A_1127 = tpu.vector_load %arg11[%parallel_loop3A_1125, %parallel_loop3A_1126] {strides = array<i32>} : memref<208x128xf32, #tpu.memory_space<vmem>>, vector<16xf32>,
        %parallel_loop3A_1128 = arith.mulf %parallel_loop3A_1124, %parallel_loop3A_1127 : vector<16xf32>
        %parallel_loop3A_1129 = arith.addf %parallel_loop3A_1121, %parallel_loop3A_1128 : vector<16xf32>
        %parallel_loop3A_1130 = arith.index_cast %parallel_loop3A_1090 : i32 to index
        %parallel_loop3A_1131 = arith.constant 80 : index
        %parallel_loop3A_1132 = tpu.vector_load %arg10[%parallel_loop3A_1130, %parallel_loop3A_1131] {strides = array<i32>} : memref<208x128xf32, #tpu.memory_space<vmem>>, vector<16xf32>,
        %parallel_loop3A_1133 = arith.index_cast %parallel_loop3A_1090 : i32 to index
        %parallel_loop3A_1134 = arith.constant 80 : index
        %parallel_loop3A_1135 = tpu.vector_load %arg11[%parallel_loop3A_1133, %parallel_loop3A_1134] {strides = array<i32>} : memref<208x128xf32, #tpu.memory_space<vmem>>, vector<16xf32>,
        %parallel_loop3A_1136 = arith.mulf %parallel_loop3A_1132, %parallel_loop3A_1135 : vector<16xf32>
        %parallel_loop3A_1137 = arith.addf %parallel_loop3A_1129, %parallel_loop3A_1136 : vector<16xf32>
        %parallel_loop3A_1138 = arith.index_cast %parallel_loop3A_1090 : i32 to index
        %parallel_loop3A_1139 = arith.constant 96 : index
        %parallel_loop3A_1140 = tpu.vector_load %arg10[%parallel_loop3A_1138, %parallel_loop3A_1139] {strides = array<i32>} : memref<208x128xf32, #tpu.memory_space<vmem>>, vector<16xf32>,
        %parallel_loop3A_1141 = arith.index_cast %parallel_loop3A_1090 : i32 to index
        %parallel_loop3A_1142 = arith.constant 96 : index
        %parallel_loop3A_1143 = tpu.vector_load %arg11[%parallel_loop3A_1141, %parallel_loop3A_1142] {strides = array<i32>} : memref<208x128xf32, #tpu.memory_space<vmem>>, vector<16xf32>,
        %parallel_loop3A_1144 = arith.mulf %parallel_loop3A_1140, %parallel_loop3A_1143 : vector<16xf32>
        %parallel_loop3A_1145 = arith.addf %parallel_loop3A_1137, %parallel_loop3A_1144 : vector<16xf32>
        %parallel_loop3A_1146 = arith.index_cast %parallel_loop3A_1090 : i32 to index
        %parallel_loop3A_1147 = arith.constant 112 : index
        %parallel_loop3A_1148 = tpu.vector_load %arg10[%parallel_loop3A_1146, %parallel_loop3A_1147] {strides = array<i32>} : memref<208x128xf32, #tpu.memory_space<vmem>>, vector<16xf32>,
        %parallel_loop3A_1149 = arith.index_cast %parallel_loop3A_1090 : i32 to index
        %parallel_loop3A_1150 = arith.constant 112 : index
        %parallel_loop3A_1151 = tpu.vector_load %arg11[%parallel_loop3A_1149, %parallel_loop3A_1150] {strides = array<i32>} : memref<208x128xf32, #tpu.memory_space<vmem>>, vector<16xf32>,
        %parallel_loop3A_1152 = arith.mulf %parallel_loop3A_1148, %parallel_loop3A_1151 : vector<16xf32>
        %parallel_loop3A_1153 = arith.addf %parallel_loop3A_1145, %parallel_loop3A_1152 : vector<16xf32>
        %parallel_loop3A_1154 = arith.constant 221 : i32
        %parallel_loop3A_1155 = arith.addi %parallel_loop3A_163, %parallel_loop3A_1154 : i32
        %parallel_loop3A_1156 = arith.index_cast %parallel_loop3A_1155 : i32 to index
        %parallel_loop3A_1157 = tpu.vector_load %arg13[%parallel_loop3A_1156] {strides = array<i32>} : memref<3536xf32, #tpu.memory_space<vmem>>, vector<16xf32>,
        tpu.vector_store %arg13[%parallel_loop3A_1156], %parallel_loop3A_1153 {strides = array<i32>} : memref<3536xf32, #tpu.memory_space<vmem>>, vector<16xf32>,
        %parallel_loop3A_1158 = arith.constant 16 : i32
        %parallel_loop3A_1159 = arith.muli %parallel_loop3A_161, %parallel_loop3A_1158 : i32
        %parallel_loop3A_1160 = arith.constant 14 : i32
        %parallel_loop3A_1161 = arith.addi %parallel_loop3A_1159, %parallel_loop3A_1160 : i32
        %parallel_loop3A_1162 = arith.index_cast %parallel_loop3A_1161 : i32 to index
        %parallel_loop3A_1163 = arith.constant 0 : index
        %parallel_loop3A_1164 = tpu.vector_load %arg10[%parallel_loop3A_1162, %parallel_loop3A_1163] {strides = array<i32>} : memref<208x128xf32, #tpu.memory_space<vmem>>, vector<16xf32>,
        %parallel_loop3A_1165 = arith.index_cast %parallel_loop3A_1161 : i32 to index
        %parallel_loop3A_1166 = arith.constant 0 : index
        %parallel_loop3A_1167 = tpu.vector_load %arg11[%parallel_loop3A_1165, %parallel_loop3A_1166] {strides = array<i32>} : memref<208x128xf32, #tpu.memory_space<vmem>>, vector<16xf32>,
        %parallel_loop3A_1168 = arith.mulf %parallel_loop3A_1164, %parallel_loop3A_1167 : vector<16xf32>
        %parallel_loop3A_1169 = arith.index_cast %parallel_loop3A_1161 : i32 to index
        %parallel_loop3A_1170 = arith.constant 16 : index
        %parallel_loop3A_1171 = tpu.vector_load %arg10[%parallel_loop3A_1169, %parallel_loop3A_1170] {strides = array<i32>} : memref<208x128xf32, #tpu.memory_space<vmem>>, vector<16xf32>,
        %parallel_loop3A_1172 = arith.index_cast %parallel_loop3A_1161 : i32 to index
        %parallel_loop3A_1173 = arith.constant 16 : index
        %parallel_loop3A_1174 = tpu.vector_load %arg11[%parallel_loop3A_1172, %parallel_loop3A_1173] {strides = array<i32>} : memref<208x128xf32, #tpu.memory_space<vmem>>, vector<16xf32>,
        %parallel_loop3A_1175 = arith.mulf %parallel_loop3A_1171, %parallel_loop3A_1174 : vector<16xf32>
        %parallel_loop3A_1176 = arith.addf %parallel_loop3A_1168, %parallel_loop3A_1175 : vector<16xf32>
        %parallel_loop3A_1177 = arith.index_cast %parallel_loop3A_1161 : i32 to index
        %parallel_loop3A_1178 = arith.constant 32 : index
        %parallel_loop3A_1179 = tpu.vector_load %arg10[%parallel_loop3A_1177, %parallel_loop3A_1178] {strides = array<i32>} : memref<208x128xf32, #tpu.memory_space<vmem>>, vector<16xf32>,
        %parallel_loop3A_1180 = arith.index_cast %parallel_loop3A_1161 : i32 to index
        %parallel_loop3A_1181 = arith.constant 32 : index
        %parallel_loop3A_1182 = tpu.vector_load %arg11[%parallel_loop3A_1180, %parallel_loop3A_1181] {strides = array<i32>} : memref<208x128xf32, #tpu.memory_space<vmem>>, vector<16xf32>,
        %parallel_loop3A_1183 = arith.mulf %parallel_loop3A_1179, %parallel_loop3A_1182 : vector<16xf32>
        %parallel_loop3A_1184 = arith.addf %parallel_loop3A_1176, %parallel_loop3A_1183 : vector<16xf32>
        %parallel_loop3A_1185 = arith.index_cast %parallel_loop3A_1161 : i32 to index
        %parallel_loop3A_1186 = arith.constant 48 : index
        %parallel_loop3A_1187 = tpu.vector_load %arg10[%parallel_loop3A_1185, %parallel_loop3A_1186] {strides = array<i32>} : memref<208x128xf32, #tpu.memory_space<vmem>>, vector<16xf32>,
        %parallel_loop3A_1188 = arith.index_cast %parallel_loop3A_1161 : i32 to index
        %parallel_loop3A_1189 = arith.constant 48 : index
        %parallel_loop3A_1190 = tpu.vector_load %arg11[%parallel_loop3A_1188, %parallel_loop3A_1189] {strides = array<i32>} : memref<208x128xf32, #tpu.memory_space<vmem>>, vector<16xf32>,
        %parallel_loop3A_1191 = arith.mulf %parallel_loop3A_1187, %parallel_loop3A_1190 : vector<16xf32>
        %parallel_loop3A_1192 = arith.addf %parallel_loop3A_1184, %parallel_loop3A_1191 : vector<16xf32>
        %parallel_loop3A_1193 = arith.index_cast %parallel_loop3A_1161 : i32 to index
        %parallel_loop3A_1194 = arith.constant 64 : index
        %parallel_loop3A_1195 = tpu.vector_load %arg10[%parallel_loop3A_1193, %parallel_loop3A_1194] {strides = array<i32>} : memref<208x128xf32, #tpu.memory_space<vmem>>, vector<16xf32>,
        %parallel_loop3A_1196 = arith.index_cast %parallel_loop3A_1161 : i32 to index
        %parallel_loop3A_1197 = arith.constant 64 : index
        %parallel_loop3A_1198 = tpu.vector_load %arg11[%parallel_loop3A_1196, %parallel_loop3A_1197] {strides = array<i32>} : memref<208x128xf32, #tpu.memory_space<vmem>>, vector<16xf32>,
        %parallel_loop3A_1199 = arith.mulf %parallel_loop3A_1195, %parallel_loop3A_1198 : vector<16xf32>
        %parallel_loop3A_1200 = arith.addf %parallel_loop3A_1192, %parallel_loop3A_1199 : vector<16xf32>
        %parallel_loop3A_1201 = arith.index_cast %parallel_loop3A_1161 : i32 to index
        %parallel_loop3A_1202 = arith.constant 80 : index
        %parallel_loop3A_1203 = tpu.vector_load %arg10[%parallel_loop3A_1201, %parallel_loop3A_1202] {strides = array<i32>} : memref<208x128xf32, #tpu.memory_space<vmem>>, vector<16xf32>,
        %parallel_loop3A_1204 = arith.index_cast %parallel_loop3A_1161 : i32 to index
        %parallel_loop3A_1205 = arith.constant 80 : index
        %parallel_loop3A_1206 = tpu.vector_load %arg11[%parallel_loop3A_1204, %parallel_loop3A_1205] {strides = array<i32>} : memref<208x128xf32, #tpu.memory_space<vmem>>, vector<16xf32>,
        %parallel_loop3A_1207 = arith.mulf %parallel_loop3A_1203, %parallel_loop3A_1206 : vector<16xf32>
        %parallel_loop3A_1208 = arith.addf %parallel_loop3A_1200, %parallel_loop3A_1207 : vector<16xf32>
        %parallel_loop3A_1209 = arith.index_cast %parallel_loop3A_1161 : i32 to index
        %parallel_loop3A_1210 = arith.constant 96 : index
        %parallel_loop3A_1211 = tpu.vector_load %arg10[%parallel_loop3A_1209, %parallel_loop3A_1210] {strides = array<i32>} : memref<208x128xf32, #tpu.memory_space<vmem>>, vector<16xf32>,
        %parallel_loop3A_1212 = arith.index_cast %parallel_loop3A_1161 : i32 to index
        %parallel_loop3A_1213 = arith.constant 96 : index
        %parallel_loop3A_1214 = tpu.vector_load %arg11[%parallel_loop3A_1212, %parallel_loop3A_1213] {strides = array<i32>} : memref<208x128xf32, #tpu.memory_space<vmem>>, vector<16xf32>,
        %parallel_loop3A_1215 = arith.mulf %parallel_loop3A_1211, %parallel_loop3A_1214 : vector<16xf32>
        %parallel_loop3A_1216 = arith.addf %parallel_loop3A_1208, %parallel_loop3A_1215 : vector<16xf32>
        %parallel_loop3A_1217 = arith.index_cast %parallel_loop3A_1161 : i32 to index
        %parallel_loop3A_1218 = arith.constant 112 : index
        %parallel_loop3A_1219 = tpu.vector_load %arg10[%parallel_loop3A_1217, %parallel_loop3A_1218] {strides = array<i32>} : memref<208x128xf32, #tpu.memory_space<vmem>>, vector<16xf32>,
        %parallel_loop3A_1220 = arith.index_cast %parallel_loop3A_1161 : i32 to index
        %parallel_loop3A_1221 = arith.constant 112 : index
        %parallel_loop3A_1222 = tpu.vector_load %arg11[%parallel_loop3A_1220, %parallel_loop3A_1221] {strides = array<i32>} : memref<208x128xf32, #tpu.memory_space<vmem>>, vector<16xf32>,
        %parallel_loop3A_1223 = arith.mulf %parallel_loop3A_1219, %parallel_loop3A_1222 : vector<16xf32>
        %parallel_loop3A_1224 = arith.addf %parallel_loop3A_1216, %parallel_loop3A_1223 : vector<16xf32>
        %parallel_loop3A_1225 = arith.constant 238 : i32
        %parallel_loop3A_1226 = arith.addi %parallel_loop3A_163, %parallel_loop3A_1225 : i32
        %parallel_loop3A_1227 = arith.index_cast %parallel_loop3A_1226 : i32 to index
        %parallel_loop3A_1228 = tpu.vector_load %arg13[%parallel_loop3A_1227] {strides = array<i32>} : memref<3536xf32, #tpu.memory_space<vmem>>, vector<16xf32>,
        tpu.vector_store %arg13[%parallel_loop3A_1227], %parallel_loop3A_1224 {strides = array<i32>} : memref<3536xf32, #tpu.memory_space<vmem>>, vector<16xf32>,
        %parallel_loop3A_1229 = arith.constant 16 : i32
        %parallel_loop3A_1230 = arith.muli %parallel_loop3A_161, %parallel_loop3A_1229 : i32
        %parallel_loop3A_1231 = arith.constant 15 : i32
        %parallel_loop3A_1232 = arith.addi %parallel_loop3A_1230, %parallel_loop3A_1231 : i32
        %parallel_loop3A_1233 = arith.index_cast %parallel_loop3A_1232 : i32 to index
        %parallel_loop3A_1234 = arith.constant 0 : index
        %parallel_loop3A_1235 = tpu.vector_load %arg10[%parallel_loop3A_1233, %parallel_loop3A_1234] {strides = array<i32>} : memref<208x128xf32, #tpu.memory_space<vmem>>, vector<16xf32>,
        %parallel_loop3A_1236 = arith.index_cast %parallel_loop3A_1232 : i32 to index
        %parallel_loop3A_1237 = arith.constant 0 : index
        %parallel_loop3A_1238 = tpu.vector_load %arg11[%parallel_loop3A_1236, %parallel_loop3A_1237] {strides = array<i32>} : memref<208x128xf32, #tpu.memory_space<vmem>>, vector<16xf32>,
        %parallel_loop3A_1239 = arith.mulf %parallel_loop3A_1235, %parallel_loop3A_1238 : vector<16xf32>
        %parallel_loop3A_1240 = arith.index_cast %parallel_loop3A_1232 : i32 to index
        %parallel_loop3A_1241 = arith.constant 16 : index
        %parallel_loop3A_1242 = tpu.vector_load %arg10[%parallel_loop3A_1240, %parallel_loop3A_1241] {strides = array<i32>} : memref<208x128xf32, #tpu.memory_space<vmem>>, vector<16xf32>,
        %parallel_loop3A_1243 = arith.index_cast %parallel_loop3A_1232 : i32 to index
        %parallel_loop3A_1244 = arith.constant 16 : index
        %parallel_loop3A_1245 = tpu.vector_load %arg11[%parallel_loop3A_1243, %parallel_loop3A_1244] {strides = array<i32>} : memref<208x128xf32, #tpu.memory_space<vmem>>, vector<16xf32>,
        %parallel_loop3A_1246 = arith.mulf %parallel_loop3A_1242, %parallel_loop3A_1245 : vector<16xf32>
        %parallel_loop3A_1247 = arith.addf %parallel_loop3A_1239, %parallel_loop3A_1246 : vector<16xf32>
        %parallel_loop3A_1248 = arith.index_cast %parallel_loop3A_1232 : i32 to index
        %parallel_loop3A_1249 = arith.constant 32 : index
        %parallel_loop3A_1250 = tpu.vector_load %arg10[%parallel_loop3A_1248, %parallel_loop3A_1249] {strides = array<i32>} : memref<208x128xf32, #tpu.memory_space<vmem>>, vector<16xf32>,
        %parallel_loop3A_1251 = arith.index_cast %parallel_loop3A_1232 : i32 to index
        %parallel_loop3A_1252 = arith.constant 32 : index
        %parallel_loop3A_1253 = tpu.vector_load %arg11[%parallel_loop3A_1251, %parallel_loop3A_1252] {strides = array<i32>} : memref<208x128xf32, #tpu.memory_space<vmem>>, vector<16xf32>,
        %parallel_loop3A_1254 = arith.mulf %parallel_loop3A_1250, %parallel_loop3A_1253 : vector<16xf32>
        %parallel_loop3A_1255 = arith.addf %parallel_loop3A_1247, %parallel_loop3A_1254 : vector<16xf32>
        %parallel_loop3A_1256 = arith.index_cast %parallel_loop3A_1232 : i32 to index
        %parallel_loop3A_1257 = arith.constant 48 : index
        %parallel_loop3A_1258 = tpu.vector_load %arg10[%parallel_loop3A_1256, %parallel_loop3A_1257] {strides = array<i32>} : memref<208x128xf32, #tpu.memory_space<vmem>>, vector<16xf32>,
        %parallel_loop3A_1259 = arith.index_cast %parallel_loop3A_1232 : i32 to index
        %parallel_loop3A_1260 = arith.constant 48 : index
        %parallel_loop3A_1261 = tpu.vector_load %arg11[%parallel_loop3A_1259, %parallel_loop3A_1260] {strides = array<i32>} : memref<208x128xf32, #tpu.memory_space<vmem>>, vector<16xf32>,
        %parallel_loop3A_1262 = arith.mulf %parallel_loop3A_1258, %parallel_loop3A_1261 : vector<16xf32>
        %parallel_loop3A_1263 = arith.addf %parallel_loop3A_1255, %parallel_loop3A_1262 : vector<16xf32>
        %parallel_loop3A_1264 = arith.index_cast %parallel_loop3A_1232 : i32 to index
        %parallel_loop3A_1265 = arith.constant 64 : index
        %parallel_loop3A_1266 = tpu.vector_load %arg10[%parallel_loop3A_1264, %parallel_loop3A_1265] {strides = array<i32>} : memref<208x128xf32, #tpu.memory_space<vmem>>, vector<16xf32>,
        %parallel_loop3A_1267 = arith.index_cast %parallel_loop3A_1232 : i32 to index
        %parallel_loop3A_1268 = arith.constant 64 : index
        %parallel_loop3A_1269 = tpu.vector_load %arg11[%parallel_loop3A_1267, %parallel_loop3A_1268] {strides = array<i32>} : memref<208x128xf32, #tpu.memory_space<vmem>>, vector<16xf32>,
        %parallel_loop3A_1270 = arith.mulf %parallel_loop3A_1266, %parallel_loop3A_1269 : vector<16xf32>
        %parallel_loop3A_1271 = arith.addf %parallel_loop3A_1263, %parallel_loop3A_1270 : vector<16xf32>
        %parallel_loop3A_1272 = arith.index_cast %parallel_loop3A_1232 : i32 to index
        %parallel_loop3A_1273 = arith.constant 80 : index
        %parallel_loop3A_1274 = tpu.vector_load %arg10[%parallel_loop3A_1272, %parallel_loop3A_1273] {strides = array<i32>} : memref<208x128xf32, #tpu.memory_space<vmem>>, vector<16xf32>,
        %parallel_loop3A_1275 = arith.index_cast %parallel_loop3A_1232 : i32 to index
        %parallel_loop3A_1276 = arith.constant 80 : index
        %parallel_loop3A_1277 = tpu.vector_load %arg11[%parallel_loop3A_1275, %parallel_loop3A_1276] {strides = array<i32>} : memref<208x128xf32, #tpu.memory_space<vmem>>, vector<16xf32>,
        %parallel_loop3A_1278 = arith.mulf %parallel_loop3A_1274, %parallel_loop3A_1277 : vector<16xf32>
        %parallel_loop3A_1279 = arith.addf %parallel_loop3A_1271, %parallel_loop3A_1278 : vector<16xf32>
        %parallel_loop3A_1280 = arith.index_cast %parallel_loop3A_1232 : i32 to index
        %parallel_loop3A_1281 = arith.constant 96 : index
        %parallel_loop3A_1282 = tpu.vector_load %arg10[%parallel_loop3A_1280, %parallel_loop3A_1281] {strides = array<i32>} : memref<208x128xf32, #tpu.memory_space<vmem>>, vector<16xf32>,
        %parallel_loop3A_1283 = arith.index_cast %parallel_loop3A_1232 : i32 to index
        %parallel_loop3A_1284 = arith.constant 96 : index
        %parallel_loop3A_1285 = tpu.vector_load %arg11[%parallel_loop3A_1283, %parallel_loop3A_1284] {strides = array<i32>} : memref<208x128xf32, #tpu.memory_space<vmem>>, vector<16xf32>,
        %parallel_loop3A_1286 = arith.mulf %parallel_loop3A_1282, %parallel_loop3A_1285 : vector<16xf32>
        %parallel_loop3A_1287 = arith.addf %parallel_loop3A_1279, %parallel_loop3A_1286 : vector<16xf32>
        %parallel_loop3A_1288 = arith.index_cast %parallel_loop3A_1232 : i32 to index
        %parallel_loop3A_1289 = arith.constant 112 : index
        %parallel_loop3A_1290 = tpu.vector_load %arg10[%parallel_loop3A_1288, %parallel_loop3A_1289] {strides = array<i32>} : memref<208x128xf32, #tpu.memory_space<vmem>>, vector<16xf32>,
        %parallel_loop3A_1291 = arith.index_cast %parallel_loop3A_1232 : i32 to index
        %parallel_loop3A_1292 = arith.constant 112 : index
        %parallel_loop3A_1293 = tpu.vector_load %arg11[%parallel_loop3A_1291, %parallel_loop3A_1292] {strides = array<i32>} : memref<208x128xf32, #tpu.memory_space<vmem>>, vector<16xf32>,
        %parallel_loop3A_1294 = arith.mulf %parallel_loop3A_1290, %parallel_loop3A_1293 : vector<16xf32>
        %parallel_loop3A_1295 = arith.addf %parallel_loop3A_1287, %parallel_loop3A_1294 : vector<16xf32>
        %parallel_loop3A_1296 = arith.constant 255 : i32
        %parallel_loop3A_1297 = arith.addi %parallel_loop3A_163, %parallel_loop3A_1296 : i32
        %parallel_loop3A_1298 = arith.index_cast %parallel_loop3A_1297 : i32 to index
        %parallel_loop3A_1299 = tpu.vector_load %arg13[%parallel_loop3A_1298] {strides = array<i32>} : memref<3536xf32, #tpu.memory_space<vmem>>, vector<16xf32>,
        tpu.vector_store %arg13[%parallel_loop3A_1298], %parallel_loop3A_1295 {strides = array<i32>} : memref<3536xf32, #tpu.memory_space<vmem>>, vector<16xf32>,
        %parallel_loop3A_1300 = arith.constant 17 : i32
        %parallel_loop3A_1301 = vector.broadcast %parallel_loop3A_1300 : i32 to vector<16xi32>
        %parallel_loop3A_1302 = arith.muli %iota3A, %parallel_loop3A_1301 : vector<16xi32>
        %parallel_loop3A_1303 = vector.broadcast %parallel_loop3A_163 : i32 to vector<16xi32>
        %parallel_loop3A_1304 = arith.addi %parallel_loop3A_1302, %parallel_loop3A_1303 : vector<16xi32>
        %parallel_loop3A_1305 = tpu.vector_load_idx %arg13[%parallel_loop3A_1304] : memref<3536xf32, #tpu.memory_space<vmem>>[vector<16xi32>], vector<16xf32>,
        %parallel_loop3A_1306 = arith.constant 1 : i32
        %parallel_loop3A_1307 = vector.broadcast %parallel_loop3A_1306 : i32 to vector<16xi32>
        %parallel_loop3A_1308 = arith.addi %parallel_loop3A_1304, %parallel_loop3A_1307 : vector<16xi32>
        %parallel_loop3A_1309 = tpu.vector_load_idx %arg13[%parallel_loop3A_1308] : memref<3536xf32, #tpu.memory_space<vmem>>[vector<16xi32>], vector<16xf32>,
        %parallel_loop3A_1310 = arith.addf %parallel_loop3A_1305, %parallel_loop3A_1309 : vector<16xf32>
        %parallel_loop3A_1311 = arith.constant 2 : i32
        %parallel_loop3A_1312 = vector.broadcast %parallel_loop3A_1311 : i32 to vector<16xi32>
        %parallel_loop3A_1313 = arith.addi %parallel_loop3A_1304, %parallel_loop3A_1312 : vector<16xi32>
        %parallel_loop3A_1314 = tpu.vector_load_idx %arg13[%parallel_loop3A_1313] : memref<3536xf32, #tpu.memory_space<vmem>>[vector<16xi32>], vector<16xf32>,
        %parallel_loop3A_1315 = arith.addf %parallel_loop3A_1310, %parallel_loop3A_1314 : vector<16xf32>
        %parallel_loop3A_1316 = arith.constant 3 : i32
        %parallel_loop3A_1317 = vector.broadcast %parallel_loop3A_1316 : i32 to vector<16xi32>
        %parallel_loop3A_1318 = arith.addi %parallel_loop3A_1304, %parallel_loop3A_1317 : vector<16xi32>
        %parallel_loop3A_1319 = tpu.vector_load_idx %arg13[%parallel_loop3A_1318] : memref<3536xf32, #tpu.memory_space<vmem>>[vector<16xi32>], vector<16xf32>,
        %parallel_loop3A_1320 = arith.addf %parallel_loop3A_1315, %parallel_loop3A_1319 : vector<16xf32>
        %parallel_loop3A_1321 = arith.constant 4 : i32
        %parallel_loop3A_1322 = vector.broadcast %parallel_loop3A_1321 : i32 to vector<16xi32>
        %parallel_loop3A_1323 = arith.addi %parallel_loop3A_1304, %parallel_loop3A_1322 : vector<16xi32>
        %parallel_loop3A_1324 = tpu.vector_load_idx %arg13[%parallel_loop3A_1323] : memref<3536xf32, #tpu.memory_space<vmem>>[vector<16xi32>], vector<16xf32>,
        %parallel_loop3A_1325 = arith.addf %parallel_loop3A_1320, %parallel_loop3A_1324 : vector<16xf32>
        %parallel_loop3A_1326 = arith.constant 5 : i32
        %parallel_loop3A_1327 = vector.broadcast %parallel_loop3A_1326 : i32 to vector<16xi32>
        %parallel_loop3A_1328 = arith.addi %parallel_loop3A_1304, %parallel_loop3A_1327 : vector<16xi32>
        %parallel_loop3A_1329 = tpu.vector_load_idx %arg13[%parallel_loop3A_1328] : memref<3536xf32, #tpu.memory_space<vmem>>[vector<16xi32>], vector<16xf32>,
        %parallel_loop3A_1330 = arith.addf %parallel_loop3A_1325, %parallel_loop3A_1329 : vector<16xf32>
        %parallel_loop3A_1331 = arith.constant 6 : i32
        %parallel_loop3A_1332 = vector.broadcast %parallel_loop3A_1331 : i32 to vector<16xi32>
        %parallel_loop3A_1333 = arith.addi %parallel_loop3A_1304, %parallel_loop3A_1332 : vector<16xi32>
        %parallel_loop3A_1334 = tpu.vector_load_idx %arg13[%parallel_loop3A_1333] : memref<3536xf32, #tpu.memory_space<vmem>>[vector<16xi32>], vector<16xf32>,
        %parallel_loop3A_1335 = arith.addf %parallel_loop3A_1330, %parallel_loop3A_1334 : vector<16xf32>
        %parallel_loop3A_1336 = arith.constant 7 : i32
        %parallel_loop3A_1337 = vector.broadcast %parallel_loop3A_1336 : i32 to vector<16xi32>
        %parallel_loop3A_1338 = arith.addi %parallel_loop3A_1304, %parallel_loop3A_1337 : vector<16xi32>
        %parallel_loop3A_1339 = tpu.vector_load_idx %arg13[%parallel_loop3A_1338] : memref<3536xf32, #tpu.memory_space<vmem>>[vector<16xi32>], vector<16xf32>,
        %parallel_loop3A_1340 = arith.addf %parallel_loop3A_1335, %parallel_loop3A_1339 : vector<16xf32>
        %parallel_loop3A_1341 = arith.constant 8 : i32
        %parallel_loop3A_1342 = vector.broadcast %parallel_loop3A_1341 : i32 to vector<16xi32>
        %parallel_loop3A_1343 = arith.addi %parallel_loop3A_1304, %parallel_loop3A_1342 : vector<16xi32>
        %parallel_loop3A_1344 = tpu.vector_load_idx %arg13[%parallel_loop3A_1343] : memref<3536xf32, #tpu.memory_space<vmem>>[vector<16xi32>], vector<16xf32>,
        %parallel_loop3A_1345 = arith.addf %parallel_loop3A_1340, %parallel_loop3A_1344 : vector<16xf32>
        %parallel_loop3A_1346 = arith.constant 9 : i32
        %parallel_loop3A_1347 = vector.broadcast %parallel_loop3A_1346 : i32 to vector<16xi32>
        %parallel_loop3A_1348 = arith.addi %parallel_loop3A_1304, %parallel_loop3A_1347 : vector<16xi32>
        %parallel_loop3A_1349 = tpu.vector_load_idx %arg13[%parallel_loop3A_1348] : memref<3536xf32, #tpu.memory_space<vmem>>[vector<16xi32>], vector<16xf32>,
        %parallel_loop3A_1350 = arith.addf %parallel_loop3A_1345, %parallel_loop3A_1349 : vector<16xf32>
        %parallel_loop3A_1351 = arith.constant 10 : i32
        %parallel_loop3A_1352 = vector.broadcast %parallel_loop3A_1351 : i32 to vector<16xi32>
        %parallel_loop3A_1353 = arith.addi %parallel_loop3A_1304, %parallel_loop3A_1352 : vector<16xi32>
        %parallel_loop3A_1354 = tpu.vector_load_idx %arg13[%parallel_loop3A_1353] : memref<3536xf32, #tpu.memory_space<vmem>>[vector<16xi32>], vector<16xf32>,
        %parallel_loop3A_1355 = arith.addf %parallel_loop3A_1350, %parallel_loop3A_1354 : vector<16xf32>
        %parallel_loop3A_1356 = arith.constant 11 : i32
        %parallel_loop3A_1357 = vector.broadcast %parallel_loop3A_1356 : i32 to vector<16xi32>
        %parallel_loop3A_1358 = arith.addi %parallel_loop3A_1304, %parallel_loop3A_1357 : vector<16xi32>
        %parallel_loop3A_1359 = tpu.vector_load_idx %arg13[%parallel_loop3A_1358] : memref<3536xf32, #tpu.memory_space<vmem>>[vector<16xi32>], vector<16xf32>,
        %parallel_loop3A_1360 = arith.addf %parallel_loop3A_1355, %parallel_loop3A_1359 : vector<16xf32>
        %parallel_loop3A_1361 = arith.constant 12 : i32
        %parallel_loop3A_1362 = vector.broadcast %parallel_loop3A_1361 : i32 to vector<16xi32>
        %parallel_loop3A_1363 = arith.addi %parallel_loop3A_1304, %parallel_loop3A_1362 : vector<16xi32>
        %parallel_loop3A_1364 = tpu.vector_load_idx %arg13[%parallel_loop3A_1363] : memref<3536xf32, #tpu.memory_space<vmem>>[vector<16xi32>], vector<16xf32>,
        %parallel_loop3A_1365 = arith.addf %parallel_loop3A_1360, %parallel_loop3A_1364 : vector<16xf32>
        %parallel_loop3A_1366 = arith.constant 13 : i32
        %parallel_loop3A_1367 = vector.broadcast %parallel_loop3A_1366 : i32 to vector<16xi32>
        %parallel_loop3A_1368 = arith.addi %parallel_loop3A_1304, %parallel_loop3A_1367 : vector<16xi32>
        %parallel_loop3A_1369 = tpu.vector_load_idx %arg13[%parallel_loop3A_1368] : memref<3536xf32, #tpu.memory_space<vmem>>[vector<16xi32>], vector<16xf32>,
        %parallel_loop3A_1370 = arith.addf %parallel_loop3A_1365, %parallel_loop3A_1369 : vector<16xf32>
        %parallel_loop3A_1371 = arith.constant 14 : i32
        %parallel_loop3A_1372 = vector.broadcast %parallel_loop3A_1371 : i32 to vector<16xi32>
        %parallel_loop3A_1373 = arith.addi %parallel_loop3A_1304, %parallel_loop3A_1372 : vector<16xi32>
        %parallel_loop3A_1374 = tpu.vector_load_idx %arg13[%parallel_loop3A_1373] : memref<3536xf32, #tpu.memory_space<vmem>>[vector<16xi32>], vector<16xf32>,
        %parallel_loop3A_1375 = arith.addf %parallel_loop3A_1370, %parallel_loop3A_1374 : vector<16xf32>
        %parallel_loop3A_1376 = arith.constant 15 : i32
        %parallel_loop3A_1377 = vector.broadcast %parallel_loop3A_1376 : i32 to vector<16xi32>
        %parallel_loop3A_1378 = arith.addi %parallel_loop3A_1304, %parallel_loop3A_1377 : vector<16xi32>
        %parallel_loop3A_1379 = tpu.vector_load_idx %arg13[%parallel_loop3A_1378] : memref<3536xf32, #tpu.memory_space<vmem>>[vector<16xi32>], vector<16xf32>,
        %parallel_loop3A_1380 = arith.addf %parallel_loop3A_1375, %parallel_loop3A_1379 : vector<16xf32>
        %parallel_loop3A_1381 = arith.constant 0.000000e+00 : f32
        %parallel_loop3A_1382 = vector.broadcast %parallel_loop3A_1381 : f32 to vector<16xf32>
        %parallel_loop3A_1383 = arith.subf %parallel_loop3A_1382, %parallel_loop3A_1380 : vector<16xf32>
        %parallel_loop3A_1384 = math.exp %parallel_loop3A_1383 : vector<16xf32>
        %parallel_loop3A_1385 = arith.constant 1.000000e+00 : f32
        %parallel_loop3A_1386 = vector.broadcast %parallel_loop3A_1385 : f32 to vector<16xf32>
        %parallel_loop3A_1387 = arith.addf %parallel_loop3A_1386, %parallel_loop3A_1384 : vector<16xf32>
        %parallel_loop3A_1388 = arith.constant 1.000000e+00 : f32
        %parallel_loop3A_1389 = vector.broadcast %parallel_loop3A_1388 : f32 to vector<16xf32>
        %parallel_loop3A_1390 = arith.divf %parallel_loop3A_1389, %parallel_loop3A_1387 : vector<16xf32>
        %parallel_loop3A_1391 = arith.constant 16 : i32
        %parallel_loop3A_1392 = arith.muli %parallel_loop3A_161, %parallel_loop3A_1391 : i32
        %parallel_loop3A_1393 = arith.constant 200 : i32
        %parallel_loop3A_1394 = arith.addi %parallel_loop3A_1393, %parallel_loop3A_1392 : i32
        %parallel_loop3A_1395 = arith.index_cast %parallel_loop3A_1394 : i32 to index
        %parallel_loop3A_1396 = tpu.vector_load %arg12[%parallel_loop3A_1395] {strides = array<i32>} : memref<416xf32, #tpu.memory_space<vmem>>, vector<16xf32>,
        tpu.vector_store %arg12[%parallel_loop3A_1395], %parallel_loop3A_1390 {strides = array<i32>} : memref<416xf32, #tpu.memory_space<vmem>>, vector<16xf32>,
      } {sc.loop_unroll_factor = 1 : i64, sc.parallel_access}
      %mul3A_149 = arith.constant 2 : i32
      %mul3A_150 = arith.muli %scan3A_55, %mul3A_149 : i32
      %mul3A_151 = arith.constant 200 : i32
      %mul3A_152 = arith.muli %mul3A_150, %mul3A_151 : i32
      %add3A_153 = arith.addi %mul3A_2, %mul3A_152 : i32
      %dma_start3A_154 = arith.constant 0 : i32
      %dma_start3A_155 = tpu.memref_slice %arg12[%dma_start3A_154] : memref<416xf32, #tpu.memory_space<vmem>> -> memref<400xf32, #tpu.memory_space<vmem>>
      %dma_start3A_156 = tpu.memref_slice %arg5[%add3A_153] : memref<320000xf32, #tpu.memory_space<hbm>> -> memref<400xf32, #tpu.memory_space<hbm>>
      %dma_start3A_157 = tpu.memref_slice %arg5[%add3A_153] : memref<320000xf32, #tpu.memory_space<hbm>> -> memref<400xf32, #tpu.memory_space<hbm>>
      %dma_start3A_158 = arith.constant 0 : i32
      %dma_start3A_159 = tpu.memref_slice %arg12[%dma_start3A_158] : memref<416xf32, #tpu.memory_space<vmem>> -> memref<400xf32, #tpu.memory_space<vmem>>
      tpu.enqueue_dma source(%dma_start3A_159 : memref<400xf32, #tpu.memory_space<vmem>>) target(%dma_start3A_157 : memref<400xf32, #tpu.memory_space<hbm>>) target_semaphore(%arg16 : memref<!tpu.dma_semaphore, #tpu.memory_space<semaphore_mem>>)
      %scan3A_160 = arith.constant 0 : i32
      scf.yield %scan3A_160 : i32
    }
    %scan3A_31 = arith.constant 25 : i32
    %add3A_32 = arith.constant 0 : i32
    %add3A_33 = arith.addi %mul3A_2, %add3A_32 : i32
    %dma_wait3A = arith.constant 0 : i32
    %dma_wait3A_34 = tpu.memref_slice %arg12[%dma_wait3A] : memref<416xf32, #tpu.memory_space<vmem>> -> memref<400xf32, #tpu.memory_space<vmem>>
    %dma_wait3A_35 = tpu.memref_slice %arg5[%add3A_33] : memref<320000xf32, #tpu.memory_space<hbm>> -> memref<400xf32, #tpu.memory_space<hbm>>
    %dma_wait3A_36 = tpu.memref_slice %arg5[%add3A_33] : memref<320000xf32, #tpu.memory_space<hbm>> -> memref<400xf32, #tpu.memory_space<hbm>>
    %dma_wait3A_37 = arith.constant 0 : i32
    %dma_wait3A_38 = tpu.memref_slice %arg12[%dma_wait3A_37] : memref<416xf32, #tpu.memory_space<vmem>> -> memref<400xf32, #tpu.memory_space<vmem>>
    tpu.wait_dma2 semaphore(%arg16 : memref<!tpu.dma_semaphore, #tpu.memory_space<semaphore_mem>>) src(%dma_wait3A_38 : memref<400xf32, #tpu.memory_space<vmem>>) dst(%dma_wait3A_36 : memref<400xf32, #tpu.memory_space<hbm>>)
    %dma_wait3A_39 = arith.constant 0 : i32
    %dma_wait3A_40 = arith.constant 0 : i32
    %dma_wait3A_41 = tpu.memref_slice %arg8[%dma_wait3A_39, %dma_wait3A_40] : memref<208x128xf32, #tpu.memory_space<vmem>> -> memref<200x128xf32, #tpu.memory_space<vmem>>
    %dma_wait3A_42 = arith.constant 0 : i32
    %dma_wait3A_43 = tpu.memref_slice %arg6[%dma_wait3A_42] : memref<10016xi32, #tpu.memory_space<vmem>> -> memref<200xi32, #tpu.memory_space<vmem>>
    %dma_wait3A_44 = arith.constant 0 : i32
    %dma_wait3A_45 = arith.constant 0 : i32
    %dma_wait3A_46 = tpu.memref_slice %arg2[%dma_wait3A_44, %dma_wait3A_45] : memref<10000x128xf32, #tpu.memory_space<hbm>> -> memref<10000x128xf32, #tpu.memory_space<hbm>>
    tpu.wait_indirect_dma semaphore(%arg14 : memref<!tpu.dma_semaphore, #tpu.memory_space<semaphore_mem>>) src(%dma_wait3A_46 : memref<10000x128xf32, #tpu.memory_space<hbm>>) dst(%dma_wait3A_41 : memref<200x128xf32, #tpu.memory_space<vmem>>)
    %dma_wait3A_47 = arith.constant 0 : i32
    %dma_wait3A_48 = arith.constant 0 : i32
    %dma_wait3A_49 = tpu.memref_slice %arg9[%dma_wait3A_47, %dma_wait3A_48] : memref<208x128xf32, #tpu.memory_space<vmem>> -> memref<200x128xf32, #tpu.memory_space<vmem>>
    %dma_wait3A_50 = arith.constant 0 : i32
    %dma_wait3A_51 = tpu.memref_slice %arg7[%dma_wait3A_50] : memref<10016xi32, #tpu.memory_space<vmem>> -> memref<200xi32, #tpu.memory_space<vmem>>
    %dma_wait3A_52 = arith.constant 0 : i32
    %dma_wait3A_53 = arith.constant 0 : i32
    %dma_wait3A_54 = tpu.memref_slice %arg2[%dma_wait3A_52, %dma_wait3A_53] : memref<10000x128xf32, #tpu.memory_space<hbm>> -> memref<10000x128xf32, #tpu.memory_space<hbm>>
    tpu.wait_indirect_dma semaphore(%arg14 : memref<!tpu.dma_semaphore, #tpu.memory_space<semaphore_mem>>) src(%dma_wait3A_54 : memref<10000x128xf32, #tpu.memory_space<hbm>>) dst(%dma_wait3A_49 : memref<200x128xf32, #tpu.memory_space<vmem>>)
    return
  }
}

</mosaic_0001>

<sc_bundles>
// kernel: kernel.3.cloned.1.call-start
scs
__scs_entry_jumppad:
0x0: {  	(pc) =	sbr.rel $0x88, $3  }
0x1: {  	(tag) =	ssettag $0x0;
	lr =	simm.s32 $0x1  }
0x2: {  	[smem:$0x3F9F] =	sst lr;
	_ =	strace $0xD0000000  }
0x3: {  	_ = 	snop  }
0x4: {  	_ = 	snop  }
0x5: {  	_ = 	snop  }
0x6: {  	_ = 	snop  }
0x7: {  	_ = 	snop  }
__scs_overlays_trampoline_lowered:
0x8: {  	[smem:$0x3FAE] =	sst s0  }
0x9: {  	[smem:$0x3FAF] =	sst s1  }
0xa: {  	[smem:$0x3FB0] =	sst s2  }
0xb: {  	[smem:$0x3FB1] =	sst s3  }
0xc: {  	[smem:$0x3FB2] =	sst s4  }
0xd: {  	[smem:$0x3FB3] =	sst s5  }
0xe: {  	[smem:$0x3FB4] =	sst s6  }
0xf: {  	[smem:$0x3FB5] =	sst s7  }
0x10: {  	[smem:$0x3FB6] =	sst s8  }
0x11: {  	[smem:$0x3FB7] =	sst s9;
	s0 =	simm.s32 @!p0 $0x0  }
0x12: {  	s1 =	sld [smem:$0x3F9D];
	s0 =	simm.s32 @p0 $0x1  }
0x13: {  	[smem:$0x3FB8] =	sst s0;
	s0 =	simm.s32 @!p1 $0x0  }
0x14: {  	s2 =	sld [smem:$0x3F9C];
	s0 =	simm.s32 @p1 $0x1  }
0x15: {  	[smem:$0x3FB9] =	sst s0;
	s0 =	simm.s32 @!p2 $0x0  }
0x16: {  	s3 =	sld [smem:$0x3FDB];
	s0 =	simm.s32 @p2 $0x1  }
0x17: {  	s4 =	simm.s32 $0x1BF5;
	[smem:$0x3FBB] =	sst s0  }
0x18: {  	s0 =	sld [smem:$0x3F9E];
	_ =	swait.ge [sflag:s4], $0x0  }
0x19: {  	s7 =	sld [smem:$0x3F9F]  }
0x1a: {  	s8 =	sadd.s32 $0xFFFFE003, lr  }
0x1b: {  	s9 =	sadd.s32 $0xFFFFFEF7, lr;
	s5 =	simm.s32 $0xFFFFFFFF;
	p2 =	slt.u32 s8, $0xFFFFF086  }
0x1c: {  	p1 =	slt.u32 s9, $0xF7A;
	s5 =	simm.s32 @!p2 $0x0  }
0x1d: {  	s5 =	simm.s32 @p1 $0x1;
	p0 =	seq.s32 s7, s2  }
0x1e: {  	s7 =	smul.u32 @!p0 $0xF7A, s2;
	p2 =	seq.s32 @!p0 s5, $0x0  }
0x1f: {  	s9 =	smul.u32 $0xF7A, s1;
	s8 =	simm.s32 @!p0 $0x1BF5;
	p2 =	por !p2, p0  }
0x20: {  	[sflag:s8] =	ssyncset.s32 @!p0 $0xFFFFF086;
	s6 =	sadd.s32 @!p0 s3, s7;
	s7 =	simm.s32 @!p0 $0x108  }
0x21: {  	s3 =	sadd.s32 s3, s9;
	s6 =	sadd.s32 @!p0 $0x88, s6;
	s7 =	simm.s32 @p2 $0x1082  }
0x22: {  	[simem:s7], [sflag:s8] =	dma.local @!p0 [hbm:s6], $0xF7A  }
0x23: {  	s9 =	sor.u32 $0xD0000000, s2;
	s6 =	simm.s32 $0x108;
	_ =	swait.ge @!p0 [sflag:s8], $0x0  }
0x24: {  	s3 =	sadd.s32 $0x88, s3;
	s6 =	simm.s32 @!p1 $0x1082;
	[sflag:s4] =	ssyncset.s32 $0xFFFFF086  }
0x25: {  	[simem:s6], [sflag:s4] =	dma.local [hbm:s3], $0xF7A  }
0x26: {  	[smem:$0x3F9F] =	sst s1;
	(tag) =	ssettag s2;
	_ =	strace s9  }
0x27: {  	s1 =	sld [smem:$0x3FAF]  }
0x28: {  	s2 =	sld [smem:$0x3FB0]  }
0x29: {  	s4 =	sld [smem:$0x3FB2]  }
0x2a: {  	p0 =	seq.s32 s5, $0x0;
	s5 =	sld [smem:$0x3FB3]  }
0x2b: {  	s6 =	sld [smem:$0x3FB4]  }
0x2c: {  	s7 =	sld [smem:$0x3FB5]  }
0x2d: {  	s3 =	simm.s32 $0x108;
	s8 =	sld [smem:$0x3FB6]  }
0x2e: {  	s3 =	simm.s32 @!p0 $0x1082;
	s9 =	sld [smem:$0x3FB7]  }
0x2f: {  	lr =	sadd.s32 s0, s3;
	s0 =	sld [smem:$0x3FAE]  }
0x30: {  	s3 =	sld [smem:$0x3FB1]  }
0x31: {  	[smem:$0x3FBA] =	sst s10  }
0x32: {  	s10 =	sld [smem:$0x3FB8];
	_ =	sdelay $0x3  }
0x33: {  	p0 =	seq.s32 s10, $0x1;
	s10 =	sld [smem:$0x3FBA];
	_ =	sdelay $0x3  }
0x34: {  	[smem:$0x3FBA] =	sst s10  }
0x35: {  	s10 =	sld [smem:$0x3FB9];
	_ =	sdelay $0x3  }
0x36: {  	p1 =	seq.s32 s10, $0x1;
	s10 =	sld [smem:$0x3FBA];
	_ =	sdelay $0x3  }
0x37: {  	[smem:$0x3FBA] =	sst s10  }
0x38: {  	s10 =	sld [smem:$0x3FBB]  }
0x39: {  	_ = 	snop;
	(pc) =	sbr.ind lr, $3  }
0x3a: {  	_ = 	snop  }
0x3b: {  	_ = 	snop  }
0x3c: {  	p2 =	seq.s32 s10, $0x1;
	s10 =	sld [smem:$0x3FBA]  }
0x3d: {  	_ =	shalt  }
0x3e: {  	_ =	shalt  }
0x3f: {  	_ =	shalt  }
0x40: {  	_ =	shalt  }
0x41: {  	_ =	shalt  }
0x42: {  	_ =	shalt  }
0x43: {  	_ =	shalt  }
0x44: {  	_ =	shalt  }
0x45: {  	_ =	shalt  }
0x46: {  	_ =	shalt  }
0x47: {  	_ =	shalt  }
0x48: {  	_ =	shalt  }
0x49: {  	_ =	shalt  }
0x4a: {  	_ =	shalt  }
0x4b: {  	_ =	shalt  }
0x4c: {  	_ =	shalt  }
0x4d: {  	_ =	shalt  }
0x4e: {  	_ =	shalt  }
0x4f: {  	_ =	shalt  }
0x50: {  	_ =	shalt  }
0x51: {  	_ =	shalt  }
0x52: {  	_ =	shalt  }
0x53: {  	_ =	shalt  }
0x54: {  	_ =	shalt  }
0x55: {  	_ =	shalt  }
0x56: {  	_ =	shalt  }
0x57: {  	_ =	shalt  }
0x58: {  	_ =	shalt  }
0x59: {  	_ =	shalt  }
0x5a: {  	_ =	shalt  }
0x5b: {  	_ =	shalt  }
0x5c: {  	_ =	shalt  }
0x5d: {  	_ =	shalt  }
0x5e: {  	_ =	shalt  }
0x5f: {  	_ =	shalt  }
0x60: {  	_ =	shalt  }
0x61: {  	_ =	shalt  }
0x62: {  	_ =	shalt  }
0x63: {  	_ =	shalt  }
0x64: {  	_ =	shalt  }
0x65: {  	_ =	shalt  }
0x66: {  	_ =	shalt  }
0x67: {  	_ =	shalt  }
0x68: {  	_ =	shalt  }
0x69: {  	_ =	shalt  }
0x6a: {  	_ =	shalt  }
0x6b: {  	_ =	shalt  }
0x6c: {  	_ =	shalt  }
0x6d: {  	_ =	shalt  }
0x6e: {  	_ =	shalt  }
0x6f: {  	_ =	shalt  }
0x70: {  	_ =	shalt  }
0x71: {  	_ =	shalt  }
0x72: {  	_ =	shalt  }
0x73: {  	_ =	shalt  }
0x74: {  	_ =	shalt  }
0x75: {  	_ =	shalt  }
0x76: {  	_ =	shalt  }
0x77: {  	_ =	shalt  }
0x78: {  	_ =	shalt  }
0x79: {  	_ =	shalt  }
0x7a: {  	_ =	shalt  }
0x7b: {  	_ =	shalt  }
0x7c: {  	_ =	shalt  }
0x7d: {  	_ =	shalt  }
0x7e: {  	_ =	shalt  }
0x7f: {  	_ =	shalt  }
0x80: {  	_ =	shalt  }
0x81: {  	_ =	shalt  }
0x82: {  	_ =	shalt  }
0x83: {  	_ =	shalt  }
0x84: {  	_ =	shalt  }
0x85: {  	_ =	shalt  }
0x86: {  	_ =	shalt  }
0x87: {  	_ =	shalt  }
.Lfunc_end0:
.L_simem_size_0:
called_computation_lowered:
.L_overlay_start_0:
0x88: {  	s2 =	sld [smem:$0x3FD9]  }
0x89: {  	s3 =	sld [smem:$0x3FFE];
	_ =	sdelay $0x1  }
0x8a: {  	s1 =	srdreg.scid  }
0x8b: {  	s0 =	sand.u32 $0x1, s1  }
0x8c: {  	s17 =	sshll.u32 s0, $0xA;
	s2 =	sadd.s32 s3, s2  }
0x8d: {  	s2 =	sadd.s32 s2, s17  }
0x8e: {  	[smem:$0x3FC6] =	sst s2  }
0x8f: {  	_ = 	snop  }
0x90: {  	s2 =	sld [smem:$0x3FC9]  }
0x91: {  	s18 =	sld [smem:$0x3FD0];
	(tm) =	ssettm $0x1  }
0x92: {  	s4 =	sld [smem:$0x3FFB];
	_ =	sdelay $0x3  }
0x93: {  	_ =	strace s4  }
0x94: {  	s4 =	sld [smem:$0x3FFC];
	_ =	sdelay $0x3  }
0x95: {  	_ =	strace s4  }
0x96: {  	s4 =	sld [smem:$0x3FFD];
	_ =	sdelay $0x3  }
0x97: {  	_ =	strace s4  }
0x98: {  	_ =	strace $0x8FFFFFFF  }
0x99: {  	s19 =	sld [smem:$0x3FDB];
	_ =	sdelay $0x1  }
0x9a: {  	s5 =	simm.s32 $_scs_section_size  }
0x9b: {  	s6 =	simm.s32 $_size__tile_overlayer_lowered;
	s7 =	simm.s32 $_tile_overlayer_lowered  }
0x9c: {  	s22 =	simm.s32 $0x1BFF;
	s21 =	sshll.u32 s7, $0x1;
	s4 =	sadd.s32 s5, s19  }
0x9d: {  	s8 =	simm.s32 $0x0;
	s20 =	sshll.u32 s6, $0x1;
	s6 =	sadd.s32 s21, s4  }
0x9e: {  	[timem:s8], [sflag:s22] =	dma.local [hbm:s6], s20  }
0x9f: {  	_ =	swait.ge [sflag:s22], s20  }
0xa0: {  	s5 =	ssub.s32 $0x0, s20;
	[sflag:s22] =	ssyncset.done $0x0  }
0xa1: {  	[sflag:s22] =	ssyncadd.s32 s5;
	_ =	sdelay $0x1  }
0xa2: {  	s23 =	simm.s32 $0x1B8B  }
0xa3: {  	_ =	swait.ge [sflag:s23], $0x1  }
0xa4: {  	[sflag:s23] =	ssyncset.done $0x0  }
0xa5: {  	s25 =	simm.s32 $0x1B8E;
	s24 =	sld [smem:$0x3FFE];
	[sflag:s23] =	ssyncadd.s32 $0xFFFFFFFF  }
0xa6: {  	s26 =	simm.s32 $execute0_lowered;
	[smem:$0x3FD2] =	sst s25  }
0xa7: {  	s6 =	sshll.u32 s26, $0x1;
	_ =	strace $0x80000046;
	[dreg:$0x1] =	wrdreg $0xFFFFFFFF  }
0xa8: {  	s28 =	simm.s32 $_size_execute0_lowered;
	s4 =	sadd.s32 s4, s6;
	[dreg:$0x0] =	wrdreg $0x0  }
0xa9: {  	s6 =	sshll.u32 s28, $0x1;
	[dreg:$0x2] =	wrdreg s4  }
0xaa: {  	[dreg:$0x3] =	wrdreg s6  }
0xab: {  	[dreg:$0x4] =	wrdreg $0xC0  }
0xac: {  	_ =	task [dreg:s8], $0x5FFFF  }
0xad: {  	[dreg:$0x1] =	wrdreg $0xFFFFFFFF  }
0xae: {  	[dreg:$0x0] =	wrdreg $0x60  }
0xaf: {  	[dreg:$0x2] =	wrdreg s2  }
0xb0: {  	[dreg:$0x3] =	wrdreg s24  }
0xb1: {  	[dreg:$0x4] =	wrdreg s18  }
0xb2: {  	[dreg:$0x5] =	wrdreg $0x9  }
0xb3: {  	_ =	task.clear_ibuf [dreg:s8], $0x6FFFF;
	_ =	strace $0x90000046  }
0xb4: {  	s29 =	simm.s32 $0x9;
	_ =	strace $0x80000048  }
0xb5: {  	_ =	swait.ge [sflag:s29], $0x1  }
0xb6: {  	[sflag:s29] =	ssyncadd.s32 $0xFFFFFFFF  }
0xb7: {  	_ =	strace $0x90000048  }
0xb8: {  	_ =	sfence  }
0xb9: {  	s30 =	sld [smem:$0x0];
	_ =	sdelay $0x2  }
0xba: {  	s31 =	sshll.u32 s1, $0xD;
	s1 =	sshrl.u32 s1, $0x2  }
0xbb: {  	s3 =	sand.u32 $0x4000, s31;
	s1 =	sadd.s32 s1, s30  }
0xbc: {  	s0 =	sor.u32 s3, s0;
	s1 =	sshll.u32 s1, $0x11  }
0xbd: {  	s0 =	sor.u32 s1, s0  }
0xbe: {  	s0 =	sadd.s32 $0x8F2B, s0  }
0xbf: {  	[sflag:s0] =	ssyncadd.remote.s32 $0x1  }
0xc0: {  	_ =	sfence.sel $0xFFFF  }
0xc1: {  	[dreg:$0x0] =	wrdreg $0xFFFFFFFF;
	(pc) =	sbr.abs _section_cstart, $3  }
0xc2: {  	[dreg:$0x1] =	wrdreg $0xFFFFFFFF  }
0xc3: {  	_ =	task.clear_ibuf [dreg:s8], $0x2FFFF;
	_ =	strace $0x9FFFFFFF  }
0xc4: {  	(tm) =	ssettm $0x7FFFFFFF  }
0xc5: {  	_ =	shalt  }
tec
execute0_lowered:
.L_overlay_start_1:
0x0: {  	(tag) =	ssettag $0x1  }
0x1: {  	s1 =	rddreg [dreg:$0x0]  }
0x2: {  	s0 =	srdreg.scid;
	s6 =	rddreg [dreg:$0x1]  }
0x3: {  	s2 =	stileid.u32;
	s3 =	rddreg [dreg:$0x2];
	s5 =	simm.s32 $0x0  }
0x4: {  	s10 =	simm.s32 $0x4;
	s11 =	simm.s32 $0x2780;
	s12 =	simm.s32 $0xC8  }
0x5: {  	v0 =	vlaneseq.u32;
	s13 =	simm.s32 $0x4F00;
	s14 =	simm.s32 $0xB700;
	s15 =	simm.s32 $0x1EF00  }
0x6: {  	s16 =	simm.s32 $0x11F00;
	s0 =	sand.u32 $0x1, s0;
	s2 =	sshll.u32 s2, $0x1;
	v0 =	vmul.u32 $0x11, v0  }
0x7: {  	s17 =	simm.s32 $0x18700;
	s18 =	simm.s32 $0x3;
	s2 =	sor.u32 s0, s2  }
0x8: {  	s19 =	simm.s32 $0x1;
	s20 =	simm.s32 $0x1F100;
	s4 =	smul.u32 $0x2710, s2;
	v1 =	vadd.s32 $0x1, v0;
	v2 =	vadd.s32 $0x2, v0;
	v3 =	vadd.s32 $0x3, v0  }
0x9: {  	s21 =	simm.s32 $0x2;
	s22 =	simm.s32 $0x0;
	s0 =	ssub.s32 $0x2, s0;
	v4 =	vadd.s32 $0x4, v0;
	v5 =	vadd.s32 $0x5, v0;
	v6 =	vadd.s32 $0x6, v0  }
0xa: {  	[smem:$0x7FF] =	sst s5;
	s7 =	sshrl.u32 s0, $0x1;
	v7 =	vadd.s32 $0x7, v0;
	v8 =	vadd.s32 $0x8, v0;
	v9 =	vadd.s32 $0x9, v0;
	s2 =	sshrl.u32 s4, $0x3  }
0xb: {  	_ =	strace $0x80000047;
	v10 =	vadd.s32 $0xA, v0;
	v11 =	vadd.s32 $0xB, v0;
	v12 =	vadd.s32 $0xC, v0;
	s0 =	ssub.s32 s0, s7;
	s6 =	sadd.s32 s6, s2  }
0xc: {  	v13 =	vadd.s32 $0xD, v0;
	v14 =	vadd.s32 $0xE, v0;
	v15 =	vadd.s32 $0xF, v0;
	s9 =	smax.u32 s0, $0x1;
	s8 =	sadd.s32 s3, s2;
	s7 =	sadd.s32 $0x9E00, s6  }
.LBB2_1:
0xd: {  	[tilespmem:s5], [sflag:$0x4] =	stream.linear.gather [hbm4b:s7+s5], $0x2720, $0x38;
	[tilespmem:$0x1FF00] =	vst v63  }
0xe: {  	_ =	swait.ge [sflag:s10], $0x2720  }
0xf: {  	[sflag:s10] =	ssyncset.done $0x0  }
0x10: {  	[sflag:s10] =	ssyncadd.s32 $0xFFFFD8E0  }
0x11: {  	[tilespmem:s11], [sflag:$0x4] =	stream.linear.gather [hbm4b:s6+s5], $0x2720, $0x38;
	[tilespmem:$0x1FF00] =	vst v63  }
0x12: {  	_ =	swait.ge [sflag:s10], $0x2720  }
0x13: {  	[sflag:s10] =	ssyncset.done $0x0  }
0x14: {  	[sflag:s10] =	ssyncadd.s32 $0xFFFFD8E0  }
0x15: {  	[tilespmem:s13], [sflag:$0x1] =	stream.indirect.gather [hbm4b:s1+s12], $0x80, s5, s12, $0xb8;
	[tilespmem:$0x1FF00] =	vst v63  }
0x16: {  	_ = 	snop  }
0x17: {  	[tilespmem:s14], [sflag:$0x1] =	stream.indirect.gather [hbm4b:s1+s12], $0x80, s11, s12, $0xb8;
	[tilespmem:$0x1FF00] =	vst v63  }
0x18: {  	s23 =	simm.s32 $0x0  }
0x19: {  	[hbm4b:s8+s5] =	stream.linear.scatter [tilespmem:s15], [sflag:$0x3], $0x190, $0x38;
	[tilespmem:$0x1FF00] =	vst v63  }
.LBB2_2:
0x1a: {  	s24 =	smul.u32 $0x190, s23;
	_ =	sdelay $0x1  }
0x1b: {  	s0 =	sadd.s32 $0xC8, s24  }
0x1c: {  	[tilespmem:s16], [sflag:$0x2] =	stream.indirect.gather [hbm4b:s1+s12], $0x80, s0, s12, $0xb8;
	[tilespmem:$0x1FF00] =	vst v63  }
0x1d: {  	s26 =	sadd.s32 $0x2848, s24  }
0x1e: {  	[tilespmem:s17], [sflag:$0x2] =	stream.indirect.gather [hbm4b:s1+s12], $0x80, s26, s12, $0xb8;
	[tilespmem:$0x1FF00] =	vst v63  }
0x1f: {  	_ =	swait.ge [sflag:s18], $0x190  }
0x20: {  	[sflag:s18] =	ssyncset.done $0x0  }
0x21: {  	[sflag:s18] =	ssyncadd.s32 $0xFFFFFE70  }
0x22: {  	_ =	swait.ge [sflag:s19], $0x6400  }
0x23: {  	[sflag:s19] =	ssyncset.done $0x0  }
0x24: {  	[sflag:s19] =	ssyncadd.s32 $0xFFFF9C00  }
0x25: {  	_ =	swait.ge [sflag:s19], $0x6400  }
0x26: {  	[sflag:s19] =	ssyncset.done $0x0  }
0x27: {  	s31 =	simm.s32 $0x0;
	[sflag:s19] =	ssyncadd.s32 $0xFFFF9C00  }
0x28: {  	v16 =	vld [tilespmem:s31+$0x4F00]  }
0x29: {  	v17 =	vld [tilespmem:s31+$0xB700]  }
0x2a: {  	v18 =	vld [tilespmem:s31+$0x4F10]  }
0x2b: {  	v19 =	vld [tilespmem:s31+$0xB710]  }
0x2c: {  	v20 =	vld [tilespmem:s31+$0x4F20]  }
0x2d: {  	v21 =	vld [tilespmem:s31+$0xB720]  }
0x2e: {  	v22 =	vld [tilespmem:s31+$0x4F30]  }
0x2f: {  	v23 =	vld [tilespmem:s31+$0xB730]  }
0x30: {  	v24 =	vld [tilespmem:s31+$0x4F40];
	v16 =	vmul.f32 v17, v16;
	v17 =	vmul.f32 v19, v18  }
0x31: {  	v18 =	vld [tilespmem:s31+$0xB740]  }
0x32: {  	v19 =	vld [tilespmem:s31+$0x4F50];
	v16 =	vadd.f32 v17, v16;
	v17 =	vmul.f32 v21, v20  }
0x33: {  	v20 =	vld [tilespmem:s31+$0xB750]  }
0x34: {  	v21 =	vld [tilespmem:s31+$0x4F60];
	v16 =	vadd.f32 v17, v16;
	v17 =	vmul.f32 v23, v22  }
0x35: {  	v22 =	vld [tilespmem:s31+$0xB760]  }
0x36: {  	v23 =	vld [tilespmem:s31+$0x4F70];
	v16 =	vadd.f32 v17, v16;
	v17 =	vmul.f32 v18, v24  }
0x37: {  	v18 =	vld [tilespmem:s31+$0xB770]  }
0x38: {  	v16 =	vadd.f32 v17, v16;
	v17 =	vmul.f32 v20, v19;
	_ =	sdelay $0x1  }
0x39: {  	v16 =	vadd.f32 v17, v16;
	v17 =	vmul.f32 v22, v21;
	_ =	sdelay $0x1  }
0x3a: {  	v16 =	vadd.f32 v17, v16;
	v17 =	vmul.f32 v18, v23  }
0x3b: {  	s25 =	simm.s32 $0x0  }
0x3c: {  	s26 =	smul.u32 $0x110, s25;
	v16 =	vadd.f32 v17, v16;
	_ =	sdelay $0x1  }
0x3d: {  	[tilespmem:s26+$0x1F100] =	vst v16  }
0x3e: {  	v16 =	vld [tilespmem:s31+$0x4F80]  }
0x3f: {  	v17 =	vld [tilespmem:s31+$0xB780]  }
0x40: {  	v18 =	vld [tilespmem:s31+$0x4F90]  }
0x41: {  	v19 =	vld [tilespmem:s31+$0xB790]  }
0x42: {  	v20 =	vld [tilespmem:s31+$0x4FA0]  }
0x43: {  	v21 =	vld [tilespmem:s31+$0xB7A0]  }
0x44: {  	v22 =	vld [tilespmem:s31+$0x4FB0]  }
0x45: {  	v23 =	vld [tilespmem:s31+$0xB7B0]  }
0x46: {  	v24 =	vld [tilespmem:s31+$0x4FC0];
	v16 =	vmul.f32 v17, v16;
	v17 =	vmul.f32 v19, v18  }
0x47: {  	v18 =	vld [tilespmem:s31+$0xB7C0]  }
0x48: {  	v19 =	vld [tilespmem:s31+$0x4FD0];
	v16 =	vadd.f32 v17, v16;
	v17 =	vmul.f32 v21, v20  }
0x49: {  	v20 =	vld [tilespmem:s31+$0xB7D0]  }
0x4a: {  	v21 =	vld [tilespmem:s31+$0x4FE0];
	v16 =	vadd.f32 v17, v16;
	v17 =	vmul.f32 v23, v22  }
0x4b: {  	v22 =	vld [tilespmem:s31+$0xB7E0]  }
0x4c: {  	v23 =	vld [tilespmem:s31+$0x4FF0];
	v16 =	vadd.f32 v17, v16;
	v17 =	vmul.f32 v18, v24  }
0x4d: {  	v18 =	vld [tilespmem:s31+$0xB7F0]  }
0x4e: {  	v16 =	vadd.f32 v17, v16;
	v17 =	vmul.f32 v20, v19;
	_ =	sdelay $0x1  }
0x4f: {  	v16 =	vadd.f32 v17, v16;
	v17 =	vmul.f32 v22, v21;
	_ =	sdelay $0x1  }
0x50: {  	v16 =	vadd.f32 v17, v16;
	v17 =	vmul.f32 v18, v23;
	_ =	sdelay $0x1  }
0x51: {  	v16 =	vadd.f32 v17, v16;
	_ =	sdelay $0x1  }
0x52: {  	[tilespmem:s26+$0x1F111] =	vst v16  }
0x53: {  	v16 =	vld [tilespmem:s31+$0x5000]  }
0x54: {  	v17 =	vld [tilespmem:s31+$0xB800]  }
0x55: {  	v18 =	vld [tilespmem:s31+$0x5010]  }
0x56: {  	v19 =	vld [tilespmem:s31+$0xB810]  }
0x57: {  	v20 =	vld [tilespmem:s31+$0x5020]  }
0x58: {  	v21 =	vld [tilespmem:s31+$0xB820]  }
0x59: {  	v22 =	vld [tilespmem:s31+$0x5030]  }
0x5a: {  	v23 =	vld [tilespmem:s31+$0xB830]  }
0x5b: {  	v24 =	vld [tilespmem:s31+$0x5040];
	v16 =	vmul.f32 v17, v16;
	v17 =	vmul.f32 v19, v18  }
0x5c: {  	v18 =	vld [tilespmem:s31+$0xB840]  }
0x5d: {  	v19 =	vld [tilespmem:s31+$0x5050];
	v16 =	vadd.f32 v17, v16;
	v17 =	vmul.f32 v21, v20  }
0x5e: {  	v20 =	vld [tilespmem:s31+$0xB850]  }
0x5f: {  	v21 =	vld [tilespmem:s31+$0x5060];
	v16 =	vadd.f32 v17, v16;
	v17 =	vmul.f32 v23, v22  }
0x60: {  	v22 =	vld [tilespmem:s31+$0xB860]  }
0x61: {  	v23 =	vld [tilespmem:s31+$0x5070];
	v16 =	vadd.f32 v17, v16;
	v17 =	vmul.f32 v18, v24  }
0x62: {  	v18 =	vld [tilespmem:s31+$0xB870]  }
0x63: {  	v16 =	vadd.f32 v17, v16;
	v17 =	vmul.f32 v20, v19;
	_ =	sdelay $0x1  }
0x64: {  	v16 =	vadd.f32 v17, v16;
	v17 =	vmul.f32 v22, v21;
	_ =	sdelay $0x1  }
0x65: {  	v16 =	vadd.f32 v17, v16;
	v17 =	vmul.f32 v18, v23;
	_ =	sdelay $0x1  }
0x66: {  	v16 =	vadd.f32 v17, v16;
	_ =	sdelay $0x1  }
0x67: {  	[tilespmem:s26+$0x1F122] =	vst v16  }
0x68: {  	v16 =	vld [tilespmem:s31+$0x5080]  }
0x69: {  	v17 =	vld [tilespmem:s31+$0xB880]  }
0x6a: {  	v18 =	vld [tilespmem:s31+$0x5090]  }
0x6b: {  	v19 =	vld [tilespmem:s31+$0xB890]  }
0x6c: {  	v20 =	vld [tilespmem:s31+$0x50A0]  }
0x6d: {  	v21 =	vld [tilespmem:s31+$0xB8A0]  }
0x6e: {  	v22 =	vld [tilespmem:s31+$0x50B0]  }
0x6f: {  	v23 =	vld [tilespmem:s31+$0xB8B0]  }
0x70: {  	v24 =	vld [tilespmem:s31+$0x50C0];
	v16 =	vmul.f32 v17, v16;
	v17 =	vmul.f32 v19, v18  }
0x71: {  	v18 =	vld [tilespmem:s31+$0xB8C0]  }
0x72: {  	v19 =	vld [tilespmem:s31+$0x50D0];
	v16 =	vadd.f32 v17, v16;
	v17 =	vmul.f32 v21, v20  }
0x73: {  	v20 =	vld [tilespmem:s31+$0xB8D0]  }
0x74: {  	v21 =	vld [tilespmem:s31+$0x50E0];
	v16 =	vadd.f32 v17, v16;
	v17 =	vmul.f32 v23, v22  }
0x75: {  	v22 =	vld [tilespmem:s31+$0xB8E0]  }
0x76: {  	v23 =	vld [tilespmem:s31+$0x50F0];
	v16 =	vadd.f32 v17, v16;
	v17 =	vmul.f32 v18, v24  }
0x77: {  	v18 =	vld [tilespmem:s31+$0xB8F0]  }
0x78: {  	v16 =	vadd.f32 v17, v16;
	v17 =	vmul.f32 v20, v19;
	_ =	sdelay $0x1  }
0x79: {  	v16 =	vadd.f32 v17, v16;
	v17 =	vmul.f32 v22, v21;
	_ =	sdelay $0x1  }
0x7a: {  	v16 =	vadd.f32 v17, v16;
	v17 =	vmul.f32 v18, v23;
	_ =	sdelay $0x1  }
0x7b: {  	v16 =	vadd.f32 v17, v16;
	_ =	sdelay $0x1  }
0x7c: {  	[tilespmem:s26+$0x1F133] =	vst v16  }
0x7d: {  	v16 =	vld [tilespmem:s31+$0x5100]  }
0x7e: {  	v17 =	vld [tilespmem:s31+$0xB900]  }
0x7f: {  	v18 =	vld [tilespmem:s31+$0x5110]  }
0x80: {  	v19 =	vld [tilespmem:s31+$0xB910]  }
0x81: {  	v20 =	vld [tilespmem:s31+$0x5120]  }
0x82: {  	v21 =	vld [tilespmem:s31+$0xB920]  }
0x83: {  	v22 =	vld [tilespmem:s31+$0x5130]  }
0x84: {  	v23 =	vld [tilespmem:s31+$0xB930]  }
0x85: {  	v24 =	vld [tilespmem:s31+$0x5140];
	v16 =	vmul.f32 v17, v16;
	v17 =	vmul.f32 v19, v18  }
0x86: {  	v18 =	vld [tilespmem:s31+$0xB940]  }
0x87: {  	v19 =	vld [tilespmem:s31+$0x5150];
	v16 =	vadd.f32 v17, v16;
	v17 =	vmul.f32 v21, v20  }
0x88: {  	v20 =	vld [tilespmem:s31+$0xB950]  }
0x89: {  	v21 =	vld [tilespmem:s31+$0x5160];
	v16 =	vadd.f32 v17, v16;
	v17 =	vmul.f32 v23, v22  }
0x8a: {  	v22 =	vld [tilespmem:s31+$0xB960]  }
0x8b: {  	v23 =	vld [tilespmem:s31+$0x5170];
	v16 =	vadd.f32 v17, v16;
	v17 =	vmul.f32 v18, v24  }
0x8c: {  	v18 =	vld [tilespmem:s31+$0xB970]  }
0x8d: {  	v19 =	vmul.f32 v20, v19;
	v16 =	vadd.f32 v17, v16;
	_ =	sdelay $0x1  }
0x8e: {  	v17 =	vmul.f32 v22, v21;
	v16 =	vadd.f32 v19, v16;
	_ =	sdelay $0x1  }
0x8f: {  	v18 =	vmul.f32 v18, v23;
	v16 =	vadd.f32 v17, v16;
	_ =	sdelay $0x1  }
0x90: {  	v16 =	vadd.f32 v18, v16;
	_ =	sdelay $0x1  }
0x91: {  	[tilespmem:s26+$0x1F144] =	vst v16  }
0x92: {  	v16 =	vld [tilespmem:s31+$0x5180]  }
0x93: {  	v17 =	vld [tilespmem:s31+$0xB980]  }
0x94: {  	v18 =	vld [tilespmem:s31+$0x5190]  }
0x95: {  	v19 =	vld [tilespmem:s31+$0xB990]  }
0x96: {  	v20 =	vld [tilespmem:s31+$0x51A0]  }
0x97: {  	v21 =	vld [tilespmem:s31+$0xB9A0]  }
0x98: {  	v22 =	vld [tilespmem:s31+$0x51B0]  }
0x99: {  	v23 =	vld [tilespmem:s31+$0xB9B0]  }
0x9a: {  	v24 =	vld [tilespmem:s31+$0x51C0];
	v16 =	vmul.f32 v17, v16;
	v17 =	vmul.f32 v19, v18  }
0x9b: {  	v18 =	vld [tilespmem:s31+$0xB9C0]  }
0x9c: {  	v19 =	vld [tilespmem:s31+$0x51D0];
	v16 =	vadd.f32 v17, v16;
	v17 =	vmul.f32 v21, v20  }
0x9d: {  	v20 =	vld [tilespmem:s31+$0xB9D0]  }
0x9e: {  	v21 =	vld [tilespmem:s31+$0x51E0];
	v16 =	vadd.f32 v17, v16;
	v17 =	vmul.f32 v23, v22  }
0x9f: {  	v22 =	vld [tilespmem:s31+$0xB9E0]  }
0xa0: {  	v23 =	vld [tilespmem:s31+$0x51F0];
	v16 =	vadd.f32 v17, v16;
	v17 =	vmul.f32 v18, v24  }
0xa1: {  	v18 =	vld [tilespmem:s31+$0xB9F0]  }
0xa2: {  	v16 =	vadd.f32 v17, v16;
	v17 =	vmul.f32 v20, v19  }
0xa3: {  	s29 =	simm.s32 $0x800  }
0xa4: {  	v31 =	vld [tilespmem:s29+$0xB740];
	v16 =	vadd.f32 v17, v16;
	v17 =	vmul.f32 v22, v21  }
0xa5: {  	v32 =	vld [tilespmem:s29+$0xB730]  }
0xa6: {  	v19 =	vld [tilespmem:s29+$0x4F70];
	v16 =	vadd.f32 v17, v16;
	v17 =	vmul.f32 v18, v23  }
0xa7: {  	v20 =	vld [tilespmem:s29+$0xB770]  }
0xa8: {  	v21 =	vld [tilespmem:s29+$0x4F60];
	v16 =	vadd.f32 v17, v16  }
0xa9: {  	v22 =	vld [tilespmem:s29+$0x4F50]  }
0xaa: {  	v18 =	vld [tilespmem:s29+$0xB760];
	[tilespmem:s26+$0x1F155] =	vst v16  }
0xab: {  	v16 =	vld [tilespmem:s31+$0x5200]  }
0xac: {  	v24 =	vld [tilespmem:s31+$0xBA00]  }
0xad: {  	v25 =	vld [tilespmem:s31+$0x5210]  }
0xae: {  	v26 =	vld [tilespmem:s31+$0xBA10]  }
0xaf: {  	v27 =	vld [tilespmem:s31+$0x5220]  }
0xb0: {  	v28 =	vld [tilespmem:s31+$0xBA20]  }
0xb1: {  	v29 =	vld [tilespmem:s31+$0x5230]  }
0xb2: {  	v30 =	vld [tilespmem:s31+$0xBA30]  }
0xb3: {  	v16 =	vmul.f32 v24, v16;
	v24 =	vmul.f32 v26, v25;
	v25 =	vld [tilespmem:s31+$0x5240]  }
0xb4: {  	v26 =	vld [tilespmem:s31+$0xBA40]  }
0xb5: {  	v16 =	vadd.f32 v24, v16;
	v24 =	vmul.f32 v28, v27;
	v27 =	vld [tilespmem:s31+$0x5250]  }
0xb6: {  	v28 =	vld [tilespmem:s31+$0xBA50]  }
0xb7: {  	v16 =	vadd.f32 v24, v16;
	v24 =	vmul.f32 v30, v29;
	v29 =	vld [tilespmem:s31+$0x5260]  }
0xb8: {  	v30 =	vld [tilespmem:s31+$0xBA60]  }
0xb9: {  	v16 =	vadd.f32 v24, v16;
	v24 =	vmul.f32 v26, v25;
	v25 =	vld [tilespmem:s31+$0x5270]  }
0xba: {  	v26 =	vld [tilespmem:s31+$0xBA70]  }
0xbb: {  	v23 =	vld [tilespmem:s29+$0x4F40];
	v16 =	vadd.f32 v24, v16;
	v24 =	vmul.f32 v28, v27  }
0xbc: {  	v17 =	vld [tilespmem:s29+$0xB750]  }
0xbd: {  	v28 =	vld [tilespmem:s29+$0x4F00];
	v16 =	vadd.f32 v24, v16;
	v24 =	vmul.f32 v30, v29  }
0xbe: {  	v29 =	vld [tilespmem:s29+$0xB700]  }
0xbf: {  	v30 =	vld [tilespmem:s29+$0x4F10];
	v16 =	vadd.f32 v24, v16;
	v24 =	vmul.f32 v26, v25  }
0xc0: {  	v25 =	vld [tilespmem:s29+$0xB710]  }
0xc1: {  	v26 =	vld [tilespmem:s29+$0x4F20];
	v16 =	vadd.f32 v24, v16  }
0xc2: {  	v24 =	vld [tilespmem:s29+$0xB720]  }
0xc3: {  	v27 =	vld [tilespmem:s29+$0x4F30];
	[tilespmem:s26+$0x1F166] =	vst v16  }
0xc4: {  	v16 =	vld [tilespmem:s31+$0x5280]  }
0xc5: {  	v28 =	vmul.f32 v29, v28;
	v25 =	vmul.f32 v25, v30;
	v29 =	vld [tilespmem:s31+$0xBA80]  }
0xc6: {  	v30 =	vld [tilespmem:s31+$0x5290]  }
0xc7: {  	v25 =	vadd.f32 v25, v28;
	v24 =	vmul.f32 v24, v26;
	v26 =	vld [tilespmem:s31+$0xBA90]  }
0xc8: {  	v28 =	vld [tilespmem:s31+$0x52A0]  }
0xc9: {  	v24 =	vadd.f32 v24, v25;
	v25 =	vmul.f32 v32, v27;
	v27 =	vld [tilespmem:s31+$0xBAA0]  }
0xca: {  	v58 =	vld [tilespmem:s31+$0x52B0]  }
0xcb: {  	v23 =	vmul.f32 v31, v23;
	v17 =	vmul.f32 v17, v22;
	v24 =	vadd.f32 v25, v24;
	v25 =	vld [tilespmem:s31+$0xBAB0]  }
0xcc: {  	v22 =	vld [tilespmem:s31+$0xBAC0];
	v16 =	vmul.f32 v29, v16;
	v26 =	vmul.f32 v26, v30  }
0xcd: {  	v29 =	vld [tilespmem:s31+$0x52C0];
	v23 =	vadd.f32 v23, v24  }
0xce: {  	v18 =	vmul.f32 v18, v21;
	v21 =	vld [tilespmem:s31+$0xBAD0];
	v16 =	vadd.f32 v26, v16;
	v24 =	vmul.f32 v27, v28  }
0xcf: {  	v26 =	vld [tilespmem:s31+$0x52D0];
	v17 =	vadd.f32 v17, v23  }
0xd0: {  	v16 =	vadd.f32 v24, v16;
	v23 =	vmul.f32 v25, v58;
	v24 =	vld [tilespmem:s31+$0x52E0]  }
0xd1: {  	v17 =	vadd.f32 v18, v17;
	v18 =	vmul.f32 v20, v19;
	v19 =	vld [tilespmem:s31+$0xBAE0]  }
0xd2: {  	s28 =	simm.s32 $0x1;
	v20 =	vmul.f32 v22, v29;
	v22 =	vld [tilespmem:s31+$0x52F0];
	v16 =	vadd.f32 v23, v16  }
0xd3: {  	s30 =	smul.u32 $0x110, s28;
	v17 =	vadd.f32 v18, v17;
	v18 =	vld [tilespmem:s31+$0xBAF0]  }
0xd4: {  	v16 =	vadd.f32 v20, v16;
	v20 =	vmul.f32 v21, v26  }
0xd5: {  	[tilespmem:s30+$0x1F100] =	vst v17  }
0xd6: {  	v17 =	vld [tilespmem:s29+$0x4FF0];
	v16 =	vadd.f32 v20, v16;
	v19 =	vmul.f32 v19, v24  }
0xd7: {  	v20 =	vld [tilespmem:s29+$0xB7F0]  }
0xd8: {  	v21 =	vld [tilespmem:s29+$0x4FE0];
	v16 =	vadd.f32 v19, v16;
	v18 =	vmul.f32 v18, v22  }
0xd9: {  	v23 =	vld [tilespmem:s29+$0x4FC0]  }
0xda: {  	v31 =	vld [tilespmem:s29+$0xB7C0];
	v16 =	vadd.f32 v18, v16  }
0xdb: {  	v59 =	vld [tilespmem:s29+$0xB7B0]  }
0xdc: {  	v19 =	vld [tilespmem:s29+$0xB7E0];
	[tilespmem:s26+$0x1F177] =	vst v16  }
0xdd: {  	v16 =	vld [tilespmem:s31+$0x5300]  }
0xde: {  	v24 =	vld [tilespmem:s31+$0xBB00]  }
0xdf: {  	v25 =	vld [tilespmem:s31+$0x5310]  }
0xe0: {  	v26 =	vld [tilespmem:s31+$0xBB10]  }
0xe1: {  	v27 =	vld [tilespmem:s31+$0x5320]  }
0xe2: {  	v28 =	vld [tilespmem:s31+$0xBB20]  }
0xe3: {  	v29 =	vld [tilespmem:s31+$0x5330]  }
0xe4: {  	v30 =	vld [tilespmem:s31+$0xBB30]  }
0xe5: {  	v16 =	vmul.f32 v24, v16;
	v24 =	vmul.f32 v26, v25;
	v25 =	vld [tilespmem:s31+$0x5340]  }
0xe6: {  	v26 =	vld [tilespmem:s31+$0xBB40]  }
0xe7: {  	v16 =	vadd.f32 v24, v16;
	v24 =	vmul.f32 v28, v27;
	v27 =	vld [tilespmem:s31+$0x5350]  }
0xe8: {  	v28 =	vld [tilespmem:s31+$0xBB50]  }
0xe9: {  	v16 =	vadd.f32 v24, v16;
	v24 =	vmul.f32 v30, v29;
	v29 =	vld [tilespmem:s31+$0x5360]  }
0xea: {  	v30 =	vld [tilespmem:s31+$0xBB60]  }
0xeb: {  	v16 =	vadd.f32 v24, v16;
	v24 =	vmul.f32 v26, v25;
	v25 =	vld [tilespmem:s31+$0x5370]  }
0xec: {  	v26 =	vld [tilespmem:s31+$0xBB70]  }
0xed: {  	v22 =	vld [tilespmem:s29+$0x4FD0];
	v16 =	vadd.f32 v24, v16;
	v24 =	vmul.f32 v28, v27  }
0xee: {  	v18 =	vld [tilespmem:s29+$0xB7D0]  }
0xef: {  	v28 =	vld [tilespmem:s29+$0x4F80];
	v16 =	vadd.f32 v24, v16;
	v24 =	vmul.f32 v30, v29  }
0xf0: {  	v29 =	vld [tilespmem:s29+$0xB780]  }
0xf1: {  	v30 =	vld [tilespmem:s29+$0x4F90];
	v16 =	vadd.f32 v24, v16;
	v24 =	vmul.f32 v26, v25  }
0xf2: {  	v25 =	vld [tilespmem:s29+$0xB790]  }
0xf3: {  	v26 =	vld [tilespmem:s29+$0x4FA0];
	v16 =	vadd.f32 v24, v16  }
0xf4: {  	v24 =	vld [tilespmem:s29+$0xB7A0]  }
0xf5: {  	v27 =	vld [tilespmem:s29+$0x4FB0];
	[tilespmem:s26+$0x1F188] =	vst v16  }
0xf6: {  	v16 =	vld [tilespmem:s31+$0x5380]  }
0xf7: {  	v28 =	vmul.f32 v29, v28;
	v25 =	vmul.f32 v25, v30;
	v29 =	vld [tilespmem:s31+$0xBB80]  }
0xf8: {  	v30 =	vld [tilespmem:s31+$0x5390]  }
0xf9: {  	v25 =	vadd.f32 v25, v28;
	v24 =	vmul.f32 v24, v26;
	v26 =	vld [tilespmem:s31+$0xBB90]  }
0xfa: {  	v28 =	vld [tilespmem:s31+$0x53A0]  }
0xfb: {  	v24 =	vadd.f32 v24, v25;
	v25 =	vmul.f32 v59, v27;
	v27 =	vld [tilespmem:s31+$0xBBA0]  }
0xfc: {  	v60 =	vld [tilespmem:s31+$0x53B0]  }
0xfd: {  	v23 =	vmul.f32 v31, v23;
	v18 =	vmul.f32 v18, v22;
	v24 =	vadd.f32 v25, v24;
	v25 =	vld [tilespmem:s31+$0xBBB0]  }
0xfe: {  	v22 =	vld [tilespmem:s31+$0xBBC0];
	v16 =	vmul.f32 v29, v16;
	v26 =	vmul.f32 v26, v30  }
0xff: {  	v29 =	vld [tilespmem:s31+$0x53C0];
	v23 =	vadd.f32 v23, v24  }
0x100: {  	v19 =	vmul.f32 v19, v21;
	v21 =	vld [tilespmem:s31+$0xBBD0];
	v16 =	vadd.f32 v26, v16;
	v24 =	vmul.f32 v27, v28  }
0x101: {  	v26 =	vld [tilespmem:s31+$0x53D0];
	v18 =	vadd.f32 v18, v23  }
0x102: {  	v16 =	vadd.f32 v24, v16;
	v23 =	vmul.f32 v25, v60;
	v24 =	vld [tilespmem:s31+$0x53E0]  }
0x103: {  	v17 =	vmul.f32 v20, v17;
	v18 =	vadd.f32 v19, v18;
	v19 =	vld [tilespmem:s31+$0xBBE0]  }
0x104: {  	v20 =	vmul.f32 v22, v29;
	v22 =	vld [tilespmem:s31+$0x53F0];
	v16 =	vadd.f32 v23, v16  }
0x105: {  	v17 =	vadd.f32 v17, v18;
	v18 =	vld [tilespmem:s31+$0xBBF0]  }
0x106: {  	v16 =	vadd.f32 v20, v16;
	v20 =	vmul.f32 v21, v26  }
0x107: {  	[tilespmem:s30+$0x1F111] =	vst v17  }
0x108: {  	v17 =	vld [tilespmem:s29+$0x5070];
	v16 =	vadd.f32 v20, v16;
	v19 =	vmul.f32 v19, v24  }
0x109: {  	v20 =	vld [tilespmem:s29+$0xB870]  }
0x10a: {  	v21 =	vld [tilespmem:s29+$0x5060];
	v16 =	vadd.f32 v19, v16;
	v18 =	vmul.f32 v18, v22  }
0x10b: {  	v23 =	vld [tilespmem:s29+$0x5040]  }
0x10c: {  	v31 =	vld [tilespmem:s29+$0xB840];
	v16 =	vadd.f32 v18, v16  }
0x10d: {  	v61 =	vld [tilespmem:s29+$0xB830]  }
0x10e: {  	v19 =	vld [tilespmem:s29+$0xB860];
	[tilespmem:s26+$0x1F199] =	vst v16  }
0x10f: {  	v16 =	vld [tilespmem:s31+$0x5400]  }
0x110: {  	v24 =	vld [tilespmem:s31+$0xBC00]  }
0x111: {  	v25 =	vld [tilespmem:s31+$0x5410]  }
0x112: {  	v26 =	vld [tilespmem:s31+$0xBC10]  }
0x113: {  	v27 =	vld [tilespmem:s31+$0x5420]  }
0x114: {  	v28 =	vld [tilespmem:s31+$0xBC20]  }
0x115: {  	v29 =	vld [tilespmem:s31+$0x5430]  }
0x116: {  	v30 =	vld [tilespmem:s31+$0xBC30]  }
0x117: {  	v16 =	vmul.f32 v24, v16;
	v24 =	vmul.f32 v26, v25;
	v25 =	vld [tilespmem:s31+$0x5440]  }
0x118: {  	v26 =	vld [tilespmem:s31+$0xBC40]  }
0x119: {  	v16 =	vadd.f32 v24, v16;
	v24 =	vmul.f32 v28, v27;
	v27 =	vld [tilespmem:s31+$0x5450]  }
0x11a: {  	v28 =	vld [tilespmem:s31+$0xBC50]  }
0x11b: {  	v16 =	vadd.f32 v24, v16;
	v24 =	vmul.f32 v30, v29;
	v29 =	vld [tilespmem:s31+$0x5460]  }
0x11c: {  	v30 =	vld [tilespmem:s31+$0xBC60]  }
0x11d: {  	v16 =	vadd.f32 v24, v16;
	v24 =	vmul.f32 v26, v25;
	v25 =	vld [tilespmem:s31+$0x5470]  }
0x11e: {  	v26 =	vld [tilespmem:s31+$0xBC70]  }
0x11f: {  	v22 =	vld [tilespmem:s29+$0x5050];
	v16 =	vadd.f32 v24, v16;
	v24 =	vmul.f32 v28, v27  }
0x120: {  	v18 =	vld [tilespmem:s29+$0xB850]  }
0x121: {  	v28 =	vld [tilespmem:s29+$0x5000];
	v16 =	vadd.f32 v24, v16;
	v24 =	vmul.f32 v30, v29  }
0x122: {  	v29 =	vld [tilespmem:s29+$0xB800]  }
0x123: {  	v30 =	vld [tilespmem:s29+$0x5010];
	v16 =	vadd.f32 v24, v16;
	v24 =	vmul.f32 v26, v25  }
0x124: {  	v25 =	vld [tilespmem:s29+$0xB810]  }
0x125: {  	v26 =	vld [tilespmem:s29+$0x5020];
	v16 =	vadd.f32 v24, v16  }
0x126: {  	v24 =	vld [tilespmem:s29+$0xB820]  }
0x127: {  	v27 =	vld [tilespmem:s29+$0x5030];
	[tilespmem:s26+$0x1F1AA] =	vst v16  }
0x128: {  	v16 =	vld [tilespmem:s31+$0x5480]  }
0x129: {  	v28 =	vmul.f32 v29, v28;
	v25 =	vmul.f32 v25, v30;
	v29 =	vld [tilespmem:s31+$0xBC80]  }
0x12a: {  	v30 =	vld [tilespmem:s31+$0x5490]  }
0x12b: {  	v25 =	vadd.f32 v25, v28;
	v24 =	vmul.f32 v24, v26;
	v26 =	vld [tilespmem:s31+$0xBC90]  }
0x12c: {  	v28 =	vld [tilespmem:s31+$0x54A0]  }
0x12d: {  	v24 =	vadd.f32 v24, v25;
	v25 =	vmul.f32 v61, v27;
	v27 =	vld [tilespmem:s31+$0xBCA0]  }
0x12e: {  	v62 =	vld [tilespmem:s31+$0x54B0]  }
0x12f: {  	v23 =	vmul.f32 v31, v23;
	v18 =	vmul.f32 v18, v22;
	v24 =	vadd.f32 v25, v24;
	v25 =	vld [tilespmem:s31+$0xBCB0]  }
0x130: {  	v22 =	vld [tilespmem:s31+$0xBCC0];
	v16 =	vmul.f32 v29, v16;
	v26 =	vmul.f32 v26, v30  }
0x131: {  	v29 =	vld [tilespmem:s31+$0x54C0];
	v23 =	vadd.f32 v23, v24  }
0x132: {  	v19 =	vmul.f32 v19, v21;
	v21 =	vld [tilespmem:s31+$0xBCD0];
	v16 =	vadd.f32 v26, v16;
	v24 =	vmul.f32 v27, v28  }
0x133: {  	v26 =	vld [tilespmem:s31+$0x54D0];
	v18 =	vadd.f32 v18, v23  }
0x134: {  	v16 =	vadd.f32 v24, v16;
	v23 =	vmul.f32 v25, v62;
	v24 =	vld [tilespmem:s31+$0x54E0]  }
0x135: {  	v17 =	vmul.f32 v20, v17;
	v18 =	vadd.f32 v19, v18;
	v19 =	vld [tilespmem:s31+$0xBCE0]  }
0x136: {  	v20 =	vmul.f32 v22, v29;
	v22 =	vld [tilespmem:s31+$0x54F0];
	v16 =	vadd.f32 v23, v16  }
0x137: {  	v23 =	vld [tilespmem:s31+$0xBCF0];
	v17 =	vadd.f32 v17, v18  }
0x138: {  	v18 =	vadd.f32 v20, v16;
	v20 =	vmul.f32 v21, v26  }
0x139: {  	[tilespmem:s30+$0x1F122] =	vst v17  }
0x13a: {  	v16 =	vld [tilespmem:s29+$0x50F0];
	v20 =	vadd.f32 v20, v18;
	v19 =	vmul.f32 v19, v24  }
0x13b: {  	v17 =	vld [tilespmem:s29+$0xB8F0]  }
0x13c: {  	v18 =	vld [tilespmem:s29+$0x50E0];
	v22 =	vmul.f32 v23, v22;
	v21 =	vadd.f32 v19, v20  }
0x13d: {  	v63 =	vld [tilespmem:s29+$0x5080]  }
0x13e: {  	v33 =	vld [tilespmem:s29+$0x5090];
	v23 =	vadd.f32 v22, v21  }
0x13f: {  	v19 =	vld [tilespmem:s29+$0xB8E0]  }
0x140: {  	v20 =	vld [tilespmem:s29+$0x50D0];
	[tilespmem:s26+$0x1F1BB] =	vst v23  }
0x141: {  	v23 =	vld [tilespmem:s31+$0x5500]  }
0x142: {  	v24 =	vld [tilespmem:s31+$0xBD00]  }
0x143: {  	v25 =	vld [tilespmem:s31+$0x5510]  }
0x144: {  	v26 =	vld [tilespmem:s31+$0xBD10]  }
0x145: {  	v27 =	vld [tilespmem:s31+$0x5520]  }
0x146: {  	v28 =	vld [tilespmem:s31+$0xBD20]  }
0x147: {  	v29 =	vld [tilespmem:s31+$0x5530]  }
0x148: {  	v30 =	vld [tilespmem:s31+$0xBD30]  }
0x149: {  	v23 =	vmul.f32 v24, v23;
	v24 =	vmul.f32 v26, v25;
	v25 =	vld [tilespmem:s31+$0x5540]  }
0x14a: {  	v26 =	vld [tilespmem:s31+$0xBD40]  }
0x14b: {  	v23 =	vadd.f32 v24, v23;
	v24 =	vmul.f32 v28, v27;
	v27 =	vld [tilespmem:s31+$0x5550]  }
0x14c: {  	v28 =	vld [tilespmem:s31+$0xBD50]  }
0x14d: {  	v23 =	vadd.f32 v24, v23;
	v24 =	vmul.f32 v30, v29;
	v29 =	vld [tilespmem:s31+$0x5560]  }
0x14e: {  	v30 =	vld [tilespmem:s31+$0xBD60]  }
0x14f: {  	v31 =	vld [tilespmem:s31+$0xBD70];
	v25 =	vmul.f32 v26, v25;
	v24 =	vadd.f32 v24, v23  }
0x150: {  	v26 =	vld [tilespmem:s31+$0x5570]  }
0x151: {  	v21 =	vld [tilespmem:s29+$0xB8D0];
	v27 =	vmul.f32 v28, v27;
	v25 =	vadd.f32 v25, v24  }
0x152: {  	v22 =	vld [tilespmem:s29+$0x50C0]  }
0x153: {  	v23 =	vld [tilespmem:s29+$0xB8C0];
	v25 =	vadd.f32 v27, v25;
	v27 =	vmul.f32 v30, v29  }
0x154: {  	v28 =	vld [tilespmem:s29+$0x50A0]  }
0x155: {  	v30 =	vld [tilespmem:s29+$0xB880];
	v26 =	vmul.f32 v31, v26;
	v25 =	vadd.f32 v27, v25  }
0x156: {  	v31 =	vld [tilespmem:s29+$0xB890]  }
0x157: {  	v24 =	vld [tilespmem:s29+$0x50B0];
	v25 =	vadd.f32 v26, v25  }
0x158: {  	v29 =	vld [tilespmem:s29+$0xB8A0]  }
0x159: {  	v27 =	vld [tilespmem:s29+$0xB8B0];
	[tilespmem:s26+$0x1F1CC] =	vst v25  }
0x15a: {  	v25 =	vld [tilespmem:s31+$0x5580]  }
0x15b: {  	s2 =	simm.s32 $0x2;
	v30 =	vmul.f32 v30, v63;
	v31 =	vmul.f32 v31, v33;
	v26 =	vld [tilespmem:s31+$0xBD80]  }
.LBB2_3:
0x15c: {  	p0 =	sne.s32 s2, $0xC;
	v32 =	vld [tilespmem:s31+$0x5590]  }
0x15d: {  	v30 =	vadd.f32 v31, v30;
	v28 =	vmul.f32 v29, v28;
	v29 =	vld [tilespmem:s31+$0xBD90]  }
0x15e: {  	v31 =	vld [tilespmem:s31+$0x55A0]  }
0x15f: {  	v24 =	vmul.f32 v27, v24;
	v28 =	vadd.f32 v28, v30;
	v27 =	vld [tilespmem:s31+$0xBDA0]  }
0x160: {  	v30 =	vld [tilespmem:s31+$0x55B0]  }
0x161: {  	v22 =	vmul.f32 v23, v22;
	v24 =	vadd.f32 v24, v28;
	v23 =	vld [tilespmem:s31+$0xBDB0]  }
0x162: {  	v25 =	vmul.f32 v26, v25;
	v26 =	vmul.f32 v29, v32;
	v28 =	vld [tilespmem:s31+$0x55C0]  }
0x163: {  	v20 =	vmul.f32 v21, v20;
	v22 =	vadd.f32 v22, v24;
	v21 =	vld [tilespmem:s31+$0xBDC0]  }
0x164: {  	v24 =	vadd.f32 v26, v25;
	v25 =	vmul.f32 v27, v31;
	v26 =	vld [tilespmem:s31+$0x55D0]  }
0x165: {  	v18 =	vmul.f32 v19, v18;
	v20 =	vadd.f32 v20, v22;
	v19 =	vld [tilespmem:s31+$0xBDD0]  }
0x166: {  	v22 =	vadd.f32 v25, v24;
	v23 =	vmul.f32 v23, v30;
	v24 =	vld [tilespmem:s31+$0x55E0]  }
0x167: {  	v16 =	vmul.f32 v17, v16;
	v18 =	vadd.f32 v18, v20;
	v20 =	vld [tilespmem:s31+$0xBDE0]  }
0x168: {  	v17 =	vadd.f32 v23, v22;
	v21 =	vmul.f32 v21, v28;
	v22 =	vld [tilespmem:s31+$0x55F0]  }
0x169: {  	s0 =	sshll.u32 s2, $0xB;
	v18 =	vadd.f32 v16, v18;
	v23 =	vld [tilespmem:s31+$0xBDF0]  }
0x16a: {  	v16 =	vld [tilespmem:s0+$0x4F70];
	v21 =	vadd.f32 v21, v17;
	v19 =	vmul.f32 v19, v26  }
0x16b: {  	v17 =	vld [tilespmem:s0+$0xB770];
	[tilespmem:s30+$0x1F133] =	vst v18  }
0x16c: {  	v18 =	vld [tilespmem:s29+$0x5170];
	v19 =	vadd.f32 v19, v21;
	v20 =	vmul.f32 v20, v24  }
0x16d: {  	v21 =	vld [tilespmem:s29+$0xB970]  }
0x16e: {  	v24 =	vld [tilespmem:s29+$0x5160];
	v19 =	vadd.f32 v20, v19;
	v20 =	vmul.f32 v23, v22  }
0x16f: {  	v22 =	vld [tilespmem:s29+$0xB960]  }
0x170: {  	v23 =	vld [tilespmem:s29+$0x5150];
	v19 =	vadd.f32 v20, v19  }
0x171: {  	v20 =	vld [tilespmem:s29+$0xB950]  }
0x172: {  	v25 =	vld [tilespmem:s29+$0x5140];
	[tilespmem:s26+$0x1F1DD] =	vst v19  }
0x173: {  	v19 =	vld [tilespmem:s31+$0x5600]  }
0x174: {  	v26 =	vld [tilespmem:s31+$0xBE00]  }
0x175: {  	v27 =	vld [tilespmem:s31+$0x5610]  }
0x176: {  	v28 =	vld [tilespmem:s31+$0xBE10]  }
0x177: {  	v29 =	vld [tilespmem:s31+$0x5620]  }
0x178: {  	v30 =	vld [tilespmem:s31+$0xBE20]  }
0x179: {  	v31 =	vld [tilespmem:s31+$0x5630]  }
0x17a: {  	v32 =	vld [tilespmem:s31+$0xBE30]  }
0x17b: {  	v19 =	vmul.f32 v26, v19;
	v26 =	vmul.f32 v28, v27;
	v27 =	vld [tilespmem:s31+$0x5640]  }
0x17c: {  	v28 =	vld [tilespmem:s31+$0xBE40]  }
0x17d: {  	v19 =	vadd.f32 v26, v19;
	v26 =	vmul.f32 v30, v29;
	v29 =	vld [tilespmem:s31+$0x5650]  }
0x17e: {  	v30 =	vld [tilespmem:s31+$0xBE50]  }
0x17f: {  	v19 =	vadd.f32 v26, v19;
	v26 =	vmul.f32 v32, v31;
	v31 =	vld [tilespmem:s31+$0x5660]  }
0x180: {  	v32 =	vld [tilespmem:s31+$0xBE60]  }
0x181: {  	v19 =	vadd.f32 v26, v19;
	v26 =	vmul.f32 v28, v27;
	v27 =	vld [tilespmem:s31+$0x5670]  }
0x182: {  	v28 =	vld [tilespmem:s31+$0xBE70]  }
0x183: {  	v33 =	vld [tilespmem:s29+$0xB940];
	v19 =	vadd.f32 v26, v19;
	v26 =	vmul.f32 v30, v29  }
0x184: {  	v29 =	vld [tilespmem:s29+$0x5100]  }
0x185: {  	v30 =	vld [tilespmem:s29+$0xB900];
	v19 =	vadd.f32 v26, v19;
	v26 =	vmul.f32 v32, v31  }
0x186: {  	v31 =	vld [tilespmem:s29+$0x5110]  }
0x187: {  	v32 =	vld [tilespmem:s29+$0xB910];
	v19 =	vadd.f32 v26, v19;
	v26 =	vmul.f32 v28, v27  }
0x188: {  	v27 =	vld [tilespmem:s29+$0x5120]  }
0x189: {  	v28 =	vld [tilespmem:s29+$0xB920];
	v19 =	vadd.f32 v26, v19  }
0x18a: {  	v26 =	vld [tilespmem:s29+$0x5130]  }
0x18b: {  	v34 =	vld [tilespmem:s29+$0xB930];
	[tilespmem:s26+$0x1F1EE] =	vst v19  }
0x18c: {  	v19 =	vmul.f32 v30, v29;
	v29 =	vmul.f32 v32, v31;
	v30 =	vld [tilespmem:s31+$0x5680]  }
0x18d: {  	v31 =	vld [tilespmem:s31+$0xBE80]  }
0x18e: {  	v19 =	vadd.f32 v29, v19;
	v27 =	vmul.f32 v28, v27;
	v28 =	vld [tilespmem:s31+$0x5690]  }
0x18f: {  	v29 =	vld [tilespmem:s31+$0xBE90]  }
0x190: {  	v19 =	vadd.f32 v27, v19;
	v26 =	vmul.f32 v34, v26;
	v27 =	vld [tilespmem:s31+$0x56A0]  }
0x191: {  	v32 =	vld [tilespmem:s31+$0xBEA0]  }
0x192: {  	v25 =	vmul.f32 v33, v25;
	v19 =	vadd.f32 v26, v19;
	v26 =	vld [tilespmem:s31+$0x56B0]  }
0x193: {  	v20 =	vmul.f32 v20, v23;
	v23 =	vld [tilespmem:s31+$0xBEB0]  }
0x194: {  	v19 =	vadd.f32 v25, v19;
	v25 =	vmul.f32 v31, v30;
	v28 =	vmul.f32 v29, v28;
	v29 =	vld [tilespmem:s31+$0x56C0]  }
0x195: {  	v22 =	vmul.f32 v22, v24;
	v24 =	vld [tilespmem:s31+$0xBEC0]  }
0x196: {  	v19 =	vadd.f32 v20, v19;
	v20 =	vadd.f32 v28, v25;
	v25 =	vmul.f32 v32, v27;
	v27 =	vld [tilespmem:s31+$0x56D0]  }
0x197: {  	v18 =	vmul.f32 v21, v18;
	v21 =	vld [tilespmem:s31+$0xBED0]  }
0x198: {  	v19 =	vadd.f32 v22, v19;
	v20 =	vadd.f32 v25, v20;
	v22 =	vmul.f32 v23, v26;
	v23 =	vld [tilespmem:s31+$0x56E0]  }
0x199: {  	v25 =	vld [tilespmem:s31+$0xBEE0]  }
0x19a: {  	v19 =	vadd.f32 v18, v19;
	v20 =	vadd.f32 v22, v20;
	v22 =	vmul.f32 v24, v29;
	v24 =	vld [tilespmem:s31+$0x56F0]  }
0x19b: {  	v26 =	vld [tilespmem:s31+$0xBEF0];
	s31 =	smov.u32 s29;
	s29 =	smov.u32 s0  }
0x19c: {  	v18 =	vld [tilespmem:s29+$0x4F60];
	[tilespmem:s30+$0x1F144] =	vst v19;
	v19 =	vadd.f32 v22, v20;
	v20 =	vmul.f32 v21, v27  }
0x19d: {  	v21 =	vld [tilespmem:s31+$0x51F0]  }
0x19e: {  	v22 =	vld [tilespmem:s31+$0x51E0];
	v19 =	vadd.f32 v20, v19;
	v20 =	vmul.f32 v25, v23  }
0x19f: {  	v23 =	vld [tilespmem:s31+$0x51D0]  }
0x1a0: {  	v25 =	vld [tilespmem:s31+$0x51C0];
	v19 =	vadd.f32 v20, v19;
	v20 =	vmul.f32 v26, v24;
	v24 =	vadd.s32 s26, v0  }
0x1a1: {  	v27 =	vadd.s32 s26, v1;
	v26 =	vld [tilespmem:s31+$0x51B0]  }
0x1a2: {  	v28 =	vld [tilespmem:s31+$0x51A0];
	v19 =	vadd.f32 v20, v19  }
0x1a3: {  	v29 =	vadd.s32 s26, v2;
	v20 =	vld [tilespmem:s31+$0x5180]  }
0x1a4: {  	v30 =	vld [tilespmem:s31+$0xB980];
	[tilespmem:s26+$0x1F1FF] =	vst v19  }
0x1a5: {  	v19 =	vld.idx.msk [tilespmem:v24+s20+$0x0], $0xffff;
	v24 =	vadd.s32 s26, v3  }
0x1a6: {  	v27 =	vld.idx.msk [tilespmem:v27+s20+$0x0], $0xffff  }
0x1a7: {  	v32 =	vadd.s32 s26, v4;
	v31 =	vld [tilespmem:s31+$0x5190]  }
0x1a8: {  	v29 =	vld.idx.msk [tilespmem:v29+s20+$0x0], $0xffff  }
0x1a9: {  	v34 =	vadd.s32 s26, v5;
	v33 =	vld [tilespmem:s31+$0xB990]  }
0x1aa: {  	v24 =	vld.idx.msk [tilespmem:v24+s20+$0x0], $0xffff  }
0x1ab: {  	v36 =	vadd.s32 s26, v6;
	v35 =	vld [tilespmem:s31+$0xB9A0]  }
0x1ac: {  	v19 =	vadd.f32 v27, v19;
	v27 =	vld.idx.msk [tilespmem:v32+s20+$0x0], $0xffff  }
0x1ad: {  	v37 =	vadd.s32 s26, v7;
	v32 =	vld [tilespmem:s31+$0xB9B0]  }
0x1ae: {  	v20 =	vmul.f32 v30, v20;
	v19 =	vadd.f32 v29, v19;
	v30 =	vmul.f32 v33, v31;
	v29 =	vld.idx.msk [tilespmem:v34+s20+$0x0], $0xffff  }
0x1af: {  	v33 =	vadd.s32 s26, v8;
	v31 =	vld [tilespmem:s31+$0xB9C0]  }
0x1b0: {  	v19 =	vadd.f32 v24, v19;
	v20 =	vadd.f32 v30, v20;
	v28 =	vmul.f32 v35, v28;
	v24 =	vld.idx.msk [tilespmem:v36+s20+$0x0], $0xffff  }
0x1b1: {  	v34 =	vadd.s32 s26, v9;
	v30 =	vld [tilespmem:s31+$0xB9D0]  }
0x1b2: {  	v19 =	vadd.f32 v27, v19;
	v20 =	vadd.f32 v28, v20;
	v26 =	vmul.f32 v32, v26;
	v27 =	vld.idx.msk [tilespmem:v37+s20+$0x0], $0xffff  }
0x1b3: {  	v32 =	vadd.s32 s26, v10;
	v28 =	vld [tilespmem:s31+$0xB9E0]  }
0x1b4: {  	v19 =	vadd.f32 v29, v19;
	v20 =	vadd.f32 v26, v20;
	v25 =	vmul.f32 v31, v25;
	v26 =	vld.idx.msk [tilespmem:v33+s20+$0x0], $0xffff  }
0x1b5: {  	v31 =	vadd.s32 s26, v11;
	v29 =	vld [tilespmem:s31+$0xB9F0]  }
0x1b6: {  	v24 =	vadd.f32 v24, v19;
	v20 =	vadd.f32 v25, v20;
	v23 =	vmul.f32 v30, v23;
	v25 =	vld.idx.msk [tilespmem:v34+s20+$0x0], $0xffff  }
0x1b7: {  	v30 =	vadd.s32 s26, v12;
	v19 =	vld [tilespmem:s29+$0xB760]  }
0x1b8: {  	v24 =	vadd.f32 v27, v24;
	v23 =	vadd.f32 v23, v20;
	v22 =	vmul.f32 v28, v22;
	v27 =	vld.idx.msk [tilespmem:v32+s20+$0x0], $0xffff  }
0x1b9: {  	v28 =	vadd.s32 s26, v13;
	v20 =	vld [tilespmem:s29+$0x4F50]  }
0x1ba: {  	v22 =	vadd.f32 v22, v23;
	v21 =	vmul.f32 v29, v21;
	v23 =	vadd.f32 v26, v24;
	v24 =	vld.idx.msk [tilespmem:v31+s20+$0x0], $0xffff  }
0x1bb: {  	v29 =	vadd.s32 s26, v14;
	v26 =	vld [tilespmem:s29+$0xB750]  }
0x1bc: {  	v21 =	vadd.f32 v21, v22;
	v22 =	vadd.f32 v25, v23;
	v23 =	vld.idx.msk [tilespmem:v30+s20+$0x0], $0xffff  }
0x1bd: {  	v30 =	vadd.s32 s26, v15;
	s26 =	smov.u32 s30;
	v25 =	vld [tilespmem:s29+$0x4F40]  }
0x1be: {  	[tilespmem:s26+$0x1F155] =	vst v21;
	v21 =	vadd.f32 v27, v22;
	v22 =	vld.idx.msk [tilespmem:v28+s20+$0x0], $0xffff  }
0x1bf: {  	v27 =	vld [tilespmem:s31+$0x5200]  }
0x1c0: {  	v21 =	vadd.f32 v24, v21;
	v24 =	vld.idx.msk [tilespmem:v29+s20+$0x0], $0xffff  }
0x1c1: {  	v28 =	vld [tilespmem:s31+$0xBA00]  }
0x1c2: {  	v21 =	vadd.f32 v23, v21;
	v23 =	vld.idx.msk [tilespmem:v30+s20+$0x0], $0xffff  }
0x1c3: {  	v29 =	vld [tilespmem:s31+$0x5210]  }
0x1c4: {  	v30 =	vld [tilespmem:s31+$0xBA10];
	v21 =	vadd.f32 v22, v21  }
0x1c5: {  	v22 =	vld [tilespmem:s31+$0x5220]  }
0x1c6: {  	v31 =	vld [tilespmem:s31+$0xBA20];
	v21 =	vadd.f32 v24, v21  }
0x1c7: {  	v24 =	vld [tilespmem:s31+$0x5230]  }
0x1c8: {  	v32 =	vld [tilespmem:s31+$0xBA30];
	v21 =	vadd.f32 v23, v21  }
0x1c9: {  	v23 =	vmul.f32 v28, v27;
	v27 =	vmul.f32 v30, v29;
	v28 =	vld [tilespmem:s31+$0x5240]  }
0x1ca: {  	v29 =	vld [tilespmem:s31+$0xBA40];
	v21 =	vsub.f32 $0.0e+00, v21  }
0x1cb: {  	v23 =	vadd.f32 v27, v23;
	v22 =	vmul.f32 v31, v22;
	v27 =	vld [tilespmem:s31+$0x5250]  }
0x1cc: {  	v30 =	vld [tilespmem:s31+$0xBA50];
	v21 =	vmul.f32 $1.442695020e+00, v21  }
0x1cd: {  	v22 =	vadd.f32 v22, v23;
	v23 =	vmul.f32 v32, v24;
	v24 =	vld [tilespmem:s31+$0x5260]  }
0x1ce: {  	v31 =	vld [tilespmem:s31+$0xBA60];
	(erf) = vpow2.f32 v21  }
0x1cf: {  	v21 =	vadd.f32 v23, v22;
	v22 =	vmul.f32 v29, v28;
	v23 =	vld [tilespmem:s31+$0x5270]  }
0x1d0: {  	v28 =	vld [tilespmem:s31+$0xBA70]  }
0x1d1: {  	v29 =	vld [tilespmem:s29+$0xB740];
	v21 =	vadd.f32 v22, v21;
	v22 =	vmul.f32 v30, v27  }
0x1d2: {  	v27 =	vld [tilespmem:s29+$0x4F30]  }
0x1d3: {  	v30 =	vld [tilespmem:s29+$0x4F00];
	v21 =	vadd.f32 v22, v21;
	v22 =	vmul.f32 v31, v24  }
0x1d4: {  	v24 =	vld [tilespmem:s29+$0xB700]  }
0x1d5: {  	v31 =	vld [tilespmem:s29+$0x4F10];
	v21 =	vadd.f32 v22, v21;
	v32 =	vmul.f32 v28, v23  }
0x1d6: {  	v23 =	vld [tilespmem:s29+$0xB710]  }
0x1d7: {  	v28 =	vld [tilespmem:s29+$0x4F20];
	v21 =	vadd.f32 v32, v21;
	v22 =	vpop (erf)  }
0x1d8: {  	v32 =	vld [tilespmem:s29+$0xB720];
	v22 =	vadd.f32 $1.000000000e+00, v22  }
0x1d9: {  	v33 =	vld [tilespmem:s29+$0xB730];
	[tilespmem:s26+$0x1F166] =	vst v21  }
0x1da: {  	v21 =	vld [tilespmem:s31+$0x5280];
	(erf) = vrcp.f32 v22  }
0x1db: {  	v22 =	vmul.f32 v24, v30;
	v23 =	vmul.f32 v23, v31;
	v24 =	vld [tilespmem:s31+$0xBA80]  }
0x1dc: {  	v30 =	vld [tilespmem:s31+$0x5290]  }
0x1dd: {  	v22 =	vadd.f32 v23, v22;
	v23 =	vmul.f32 v32, v28;
	v28 =	vld [tilespmem:s31+$0xBA90]  }
0x1de: {  	v31 =	vld [tilespmem:s31+$0x52A0]  }
0x1df: {  	v22 =	vadd.f32 v23, v22;
	v23 =	vmul.f32 v33, v27;
	v27 =	vld [tilespmem:s31+$0xBAA0]  }
0x1e0: {  	v32 =	vld [tilespmem:s31+$0x52B0]  }
0x1e1: {  	v22 =	vadd.f32 v23, v22;
	v23 =	vmul.f32 v29, v25;
	v25 =	vld [tilespmem:s31+$0xBAB0]  }
0x1e2: {  	s0 =	sshll.u32 s25, $0x4;
	s25 =	smov.u32 s28;
	s28 =	smov.u32 s2;
	v21 =	vmul.f32 v24, v21;
	v24 =	vmul.f32 v28, v30;
	v28 =	vld [tilespmem:s31+$0x52C0]  }
0x1e3: {  	s0 =	sand.u32 $0x3FFFFFF0, s0;
	v20 =	vmul.f32 v26, v20;
	v22 =	vadd.f32 v23, v22;
	v23 =	vld [tilespmem:s31+$0xBAC0];
	v26 =	vpop (erf)  }
0x1e4: {  	v21 =	vadd.f32 v24, v21;
	v24 =	vmul.f32 v27, v31;
	v27 =	vld [tilespmem:s31+$0x52D0];
	[tilespmem:s0+$0x1EF00] =	vst v26  }
0x1e5: {  	v18 =	vmul.f32 v19, v18;
	v20 =	vadd.f32 v20, v22;
	v19 =	vld [tilespmem:s31+$0xBAD0]  }
0x1e6: {  	v21 =	vadd.f32 v24, v21;
	v22 =	vmul.f32 v25, v32;
	v24 =	vld [tilespmem:s31+$0x52E0]  }
0x1e7: {  	v16 =	vmul.f32 v17, v16;
	v18 =	vadd.f32 v18, v20;
	v17 =	vld [tilespmem:s31+$0xBAE0]  }
0x1e8: {  	v20 =	vadd.f32 v22, v21;
	v21 =	vmul.f32 v23, v28;
	v22 =	vld [tilespmem:s31+$0x52F0]  }
0x1e9: {  	s30 =	smul.u32 $0x110, s2;
	v16 =	vadd.f32 v16, v18;
	v18 =	vld [tilespmem:s31+$0xBAF0]  }
0x1ea: {  	v20 =	vadd.f32 v21, v20;
	v19 =	vmul.f32 v19, v27  }
0x1eb: {  	[tilespmem:s30+$0x1F100] =	vst v16  }
0x1ec: {  	v16 =	vld [tilespmem:s29+$0x4FF0];
	v19 =	vadd.f32 v19, v20;
	v17 =	vmul.f32 v17, v24  }
0x1ed: {  	v20 =	vld [tilespmem:s29+$0xB7F0]  }
0x1ee: {  	v21 =	vld [tilespmem:s29+$0x4FE0];
	v17 =	vadd.f32 v17, v19;
	v18 =	vmul.f32 v18, v22  }
0x1ef: {  	v19 =	vld [tilespmem:s29+$0xB7E0]  }
0x1f0: {  	v22 =	vld [tilespmem:s29+$0x4FD0];
	v17 =	vadd.f32 v18, v17  }
0x1f1: {  	v18 =	vld [tilespmem:s29+$0xB7D0]  }
0x1f2: {  	v23 =	vld [tilespmem:s29+$0x4FC0];
	[tilespmem:s26+$0x1F177] =	vst v17  }
0x1f3: {  	v17 =	vld [tilespmem:s31+$0x5300]  }
0x1f4: {  	v24 =	vld [tilespmem:s31+$0xBB00]  }
0x1f5: {  	v25 =	vld [tilespmem:s31+$0x5310]  }
0x1f6: {  	v26 =	vld [tilespmem:s31+$0xBB10]  }
0x1f7: {  	v27 =	vld [tilespmem:s31+$0x5320]  }
0x1f8: {  	v28 =	vld [tilespmem:s31+$0xBB20]  }
0x1f9: {  	v29 =	vld [tilespmem:s31+$0x5330]  }
0x1fa: {  	v30 =	vld [tilespmem:s31+$0xBB30]  }
0x1fb: {  	v17 =	vmul.f32 v24, v17;
	v24 =	vmul.f32 v26, v25;
	v25 =	vld [tilespmem:s31+$0x5340]  }
0x1fc: {  	v26 =	vld [tilespmem:s31+$0xBB40]  }
0x1fd: {  	v17 =	vadd.f32 v24, v17;
	v24 =	vmul.f32 v28, v27;
	v27 =	vld [tilespmem:s31+$0x5350]  }
0x1fe: {  	v28 =	vld [tilespmem:s31+$0xBB50]  }
0x1ff: {  	v17 =	vadd.f32 v24, v17;
	v24 =	vmul.f32 v30, v29;
	v29 =	vld [tilespmem:s31+$0x5360]  }
0x200: {  	v30 =	vld [tilespmem:s31+$0xBB60]  }
0x201: {  	v17 =	vadd.f32 v24, v17;
	v24 =	vmul.f32 v26, v25;
	v25 =	vld [tilespmem:s31+$0x5370]  }
0x202: {  	v26 =	vld [tilespmem:s31+$0xBB70]  }
0x203: {  	v31 =	vld [tilespmem:s29+$0xB7C0];
	v17 =	vadd.f32 v24, v17;
	v24 =	vmul.f32 v28, v27  }
0x204: {  	v27 =	vld [tilespmem:s29+$0x4FB0]  }
0x205: {  	v28 =	vld [tilespmem:s29+$0x4F80];
	v17 =	vadd.f32 v24, v17;
	v24 =	vmul.f32 v30, v29  }
0x206: {  	v29 =	vld [tilespmem:s29+$0xB780]  }
0x207: {  	v30 =	vld [tilespmem:s29+$0x4F90];
	v17 =	vadd.f32 v24, v17;
	v24 =	vmul.f32 v26, v25  }
0x208: {  	v25 =	vld [tilespmem:s29+$0xB790]  }
0x209: {  	v26 =	vld [tilespmem:s29+$0x4FA0];
	v17 =	vadd.f32 v24, v17  }
0x20a: {  	v24 =	vld [tilespmem:s29+$0xB7A0]  }
0x20b: {  	v32 =	vld [tilespmem:s29+$0xB7B0];
	[tilespmem:s26+$0x1F188] =	vst v17  }
0x20c: {  	v17 =	vld [tilespmem:s31+$0x5380]  }
0x20d: {  	v28 =	vmul.f32 v29, v28;
	v25 =	vmul.f32 v25, v30;
	v29 =	vld [tilespmem:s31+$0xBB80]  }
0x20e: {  	v30 =	vld [tilespmem:s31+$0x5390]  }
0x20f: {  	v25 =	vadd.f32 v25, v28;
	v24 =	vmul.f32 v24, v26;
	v26 =	vld [tilespmem:s31+$0xBB90]  }
0x210: {  	v28 =	vld [tilespmem:s31+$0x53A0]  }
0x211: {  	v24 =	vadd.f32 v24, v25;
	v25 =	vmul.f32 v32, v27;
	v27 =	vld [tilespmem:s31+$0xBBA0]  }
0x212: {  	v32 =	vld [tilespmem:s31+$0x53B0]  }
0x213: {  	v23 =	vmul.f32 v31, v23;
	v24 =	vadd.f32 v25, v24;
	v25 =	vld [tilespmem:s31+$0xBBB0]  }
0x214: {  	v17 =	vmul.f32 v29, v17;
	v26 =	vmul.f32 v26, v30;
	v29 =	vld [tilespmem:s31+$0x53C0]  }
0x215: {  	v18 =	vmul.f32 v18, v22;
	v23 =	vadd.f32 v23, v24;
	v22 =	vld [tilespmem:s31+$0xBBC0]  }
0x216: {  	v17 =	vadd.f32 v26, v17;
	v24 =	vmul.f32 v27, v28;
	v26 =	vld [tilespmem:s31+$0x53D0]  }
0x217: {  	v19 =	vmul.f32 v19, v21;
	v18 =	vadd.f32 v18, v23;
	v21 =	vld [tilespmem:s31+$0xBBD0]  }
0x218: {  	v17 =	vadd.f32 v24, v17;
	v23 =	vmul.f32 v25, v32;
	v24 =	vld [tilespmem:s31+$0x53E0]  }
0x219: {  	v16 =	vmul.f32 v20, v16;
	v18 =	vadd.f32 v19, v18;
	v19 =	vld [tilespmem:s31+$0xBBE0]  }
0x21a: {  	v17 =	vadd.f32 v23, v17;
	v20 =	vmul.f32 v22, v29;
	v22 =	vld [tilespmem:s31+$0x53F0]  }
0x21b: {  	v16 =	vadd.f32 v16, v18;
	v18 =	vld [tilespmem:s31+$0xBBF0]  }
0x21c: {  	v17 =	vadd.f32 v20, v17;
	v20 =	vmul.f32 v21, v26  }
0x21d: {  	[tilespmem:s30+$0x1F111] =	vst v16  }
0x21e: {  	v16 =	vld [tilespmem:s29+$0x5070];
	v17 =	vadd.f32 v20, v17;
	v19 =	vmul.f32 v19, v24  }
0x21f: {  	v20 =	vld [tilespmem:s29+$0xB870]  }
0x220: {  	v21 =	vld [tilespmem:s29+$0x5060];
	v17 =	vadd.f32 v19, v17;
	v18 =	vmul.f32 v18, v22  }
0x221: {  	v19 =	vld [tilespmem:s29+$0xB860]  }
0x222: {  	v22 =	vld [tilespmem:s29+$0x5050];
	v17 =	vadd.f32 v18, v17  }
0x223: {  	v18 =	vld [tilespmem:s29+$0xB850]  }
0x224: {  	v23 =	vld [tilespmem:s29+$0x5040];
	[tilespmem:s26+$0x1F199] =	vst v17  }
0x225: {  	v17 =	vld [tilespmem:s31+$0x5400]  }
0x226: {  	v24 =	vld [tilespmem:s31+$0xBC00]  }
0x227: {  	v25 =	vld [tilespmem:s31+$0x5410]  }
0x228: {  	v26 =	vld [tilespmem:s31+$0xBC10]  }
0x229: {  	v27 =	vld [tilespmem:s31+$0x5420]  }
0x22a: {  	v28 =	vld [tilespmem:s31+$0xBC20]  }
0x22b: {  	v29 =	vld [tilespmem:s31+$0x5430]  }
0x22c: {  	v30 =	vld [tilespmem:s31+$0xBC30]  }
0x22d: {  	v17 =	vmul.f32 v24, v17;
	v24 =	vmul.f32 v26, v25;
	v25 =	vld [tilespmem:s31+$0x5440]  }
0x22e: {  	v26 =	vld [tilespmem:s31+$0xBC40]  }
0x22f: {  	v17 =	vadd.f32 v24, v17;
	v24 =	vmul.f32 v28, v27;
	v27 =	vld [tilespmem:s31+$0x5450]  }
0x230: {  	v28 =	vld [tilespmem:s31+$0xBC50]  }
0x231: {  	v17 =	vadd.f32 v24, v17;
	v24 =	vmul.f32 v30, v29;
	v29 =	vld [tilespmem:s31+$0x5460]  }
0x232: {  	v30 =	vld [tilespmem:s31+$0xBC60]  }
0x233: {  	v17 =	vadd.f32 v24, v17;
	v24 =	vmul.f32 v26, v25;
	v25 =	vld [tilespmem:s31+$0x5470]  }
0x234: {  	v26 =	vld [tilespmem:s31+$0xBC70]  }
0x235: {  	v31 =	vld [tilespmem:s29+$0xB840];
	v17 =	vadd.f32 v24, v17;
	v24 =	vmul.f32 v28, v27  }
0x236: {  	v27 =	vld [tilespmem:s29+$0x5030]  }
0x237: {  	v28 =	vld [tilespmem:s29+$0x5000];
	v17 =	vadd.f32 v24, v17;
	v24 =	vmul.f32 v30, v29  }
0x238: {  	v29 =	vld [tilespmem:s29+$0xB800]  }
0x239: {  	v30 =	vld [tilespmem:s29+$0x5010];
	v17 =	vadd.f32 v24, v17;
	v24 =	vmul.f32 v26, v25  }
0x23a: {  	v25 =	vld [tilespmem:s29+$0xB810]  }
0x23b: {  	v26 =	vld [tilespmem:s29+$0x5020];
	v17 =	vadd.f32 v24, v17  }
0x23c: {  	v24 =	vld [tilespmem:s29+$0xB820]  }
0x23d: {  	v32 =	vld [tilespmem:s29+$0xB830];
	[tilespmem:s26+$0x1F1AA] =	vst v17  }
0x23e: {  	v17 =	vld [tilespmem:s31+$0x5480]  }
0x23f: {  	v28 =	vmul.f32 v29, v28;
	v25 =	vmul.f32 v25, v30;
	v29 =	vld [tilespmem:s31+$0xBC80]  }
0x240: {  	v30 =	vld [tilespmem:s31+$0x5490]  }
0x241: {  	v25 =	vadd.f32 v25, v28;
	v24 =	vmul.f32 v24, v26;
	v26 =	vld [tilespmem:s31+$0xBC90]  }
0x242: {  	v28 =	vld [tilespmem:s31+$0x54A0]  }
0x243: {  	v24 =	vadd.f32 v24, v25;
	v25 =	vmul.f32 v32, v27;
	v27 =	vld [tilespmem:s31+$0xBCA0]  }
0x244: {  	v32 =	vld [tilespmem:s31+$0x54B0]  }
0x245: {  	v23 =	vmul.f32 v31, v23;
	v24 =	vadd.f32 v25, v24;
	v25 =	vld [tilespmem:s31+$0xBCB0]  }
0x246: {  	v17 =	vmul.f32 v29, v17;
	v26 =	vmul.f32 v26, v30;
	v29 =	vld [tilespmem:s31+$0x54C0]  }
0x247: {  	v18 =	vmul.f32 v18, v22;
	v23 =	vadd.f32 v23, v24;
	v22 =	vld [tilespmem:s31+$0xBCC0]  }
0x248: {  	v17 =	vadd.f32 v26, v17;
	v24 =	vmul.f32 v27, v28;
	v26 =	vld [tilespmem:s31+$0x54D0]  }
0x249: {  	v19 =	vmul.f32 v19, v21;
	v18 =	vadd.f32 v18, v23;
	v21 =	vld [tilespmem:s31+$0xBCD0]  }
0x24a: {  	v17 =	vadd.f32 v24, v17;
	v23 =	vmul.f32 v25, v32;
	v24 =	vld [tilespmem:s31+$0x54E0]  }
0x24b: {  	v16 =	vmul.f32 v20, v16;
	v18 =	vadd.f32 v19, v18;
	v19 =	vld [tilespmem:s31+$0xBCE0]  }
0x24c: {  	v17 =	vadd.f32 v23, v17;
	v20 =	vmul.f32 v22, v29;
	v22 =	vld [tilespmem:s31+$0x54F0]  }
0x24d: {  	v16 =	vadd.f32 v16, v18;
	v23 =	vld [tilespmem:s31+$0xBCF0]  }
0x24e: {  	v17 =	vadd.f32 v20, v17;
	v18 =	vmul.f32 v21, v26  }
0x24f: {  	[tilespmem:s30+$0x1F122] =	vst v16  }
0x250: {  	v16 =	vld [tilespmem:s29+$0x50F0];
	v20 =	vadd.f32 v18, v17;
	v19 =	vmul.f32 v19, v24  }
0x251: {  	v17 =	vld [tilespmem:s29+$0xB8F0]  }
0x252: {  	v18 =	vld [tilespmem:s29+$0x50E0];
	v21 =	vadd.f32 v19, v20;
	v22 =	vmul.f32 v23, v22  }
0x253: {  	v19 =	vld [tilespmem:s29+$0xB8E0]  }
0x254: {  	v20 =	vld [tilespmem:s29+$0x50D0];
	v23 =	vadd.f32 v22, v21  }
0x255: {  	v21 =	vld [tilespmem:s29+$0xB8D0]  }
0x256: {  	v22 =	vld [tilespmem:s29+$0x50C0];
	[tilespmem:s26+$0x1F1BB] =	vst v23  }
0x257: {  	v23 =	vld [tilespmem:s31+$0x5500]  }
0x258: {  	v24 =	vld [tilespmem:s31+$0xBD00]  }
0x259: {  	v25 =	vld [tilespmem:s31+$0x5510]  }
0x25a: {  	v26 =	vld [tilespmem:s31+$0xBD10]  }
0x25b: {  	v27 =	vld [tilespmem:s31+$0x5520]  }
0x25c: {  	v28 =	vld [tilespmem:s31+$0xBD20]  }
0x25d: {  	v29 =	vld [tilespmem:s31+$0x5530]  }
0x25e: {  	v30 =	vld [tilespmem:s31+$0xBD30]  }
0x25f: {  	v23 =	vmul.f32 v24, v23;
	v24 =	vmul.f32 v26, v25;
	v25 =	vld [tilespmem:s31+$0x5540]  }
0x260: {  	v26 =	vld [tilespmem:s31+$0xBD40]  }
0x261: {  	v23 =	vadd.f32 v24, v23;
	v24 =	vmul.f32 v28, v27;
	v27 =	vld [tilespmem:s31+$0x5550]  }
0x262: {  	v28 =	vld [tilespmem:s31+$0xBD50]  }
0x263: {  	v23 =	vadd.f32 v24, v23;
	v24 =	vmul.f32 v30, v29;
	v29 =	vld [tilespmem:s31+$0x5560]  }
0x264: {  	v30 =	vld [tilespmem:s31+$0xBD60]  }
0x265: {  	v24 =	vadd.f32 v24, v23;
	v25 =	vmul.f32 v26, v25;
	v26 =	vld [tilespmem:s31+$0x5570]  }
0x266: {  	v31 =	vld [tilespmem:s31+$0xBD70]  }
0x267: {  	v23 =	vld [tilespmem:s29+$0xB8C0];
	v25 =	vadd.f32 v25, v24;
	v27 =	vmul.f32 v28, v27  }
0x268: {  	v24 =	vld [tilespmem:s29+$0x50B0]  }
0x269: {  	v32 =	vld [tilespmem:s29+$0x5080];
	v25 =	vadd.f32 v27, v25;
	v27 =	vmul.f32 v30, v29  }
0x26a: {  	v30 =	vld [tilespmem:s29+$0xB880]  }
0x26b: {  	v33 =	vld [tilespmem:s29+$0x5090];
	v25 =	vadd.f32 v27, v25;
	v26 =	vmul.f32 v31, v26  }
0x26c: {  	v31 =	vld [tilespmem:s29+$0xB890]  }
.Ltmp0:
0x26d: {  	v28 =	vld [tilespmem:s29+$0x50A0];
	v25 =	vadd.f32 v26, v25;
	(pc) =	sbr.rel @p0 .LBB2_3-.Ltmp0, $4  }
0x26e: {  	v29 =	vld [tilespmem:s29+$0xB8A0]  }
0x26f: {  	v27 =	vld [tilespmem:s29+$0xB8B0];
	[tilespmem:s26+$0x1F1CC] =	vst v25  }
0x270: {  	v25 =	vld [tilespmem:s31+$0x5580]  }
0x271: {  	s2 =	sadd.s32 $0x1, s2;
	v30 =	vmul.f32 v30, v32;
	v31 =	vmul.f32 v31, v33;
	v26 =	vld [tilespmem:s31+$0xBD80]  }
0x272: {  	v32 =	vld [tilespmem:s31+$0x5590]  }
0x273: {  	v30 =	vadd.f32 v31, v30;
	v28 =	vmul.f32 v29, v28;
	v29 =	vld [tilespmem:s31+$0xBD90]  }
0x274: {  	v31 =	vld [tilespmem:s31+$0x55A0]  }
0x275: {  	v24 =	vmul.f32 v27, v24;
	v27 =	vld [tilespmem:s31+$0xBDA0];
	v28 =	vadd.f32 v28, v30  }
0x276: {  	v22 =	vmul.f32 v23, v22;
	v23 =	vld [tilespmem:s31+$0xBDB0]  }
0x277: {  	v20 =	vmul.f32 v21, v20;
	v30 =	vld [tilespmem:s31+$0x55B0];
	v24 =	vadd.f32 v24, v28  }
0x278: {  	v21 =	vld [tilespmem:s31+$0xBDC0];
	v25 =	vmul.f32 v26, v25;
	v26 =	vmul.f32 v29, v32  }
0x279: {  	v28 =	vld [tilespmem:s31+$0x55C0];
	v22 =	vadd.f32 v22, v24  }
0x27a: {  	v18 =	vmul.f32 v19, v18;
	v19 =	vld [tilespmem:s31+$0xBDD0];
	v24 =	vadd.f32 v26, v25;
	v25 =	vmul.f32 v27, v31  }
0x27b: {  	v26 =	vld [tilespmem:s31+$0x55D0];
	v20 =	vadd.f32 v20, v22  }
0x27c: {  	v16 =	vmul.f32 v17, v16;
	v17 =	vld [tilespmem:s31+$0xBDE0];
	v23 =	vmul.f32 v23, v30;
	v22 =	vadd.f32 v25, v24  }
0x27d: {  	v24 =	vld [tilespmem:s31+$0x55E0];
	v18 =	vadd.f32 v18, v20  }
0x27e: {  	v21 =	vmul.f32 v21, v28;
	v20 =	vadd.f32 v23, v22;
	v22 =	vld [tilespmem:s31+$0x55F0]  }
0x27f: {  	v16 =	vadd.f32 v16, v18;
	v18 =	vld [tilespmem:s31+$0xBDF0]  }
0x280: {  	v19 =	vmul.f32 v19, v26;
	v20 =	vadd.f32 v21, v20  }
0x281: {  	[tilespmem:s30+$0x1F133] =	vst v16  }
0x282: {  	v17 =	vmul.f32 v17, v24;
	v16 =	vld [tilespmem:s29+$0x5170];
	v19 =	vadd.f32 v19, v20  }
0x283: {  	v20 =	vld [tilespmem:s29+$0xB970]  }
0x284: {  	v21 =	vld [tilespmem:s29+$0x5160];
	v17 =	vadd.f32 v17, v19;
	v18 =	vmul.f32 v18, v22  }
0x285: {  	v23 =	vld [tilespmem:s29+$0x5140]  }
0x286: {  	v31 =	vld [tilespmem:s29+$0xB930];
	v17 =	vadd.f32 v18, v17  }
0x287: {  	v42 =	vld [tilespmem:s29+$0xB940]  }
0x288: {  	v19 =	vld [tilespmem:s29+$0xB960];
	[tilespmem:s26+$0x1F1DD] =	vst v17  }
0x289: {  	v17 =	vld [tilespmem:s31+$0x5600]  }
0x28a: {  	v24 =	vld [tilespmem:s31+$0xBE00]  }
0x28b: {  	v25 =	vld [tilespmem:s31+$0x5610]  }
0x28c: {  	v26 =	vld [tilespmem:s31+$0xBE10]  }
0x28d: {  	v27 =	vld [tilespmem:s31+$0x5620]  }
0x28e: {  	v28 =	vld [tilespmem:s31+$0xBE20]  }
0x28f: {  	v29 =	vld [tilespmem:s31+$0x5630]  }
0x290: {  	v30 =	vld [tilespmem:s31+$0xBE30]  }
0x291: {  	v17 =	vmul.f32 v24, v17;
	v24 =	vmul.f32 v26, v25;
	v25 =	vld [tilespmem:s31+$0x5640]  }
0x292: {  	v26 =	vld [tilespmem:s31+$0xBE40]  }
0x293: {  	v17 =	vadd.f32 v24, v17;
	v24 =	vmul.f32 v28, v27;
	v27 =	vld [tilespmem:s31+$0x5650]  }
0x294: {  	v28 =	vld [tilespmem:s31+$0xBE50]  }
0x295: {  	v17 =	vadd.f32 v24, v17;
	v24 =	vmul.f32 v30, v29;
	v29 =	vld [tilespmem:s31+$0x5660]  }
0x296: {  	v30 =	vld [tilespmem:s31+$0xBE60]  }
0x297: {  	v17 =	vadd.f32 v24, v17;
	v24 =	vmul.f32 v26, v25;
	v25 =	vld [tilespmem:s31+$0x5670]  }
0x298: {  	v26 =	vld [tilespmem:s31+$0xBE70]  }
0x299: {  	v17 =	vadd.f32 v24, v17;
	v24 =	vmul.f32 v28, v27;
	v27 =	vld [tilespmem:s29+$0x5100]  }
0x29a: {  	v28 =	vld [tilespmem:s29+$0xB900]  }
0x29b: {  	v17 =	vadd.f32 v24, v17;
	v24 =	vmul.f32 v30, v29;
	v29 =	vld [tilespmem:s29+$0x5110]  }
0x29c: {  	v30 =	vld [tilespmem:s29+$0xB910]  }
0x29d: {  	v17 =	vadd.f32 v24, v17;
	v24 =	vmul.f32 v26, v25;
	v25 =	vld [tilespmem:s29+$0x5120]  }
0x29e: {  	v26 =	vld [tilespmem:s29+$0xB920]  }
0x29f: {  	v22 =	vld [tilespmem:s29+$0x5150];
	v17 =	vadd.f32 v24, v17  }
0x2a0: {  	v24 =	vld [tilespmem:s29+$0x5130]  }
0x2a1: {  	v18 =	vld [tilespmem:s29+$0xB950];
	[tilespmem:s26+$0x1F1EE] =	vst v17;
	v17 =	vmul.f32 v28, v27;
	v27 =	vmul.f32 v30, v29  }
0x2a2: {  	v28 =	vld [tilespmem:s31+$0x5680]  }
0x2a3: {  	v29 =	vld [tilespmem:s31+$0xBE80];
	v25 =	vmul.f32 v26, v25;
	v17 =	vadd.f32 v27, v17  }
0x2a4: {  	v26 =	vld [tilespmem:s31+$0x5690]  }
0x2a5: {  	v30 =	vld [tilespmem:s31+$0xBEA0];
	v24 =	vmul.f32 v31, v24;
	v17 =	vadd.f32 v25, v17  }
0x2a6: {  	v18 =	vmul.f32 v18, v22;
	v22 =	vld [tilespmem:s31+$0xBEB0]  }
0x2a7: {  	v23 =	vmul.f32 v42, v23;
	v27 =	vld [tilespmem:s31+$0xBE90];
	v17 =	vadd.f32 v24, v17  }
0x2a8: {  	v19 =	vmul.f32 v19, v21;
	v21 =	vld [tilespmem:s31+$0xBEC0]  }
0x2a9: {  	v16 =	vmul.f32 v20, v16;
	v20 =	vld [tilespmem:s31+$0xBED0];
	v17 =	vadd.f32 v23, v17  }
0x2aa: {  	v25 =	vld [tilespmem:s31+$0x56A0]  }
0x2ab: {  	v24 =	vld [tilespmem:s31+$0x56B0];
	v17 =	vadd.f32 v18, v17  }
0x2ac: {  	v28 =	vmul.f32 v29, v28;
	v26 =	vmul.f32 v27, v26;
	v27 =	vld [tilespmem:s31+$0xBEE0]  }
0x2ad: {  	v23 =	vld [tilespmem:s31+$0x56C0];
	v17 =	vadd.f32 v19, v17  }
0x2ae: {  	v26 =	vadd.f32 v26, v28;
	v28 =	vld [tilespmem:s31+$0xBEF0]  }
0x2af: {  	v18 =	vld [tilespmem:s31+$0x56D0];
	v16 =	vadd.f32 v16, v17  }
0x2b0: {  	v25 =	vmul.f32 v30, v25;
	v19 =	vld [tilespmem:s31+$0x56E0]  }
0x2b1: {  	v17 =	vld [tilespmem:s31+$0x56F0];
	[tilespmem:s30+$0x1F144] =	vst v16  }
0x2b2: {  	v25 =	vadd.f32 v25, v26;
	v22 =	vmul.f32 v22, v24;
	v26 =	vld [tilespmem:s29+$0x51E0]  }
0x2b3: {  	v24 =	vld [tilespmem:s29+$0x5180]  }
0x2b4: {  	v22 =	vadd.f32 v22, v25;
	v21 =	vmul.f32 v21, v23;
	v23 =	vld [tilespmem:s29+$0xB980]  }
0x2b5: {  	v25 =	vld [tilespmem:s29+$0x5190]  }
0x2b6: {  	v21 =	vadd.f32 v21, v22;
	v18 =	vmul.f32 v20, v18;
	v20 =	vld [tilespmem:s29+$0xB990]  }
0x2b7: {  	v22 =	vld [tilespmem:s29+$0x51A0]  }
0x2b8: {  	v18 =	vadd.f32 v18, v21;
	v19 =	vmul.f32 v27, v19;
	v21 =	vld [tilespmem:s29+$0xB9A0]  }
0x2b9: {  	v27 =	vld [tilespmem:s29+$0x51B0]  }
0x2ba: {  	v18 =	vadd.f32 v19, v18;
	v17 =	vmul.f32 v28, v17;
	v19 =	vadd.s32 s26, v0;
	v28 =	vld [tilespmem:s29+$0xB9B0]  }
0x2bb: {  	v29 =	vld [tilespmem:s29+$0x51C0];
	v23 =	vmul.f32 v23, v24;
	v20 =	vmul.f32 v20, v25  }
0x2bc: {  	v17 =	vadd.f32 v17, v18;
	v25 =	vld [tilespmem:s29+$0xB9C0]  }
0x2bd: {  	v30 =	vld [tilespmem:s29+$0x51D0];
	v21 =	vmul.f32 v21, v22;
	v20 =	vadd.f32 v20, v23  }
0x2be: {  	v24 =	vadd.s32 s26, v1;
	[tilespmem:s26+$0x1F1FF] =	vst v17;
	v17 =	vld [tilespmem:s29+$0xB9D0]  }
0x2bf: {  	v22 =	vadd.s32 s26, v2;
	v18 =	vld.idx.msk [tilespmem:v19+s20+$0x0], $0xffff;
	v23 =	vmul.f32 v28, v27;
	v20 =	vadd.f32 v21, v20  }
0x2c0: {  	v19 =	vadd.s32 s26, v3;
	v28 =	vld [tilespmem:s29+$0xB9E0]  }
0x2c1: {  	v16 =	vld [tilespmem:s29+$0x51F0];
	v27 =	vadd.s32 s26, v4;
	v20 =	vadd.f32 v23, v20;
	v23 =	vmul.f32 v25, v29  }
0x2c2: {  	v31 =	vadd.s32 s26, v5;
	v43 =	vld [tilespmem:s29+$0xB9F0]  }
0x2c3: {  	v21 =	vld.idx.msk [tilespmem:v24+s20+$0x0], $0xffff;
	v29 =	vadd.s32 s26, v6;
	v17 =	vmul.f32 v17, v30;
	v20 =	vadd.f32 v23, v20  }
0x2c4: {  	v33 =	vadd.s32 s26, v7;
	v25 =	vld.idx.msk [tilespmem:v22+s20+$0x0], $0xffff  }
0x2c5: {  	v30 =	vadd.s32 s26, v8;
	v24 =	vld.idx.msk [tilespmem:v19+s20+$0x0], $0xffff;
	v19 =	vmul.f32 v28, v26;
	v17 =	vadd.f32 v17, v20  }
0x2c6: {  	v23 =	vld.idx.msk [tilespmem:v27+s20+$0x0], $0xffff;
	v27 =	vadd.s32 s26, v9  }
0x2c7: {  	v16 =	vmul.f32 v43, v16;
	v22 =	vld.idx.msk [tilespmem:v31+s20+$0x0], $0xffff;
	v26 =	vadd.f32 v19, v17  }
0x2c8: {  	v20 =	vld.idx.msk [tilespmem:v29+s20+$0x0], $0xffff  }
0x2c9: {  	v19 =	vld.idx.msk [tilespmem:v33+s20+$0x0], $0xffff;
	v26 =	vadd.f32 v16, v26  }
0x2ca: {  	v17 =	vld.idx.msk [tilespmem:v30+s20+$0x0], $0xffff  }
0x2cb: {  	v16 =	vld.idx.msk [tilespmem:v27+s20+$0x0], $0xffff;
	[tilespmem:s30+$0x1F155] =	vst v26  }
0x2cc: {  	v26 =	vld [tilespmem:s29+$0x5200]  }
0x2cd: {  	v27 =	vld [tilespmem:s29+$0xBA00]  }
0x2ce: {  	v28 =	vld [tilespmem:s29+$0x5210]  }
0x2cf: {  	v29 =	vld [tilespmem:s29+$0xBA10]  }
0x2d0: {  	v30 =	vld [tilespmem:s29+$0x5220]  }
0x2d1: {  	v31 =	vld [tilespmem:s29+$0xBA20]  }
0x2d2: {  	v44 =	vld [tilespmem:s29+$0x5230]  }
0x2d3: {  	v45 =	vld [tilespmem:s29+$0xBA30]  }
0x2d4: {  	v26 =	vmul.f32 v27, v26;
	v27 =	vmul.f32 v29, v28;
	v28 =	vld [tilespmem:s29+$0x5240]  }
0x2d5: {  	v29 =	vld [tilespmem:s29+$0xBA40]  }
0x2d6: {  	v26 =	vadd.f32 v27, v26;
	v27 =	vmul.f32 v31, v30;
	v30 =	vld [tilespmem:s29+$0x5250]  }
0x2d7: {  	v31 =	vld [tilespmem:s29+$0xBA50]  }
0x2d8: {  	v46 =	vld [tilespmem:s29+$0x5260];
	v26 =	vadd.f32 v27, v26;
	v27 =	vmul.f32 v45, v44  }
0x2d9: {  	v47 =	vld [tilespmem:s29+$0xBA60]  }
0x2da: {  	v26 =	vadd.f32 v27, v26;
	v27 =	vmul.f32 v29, v28;
	v28 =	vld [tilespmem:s29+$0x5270]  }
0x2db: {  	v29 =	vld [tilespmem:s29+$0xBA70]  }
0x2dc: {  	v26 =	vadd.f32 v27, v26;
	v27 =	vmul.f32 v31, v30;
	_ =	sdelay $0x1  }
0x2dd: {  	v26 =	vadd.f32 v27, v26;
	v27 =	vmul.f32 v47, v46;
	_ =	sdelay $0x1  }
0x2de: {  	v26 =	vadd.f32 v27, v26;
	v27 =	vmul.f32 v29, v28;
	_ =	sdelay $0x1  }
0x2df: {  	v26 =	vadd.f32 v27, v26;
	_ =	sdelay $0x1  }
0x2e0: {  	[tilespmem:s30+$0x1F166] =	vst v26  }
0x2e1: {  	v26 =	vld [tilespmem:s29+$0x5280]  }
0x2e2: {  	v27 =	vld [tilespmem:s29+$0xBA80]  }
0x2e3: {  	v28 =	vld [tilespmem:s29+$0x5290]  }
0x2e4: {  	v29 =	vld [tilespmem:s29+$0xBA90]  }
0x2e5: {  	v30 =	vld [tilespmem:s29+$0x52A0]  }
0x2e6: {  	v31 =	vld [tilespmem:s29+$0xBAA0]  }
0x2e7: {  	v48 =	vld [tilespmem:s29+$0x52B0]  }
0x2e8: {  	v49 =	vld [tilespmem:s29+$0xBAB0]  }
0x2e9: {  	v26 =	vmul.f32 v27, v26;
	v27 =	vmul.f32 v29, v28;
	v28 =	vld [tilespmem:s29+$0x52C0]  }
0x2ea: {  	v29 =	vld [tilespmem:s29+$0xBAC0]  }
0x2eb: {  	v26 =	vadd.f32 v27, v26;
	v27 =	vmul.f32 v31, v30;
	v30 =	vld [tilespmem:s29+$0x52D0]  }
0x2ec: {  	v31 =	vld [tilespmem:s29+$0xBAD0]  }
0x2ed: {  	v50 =	vld [tilespmem:s29+$0x52E0];
	v26 =	vadd.f32 v27, v26;
	v27 =	vmul.f32 v49, v48  }
0x2ee: {  	v51 =	vld [tilespmem:s29+$0xBAE0]  }
0x2ef: {  	v26 =	vadd.f32 v27, v26;
	v27 =	vmul.f32 v29, v28;
	v28 =	vld [tilespmem:s29+$0x52F0]  }
0x2f0: {  	v29 =	vld [tilespmem:s29+$0xBAF0]  }
0x2f1: {  	v26 =	vadd.f32 v27, v26;
	v27 =	vmul.f32 v31, v30;
	_ =	sdelay $0x1  }
0x2f2: {  	v26 =	vadd.f32 v27, v26;
	v27 =	vmul.f32 v51, v50;
	_ =	sdelay $0x1  }
0x2f3: {  	v26 =	vadd.f32 v27, v26;
	v27 =	vmul.f32 v29, v28;
	_ =	sdelay $0x1  }
0x2f4: {  	v26 =	vadd.f32 v27, v26;
	_ =	sdelay $0x1  }
0x2f5: {  	[tilespmem:s30+$0x1F177] =	vst v26  }
0x2f6: {  	v26 =	vld [tilespmem:s29+$0x5300]  }
0x2f7: {  	v27 =	vld [tilespmem:s29+$0xBB00]  }
0x2f8: {  	v28 =	vld [tilespmem:s29+$0x5310]  }
0x2f9: {  	v29 =	vld [tilespmem:s29+$0xBB10]  }
0x2fa: {  	v30 =	vld [tilespmem:s29+$0x5320]  }
0x2fb: {  	v31 =	vld [tilespmem:s29+$0xBB20]  }
0x2fc: {  	v52 =	vld [tilespmem:s29+$0x5330]  }
0x2fd: {  	v53 =	vld [tilespmem:s29+$0xBB30]  }
0x2fe: {  	v26 =	vmul.f32 v27, v26;
	v27 =	vmul.f32 v29, v28;
	v28 =	vld [tilespmem:s29+$0x5340]  }
0x2ff: {  	v29 =	vld [tilespmem:s29+$0xBB40]  }
0x300: {  	v26 =	vadd.f32 v27, v26;
	v27 =	vmul.f32 v31, v30;
	v30 =	vld [tilespmem:s29+$0x5350]  }
0x301: {  	v31 =	vld [tilespmem:s29+$0xBB50]  }
0x302: {  	v54 =	vld [tilespmem:s29+$0x5360];
	v26 =	vadd.f32 v27, v26;
	v27 =	vmul.f32 v53, v52  }
0x303: {  	v55 =	vld [tilespmem:s29+$0xBB60]  }
0x304: {  	v26 =	vadd.f32 v27, v26;
	v27 =	vmul.f32 v29, v28;
	v28 =	vld [tilespmem:s29+$0x5370]  }
0x305: {  	v29 =	vld [tilespmem:s29+$0xBB70]  }
0x306: {  	v26 =	vadd.f32 v27, v26;
	v27 =	vmul.f32 v31, v30;
	_ =	sdelay $0x1  }
0x307: {  	v26 =	vadd.f32 v27, v26;
	v27 =	vmul.f32 v55, v54;
	_ =	sdelay $0x1  }
0x308: {  	v26 =	vadd.f32 v27, v26;
	v27 =	vmul.f32 v29, v28;
	_ =	sdelay $0x1  }
0x309: {  	v26 =	vadd.f32 v27, v26;
	_ =	sdelay $0x1  }
0x30a: {  	[tilespmem:s30+$0x1F188] =	vst v26  }
0x30b: {  	v26 =	vld [tilespmem:s29+$0x5380]  }
0x30c: {  	v27 =	vld [tilespmem:s29+$0xBB80]  }
0x30d: {  	v28 =	vld [tilespmem:s29+$0x5390]  }
0x30e: {  	v29 =	vld [tilespmem:s29+$0xBB90]  }
0x30f: {  	v30 =	vld [tilespmem:s29+$0x53A0]  }
0x310: {  	v31 =	vld [tilespmem:s29+$0xBBA0]  }
0x311: {  	v56 =	vld [tilespmem:s29+$0x53B0]  }
0x312: {  	v57 =	vld [tilespmem:s29+$0xBBB0]  }
0x313: {  	v26 =	vmul.f32 v27, v26;
	v27 =	vmul.f32 v29, v28;
	v28 =	vld [tilespmem:s29+$0x53C0]  }
0x314: {  	v29 =	vld [tilespmem:s29+$0xBBC0]  }
0x315: {  	v26 =	vadd.f32 v27, v26;
	v27 =	vmul.f32 v31, v30;
	v30 =	vld [tilespmem:s29+$0x53D0]  }
0x316: {  	v31 =	vld [tilespmem:s29+$0xBBD0]  }
0x317: {  	v58 =	vld [tilespmem:s29+$0x53E0];
	v26 =	vadd.f32 v27, v26;
	v27 =	vmul.f32 v57, v56  }
0x318: {  	v59 =	vld [tilespmem:s29+$0xBBE0]  }
0x319: {  	v26 =	vadd.f32 v27, v26;
	v27 =	vmul.f32 v29, v28;
	v28 =	vld [tilespmem:s29+$0x53F0]  }
0x31a: {  	v29 =	vld [tilespmem:s29+$0xBBF0]  }
0x31b: {  	v26 =	vadd.f32 v27, v26;
	v27 =	vmul.f32 v31, v30;
	_ =	sdelay $0x1  }
0x31c: {  	v26 =	vadd.f32 v27, v26;
	v27 =	vmul.f32 v59, v58;
	_ =	sdelay $0x1  }
0x31d: {  	v26 =	vadd.f32 v27, v26;
	v27 =	vmul.f32 v29, v28;
	_ =	sdelay $0x1  }
0x31e: {  	v26 =	vadd.f32 v27, v26;
	_ =	sdelay $0x1  }
0x31f: {  	[tilespmem:s30+$0x1F199] =	vst v26  }
0x320: {  	v26 =	vld [tilespmem:s29+$0x5400]  }
0x321: {  	v27 =	vld [tilespmem:s29+$0xBC00]  }
0x322: {  	v28 =	vld [tilespmem:s29+$0x5410]  }
0x323: {  	v29 =	vld [tilespmem:s29+$0xBC10]  }
0x324: {  	v30 =	vld [tilespmem:s29+$0x5420]  }
0x325: {  	v31 =	vld [tilespmem:s29+$0xBC20]  }
0x326: {  	v60 =	vld [tilespmem:s29+$0x5430]  }
0x327: {  	v61 =	vld [tilespmem:s29+$0xBC30]  }
0x328: {  	v26 =	vmul.f32 v27, v26;
	v27 =	vmul.f32 v29, v28;
	v28 =	vld [tilespmem:s29+$0x5440]  }
0x329: {  	v29 =	vld [tilespmem:s29+$0xBC40]  }
0x32a: {  	v26 =	vadd.f32 v27, v26;
	v27 =	vmul.f32 v31, v30;
	v30 =	vld [tilespmem:s29+$0x5450]  }
0x32b: {  	v31 =	vld [tilespmem:s29+$0xBC50]  }
0x32c: {  	v62 =	vld [tilespmem:s29+$0x5460];
	v26 =	vadd.f32 v27, v26;
	v27 =	vmul.f32 v61, v60  }
0x32d: {  	v63 =	vld [tilespmem:s29+$0xBC60]  }
0x32e: {  	v26 =	vadd.f32 v27, v26;
	v27 =	vmul.f32 v29, v28;
	v28 =	vld [tilespmem:s29+$0x5470]  }
0x32f: {  	v29 =	vld [tilespmem:s29+$0xBC70]  }
0x330: {  	v26 =	vadd.f32 v27, v26;
	v27 =	vmul.f32 v31, v30;
	_ =	sdelay $0x1  }
0x331: {  	v26 =	vadd.f32 v27, v26;
	v27 =	vmul.f32 v63, v62;
	_ =	sdelay $0x1  }
0x332: {  	v26 =	vadd.f32 v27, v26;
	v27 =	vmul.f32 v29, v28;
	_ =	sdelay $0x1  }
0x333: {  	v26 =	vadd.f32 v27, v26;
	_ =	sdelay $0x1  }
0x334: {  	[tilespmem:s30+$0x1F1AA] =	vst v26  }
0x335: {  	v26 =	vld [tilespmem:s29+$0x5480]  }
0x336: {  	v27 =	vld [tilespmem:s29+$0xBC80]  }
0x337: {  	v28 =	vld [tilespmem:s29+$0x5490]  }
0x338: {  	v29 =	vld [tilespmem:s29+$0xBC90]  }
0x339: {  	v30 =	vld [tilespmem:s29+$0x54A0]  }
0x33a: {  	v31 =	vld [tilespmem:s29+$0xBCA0]  }
0x33b: {  	v36 =	vld [tilespmem:s29+$0x54B0]  }
0x33c: {  	v37 =	vld [tilespmem:s29+$0xBCB0]  }
0x33d: {  	v26 =	vmul.f32 v27, v26;
	v27 =	vmul.f32 v29, v28;
	v28 =	vld [tilespmem:s29+$0x54C0]  }
0x33e: {  	v29 =	vld [tilespmem:s29+$0xBCC0]  }
0x33f: {  	v26 =	vadd.f32 v27, v26;
	v27 =	vmul.f32 v31, v30;
	v30 =	vld [tilespmem:s29+$0x54D0]  }
0x340: {  	v31 =	vld [tilespmem:s29+$0xBCD0]  }
0x341: {  	v38 =	vld [tilespmem:s29+$0x54E0];
	v26 =	vadd.f32 v27, v26;
	v27 =	vmul.f32 v37, v36  }
0x342: {  	v39 =	vld [tilespmem:s29+$0xBCE0]  }
0x343: {  	v26 =	vadd.f32 v27, v26;
	v27 =	vmul.f32 v29, v28;
	v28 =	vld [tilespmem:s29+$0x54F0]  }
0x344: {  	v29 =	vld [tilespmem:s29+$0xBCF0]  }
0x345: {  	v26 =	vadd.f32 v27, v26;
	v27 =	vmul.f32 v31, v30;
	_ =	sdelay $0x1  }
0x346: {  	v26 =	vadd.f32 v27, v26;
	v27 =	vmul.f32 v39, v38;
	_ =	sdelay $0x1  }
0x347: {  	v26 =	vadd.f32 v27, v26;
	v27 =	vmul.f32 v29, v28;
	_ =	sdelay $0x1  }
0x348: {  	v26 =	vadd.f32 v27, v26;
	_ =	sdelay $0x1  }
0x349: {  	[tilespmem:s30+$0x1F1BB] =	vst v26  }
0x34a: {  	v26 =	vld [tilespmem:s29+$0x5500]  }
0x34b: {  	v27 =	vld [tilespmem:s29+$0xBD00]  }
0x34c: {  	v28 =	vld [tilespmem:s29+$0x5510]  }
0x34d: {  	v29 =	vld [tilespmem:s29+$0xBD10]  }
0x34e: {  	v30 =	vld [tilespmem:s29+$0x5520]  }
0x34f: {  	v31 =	vld [tilespmem:s29+$0xBD20]  }
0x350: {  	v40 =	vld [tilespmem:s29+$0x5530]  }
0x351: {  	v41 =	vld [tilespmem:s29+$0xBD30]  }
0x352: {  	v26 =	vmul.f32 v27, v26;
	v27 =	vmul.f32 v29, v28;
	v28 =	vld [tilespmem:s29+$0x5540]  }
0x353: {  	v29 =	vld [tilespmem:s29+$0xBD40]  }
0x354: {  	v26 =	vadd.f32 v27, v26;
	v27 =	vmul.f32 v31, v30;
	v30 =	vld [tilespmem:s29+$0x5550]  }
0x355: {  	v31 =	vld [tilespmem:s29+$0xBD50]  }
0x356: {  	v42 =	vld [tilespmem:s29+$0x5560];
	v26 =	vadd.f32 v27, v26;
	v27 =	vmul.f32 v41, v40  }
0x357: {  	v43 =	vld [tilespmem:s29+$0xBD60]  }
0x358: {  	v26 =	vadd.f32 v27, v26;
	v27 =	vmul.f32 v29, v28;
	v28 =	vld [tilespmem:s29+$0x5570]  }
0x359: {  	v29 =	vld [tilespmem:s29+$0xBD70]  }
0x35a: {  	v26 =	vadd.f32 v27, v26;
	v27 =	vmul.f32 v31, v30;
	_ =	sdelay $0x1  }
0x35b: {  	v26 =	vadd.f32 v27, v26;
	v27 =	vmul.f32 v43, v42;
	_ =	sdelay $0x1  }
0x35c: {  	v26 =	vadd.f32 v27, v26;
	v27 =	vmul.f32 v29, v28;
	_ =	sdelay $0x1  }
0x35d: {  	v26 =	vadd.f32 v27, v26;
	_ =	sdelay $0x1  }
0x35e: {  	[tilespmem:s30+$0x1F1CC] =	vst v26  }
0x35f: {  	v26 =	vld [tilespmem:s29+$0x5580]  }
0x360: {  	v27 =	vld [tilespmem:s29+$0xBD80]  }
0x361: {  	v28 =	vld [tilespmem:s29+$0x5590]  }
0x362: {  	v29 =	vld [tilespmem:s29+$0xBD90]  }
0x363: {  	v30 =	vld [tilespmem:s29+$0x55A0]  }
0x364: {  	v31 =	vld [tilespmem:s29+$0xBDA0]  }
0x365: {  	v44 =	vld [tilespmem:s29+$0x55B0]  }
0x366: {  	v45 =	vld [tilespmem:s29+$0xBDB0]  }
0x367: {  	v26 =	vmul.f32 v27, v26;
	v27 =	vmul.f32 v29, v28;
	v28 =	vld [tilespmem:s29+$0x55C0]  }
0x368: {  	v29 =	vld [tilespmem:s29+$0xBDC0]  }
0x369: {  	v26 =	vadd.f32 v27, v26;
	v27 =	vmul.f32 v31, v30;
	v30 =	vld [tilespmem:s29+$0x55D0]  }
0x36a: {  	v31 =	vld [tilespmem:s29+$0xBDD0]  }
0x36b: {  	v46 =	vld [tilespmem:s29+$0x55E0];
	v26 =	vadd.f32 v27, v26;
	v27 =	vmul.f32 v45, v44  }
0x36c: {  	v47 =	vld [tilespmem:s29+$0xBDE0]  }
0x36d: {  	v26 =	vadd.f32 v27, v26;
	v27 =	vmul.f32 v29, v28;
	v28 =	vld [tilespmem:s29+$0x55F0]  }
0x36e: {  	v29 =	vld [tilespmem:s29+$0xBDF0]  }
0x36f: {  	v26 =	vadd.f32 v27, v26;
	v27 =	vmul.f32 v31, v30;
	_ =	sdelay $0x1  }
0x370: {  	v26 =	vadd.f32 v27, v26;
	v27 =	vmul.f32 v47, v46;
	_ =	sdelay $0x1  }
0x371: {  	v26 =	vadd.f32 v27, v26;
	v27 =	vmul.f32 v29, v28;
	_ =	sdelay $0x1  }
0x372: {  	v26 =	vadd.f32 v27, v26;
	_ =	sdelay $0x1  }
0x373: {  	[tilespmem:s30+$0x1F1DD] =	vst v26  }
0x374: {  	v26 =	vld [tilespmem:s29+$0x5600]  }
0x375: {  	v27 =	vld [tilespmem:s29+$0xBE00]  }
0x376: {  	v28 =	vld [tilespmem:s29+$0x5610]  }
0x377: {  	v29 =	vld [tilespmem:s29+$0xBE10]  }
0x378: {  	v30 =	vld [tilespmem:s29+$0x5620]  }
0x379: {  	v31 =	vld [tilespmem:s29+$0xBE20]  }
0x37a: {  	v48 =	vld [tilespmem:s29+$0x5630]  }
0x37b: {  	v49 =	vld [tilespmem:s29+$0xBE30]  }
0x37c: {  	v26 =	vmul.f32 v27, v26;
	v27 =	vmul.f32 v29, v28;
	v28 =	vld [tilespmem:s29+$0x5640]  }
0x37d: {  	v29 =	vld [tilespmem:s29+$0xBE40]  }
0x37e: {  	v26 =	vadd.f32 v27, v26;
	v27 =	vmul.f32 v31, v30;
	v30 =	vld [tilespmem:s29+$0x5650]  }
0x37f: {  	v31 =	vld [tilespmem:s29+$0xBE50]  }
0x380: {  	v50 =	vld [tilespmem:s29+$0x5660];
	v26 =	vadd.f32 v27, v26;
	v27 =	vmul.f32 v49, v48  }
0x381: {  	v51 =	vld [tilespmem:s29+$0xBE60]  }
0x382: {  	v26 =	vadd.f32 v27, v26;
	v27 =	vmul.f32 v29, v28;
	v28 =	vld [tilespmem:s29+$0x5670]  }
0x383: {  	v29 =	vld [tilespmem:s29+$0xBE70]  }
0x384: {  	v26 =	vadd.f32 v27, v26;
	v27 =	vmul.f32 v31, v30;
	_ =	sdelay $0x1  }
0x385: {  	v26 =	vadd.f32 v27, v26;
	v27 =	vmul.f32 v51, v50;
	_ =	sdelay $0x1  }
0x386: {  	v26 =	vadd.f32 v27, v26;
	v27 =	vmul.f32 v29, v28;
	_ =	sdelay $0x1  }
0x387: {  	v26 =	vadd.f32 v27, v26;
	_ =	sdelay $0x1  }
0x388: {  	[tilespmem:s30+$0x1F1EE] =	vst v26  }
0x389: {  	v26 =	vld [tilespmem:s29+$0x5680]  }
0x38a: {  	v27 =	vld [tilespmem:s29+$0xBE80]  }
0x38b: {  	v28 =	vld [tilespmem:s29+$0x5690]  }
0x38c: {  	v29 =	vld [tilespmem:s29+$0xBE90]  }
0x38d: {  	v30 =	vld [tilespmem:s29+$0x56A0]  }
0x38e: {  	v31 =	vld [tilespmem:s29+$0xBEA0]  }
0x38f: {  	v52 =	vld [tilespmem:s29+$0x56B0]  }
0x390: {  	v53 =	vld [tilespmem:s29+$0xBEB0]  }
0x391: {  	v26 =	vmul.f32 v27, v26;
	v27 =	vmul.f32 v29, v28;
	v28 =	vld [tilespmem:s29+$0x56C0]  }
0x392: {  	v29 =	vld [tilespmem:s29+$0xBEC0]  }
0x393: {  	v26 =	vadd.f32 v27, v26;
	v27 =	vmul.f32 v31, v30;
	v30 =	vld [tilespmem:s29+$0x56D0]  }
0x394: {  	v31 =	vld [tilespmem:s29+$0xBED0]  }
0x395: {  	v54 =	vld [tilespmem:s29+$0x56E0];
	v26 =	vadd.f32 v27, v26;
	v27 =	vmul.f32 v53, v52  }
0x396: {  	v55 =	vld [tilespmem:s29+$0xBEE0]  }
0x397: {  	v26 =	vadd.f32 v27, v26;
	v27 =	vmul.f32 v29, v28;
	v28 =	vld [tilespmem:s29+$0x56F0]  }
0x398: {  	v29 =	vld [tilespmem:s29+$0xBEF0]  }
0x399: {  	v26 =	vadd.f32 v27, v26;
	v27 =	vmul.f32 v31, v30  }
0x39a: {  	v18 =	vadd.f32 v21, v18  }
0x39b: {  	v21 =	vadd.f32 v27, v26;
	v26 =	vmul.f32 v55, v54  }
0x39c: {  	v18 =	vadd.f32 v25, v18  }
0x39d: {  	v25 =	vmul.f32 v29, v28;
	v21 =	vadd.f32 v26, v21;
	v26 =	vadd.s32 s30, v0  }
0x39e: {  	v27 =	vadd.s32 s30, v1  }
0x39f: {  	v18 =	vadd.f32 v24, v18;
	v21 =	vadd.f32 v25, v21  }
0x3a0: {  	v24 =	vadd.s32 s30, v2  }
0x3a1: {  	v18 =	vadd.f32 v23, v18;
	[tilespmem:s30+$0x1F1FF] =	vst v21  }
0x3a2: {  	v23 =	vadd.s32 s30, v3;
	v21 =	vld.idx.msk [tilespmem:v26+s20+$0x0], $0xffff  }
0x3a3: {  	v18 =	vadd.f32 v22, v18;
	v25 =	vadd.s32 s26, v10;
	v22 =	vld.idx.msk [tilespmem:v27+s20+$0x0], $0xffff  }
0x3a4: {  	v26 =	vadd.s32 s30, v4  }
0x3a5: {  	v18 =	vadd.f32 v20, v18;
	v27 =	vadd.s32 s26, v11;
	v20 =	vld.idx.msk [tilespmem:v24+s20+$0x0], $0xffff  }
0x3a6: {  	v24 =	vadd.s32 s30, v5  }
0x3a7: {  	v18 =	vadd.f32 v19, v18;
	v28 =	vadd.s32 s26, v12;
	v19 =	vld.idx.msk [tilespmem:v23+s20+$0x0], $0xffff  }
0x3a8: {  	v23 =	vld.idx.msk [tilespmem:v25+s20+$0x0], $0xffff;
	v25 =	vadd.s32 s30, v6;
	v21 =	vadd.f32 v22, v21  }
0x3a9: {  	v17 =	vadd.f32 v17, v18;
	v22 =	vadd.s32 s26, v13;
	v18 =	vld.idx.msk [tilespmem:v26+s20+$0x0], $0xffff  }
0x3aa: {  	v26 =	vld.idx.msk [tilespmem:v27+s20+$0x0], $0xffff;
	v27 =	vadd.s32 s30, v7;
	v20 =	vadd.f32 v20, v21  }
0x3ab: {  	v16 =	vadd.f32 v16, v17;
	v17 =	vld.idx.msk [tilespmem:v24+s20+$0x0], $0xffff;
	v21 =	vadd.s32 s26, v14  }
0x3ac: {  	v24 =	vld.idx.msk [tilespmem:v28+s20+$0x0], $0xffff;
	v28 =	vadd.s32 s30, v8;
	v19 =	vadd.f32 v19, v20  }
0x3ad: {  	v16 =	vadd.f32 v23, v16;
	v23 =	vld.idx.msk [tilespmem:v25+s20+$0x0], $0xffff;
	v20 =	vadd.s32 s26, v15  }
0x3ae: {  	v25 =	vadd.s32 s30, v9;
	v22 =	vld.idx.msk [tilespmem:v22+s20+$0x0], $0xffff;
	v18 =	vadd.f32 v18, v19  }
0x3af: {  	v16 =	vadd.f32 v26, v16;
	v19 =	vld.idx.msk [tilespmem:v27+s20+$0x0], $0xffff  }
0x3b0: {  	v26 =	vadd.s32 s30, v10;
	v21 =	vld.idx.msk [tilespmem:v21+s20+$0x0], $0xffff;
	v17 =	vadd.f32 v17, v18  }
0x3b1: {  	v16 =	vadd.f32 v24, v16;
	v18 =	vld.idx.msk [tilespmem:v28+s20+$0x0], $0xffff  }
0x3b2: {  	v24 =	vadd.s32 s30, v11;
	v20 =	vld.idx.msk [tilespmem:v20+s20+$0x0], $0xffff;
	v17 =	vadd.f32 v23, v17  }
0x3b3: {  	v16 =	vadd.f32 v22, v16;
	v22 =	vld.idx.msk [tilespmem:v25+s20+$0x0], $0xffff  }
0x3b4: {  	v23 =	vadd.s32 s30, v12;
	v17 =	vadd.f32 v19, v17  }
0x3b5: {  	v16 =	vadd.f32 v21, v16;
	v19 =	vld.idx.msk [tilespmem:v26+s20+$0x0], $0xffff  }
0x3b6: {  	v21 =	vadd.s32 s30, v13;
	v17 =	vadd.f32 v18, v17  }
0x3b7: {  	v16 =	vadd.f32 v20, v16;
	v18 =	vld.idx.msk [tilespmem:v24+s20+$0x0], $0xffff  }
0x3b8: {  	v20 =	vadd.s32 s30, v14;
	v17 =	vadd.f32 v22, v17  }
0x3b9: {  	v16 =	vsub.f32 $0.0e+00, v16;
	v22 =	vld.idx.msk [tilespmem:v23+s20+$0x0], $0xffff  }
0x3ba: {  	v23 =	vadd.s32 s30, v15;
	v17 =	vadd.f32 v19, v17  }
0x3bb: {  	v16 =	vmul.f32 $1.442695020e+00, v16;
	v19 =	vld.idx.msk [tilespmem:v21+s20+$0x0], $0xffff  }
0x3bc: {  	v17 =	vadd.f32 v18, v17  }
0x3bd: {  	(erf) = vpow2.f32 v16;
	v16 =	vld.idx.msk [tilespmem:v20+s20+$0x0], $0xffff  }
0x3be: {  	v17 =	vadd.f32 v22, v17  }
0x3bf: {  	v18 =	vld.idx.msk [tilespmem:v23+s20+$0x0], $0xffff  }
0x3c0: {  	v17 =	vadd.f32 v19, v17;
	_ =	sdelay $0x1  }
0x3c1: {  	v16 =	vadd.f32 v16, v17;
	_ =	sdelay $0x1  }
0x3c2: {  	v16 =	vadd.f32 v18, v16;
	_ =	sdelay $0x1  }
0x3c3: {  	v17 =	vpop (erf);
	v16 =	vsub.f32 $0.0e+00, v16  }
0x3c4: {  	v17 =	vadd.f32 $1.000000000e+00, v17  }
0x3c5: {  	v16 =	vmul.f32 $1.442695020e+00, v16  }
0x3c6: {  	(erf) = vrcp.f32 v17  }
0x3c7: {  	(erf) = vpow2.f32 v16;
	_ =	sdelay $0x7  }
0x3c8: {  	v16 =	vpop (erf)  }
0x3c9: {  	v17 =	vpop (erf)  }
0x3ca: {  	v17 =	vadd.f32 $1.000000000e+00, v17;
	_ =	sdelay $0x1  }
0x3cb: {  	(erf) = vrcp.f32 v17;
	_ =	sdelay $0x5  }
0x3cc: {  	s0 =	sshll.u32 s23, $0x1  }
0x3cd: {  	s2 =	sshll.u32 s25, $0x4;
	s0 =	sadd.s32 $0x2, s0  }
0x3ce: {  	s25 =	sshll.u32 s28, $0x4;
	s2 =	sand.u32 $0x3FFFFFF0, s2;
	s26 =	smul.u32 $0xC8, s0  }
0x3cf: {  	s25 =	sand.u32 $0x3FFFFFF0, s25;
	p0 =	seq.s32 s0, $0x32;
	[tilespmem:s2+$0x1EF00] =	vst v16;
	v16 =	vpop (erf)  }
0x3d0: {  	s26 =	simm.s32 @p0 $0x0;
	[tilespmem:s25+$0x1EF00] =	vst v16  }
0x3d1: {  	[tilespmem:s13], [sflag:$0x1] =	stream.indirect.gather [hbm4b:s1+s12], $0x80, s26, s12, $0xb8;
	[tilespmem:$0x1FF00] =	vst v63  }
0x3d2: {  	s26 =	sadd.s32 $0x2780, s26  }
0x3d3: {  	[tilespmem:s14], [sflag:$0x1] =	stream.indirect.gather [hbm4b:s1+s12], $0x80, s26, s12, $0xb8;
	[tilespmem:$0x1FF00] =	vst v63  }
0x3d4: {  	_ =	swait.ge [sflag:s21], $0x6400  }
0x3d5: {  	[sflag:s21] =	ssyncset.done $0x0  }
0x3d6: {  	[sflag:s21] =	ssyncadd.s32 $0xFFFF9C00  }
0x3d7: {  	_ =	swait.ge [sflag:s21], $0x6400  }
0x3d8: {  	[sflag:s21] =	ssyncset.done $0x0  }
0x3d9: {  	s28 =	simm.s32 $0x0;
	[sflag:s21] =	ssyncadd.s32 $0xFFFF9C00  }
0x3da: {  	v16 =	vld [tilespmem:s28+$0x11F00]  }
0x3db: {  	v17 =	vld [tilespmem:s28+$0x18700]  }
0x3dc: {  	v18 =	vld [tilespmem:s28+$0x11F10]  }
0x3dd: {  	v19 =	vld [tilespmem:s28+$0x18710]  }
0x3de: {  	v20 =	vld [tilespmem:s28+$0x11F20]  }
0x3df: {  	v21 =	vld [tilespmem:s28+$0x18720]  }
0x3e0: {  	v22 =	vld [tilespmem:s28+$0x11F30]  }
0x3e1: {  	v23 =	vld [tilespmem:s28+$0x18730]  }
0x3e2: {  	v24 =	vld [tilespmem:s28+$0x11F40];
	v16 =	vmul.f32 v17, v16;
	v17 =	vmul.f32 v19, v18  }
0x3e3: {  	v18 =	vld [tilespmem:s28+$0x18740]  }
0x3e4: {  	v19 =	vld [tilespmem:s28+$0x11F50];
	v16 =	vadd.f32 v17, v16;
	v17 =	vmul.f32 v21, v20  }
0x3e5: {  	v20 =	vld [tilespmem:s28+$0x18750]  }
0x3e6: {  	v21 =	vld [tilespmem:s28+$0x11F60];
	v16 =	vadd.f32 v17, v16;
	v17 =	vmul.f32 v23, v22  }
0x3e7: {  	v22 =	vld [tilespmem:s28+$0x18760]  }
0x3e8: {  	v23 =	vld [tilespmem:s28+$0x11F70];
	v16 =	vadd.f32 v17, v16;
	v17 =	vmul.f32 v18, v24  }
0x3e9: {  	v18 =	vld [tilespmem:s28+$0x18770]  }
0x3ea: {  	v16 =	vadd.f32 v17, v16;
	v17 =	vmul.f32 v20, v19;
	_ =	sdelay $0x1  }
0x3eb: {  	v16 =	vadd.f32 v17, v16;
	v17 =	vmul.f32 v22, v21;
	_ =	sdelay $0x1  }
0x3ec: {  	v16 =	vadd.f32 v17, v16;
	v17 =	vmul.f32 v18, v23  }
0x3ed: {  	s25 =	simm.s32 $0x0  }
0x3ee: {  	s26 =	smul.u32 $0x110, s25;
	v16 =	vadd.f32 v17, v16;
	_ =	sdelay $0x1  }
0x3ef: {  	[tilespmem:s26+$0x1F100] =	vst v16  }
0x3f0: {  	v16 =	vld [tilespmem:s28+$0x11F80]  }
0x3f1: {  	v17 =	vld [tilespmem:s28+$0x18780]  }
0x3f2: {  	v18 =	vld [tilespmem:s28+$0x11F90]  }
0x3f3: {  	v19 =	vld [tilespmem:s28+$0x18790]  }
0x3f4: {  	v20 =	vld [tilespmem:s28+$0x11FA0]  }
0x3f5: {  	v21 =	vld [tilespmem:s28+$0x187A0]  }
0x3f6: {  	v22 =	vld [tilespmem:s28+$0x11FB0]  }
0x3f7: {  	v23 =	vld [tilespmem:s28+$0x187B0]  }
0x3f8: {  	v24 =	vld [tilespmem:s28+$0x11FC0];
	v16 =	vmul.f32 v17, v16;
	v17 =	vmul.f32 v19, v18  }
0x3f9: {  	v18 =	vld [tilespmem:s28+$0x187C0]  }
0x3fa: {  	v19 =	vld [tilespmem:s28+$0x11FD0];
	v16 =	vadd.f32 v17, v16;
	v17 =	vmul.f32 v21, v20  }
0x3fb: {  	v20 =	vld [tilespmem:s28+$0x187D0]  }
0x3fc: {  	v21 =	vld [tilespmem:s28+$0x11FE0];
	v16 =	vadd.f32 v17, v16;
	v17 =	vmul.f32 v23, v22  }
0x3fd: {  	v22 =	vld [tilespmem:s28+$0x187E0]  }
0x3fe: {  	v23 =	vld [tilespmem:s28+$0x11FF0];
	v16 =	vadd.f32 v17, v16;
	v17 =	vmul.f32 v18, v24  }
0x3ff: {  	v18 =	vld [tilespmem:s28+$0x187F0]  }
0x400: {  	v16 =	vadd.f32 v17, v16;
	v17 =	vmul.f32 v20, v19;
	_ =	sdelay $0x1  }
0x401: {  	v16 =	vadd.f32 v17, v16;
	v17 =	vmul.f32 v22, v21;
	_ =	sdelay $0x1  }
0x402: {  	v16 =	vadd.f32 v17, v16;
	v17 =	vmul.f32 v18, v23;
	_ =	sdelay $0x1  }
0x403: {  	v16 =	vadd.f32 v17, v16;
	_ =	sdelay $0x1  }
0x404: {  	[tilespmem:s26+$0x1F111] =	vst v16  }
0x405: {  	v16 =	vld [tilespmem:s28+$0x12000]  }
0x406: {  	v17 =	vld [tilespmem:s28+$0x18800]  }
0x407: {  	v18 =	vld [tilespmem:s28+$0x12010]  }
0x408: {  	v19 =	vld [tilespmem:s28+$0x18810]  }
0x409: {  	v20 =	vld [tilespmem:s28+$0x12020]  }
0x40a: {  	v21 =	vld [tilespmem:s28+$0x18820]  }
0x40b: {  	v22 =	vld [tilespmem:s28+$0x12030]  }
0x40c: {  	v23 =	vld [tilespmem:s28+$0x18830]  }
0x40d: {  	v24 =	vld [tilespmem:s28+$0x12040];
	v16 =	vmul.f32 v17, v16;
	v17 =	vmul.f32 v19, v18  }
0x40e: {  	v18 =	vld [tilespmem:s28+$0x18840]  }
0x40f: {  	v19 =	vld [tilespmem:s28+$0x12050];
	v16 =	vadd.f32 v17, v16;
	v17 =	vmul.f32 v21, v20  }
0x410: {  	v20 =	vld [tilespmem:s28+$0x18850]  }
0x411: {  	v21 =	vld [tilespmem:s28+$0x12060];
	v16 =	vadd.f32 v17, v16;
	v17 =	vmul.f32 v23, v22  }
0x412: {  	v22 =	vld [tilespmem:s28+$0x18860]  }
0x413: {  	v23 =	vld [tilespmem:s28+$0x12070];
	v16 =	vadd.f32 v17, v16;
	v17 =	vmul.f32 v18, v24  }
0x414: {  	v18 =	vld [tilespmem:s28+$0x18870]  }
0x415: {  	v16 =	vadd.f32 v17, v16;
	v17 =	vmul.f32 v20, v19;
	_ =	sdelay $0x1  }
0x416: {  	v16 =	vadd.f32 v17, v16;
	v17 =	vmul.f32 v22, v21;
	_ =	sdelay $0x1  }
0x417: {  	v16 =	vadd.f32 v17, v16;
	v17 =	vmul.f32 v18, v23;
	_ =	sdelay $0x1  }
0x418: {  	v16 =	vadd.f32 v17, v16;
	_ =	sdelay $0x1  }
0x419: {  	[tilespmem:s26+$0x1F122] =	vst v16  }
0x41a: {  	v16 =	vld [tilespmem:s28+$0x12080]  }
0x41b: {  	v17 =	vld [tilespmem:s28+$0x18880]  }
0x41c: {  	v18 =	vld [tilespmem:s28+$0x12090]  }
0x41d: {  	v19 =	vld [tilespmem:s28+$0x18890]  }
0x41e: {  	v20 =	vld [tilespmem:s28+$0x120A0]  }
0x41f: {  	v21 =	vld [tilespmem:s28+$0x188A0]  }
0x420: {  	v22 =	vld [tilespmem:s28+$0x120B0]  }
0x421: {  	v23 =	vld [tilespmem:s28+$0x188B0]  }
0x422: {  	v24 =	vld [tilespmem:s28+$0x120C0];
	v16 =	vmul.f32 v17, v16;
	v17 =	vmul.f32 v19, v18  }
0x423: {  	v18 =	vld [tilespmem:s28+$0x188C0]  }
0x424: {  	v19 =	vld [tilespmem:s28+$0x120D0];
	v16 =	vadd.f32 v17, v16;
	v17 =	vmul.f32 v21, v20  }
0x425: {  	v20 =	vld [tilespmem:s28+$0x188D0]  }
0x426: {  	v21 =	vld [tilespmem:s28+$0x120E0];
	v16 =	vadd.f32 v17, v16;
	v17 =	vmul.f32 v23, v22  }
0x427: {  	v22 =	vld [tilespmem:s28+$0x188E0]  }
0x428: {  	v23 =	vld [tilespmem:s28+$0x120F0];
	v16 =	vadd.f32 v17, v16;
	v17 =	vmul.f32 v18, v24  }
0x429: {  	v18 =	vld [tilespmem:s28+$0x188F0]  }
0x42a: {  	v16 =	vadd.f32 v17, v16;
	v17 =	vmul.f32 v20, v19;
	_ =	sdelay $0x1  }
0x42b: {  	v16 =	vadd.f32 v17, v16;
	v17 =	vmul.f32 v22, v21;
	_ =	sdelay $0x1  }
0x42c: {  	v16 =	vadd.f32 v17, v16;
	v17 =	vmul.f32 v18, v23;
	_ =	sdelay $0x1  }
0x42d: {  	v16 =	vadd.f32 v17, v16;
	_ =	sdelay $0x1  }
0x42e: {  	[tilespmem:s26+$0x1F133] =	vst v16  }
0x42f: {  	v16 =	vld [tilespmem:s28+$0x12100]  }
0x430: {  	v17 =	vld [tilespmem:s28+$0x18900]  }
0x431: {  	v18 =	vld [tilespmem:s28+$0x12110]  }
0x432: {  	v19 =	vld [tilespmem:s28+$0x18910]  }
0x433: {  	v20 =	vld [tilespmem:s28+$0x12120]  }
0x434: {  	v21 =	vld [tilespmem:s28+$0x18920]  }
0x435: {  	v22 =	vld [tilespmem:s28+$0x12130]  }
0x436: {  	v23 =	vld [tilespmem:s28+$0x18930]  }
0x437: {  	v24 =	vld [tilespmem:s28+$0x12140];
	v16 =	vmul.f32 v17, v16;
	v17 =	vmul.f32 v19, v18  }
0x438: {  	v18 =	vld [tilespmem:s28+$0x18940]  }
0x439: {  	v19 =	vld [tilespmem:s28+$0x12150];
	v16 =	vadd.f32 v17, v16;
	v17 =	vmul.f32 v21, v20  }
0x43a: {  	v20 =	vld [tilespmem:s28+$0x18950]  }
0x43b: {  	v21 =	vld [tilespmem:s28+$0x12160];
	v16 =	vadd.f32 v17, v16;
	v17 =	vmul.f32 v23, v22  }
0x43c: {  	v22 =	vld [tilespmem:s28+$0x18960]  }
0x43d: {  	v23 =	vld [tilespmem:s28+$0x12170];
	v16 =	vadd.f32 v17, v16;
	v17 =	vmul.f32 v18, v24  }
0x43e: {  	v18 =	vld [tilespmem:s28+$0x18970]  }
0x43f: {  	v19 =	vmul.f32 v20, v19;
	v16 =	vadd.f32 v17, v16;
	_ =	sdelay $0x1  }
0x440: {  	v17 =	vmul.f32 v22, v21;
	v16 =	vadd.f32 v19, v16;
	_ =	sdelay $0x1  }
0x441: {  	v18 =	vmul.f32 v18, v23;
	v16 =	vadd.f32 v17, v16;
	_ =	sdelay $0x1  }
0x442: {  	v16 =	vadd.f32 v18, v16;
	_ =	sdelay $0x1  }
0x443: {  	[tilespmem:s26+$0x1F144] =	vst v16  }
0x444: {  	v16 =	vld [tilespmem:s28+$0x12180]  }
0x445: {  	v17 =	vld [tilespmem:s28+$0x18980]  }
0x446: {  	v18 =	vld [tilespmem:s28+$0x12190]  }
0x447: {  	v19 =	vld [tilespmem:s28+$0x18990]  }
0x448: {  	v20 =	vld [tilespmem:s28+$0x121A0]  }
0x449: {  	v21 =	vld [tilespmem:s28+$0x189A0]  }
0x44a: {  	v22 =	vld [tilespmem:s28+$0x121B0]  }
0x44b: {  	v23 =	vld [tilespmem:s28+$0x189B0]  }
0x44c: {  	v24 =	vld [tilespmem:s28+$0x121C0];
	v16 =	vmul.f32 v17, v16;
	v17 =	vmul.f32 v19, v18  }
0x44d: {  	v18 =	vld [tilespmem:s28+$0x189C0]  }
0x44e: {  	v19 =	vld [tilespmem:s28+$0x121D0];
	v16 =	vadd.f32 v17, v16;
	v17 =	vmul.f32 v21, v20  }
0x44f: {  	v20 =	vld [tilespmem:s28+$0x189D0]  }
0x450: {  	v21 =	vld [tilespmem:s28+$0x121E0];
	v16 =	vadd.f32 v17, v16;
	v17 =	vmul.f32 v23, v22  }
0x451: {  	v22 =	vld [tilespmem:s28+$0x189E0]  }
0x452: {  	v23 =	vld [tilespmem:s28+$0x121F0];
	v16 =	vadd.f32 v17, v16;
	v17 =	vmul.f32 v18, v24  }
0x453: {  	v18 =	vld [tilespmem:s28+$0x189F0]  }
0x454: {  	v16 =	vadd.f32 v17, v16;
	v17 =	vmul.f32 v20, v19  }
0x455: {  	s30 =	simm.s32 $0x800  }
0x456: {  	v31 =	vld [tilespmem:s30+$0x18740];
	v16 =	vadd.f32 v17, v16;
	v17 =	vmul.f32 v22, v21  }
0x457: {  	v56 =	vld [tilespmem:s30+$0x18730]  }
0x458: {  	v19 =	vld [tilespmem:s30+$0x11F70];
	v16 =	vadd.f32 v17, v16;
	v17 =	vmul.f32 v18, v23  }
0x459: {  	v20 =	vld [tilespmem:s30+$0x18770]  }
0x45a: {  	v21 =	vld [tilespmem:s30+$0x11F60];
	v16 =	vadd.f32 v17, v16  }
0x45b: {  	v22 =	vld [tilespmem:s30+$0x11F50]  }
0x45c: {  	v18 =	vld [tilespmem:s30+$0x18760];
	[tilespmem:s26+$0x1F155] =	vst v16  }
0x45d: {  	v16 =	vld [tilespmem:s28+$0x12200]  }
0x45e: {  	v24 =	vld [tilespmem:s28+$0x18A00]  }
0x45f: {  	v25 =	vld [tilespmem:s28+$0x12210]  }
0x460: {  	v26 =	vld [tilespmem:s28+$0x18A10]  }
0x461: {  	v27 =	vld [tilespmem:s28+$0x12220]  }
0x462: {  	v28 =	vld [tilespmem:s28+$0x18A20]  }
0x463: {  	v29 =	vld [tilespmem:s28+$0x12230]  }
0x464: {  	v30 =	vld [tilespmem:s28+$0x18A30]  }
0x465: {  	v16 =	vmul.f32 v24, v16;
	v24 =	vmul.f32 v26, v25;
	v25 =	vld [tilespmem:s28+$0x12240]  }
0x466: {  	v26 =	vld [tilespmem:s28+$0x18A40]  }
0x467: {  	v16 =	vadd.f32 v24, v16;
	v24 =	vmul.f32 v28, v27;
	v27 =	vld [tilespmem:s28+$0x12250]  }
0x468: {  	v28 =	vld [tilespmem:s28+$0x18A50]  }
0x469: {  	v16 =	vadd.f32 v24, v16;
	v24 =	vmul.f32 v30, v29;
	v29 =	vld [tilespmem:s28+$0x12260]  }
0x46a: {  	v30 =	vld [tilespmem:s28+$0x18A60]  }
0x46b: {  	v16 =	vadd.f32 v24, v16;
	v24 =	vmul.f32 v26, v25;
	v25 =	vld [tilespmem:s28+$0x12270]  }
0x46c: {  	v26 =	vld [tilespmem:s28+$0x18A70]  }
0x46d: {  	v23 =	vld [tilespmem:s30+$0x11F40];
	v16 =	vadd.f32 v24, v16;
	v24 =	vmul.f32 v28, v27  }
0x46e: {  	v17 =	vld [tilespmem:s30+$0x18750]  }
0x46f: {  	v28 =	vld [tilespmem:s30+$0x11F00];
	v16 =	vadd.f32 v24, v16;
	v24 =	vmul.f32 v30, v29  }
0x470: {  	v29 =	vld [tilespmem:s30+$0x18700]  }
0x471: {  	v30 =	vld [tilespmem:s30+$0x11F10];
	v16 =	vadd.f32 v24, v16;
	v24 =	vmul.f32 v26, v25  }
0x472: {  	v25 =	vld [tilespmem:s30+$0x18710]  }
0x473: {  	v26 =	vld [tilespmem:s30+$0x11F20];
	v16 =	vadd.f32 v24, v16  }
0x474: {  	v24 =	vld [tilespmem:s30+$0x18720]  }
0x475: {  	v27 =	vld [tilespmem:s30+$0x11F30];
	[tilespmem:s26+$0x1F166] =	vst v16  }
0x476: {  	v16 =	vld [tilespmem:s28+$0x12280]  }
0x477: {  	v28 =	vmul.f32 v29, v28;
	v25 =	vmul.f32 v25, v30;
	v29 =	vld [tilespmem:s28+$0x18A80]  }
0x478: {  	v30 =	vld [tilespmem:s28+$0x12290]  }
0x479: {  	v25 =	vadd.f32 v25, v28;
	v24 =	vmul.f32 v24, v26;
	v26 =	vld [tilespmem:s28+$0x18A90]  }
0x47a: {  	v28 =	vld [tilespmem:s28+$0x122A0]  }
0x47b: {  	v24 =	vadd.f32 v24, v25;
	v25 =	vmul.f32 v56, v27;
	v27 =	vld [tilespmem:s28+$0x18AA0]  }
0x47c: {  	v57 =	vld [tilespmem:s28+$0x122B0]  }
0x47d: {  	v23 =	vmul.f32 v31, v23;
	v17 =	vmul.f32 v17, v22;
	v24 =	vadd.f32 v25, v24;
	v25 =	vld [tilespmem:s28+$0x18AB0]  }
0x47e: {  	v22 =	vld [tilespmem:s28+$0x18AC0];
	v16 =	vmul.f32 v29, v16;
	v26 =	vmul.f32 v26, v30  }
0x47f: {  	v29 =	vld [tilespmem:s28+$0x122C0];
	v23 =	vadd.f32 v23, v24  }
0x480: {  	v18 =	vmul.f32 v18, v21;
	v21 =	vld [tilespmem:s28+$0x18AD0];
	v16 =	vadd.f32 v26, v16;
	v24 =	vmul.f32 v27, v28  }
0x481: {  	v26 =	vld [tilespmem:s28+$0x122D0];
	v17 =	vadd.f32 v17, v23  }
0x482: {  	v16 =	vadd.f32 v24, v16;
	v23 =	vmul.f32 v25, v57;
	v24 =	vld [tilespmem:s28+$0x122E0]  }
0x483: {  	v17 =	vadd.f32 v18, v17;
	v18 =	vmul.f32 v20, v19;
	v19 =	vld [tilespmem:s28+$0x18AE0]  }
0x484: {  	s29 =	simm.s32 $0x1;
	v20 =	vmul.f32 v22, v29;
	v22 =	vld [tilespmem:s28+$0x122F0];
	v16 =	vadd.f32 v23, v16  }
0x485: {  	s31 =	smul.u32 $0x110, s29;
	v17 =	vadd.f32 v18, v17;
	v18 =	vld [tilespmem:s28+$0x18AF0]  }
0x486: {  	v16 =	vadd.f32 v20, v16;
	v20 =	vmul.f32 v21, v26  }
0x487: {  	[tilespmem:s31+$0x1F100] =	vst v17  }
0x488: {  	v17 =	vld [tilespmem:s30+$0x11FF0];
	v16 =	vadd.f32 v20, v16;
	v19 =	vmul.f32 v19, v24  }
0x489: {  	v20 =	vld [tilespmem:s30+$0x187F0]  }
0x48a: {  	v21 =	vld [tilespmem:s30+$0x11FE0];
	v16 =	vadd.f32 v19, v16;
	v18 =	vmul.f32 v18, v22  }
0x48b: {  	v23 =	vld [tilespmem:s30+$0x11FC0]  }
0x48c: {  	v31 =	vld [tilespmem:s30+$0x187C0];
	v16 =	vadd.f32 v18, v16  }
0x48d: {  	v58 =	vld [tilespmem:s30+$0x187B0]  }
0x48e: {  	v19 =	vld [tilespmem:s30+$0x187E0];
	[tilespmem:s26+$0x1F177] =	vst v16  }
0x48f: {  	v16 =	vld [tilespmem:s28+$0x12300]  }
0x490: {  	v24 =	vld [tilespmem:s28+$0x18B00]  }
0x491: {  	v25 =	vld [tilespmem:s28+$0x12310]  }
0x492: {  	v26 =	vld [tilespmem:s28+$0x18B10]  }
0x493: {  	v27 =	vld [tilespmem:s28+$0x12320]  }
0x494: {  	v28 =	vld [tilespmem:s28+$0x18B20]  }
0x495: {  	v29 =	vld [tilespmem:s28+$0x12330]  }
0x496: {  	v30 =	vld [tilespmem:s28+$0x18B30]  }
0x497: {  	v16 =	vmul.f32 v24, v16;
	v24 =	vmul.f32 v26, v25;
	v25 =	vld [tilespmem:s28+$0x12340]  }
0x498: {  	v26 =	vld [tilespmem:s28+$0x18B40]  }
0x499: {  	v16 =	vadd.f32 v24, v16;
	v24 =	vmul.f32 v28, v27;
	v27 =	vld [tilespmem:s28+$0x12350]  }
0x49a: {  	v28 =	vld [tilespmem:s28+$0x18B50]  }
0x49b: {  	v16 =	vadd.f32 v24, v16;
	v24 =	vmul.f32 v30, v29;
	v29 =	vld [tilespmem:s28+$0x12360]  }
0x49c: {  	v30 =	vld [tilespmem:s28+$0x18B60]  }
0x49d: {  	v16 =	vadd.f32 v24, v16;
	v24 =	vmul.f32 v26, v25;
	v25 =	vld [tilespmem:s28+$0x12370]  }
0x49e: {  	v26 =	vld [tilespmem:s28+$0x18B70]  }
0x49f: {  	v22 =	vld [tilespmem:s30+$0x11FD0];
	v16 =	vadd.f32 v24, v16;
	v24 =	vmul.f32 v28, v27  }
0x4a0: {  	v18 =	vld [tilespmem:s30+$0x187D0]  }
0x4a1: {  	v28 =	vld [tilespmem:s30+$0x11F80];
	v16 =	vadd.f32 v24, v16;
	v24 =	vmul.f32 v30, v29  }
0x4a2: {  	v29 =	vld [tilespmem:s30+$0x18780]  }
0x4a3: {  	v30 =	vld [tilespmem:s30+$0x11F90];
	v16 =	vadd.f32 v24, v16;
	v24 =	vmul.f32 v26, v25  }
0x4a4: {  	v25 =	vld [tilespmem:s30+$0x18790]  }
0x4a5: {  	v26 =	vld [tilespmem:s30+$0x11FA0];
	v16 =	vadd.f32 v24, v16  }
0x4a6: {  	v24 =	vld [tilespmem:s30+$0x187A0]  }
0x4a7: {  	v27 =	vld [tilespmem:s30+$0x11FB0];
	[tilespmem:s26+$0x1F188] =	vst v16  }
0x4a8: {  	v16 =	vld [tilespmem:s28+$0x12380]  }
0x4a9: {  	v28 =	vmul.f32 v29, v28;
	v25 =	vmul.f32 v25, v30;
	v29 =	vld [tilespmem:s28+$0x18B80]  }
0x4aa: {  	v30 =	vld [tilespmem:s28+$0x12390]  }
0x4ab: {  	v25 =	vadd.f32 v25, v28;
	v24 =	vmul.f32 v24, v26;
	v26 =	vld [tilespmem:s28+$0x18B90]  }
0x4ac: {  	v28 =	vld [tilespmem:s28+$0x123A0]  }
0x4ad: {  	v24 =	vadd.f32 v24, v25;
	v25 =	vmul.f32 v58, v27;
	v27 =	vld [tilespmem:s28+$0x18BA0]  }
0x4ae: {  	v59 =	vld [tilespmem:s28+$0x123B0]  }
0x4af: {  	v23 =	vmul.f32 v31, v23;
	v18 =	vmul.f32 v18, v22;
	v24 =	vadd.f32 v25, v24;
	v25 =	vld [tilespmem:s28+$0x18BB0]  }
0x4b0: {  	v22 =	vld [tilespmem:s28+$0x18BC0];
	v16 =	vmul.f32 v29, v16;
	v26 =	vmul.f32 v26, v30  }
0x4b1: {  	v29 =	vld [tilespmem:s28+$0x123C0];
	v23 =	vadd.f32 v23, v24  }
0x4b2: {  	v19 =	vmul.f32 v19, v21;
	v21 =	vld [tilespmem:s28+$0x18BD0];
	v16 =	vadd.f32 v26, v16;
	v24 =	vmul.f32 v27, v28  }
0x4b3: {  	v26 =	vld [tilespmem:s28+$0x123D0];
	v18 =	vadd.f32 v18, v23  }
0x4b4: {  	v16 =	vadd.f32 v24, v16;
	v23 =	vmul.f32 v25, v59;
	v24 =	vld [tilespmem:s28+$0x123E0]  }
0x4b5: {  	v17 =	vmul.f32 v20, v17;
	v18 =	vadd.f32 v19, v18;
	v19 =	vld [tilespmem:s28+$0x18BE0]  }
0x4b6: {  	v20 =	vmul.f32 v22, v29;
	v22 =	vld [tilespmem:s28+$0x123F0];
	v16 =	vadd.f32 v23, v16  }
0x4b7: {  	v17 =	vadd.f32 v17, v18;
	v18 =	vld [tilespmem:s28+$0x18BF0]  }
0x4b8: {  	v16 =	vadd.f32 v20, v16;
	v20 =	vmul.f32 v21, v26  }
0x4b9: {  	[tilespmem:s31+$0x1F111] =	vst v17  }
0x4ba: {  	v17 =	vld [tilespmem:s30+$0x12070];
	v16 =	vadd.f32 v20, v16;
	v19 =	vmul.f32 v19, v24  }
0x4bb: {  	v20 =	vld [tilespmem:s30+$0x18870]  }
0x4bc: {  	v21 =	vld [tilespmem:s30+$0x12060];
	v16 =	vadd.f32 v19, v16;
	v18 =	vmul.f32 v18, v22  }
0x4bd: {  	v23 =	vld [tilespmem:s30+$0x12040]  }
0x4be: {  	v31 =	vld [tilespmem:s30+$0x18840];
	v16 =	vadd.f32 v18, v16  }
0x4bf: {  	v60 =	vld [tilespmem:s30+$0x18830]  }
0x4c0: {  	v19 =	vld [tilespmem:s30+$0x18860];
	[tilespmem:s26+$0x1F199] =	vst v16  }
0x4c1: {  	v16 =	vld [tilespmem:s28+$0x12400]  }
0x4c2: {  	v24 =	vld [tilespmem:s28+$0x18C00]  }
0x4c3: {  	v25 =	vld [tilespmem:s28+$0x12410]  }
0x4c4: {  	v26 =	vld [tilespmem:s28+$0x18C10]  }
0x4c5: {  	v27 =	vld [tilespmem:s28+$0x12420]  }
0x4c6: {  	v28 =	vld [tilespmem:s28+$0x18C20]  }
0x4c7: {  	v29 =	vld [tilespmem:s28+$0x12430]  }
0x4c8: {  	v30 =	vld [tilespmem:s28+$0x18C30]  }
0x4c9: {  	v16 =	vmul.f32 v24, v16;
	v24 =	vmul.f32 v26, v25;
	v25 =	vld [tilespmem:s28+$0x12440]  }
0x4ca: {  	v26 =	vld [tilespmem:s28+$0x18C40]  }
0x4cb: {  	v16 =	vadd.f32 v24, v16;
	v24 =	vmul.f32 v28, v27;
	v27 =	vld [tilespmem:s28+$0x12450]  }
0x4cc: {  	v28 =	vld [tilespmem:s28+$0x18C50]  }
0x4cd: {  	v16 =	vadd.f32 v24, v16;
	v24 =	vmul.f32 v30, v29;
	v29 =	vld [tilespmem:s28+$0x12460]  }
0x4ce: {  	v30 =	vld [tilespmem:s28+$0x18C60]  }
0x4cf: {  	v16 =	vadd.f32 v24, v16;
	v24 =	vmul.f32 v26, v25;
	v25 =	vld [tilespmem:s28+$0x12470]  }
0x4d0: {  	v26 =	vld [tilespmem:s28+$0x18C70]  }
0x4d1: {  	v22 =	vld [tilespmem:s30+$0x12050];
	v16 =	vadd.f32 v24, v16;
	v24 =	vmul.f32 v28, v27  }
0x4d2: {  	v18 =	vld [tilespmem:s30+$0x18850]  }
0x4d3: {  	v28 =	vld [tilespmem:s30+$0x12000];
	v16 =	vadd.f32 v24, v16;
	v24 =	vmul.f32 v30, v29  }
0x4d4: {  	v29 =	vld [tilespmem:s30+$0x18800]  }
0x4d5: {  	v30 =	vld [tilespmem:s30+$0x12010];
	v16 =	vadd.f32 v24, v16;
	v24 =	vmul.f32 v26, v25  }
0x4d6: {  	v25 =	vld [tilespmem:s30+$0x18810]  }
0x4d7: {  	v26 =	vld [tilespmem:s30+$0x12020];
	v16 =	vadd.f32 v24, v16  }
0x4d8: {  	v24 =	vld [tilespmem:s30+$0x18820]  }
0x4d9: {  	v27 =	vld [tilespmem:s30+$0x12030];
	[tilespmem:s26+$0x1F1AA] =	vst v16  }
0x4da: {  	v16 =	vld [tilespmem:s28+$0x12480]  }
0x4db: {  	v28 =	vmul.f32 v29, v28;
	v25 =	vmul.f32 v25, v30;
	v29 =	vld [tilespmem:s28+$0x18C80]  }
0x4dc: {  	v30 =	vld [tilespmem:s28+$0x12490]  }
0x4dd: {  	v25 =	vadd.f32 v25, v28;
	v24 =	vmul.f32 v24, v26;
	v26 =	vld [tilespmem:s28+$0x18C90]  }
0x4de: {  	v28 =	vld [tilespmem:s28+$0x124A0]  }
0x4df: {  	v24 =	vadd.f32 v24, v25;
	v25 =	vmul.f32 v60, v27;
	v27 =	vld [tilespmem:s28+$0x18CA0]  }
0x4e0: {  	v61 =	vld [tilespmem:s28+$0x124B0]  }
0x4e1: {  	v23 =	vmul.f32 v31, v23;
	v18 =	vmul.f32 v18, v22;
	v24 =	vadd.f32 v25, v24;
	v25 =	vld [tilespmem:s28+$0x18CB0]  }
0x4e2: {  	v22 =	vld [tilespmem:s28+$0x18CC0];
	v16 =	vmul.f32 v29, v16;
	v26 =	vmul.f32 v26, v30  }
0x4e3: {  	v29 =	vld [tilespmem:s28+$0x124C0];
	v23 =	vadd.f32 v23, v24  }
0x4e4: {  	v19 =	vmul.f32 v19, v21;
	v21 =	vld [tilespmem:s28+$0x18CD0];
	v16 =	vadd.f32 v26, v16;
	v24 =	vmul.f32 v27, v28  }
0x4e5: {  	v26 =	vld [tilespmem:s28+$0x124D0];
	v18 =	vadd.f32 v18, v23  }
0x4e6: {  	v16 =	vadd.f32 v24, v16;
	v23 =	vmul.f32 v25, v61;
	v24 =	vld [tilespmem:s28+$0x124E0]  }
0x4e7: {  	v17 =	vmul.f32 v20, v17;
	v18 =	vadd.f32 v19, v18;
	v19 =	vld [tilespmem:s28+$0x18CE0]  }
0x4e8: {  	v20 =	vmul.f32 v22, v29;
	v22 =	vld [tilespmem:s28+$0x124F0];
	v16 =	vadd.f32 v23, v16  }
0x4e9: {  	v23 =	vld [tilespmem:s28+$0x18CF0];
	v17 =	vadd.f32 v17, v18  }
0x4ea: {  	v16 =	vadd.f32 v20, v16;
	v20 =	vmul.f32 v21, v26  }
0x4eb: {  	[tilespmem:s31+$0x1F122] =	vst v17  }
0x4ec: {  	v18 =	vld [tilespmem:s30+$0x120F0];
	v16 =	vadd.f32 v20, v16;
	v17 =	vmul.f32 v19, v24  }
0x4ed: {  	v19 =	vld [tilespmem:s30+$0x188F0]  }
0x4ee: {  	v20 =	vld [tilespmem:s30+$0x120E0];
	v16 =	vadd.f32 v17, v16;
	v17 =	vmul.f32 v23, v22  }
0x4ef: {  	v21 =	vld [tilespmem:s30+$0x188E0]  }
0x4f0: {  	v24 =	vld [tilespmem:s30+$0x120C0];
	v16 =	vadd.f32 v17, v16  }
0x4f1: {  	v63 =	vld [tilespmem:s30+$0x12080]  }
0x4f2: {  	v34 =	vld [tilespmem:s30+$0x12090];
	[tilespmem:s26+$0x1F1BB] =	vst v16  }
0x4f3: {  	v16 =	vld [tilespmem:s28+$0x12500]  }
0x4f4: {  	v17 =	vld [tilespmem:s28+$0x18D00]  }
0x4f5: {  	v25 =	vld [tilespmem:s28+$0x12510]  }
0x4f6: {  	v26 =	vld [tilespmem:s28+$0x18D10]  }
0x4f7: {  	v27 =	vld [tilespmem:s28+$0x12520]  }
0x4f8: {  	v28 =	vld [tilespmem:s28+$0x18D20]  }
0x4f9: {  	v29 =	vld [tilespmem:s28+$0x12530]  }
0x4fa: {  	v30 =	vld [tilespmem:s28+$0x18D30]  }
0x4fb: {  	v16 =	vmul.f32 v17, v16;
	v17 =	vmul.f32 v26, v25;
	v25 =	vld [tilespmem:s28+$0x12540]  }
0x4fc: {  	v26 =	vld [tilespmem:s28+$0x18D40]  }
0x4fd: {  	v16 =	vadd.f32 v17, v16;
	v17 =	vmul.f32 v28, v27;
	v27 =	vld [tilespmem:s28+$0x12550]  }
0x4fe: {  	v28 =	vld [tilespmem:s28+$0x18D50]  }
0x4ff: {  	v16 =	vadd.f32 v17, v16;
	v17 =	vmul.f32 v30, v29;
	v29 =	vld [tilespmem:s28+$0x12560]  }
0x500: {  	v30 =	vld [tilespmem:s28+$0x18D60]  }
0x501: {  	v31 =	vld [tilespmem:s28+$0x12570];
	v16 =	vadd.f32 v17, v16;
	v17 =	vmul.f32 v26, v25  }
0x502: {  	v62 =	vld [tilespmem:s28+$0x18D70]  }
0x503: {  	v22 =	vld [tilespmem:s30+$0x120D0];
	v16 =	vadd.f32 v17, v16;
	v17 =	vmul.f32 v28, v27  }
0x504: {  	v23 =	vld [tilespmem:s30+$0x188D0]  }
0x505: {  	v25 =	vld [tilespmem:s30+$0x188C0];
	v16 =	vadd.f32 v17, v16;
	v17 =	vmul.f32 v30, v29  }
0x506: {  	v26 =	vld [tilespmem:s30+$0x120B0]  }
0x507: {  	v30 =	vld [tilespmem:s30+$0x18880];
	v16 =	vadd.f32 v17, v16;
	v17 =	vmul.f32 v62, v31  }
0x508: {  	v31 =	vld [tilespmem:s30+$0x18890]  }
0x509: {  	v27 =	vld [tilespmem:s30+$0x120A0];
	v16 =	vadd.f32 v17, v16  }
0x50a: {  	v29 =	vld [tilespmem:s30+$0x188A0]  }
0x50b: {  	v28 =	vld [tilespmem:s30+$0x188B0];
	[tilespmem:s26+$0x1F1CC] =	vst v16  }
0x50c: {  	v16 =	vld [tilespmem:s28+$0x12580]  }
0x50d: {  	s2 =	simm.s32 $0x2;
	v30 =	vmul.f32 v30, v63;
	v31 =	vmul.f32 v31, v34;
	v17 =	vld [tilespmem:s28+$0x18D80]  }
.LBB2_5:
0x50e: {  	p0 =	sne.s32 s2, $0xC;
	v32 =	vld [tilespmem:s28+$0x12590]  }
0x50f: {  	v30 =	vadd.f32 v31, v30;
	v27 =	vmul.f32 v29, v27;
	v29 =	vld [tilespmem:s28+$0x18D90]  }
0x510: {  	v31 =	vld [tilespmem:s28+$0x125A0]  }
0x511: {  	v26 =	vmul.f32 v28, v26;
	v27 =	vadd.f32 v27, v30;
	v28 =	vld [tilespmem:s28+$0x18DA0]  }
0x512: {  	v30 =	vld [tilespmem:s28+$0x125B0]  }
0x513: {  	v24 =	vmul.f32 v25, v24;
	v26 =	vadd.f32 v26, v27;
	v25 =	vld [tilespmem:s28+$0x18DB0]  }
0x514: {  	v16 =	vmul.f32 v17, v16;
	v17 =	vmul.f32 v29, v32;
	v27 =	vld [tilespmem:s28+$0x125C0]  }
0x515: {  	v22 =	vmul.f32 v23, v22;
	v24 =	vadd.f32 v24, v26;
	v23 =	vld [tilespmem:s28+$0x18DC0]  }
0x516: {  	v16 =	vadd.f32 v17, v16;
	v17 =	vmul.f32 v28, v31;
	v26 =	vld [tilespmem:s28+$0x125D0]  }
0x517: {  	v20 =	vmul.f32 v21, v20;
	v22 =	vadd.f32 v22, v24;
	v21 =	vld [tilespmem:s28+$0x18DD0]  }
0x518: {  	v16 =	vadd.f32 v17, v16;
	v17 =	vmul.f32 v25, v30;
	v24 =	vld [tilespmem:s28+$0x125E0]  }
0x519: {  	v18 =	vmul.f32 v19, v18;
	v20 =	vadd.f32 v20, v22;
	v19 =	vld [tilespmem:s28+$0x18DE0]  }
0x51a: {  	v17 =	vadd.f32 v17, v16;
	v22 =	vmul.f32 v23, v27;
	v23 =	vld [tilespmem:s28+$0x125F0]  }
0x51b: {  	s0 =	sshll.u32 s2, $0xB;
	v18 =	vadd.f32 v18, v20;
	v20 =	vld [tilespmem:s28+$0x18DF0]  }
0x51c: {  	v16 =	vld [tilespmem:s0+$0x11F70];
	v22 =	vadd.f32 v22, v17;
	v21 =	vmul.f32 v21, v26  }
0x51d: {  	v17 =	vld [tilespmem:s0+$0x18770];
	[tilespmem:s31+$0x1F133] =	vst v18  }
0x51e: {  	v18 =	vld [tilespmem:s30+$0x12170];
	v21 =	vadd.f32 v21, v22;
	v19 =	vmul.f32 v19, v24  }
0x51f: {  	v22 =	vld [tilespmem:s30+$0x18970]  }
0x520: {  	v24 =	vld [tilespmem:s30+$0x12160];
	v19 =	vadd.f32 v19, v21;
	v20 =	vmul.f32 v20, v23  }
0x521: {  	v21 =	vld [tilespmem:s30+$0x18960]  }
0x522: {  	v23 =	vld [tilespmem:s30+$0x12150];
	v19 =	vadd.f32 v20, v19  }
0x523: {  	v20 =	vld [tilespmem:s30+$0x18950]  }
0x524: {  	v25 =	vld [tilespmem:s30+$0x12140];
	[tilespmem:s26+$0x1F1DD] =	vst v19  }
0x525: {  	v19 =	vld [tilespmem:s28+$0x12600]  }
0x526: {  	v26 =	vld [tilespmem:s28+$0x18E00]  }
0x527: {  	v27 =	vld [tilespmem:s28+$0x12610]  }
0x528: {  	v28 =	vld [tilespmem:s28+$0x18E10]  }
0x529: {  	v29 =	vld [tilespmem:s28+$0x12620]  }
0x52a: {  	v30 =	vld [tilespmem:s28+$0x18E20]  }
0x52b: {  	v31 =	vld [tilespmem:s28+$0x12630]  }
0x52c: {  	v32 =	vld [tilespmem:s28+$0x18E30]  }
0x52d: {  	v19 =	vmul.f32 v26, v19;
	v26 =	vmul.f32 v28, v27;
	v27 =	vld [tilespmem:s28+$0x12640]  }
0x52e: {  	v28 =	vld [tilespmem:s28+$0x18E40]  }
0x52f: {  	v19 =	vadd.f32 v26, v19;
	v26 =	vmul.f32 v30, v29;
	v29 =	vld [tilespmem:s28+$0x12650]  }
0x530: {  	v30 =	vld [tilespmem:s28+$0x18E50]  }
0x531: {  	v19 =	vadd.f32 v26, v19;
	v26 =	vmul.f32 v32, v31;
	v31 =	vld [tilespmem:s28+$0x12660]  }
0x532: {  	v32 =	vld [tilespmem:s28+$0x18E60]  }
0x533: {  	v19 =	vadd.f32 v26, v19;
	v26 =	vmul.f32 v28, v27;
	v27 =	vld [tilespmem:s28+$0x12670]  }
0x534: {  	v28 =	vld [tilespmem:s28+$0x18E70]  }
0x535: {  	v33 =	vld [tilespmem:s30+$0x18940];
	v19 =	vadd.f32 v26, v19;
	v26 =	vmul.f32 v30, v29  }
0x536: {  	v29 =	vld [tilespmem:s30+$0x12100]  }
0x537: {  	v30 =	vld [tilespmem:s30+$0x18900];
	v19 =	vadd.f32 v26, v19;
	v26 =	vmul.f32 v32, v31  }
0x538: {  	v31 =	vld [tilespmem:s30+$0x12110]  }
0x539: {  	v32 =	vld [tilespmem:s30+$0x18910];
	v19 =	vadd.f32 v26, v19;
	v26 =	vmul.f32 v28, v27  }
0x53a: {  	v27 =	vld [tilespmem:s30+$0x12120]  }
0x53b: {  	v28 =	vld [tilespmem:s30+$0x18920];
	v19 =	vadd.f32 v26, v19  }
0x53c: {  	v26 =	vld [tilespmem:s30+$0x12130]  }
0x53d: {  	v34 =	vld [tilespmem:s30+$0x18930];
	[tilespmem:s26+$0x1F1EE] =	vst v19  }
0x53e: {  	v19 =	vmul.f32 v30, v29;
	v29 =	vmul.f32 v32, v31;
	v30 =	vld [tilespmem:s28+$0x12680]  }
0x53f: {  	v31 =	vld [tilespmem:s28+$0x18E80]  }
0x540: {  	v19 =	vadd.f32 v29, v19;
	v27 =	vmul.f32 v28, v27;
	v28 =	vld [tilespmem:s28+$0x12690]  }
0x541: {  	v29 =	vld [tilespmem:s28+$0x18E90]  }
0x542: {  	v19 =	vadd.f32 v27, v19;
	v26 =	vmul.f32 v34, v26;
	v27 =	vld [tilespmem:s28+$0x126A0]  }
0x543: {  	v32 =	vld [tilespmem:s28+$0x18EA0]  }
0x544: {  	v25 =	vmul.f32 v33, v25;
	v19 =	vadd.f32 v26, v19;
	v26 =	vld [tilespmem:s28+$0x126B0]  }
0x545: {  	v20 =	vmul.f32 v20, v23;
	v23 =	vld [tilespmem:s28+$0x18EB0]  }
0x546: {  	v19 =	vadd.f32 v25, v19;
	v25 =	vmul.f32 v31, v30;
	v28 =	vmul.f32 v29, v28;
	v29 =	vld [tilespmem:s28+$0x126C0]  }
0x547: {  	v21 =	vmul.f32 v21, v24;
	v24 =	vld [tilespmem:s28+$0x18EC0]  }
0x548: {  	v19 =	vadd.f32 v20, v19;
	v20 =	vadd.f32 v28, v25;
	v25 =	vmul.f32 v32, v27;
	v27 =	vld [tilespmem:s28+$0x126D0]  }
0x549: {  	v18 =	vmul.f32 v22, v18;
	v22 =	vld [tilespmem:s28+$0x18ED0]  }
0x54a: {  	v19 =	vadd.f32 v21, v19;
	v20 =	vadd.f32 v25, v20;
	v21 =	vmul.f32 v23, v26;
	v23 =	vld [tilespmem:s28+$0x126E0]  }
0x54b: {  	v25 =	vld [tilespmem:s28+$0x18EE0]  }
0x54c: {  	v19 =	vadd.f32 v18, v19;
	v20 =	vadd.f32 v21, v20;
	v21 =	vmul.f32 v24, v29;
	v24 =	vld [tilespmem:s28+$0x126F0]  }
0x54d: {  	v26 =	vld [tilespmem:s28+$0x18EF0];
	s28 =	smov.u32 s30;
	s30 =	smov.u32 s0  }
0x54e: {  	v18 =	vld [tilespmem:s30+$0x11F60];
	[tilespmem:s31+$0x1F144] =	vst v19;
	v19 =	vadd.f32 v21, v20;
	v20 =	vmul.f32 v22, v27  }
0x54f: {  	v21 =	vld [tilespmem:s28+$0x121F0]  }
0x550: {  	v22 =	vld [tilespmem:s28+$0x121E0];
	v19 =	vadd.f32 v20, v19;
	v20 =	vmul.f32 v25, v23  }
0x551: {  	v23 =	vld [tilespmem:s28+$0x121D0]  }
0x552: {  	v25 =	vld [tilespmem:s28+$0x121C0];
	v19 =	vadd.f32 v20, v19;
	v20 =	vmul.f32 v26, v24;
	v24 =	vadd.s32 s26, v0  }
0x553: {  	v27 =	vadd.s32 s26, v1;
	v26 =	vld [tilespmem:s28+$0x121B0]  }
0x554: {  	v28 =	vld [tilespmem:s28+$0x121A0];
	v19 =	vadd.f32 v20, v19  }
0x555: {  	v29 =	vadd.s32 s26, v2;
	v20 =	vld [tilespmem:s28+$0x12180]  }
0x556: {  	v30 =	vld [tilespmem:s28+$0x18980];
	[tilespmem:s26+$0x1F1FF] =	vst v19  }
0x557: {  	v19 =	vld.idx.msk [tilespmem:v24+s20+$0x0], $0xffff;
	v24 =	vadd.s32 s26, v3  }
0x558: {  	v27 =	vld.idx.msk [tilespmem:v27+s20+$0x0], $0xffff  }
0x559: {  	v32 =	vadd.s32 s26, v4;
	v31 =	vld [tilespmem:s28+$0x12190]  }
0x55a: {  	v29 =	vld.idx.msk [tilespmem:v29+s20+$0x0], $0xffff  }
0x55b: {  	v34 =	vadd.s32 s26, v5;
	v33 =	vld [tilespmem:s28+$0x18990]  }
0x55c: {  	v24 =	vld.idx.msk [tilespmem:v24+s20+$0x0], $0xffff  }
0x55d: {  	v36 =	vadd.s32 s26, v6;
	v35 =	vld [tilespmem:s28+$0x189A0]  }
0x55e: {  	v19 =	vadd.f32 v27, v19;
	v27 =	vld.idx.msk [tilespmem:v32+s20+$0x0], $0xffff  }
0x55f: {  	v37 =	vadd.s32 s26, v7;
	v32 =	vld [tilespmem:s28+$0x189B0]  }
0x560: {  	v20 =	vmul.f32 v30, v20;
	v19 =	vadd.f32 v29, v19;
	v30 =	vmul.f32 v33, v31;
	v29 =	vld.idx.msk [tilespmem:v34+s20+$0x0], $0xffff  }
0x561: {  	v33 =	vadd.s32 s26, v8;
	v31 =	vld [tilespmem:s28+$0x189C0]  }
0x562: {  	v19 =	vadd.f32 v24, v19;
	v20 =	vadd.f32 v30, v20;
	v28 =	vmul.f32 v35, v28;
	v24 =	vld.idx.msk [tilespmem:v36+s20+$0x0], $0xffff  }
0x563: {  	v34 =	vadd.s32 s26, v9;
	v30 =	vld [tilespmem:s28+$0x189D0]  }
0x564: {  	v19 =	vadd.f32 v27, v19;
	v20 =	vadd.f32 v28, v20;
	v26 =	vmul.f32 v32, v26;
	v27 =	vld.idx.msk [tilespmem:v37+s20+$0x0], $0xffff  }
0x565: {  	v32 =	vadd.s32 s26, v10;
	v28 =	vld [tilespmem:s28+$0x189E0]  }
0x566: {  	v19 =	vadd.f32 v29, v19;
	v20 =	vadd.f32 v26, v20;
	v25 =	vmul.f32 v31, v25;
	v26 =	vld.idx.msk [tilespmem:v33+s20+$0x0], $0xffff  }
0x567: {  	v31 =	vadd.s32 s26, v11;
	v29 =	vld [tilespmem:s28+$0x189F0]  }
0x568: {  	v24 =	vadd.f32 v24, v19;
	v20 =	vadd.f32 v25, v20;
	v23 =	vmul.f32 v30, v23;
	v25 =	vld.idx.msk [tilespmem:v34+s20+$0x0], $0xffff  }
0x569: {  	v30 =	vadd.s32 s26, v12;
	v19 =	vld [tilespmem:s30+$0x18760]  }
0x56a: {  	v24 =	vadd.f32 v27, v24;
	v23 =	vadd.f32 v23, v20;
	v22 =	vmul.f32 v28, v22;
	v27 =	vld.idx.msk [tilespmem:v32+s20+$0x0], $0xffff  }
0x56b: {  	v28 =	vadd.s32 s26, v13;
	v20 =	vld [tilespmem:s30+$0x11F50]  }
0x56c: {  	v22 =	vadd.f32 v22, v23;
	v21 =	vmul.f32 v29, v21;
	v23 =	vadd.f32 v26, v24;
	v24 =	vld.idx.msk [tilespmem:v31+s20+$0x0], $0xffff  }
0x56d: {  	v29 =	vadd.s32 s26, v14;
	v26 =	vld [tilespmem:s30+$0x18750]  }
0x56e: {  	v21 =	vadd.f32 v21, v22;
	v22 =	vadd.f32 v25, v23;
	v23 =	vld.idx.msk [tilespmem:v30+s20+$0x0], $0xffff  }
0x56f: {  	v30 =	vadd.s32 s26, v15;
	s26 =	smov.u32 s31;
	v25 =	vld [tilespmem:s30+$0x11F40]  }
0x570: {  	[tilespmem:s26+$0x1F155] =	vst v21;
	v21 =	vadd.f32 v27, v22;
	v22 =	vld.idx.msk [tilespmem:v28+s20+$0x0], $0xffff  }
0x571: {  	v27 =	vld [tilespmem:s28+$0x12200]  }
0x572: {  	v21 =	vadd.f32 v24, v21;
	v24 =	vld.idx.msk [tilespmem:v29+s20+$0x0], $0xffff  }
0x573: {  	v28 =	vld [tilespmem:s28+$0x18A00]  }
0x574: {  	v21 =	vadd.f32 v23, v21;
	v23 =	vld.idx.msk [tilespmem:v30+s20+$0x0], $0xffff  }
0x575: {  	v29 =	vld [tilespmem:s28+$0x12210]  }
0x576: {  	v30 =	vld [tilespmem:s28+$0x18A10];
	v21 =	vadd.f32 v22, v21  }
0x577: {  	v22 =	vld [tilespmem:s28+$0x12220]  }
0x578: {  	v31 =	vld [tilespmem:s28+$0x18A20];
	v21 =	vadd.f32 v24, v21  }
0x579: {  	v24 =	vld [tilespmem:s28+$0x12230]  }
0x57a: {  	v32 =	vld [tilespmem:s28+$0x18A30];
	v21 =	vadd.f32 v23, v21  }
0x57b: {  	v23 =	vmul.f32 v28, v27;
	v27 =	vmul.f32 v30, v29;
	v28 =	vld [tilespmem:s28+$0x12240]  }
0x57c: {  	v29 =	vld [tilespmem:s28+$0x18A40];
	v21 =	vsub.f32 $0.0e+00, v21  }
0x57d: {  	v23 =	vadd.f32 v27, v23;
	v22 =	vmul.f32 v31, v22;
	v27 =	vld [tilespmem:s28+$0x12250]  }
0x57e: {  	v30 =	vld [tilespmem:s28+$0x18A50];
	v21 =	vmul.f32 $1.442695020e+00, v21  }
0x57f: {  	v22 =	vadd.f32 v22, v23;
	v23 =	vmul.f32 v32, v24;
	v24 =	vld [tilespmem:s28+$0x12260]  }
0x580: {  	v31 =	vld [tilespmem:s28+$0x18A60];
	(erf) = vpow2.f32 v21  }
0x581: {  	v21 =	vadd.f32 v23, v22;
	v22 =	vmul.f32 v29, v28;
	v23 =	vld [tilespmem:s28+$0x12270]  }
0x582: {  	v28 =	vld [tilespmem:s28+$0x18A70]  }
0x583: {  	v29 =	vld [tilespmem:s30+$0x18740];
	v21 =	vadd.f32 v22, v21;
	v22 =	vmul.f32 v30, v27  }
0x584: {  	v27 =	vld [tilespmem:s30+$0x11F30]  }
0x585: {  	v30 =	vld [tilespmem:s30+$0x11F00];
	v21 =	vadd.f32 v22, v21;
	v22 =	vmul.f32 v31, v24  }
0x586: {  	v24 =	vld [tilespmem:s30+$0x18700]  }
0x587: {  	v31 =	vld [tilespmem:s30+$0x11F10];
	v21 =	vadd.f32 v22, v21;
	v32 =	vmul.f32 v28, v23  }
0x588: {  	v23 =	vld [tilespmem:s30+$0x18710]  }
0x589: {  	v28 =	vld [tilespmem:s30+$0x11F20];
	v21 =	vadd.f32 v32, v21;
	v22 =	vpop (erf)  }
0x58a: {  	v32 =	vld [tilespmem:s30+$0x18720];
	v22 =	vadd.f32 $1.000000000e+00, v22  }
0x58b: {  	v33 =	vld [tilespmem:s30+$0x18730];
	[tilespmem:s26+$0x1F166] =	vst v21  }
0x58c: {  	v21 =	vld [tilespmem:s28+$0x12280];
	(erf) = vrcp.f32 v22  }
0x58d: {  	v22 =	vmul.f32 v24, v30;
	v23 =	vmul.f32 v23, v31;
	v24 =	vld [tilespmem:s28+$0x18A80]  }
0x58e: {  	v30 =	vld [tilespmem:s28+$0x12290]  }
0x58f: {  	v22 =	vadd.f32 v23, v22;
	v23 =	vmul.f32 v32, v28;
	v28 =	vld [tilespmem:s28+$0x18A90]  }
0x590: {  	v31 =	vld [tilespmem:s28+$0x122A0]  }
0x591: {  	v22 =	vadd.f32 v23, v22;
	v23 =	vmul.f32 v33, v27;
	v27 =	vld [tilespmem:s28+$0x18AA0]  }
0x592: {  	v32 =	vld [tilespmem:s28+$0x122B0]  }
0x593: {  	v22 =	vadd.f32 v23, v22;
	v23 =	vmul.f32 v29, v25;
	v25 =	vld [tilespmem:s28+$0x18AB0]  }
0x594: {  	s0 =	sshll.u32 s25, $0x4;
	s25 =	smov.u32 s29;
	s29 =	smov.u32 s2;
	v21 =	vmul.f32 v24, v21;
	v24 =	vmul.f32 v28, v30;
	v28 =	vld [tilespmem:s28+$0x122C0]  }
0x595: {  	s0 =	sand.u32 $0x3FFFFFF0, s0;
	v20 =	vmul.f32 v26, v20;
	v22 =	vadd.f32 v23, v22;
	v23 =	vld [tilespmem:s28+$0x18AC0];
	v26 =	vpop (erf)  }
0x596: {  	v21 =	vadd.f32 v24, v21;
	v24 =	vmul.f32 v27, v31;
	v27 =	vld [tilespmem:s28+$0x122D0];
	[tilespmem:s0+$0x1EFC8] =	vst v26  }
0x597: {  	v18 =	vmul.f32 v19, v18;
	v20 =	vadd.f32 v20, v22;
	v19 =	vld [tilespmem:s28+$0x18AD0]  }
0x598: {  	v21 =	vadd.f32 v24, v21;
	v22 =	vmul.f32 v25, v32;
	v24 =	vld [tilespmem:s28+$0x122E0]  }
0x599: {  	v16 =	vmul.f32 v17, v16;
	v18 =	vadd.f32 v18, v20;
	v17 =	vld [tilespmem:s28+$0x18AE0]  }
0x59a: {  	v20 =	vadd.f32 v22, v21;
	v21 =	vmul.f32 v23, v28;
	v22 =	vld [tilespmem:s28+$0x122F0]  }
0x59b: {  	s31 =	smul.u32 $0x110, s2;
	v16 =	vadd.f32 v16, v18;
	v18 =	vld [tilespmem:s28+$0x18AF0]  }
0x59c: {  	v20 =	vadd.f32 v21, v20;
	v19 =	vmul.f32 v19, v27  }
0x59d: {  	[tilespmem:s31+$0x1F100] =	vst v16  }
0x59e: {  	v16 =	vld [tilespmem:s30+$0x11FF0];
	v19 =	vadd.f32 v19, v20;
	v17 =	vmul.f32 v17, v24  }
0x59f: {  	v20 =	vld [tilespmem:s30+$0x187F0]  }
0x5a0: {  	v21 =	vld [tilespmem:s30+$0x11FE0];
	v17 =	vadd.f32 v17, v19;
	v18 =	vmul.f32 v18, v22  }
0x5a1: {  	v19 =	vld [tilespmem:s30+$0x187E0]  }
0x5a2: {  	v22 =	vld [tilespmem:s30+$0x11FD0];
	v17 =	vadd.f32 v18, v17  }
0x5a3: {  	v18 =	vld [tilespmem:s30+$0x187D0]  }
0x5a4: {  	v23 =	vld [tilespmem:s30+$0x11FC0];
	[tilespmem:s26+$0x1F177] =	vst v17  }
0x5a5: {  	v17 =	vld [tilespmem:s28+$0x12300]  }
0x5a6: {  	v24 =	vld [tilespmem:s28+$0x18B00]  }
0x5a7: {  	v25 =	vld [tilespmem:s28+$0x12310]  }
0x5a8: {  	v26 =	vld [tilespmem:s28+$0x18B10]  }
0x5a9: {  	v27 =	vld [tilespmem:s28+$0x12320]  }
0x5aa: {  	v28 =	vld [tilespmem:s28+$0x18B20]  }
0x5ab: {  	v29 =	vld [tilespmem:s28+$0x12330]  }
0x5ac: {  	v30 =	vld [tilespmem:s28+$0x18B30]  }
0x5ad: {  	v17 =	vmul.f32 v24, v17;
	v24 =	vmul.f32 v26, v25;
	v25 =	vld [tilespmem:s28+$0x12340]  }
0x5ae: {  	v26 =	vld [tilespmem:s28+$0x18B40]  }
0x5af: {  	v17 =	vadd.f32 v24, v17;
	v24 =	vmul.f32 v28, v27;
	v27 =	vld [tilespmem:s28+$0x12350]  }
0x5b0: {  	v28 =	vld [tilespmem:s28+$0x18B50]  }
0x5b1: {  	v17 =	vadd.f32 v24, v17;
	v24 =	vmul.f32 v30, v29;
	v29 =	vld [tilespmem:s28+$0x12360]  }
0x5b2: {  	v30 =	vld [tilespmem:s28+$0x18B60]  }
0x5b3: {  	v17 =	vadd.f32 v24, v17;
	v24 =	vmul.f32 v26, v25;
	v25 =	vld [tilespmem:s28+$0x12370]  }
0x5b4: {  	v26 =	vld [tilespmem:s28+$0x18B70]  }
0x5b5: {  	v31 =	vld [tilespmem:s30+$0x187C0];
	v17 =	vadd.f32 v24, v17;
	v24 =	vmul.f32 v28, v27  }
0x5b6: {  	v27 =	vld [tilespmem:s30+$0x11FB0]  }
0x5b7: {  	v28 =	vld [tilespmem:s30+$0x11F80];
	v17 =	vadd.f32 v24, v17;
	v24 =	vmul.f32 v30, v29  }
0x5b8: {  	v29 =	vld [tilespmem:s30+$0x18780]  }
0x5b9: {  	v30 =	vld [tilespmem:s30+$0x11F90];
	v17 =	vadd.f32 v24, v17;
	v24 =	vmul.f32 v26, v25  }
0x5ba: {  	v25 =	vld [tilespmem:s30+$0x18790]  }
0x5bb: {  	v26 =	vld [tilespmem:s30+$0x11FA0];
	v17 =	vadd.f32 v24, v17  }
0x5bc: {  	v24 =	vld [tilespmem:s30+$0x187A0]  }
0x5bd: {  	v32 =	vld [tilespmem:s30+$0x187B0];
	[tilespmem:s26+$0x1F188] =	vst v17  }
0x5be: {  	v17 =	vld [tilespmem:s28+$0x12380]  }
0x5bf: {  	v28 =	vmul.f32 v29, v28;
	v25 =	vmul.f32 v25, v30;
	v29 =	vld [tilespmem:s28+$0x18B80]  }
0x5c0: {  	v30 =	vld [tilespmem:s28+$0x12390]  }
0x5c1: {  	v25 =	vadd.f32 v25, v28;
	v24 =	vmul.f32 v24, v26;
	v26 =	vld [tilespmem:s28+$0x18B90]  }
0x5c2: {  	v28 =	vld [tilespmem:s28+$0x123A0]  }
0x5c3: {  	v24 =	vadd.f32 v24, v25;
	v25 =	vmul.f32 v32, v27;
	v27 =	vld [tilespmem:s28+$0x18BA0]  }
0x5c4: {  	v32 =	vld [tilespmem:s28+$0x123B0]  }
0x5c5: {  	v23 =	vmul.f32 v31, v23;
	v24 =	vadd.f32 v25, v24;
	v25 =	vld [tilespmem:s28+$0x18BB0]  }
0x5c6: {  	v17 =	vmul.f32 v29, v17;
	v26 =	vmul.f32 v26, v30;
	v29 =	vld [tilespmem:s28+$0x123C0]  }
0x5c7: {  	v18 =	vmul.f32 v18, v22;
	v23 =	vadd.f32 v23, v24;
	v22 =	vld [tilespmem:s28+$0x18BC0]  }
0x5c8: {  	v17 =	vadd.f32 v26, v17;
	v24 =	vmul.f32 v27, v28;
	v26 =	vld [tilespmem:s28+$0x123D0]  }
0x5c9: {  	v19 =	vmul.f32 v19, v21;
	v18 =	vadd.f32 v18, v23;
	v21 =	vld [tilespmem:s28+$0x18BD0]  }
0x5ca: {  	v17 =	vadd.f32 v24, v17;
	v23 =	vmul.f32 v25, v32;
	v24 =	vld [tilespmem:s28+$0x123E0]  }
0x5cb: {  	v16 =	vmul.f32 v20, v16;
	v18 =	vadd.f32 v19, v18;
	v19 =	vld [tilespmem:s28+$0x18BE0]  }
0x5cc: {  	v17 =	vadd.f32 v23, v17;
	v20 =	vmul.f32 v22, v29;
	v22 =	vld [tilespmem:s28+$0x123F0]  }
0x5cd: {  	v16 =	vadd.f32 v16, v18;
	v18 =	vld [tilespmem:s28+$0x18BF0]  }
0x5ce: {  	v17 =	vadd.f32 v20, v17;
	v20 =	vmul.f32 v21, v26  }
0x5cf: {  	[tilespmem:s31+$0x1F111] =	vst v16  }
0x5d0: {  	v16 =	vld [tilespmem:s30+$0x12070];
	v17 =	vadd.f32 v20, v17;
	v19 =	vmul.f32 v19, v24  }
0x5d1: {  	v20 =	vld [tilespmem:s30+$0x18870]  }
0x5d2: {  	v21 =	vld [tilespmem:s30+$0x12060];
	v17 =	vadd.f32 v19, v17;
	v18 =	vmul.f32 v18, v22  }
0x5d3: {  	v19 =	vld [tilespmem:s30+$0x18860]  }
0x5d4: {  	v22 =	vld [tilespmem:s30+$0x12050];
	v17 =	vadd.f32 v18, v17  }
0x5d5: {  	v18 =	vld [tilespmem:s30+$0x18850]  }
0x5d6: {  	v23 =	vld [tilespmem:s30+$0x12040];
	[tilespmem:s26+$0x1F199] =	vst v17  }
0x5d7: {  	v17 =	vld [tilespmem:s28+$0x12400]  }
0x5d8: {  	v24 =	vld [tilespmem:s28+$0x18C00]  }
0x5d9: {  	v25 =	vld [tilespmem:s28+$0x12410]  }
0x5da: {  	v26 =	vld [tilespmem:s28+$0x18C10]  }
0x5db: {  	v27 =	vld [tilespmem:s28+$0x12420]  }
0x5dc: {  	v28 =	vld [tilespmem:s28+$0x18C20]  }
0x5dd: {  	v29 =	vld [tilespmem:s28+$0x12430]  }
0x5de: {  	v30 =	vld [tilespmem:s28+$0x18C30]  }
0x5df: {  	v17 =	vmul.f32 v24, v17;
	v24 =	vmul.f32 v26, v25;
	v25 =	vld [tilespmem:s28+$0x12440]  }
0x5e0: {  	v26 =	vld [tilespmem:s28+$0x18C40]  }
0x5e1: {  	v17 =	vadd.f32 v24, v17;
	v24 =	vmul.f32 v28, v27;
	v27 =	vld [tilespmem:s28+$0x12450]  }
0x5e2: {  	v28 =	vld [tilespmem:s28+$0x18C50]  }
0x5e3: {  	v17 =	vadd.f32 v24, v17;
	v24 =	vmul.f32 v30, v29;
	v29 =	vld [tilespmem:s28+$0x12460]  }
0x5e4: {  	v30 =	vld [tilespmem:s28+$0x18C60]  }
0x5e5: {  	v17 =	vadd.f32 v24, v17;
	v24 =	vmul.f32 v26, v25;
	v25 =	vld [tilespmem:s28+$0x12470]  }
0x5e6: {  	v26 =	vld [tilespmem:s28+$0x18C70]  }
0x5e7: {  	v31 =	vld [tilespmem:s30+$0x18840];
	v17 =	vadd.f32 v24, v17;
	v24 =	vmul.f32 v28, v27  }
0x5e8: {  	v27 =	vld [tilespmem:s30+$0x12030]  }
0x5e9: {  	v28 =	vld [tilespmem:s30+$0x12000];
	v17 =	vadd.f32 v24, v17;
	v24 =	vmul.f32 v30, v29  }
0x5ea: {  	v29 =	vld [tilespmem:s30+$0x18800]  }
0x5eb: {  	v30 =	vld [tilespmem:s30+$0x12010];
	v17 =	vadd.f32 v24, v17;
	v24 =	vmul.f32 v26, v25  }
0x5ec: {  	v25 =	vld [tilespmem:s30+$0x18810]  }
0x5ed: {  	v26 =	vld [tilespmem:s30+$0x12020];
	v17 =	vadd.f32 v24, v17  }
0x5ee: {  	v24 =	vld [tilespmem:s30+$0x18820]  }
0x5ef: {  	v32 =	vld [tilespmem:s30+$0x18830];
	[tilespmem:s26+$0x1F1AA] =	vst v17  }
0x5f0: {  	v17 =	vld [tilespmem:s28+$0x12480]  }
0x5f1: {  	v28 =	vmul.f32 v29, v28;
	v25 =	vmul.f32 v25, v30;
	v29 =	vld [tilespmem:s28+$0x18C80]  }
0x5f2: {  	v30 =	vld [tilespmem:s28+$0x12490]  }
0x5f3: {  	v25 =	vadd.f32 v25, v28;
	v24 =	vmul.f32 v24, v26;
	v26 =	vld [tilespmem:s28+$0x18C90]  }
0x5f4: {  	v28 =	vld [tilespmem:s28+$0x124A0]  }
0x5f5: {  	v24 =	vadd.f32 v24, v25;
	v25 =	vmul.f32 v32, v27;
	v27 =	vld [tilespmem:s28+$0x18CA0]  }
0x5f6: {  	v32 =	vld [tilespmem:s28+$0x124B0]  }
0x5f7: {  	v23 =	vmul.f32 v31, v23;
	v24 =	vadd.f32 v25, v24;
	v25 =	vld [tilespmem:s28+$0x18CB0]  }
0x5f8: {  	v17 =	vmul.f32 v29, v17;
	v26 =	vmul.f32 v26, v30;
	v29 =	vld [tilespmem:s28+$0x124C0]  }
0x5f9: {  	v18 =	vmul.f32 v18, v22;
	v23 =	vadd.f32 v23, v24;
	v22 =	vld [tilespmem:s28+$0x18CC0]  }
0x5fa: {  	v17 =	vadd.f32 v26, v17;
	v24 =	vmul.f32 v27, v28;
	v26 =	vld [tilespmem:s28+$0x124D0]  }
0x5fb: {  	v19 =	vmul.f32 v19, v21;
	v18 =	vadd.f32 v18, v23;
	v21 =	vld [tilespmem:s28+$0x18CD0]  }
0x5fc: {  	v17 =	vadd.f32 v24, v17;
	v23 =	vmul.f32 v25, v32;
	v24 =	vld [tilespmem:s28+$0x124E0]  }
0x5fd: {  	v16 =	vmul.f32 v20, v16;
	v18 =	vadd.f32 v19, v18;
	v19 =	vld [tilespmem:s28+$0x18CE0]  }
0x5fe: {  	v17 =	vadd.f32 v23, v17;
	v20 =	vmul.f32 v22, v29;
	v22 =	vld [tilespmem:s28+$0x124F0]  }
0x5ff: {  	v16 =	vadd.f32 v16, v18;
	v23 =	vld [tilespmem:s28+$0x18CF0]  }
0x600: {  	v17 =	vadd.f32 v20, v17;
	v20 =	vmul.f32 v21, v26  }
0x601: {  	[tilespmem:s31+$0x1F122] =	vst v16  }
0x602: {  	v18 =	vld [tilespmem:s30+$0x120F0];
	v16 =	vadd.f32 v20, v17;
	v17 =	vmul.f32 v19, v24  }
0x603: {  	v19 =	vld [tilespmem:s30+$0x188F0]  }
0x604: {  	v20 =	vld [tilespmem:s30+$0x120E0];
	v16 =	vadd.f32 v17, v16;
	v17 =	vmul.f32 v23, v22  }
0x605: {  	v21 =	vld [tilespmem:s30+$0x188E0]  }
0x606: {  	v22 =	vld [tilespmem:s30+$0x120D0];
	v16 =	vadd.f32 v17, v16  }
0x607: {  	v23 =	vld [tilespmem:s30+$0x188D0]  }
0x608: {  	v24 =	vld [tilespmem:s30+$0x120C0];
	[tilespmem:s26+$0x1F1BB] =	vst v16  }
0x609: {  	v16 =	vld [tilespmem:s28+$0x12500]  }
0x60a: {  	v17 =	vld [tilespmem:s28+$0x18D00]  }
0x60b: {  	v25 =	vld [tilespmem:s28+$0x12510]  }
0x60c: {  	v26 =	vld [tilespmem:s28+$0x18D10]  }
0x60d: {  	v27 =	vld [tilespmem:s28+$0x12520]  }
0x60e: {  	v28 =	vld [tilespmem:s28+$0x18D20]  }
0x60f: {  	v29 =	vld [tilespmem:s28+$0x12530]  }
0x610: {  	v30 =	vld [tilespmem:s28+$0x18D30]  }
0x611: {  	v16 =	vmul.f32 v17, v16;
	v17 =	vmul.f32 v26, v25;
	v25 =	vld [tilespmem:s28+$0x12540]  }
0x612: {  	v26 =	vld [tilespmem:s28+$0x18D40]  }
0x613: {  	v16 =	vadd.f32 v17, v16;
	v17 =	vmul.f32 v28, v27;
	v27 =	vld [tilespmem:s28+$0x12550]  }
0x614: {  	v28 =	vld [tilespmem:s28+$0x18D50]  }
0x615: {  	v16 =	vadd.f32 v17, v16;
	v17 =	vmul.f32 v30, v29;
	v29 =	vld [tilespmem:s28+$0x12560]  }
0x616: {  	v30 =	vld [tilespmem:s28+$0x18D60]  }
0x617: {  	v16 =	vadd.f32 v17, v16;
	v17 =	vmul.f32 v26, v25;
	v31 =	vld [tilespmem:s28+$0x12570]  }
0x618: {  	v32 =	vld [tilespmem:s28+$0x18D70]  }
0x619: {  	v25 =	vld [tilespmem:s30+$0x188C0];
	v16 =	vadd.f32 v17, v16;
	v17 =	vmul.f32 v28, v27  }
0x61a: {  	v26 =	vld [tilespmem:s30+$0x120B0]  }
0x61b: {  	v33 =	vld [tilespmem:s30+$0x12080];
	v16 =	vadd.f32 v17, v16;
	v17 =	vmul.f32 v30, v29  }
0x61c: {  	v30 =	vld [tilespmem:s30+$0x18880]  }
0x61d: {  	v34 =	vld [tilespmem:s30+$0x12090];
	v16 =	vadd.f32 v17, v16;
	v17 =	vmul.f32 v32, v31  }
0x61e: {  	v31 =	vld [tilespmem:s30+$0x18890]  }
.Ltmp1:
0x61f: {  	v27 =	vld [tilespmem:s30+$0x120A0];
	v16 =	vadd.f32 v17, v16;
	(pc) =	sbr.rel @p0 .LBB2_5-.Ltmp1, $4  }
0x620: {  	v29 =	vld [tilespmem:s30+$0x188A0]  }
0x621: {  	v28 =	vld [tilespmem:s30+$0x188B0];
	[tilespmem:s26+$0x1F1CC] =	vst v16  }
0x622: {  	v16 =	vld [tilespmem:s28+$0x12580]  }
0x623: {  	s2 =	sadd.s32 $0x1, s2;
	v30 =	vmul.f32 v30, v33;
	v31 =	vmul.f32 v31, v34;
	v17 =	vld [tilespmem:s28+$0x18D80]  }
0x624: {  	_ = 	snop  }
0x625: {  	v30 =	vadd.f32 v31, v30;
	v27 =	vmul.f32 v29, v27;
	_ =	sdelay $0x1  }
0x626: {  	v26 =	vmul.f32 v28, v26;
	v27 =	vadd.f32 v27, v30;
	_ =	sdelay $0x1  }
0x627: {  	v24 =	vmul.f32 v25, v24;
	v26 =	vadd.f32 v26, v27;
	_ =	sdelay $0x1  }
0x628: {  	v22 =	vmul.f32 v23, v22;
	v24 =	vadd.f32 v24, v26;
	_ =	sdelay $0x1  }
0x629: {  	v20 =	vmul.f32 v21, v20;
	v22 =	vadd.f32 v22, v24;
	_ =	sdelay $0x1  }
0x62a: {  	v18 =	vmul.f32 v19, v18;
	v20 =	vadd.f32 v20, v22;
	_ =	sdelay $0x1  }
0x62b: {  	v18 =	vadd.f32 v18, v20;
	_ =	sdelay $0x1  }
0x62c: {  	[tilespmem:s31+$0x1F133] =	vst v18  }
0x62d: {  	v18 =	vld [tilespmem:s30+$0x12100]  }
0x62e: {  	v53 =	vld [tilespmem:s30+$0x18900]  }
0x62f: {  	v54 =	vld [tilespmem:s30+$0x12110]  }
0x630: {  	v55 =	vld [tilespmem:s30+$0x18910]  }
0x631: {  	v56 =	vld [tilespmem:s30+$0x12120]  }
0x632: {  	v57 =	vld [tilespmem:s30+$0x18920]  }
0x633: {  	v58 =	vld [tilespmem:s30+$0x12130]  }
0x634: {  	v59 =	vld [tilespmem:s30+$0x18930]  }
0x635: {  	v60 =	vld [tilespmem:s30+$0x12140];
	v18 =	vmul.f32 v53, v18;
	v61 =	vmul.f32 v55, v54  }
0x636: {  	v62 =	vld [tilespmem:s30+$0x18940]  }
0x637: {  	v63 =	vld [tilespmem:s30+$0x12150];
	v28 =	vmul.f32 v57, v56;
	v18 =	vadd.f32 v61, v18  }
0x638: {  	v29 =	vld [tilespmem:s30+$0x18950]  }
0x639: {  	v30 =	vld [tilespmem:s30+$0x12160];
	v31 =	vmul.f32 v59, v58;
	v18 =	vadd.f32 v28, v18  }
0x63a: {  	v32 =	vld [tilespmem:s30+$0x18960]  }
0x63b: {  	v33 =	vld [tilespmem:s30+$0x12170];
	v34 =	vmul.f32 v62, v60;
	v18 =	vadd.f32 v31, v18  }
0x63c: {  	v35 =	vld [tilespmem:s30+$0x18970]  }
0x63d: {  	v21 =	vmul.f32 v29, v63;
	v18 =	vadd.f32 v34, v18;
	_ =	sdelay $0x1  }
0x63e: {  	v36 =	vmul.f32 v32, v30;
	v18 =	vadd.f32 v21, v18;
	_ =	sdelay $0x1  }
0x63f: {  	v20 =	vmul.f32 v35, v33;
	v18 =	vadd.f32 v36, v18;
	_ =	sdelay $0x1  }
0x640: {  	v18 =	vadd.f32 v20, v18;
	_ =	sdelay $0x1  }
0x641: {  	[tilespmem:s31+$0x1F144] =	vst v18  }
0x642: {  	v18 =	vld [tilespmem:s30+$0x12180]  }
0x643: {  	v37 =	vld [tilespmem:s30+$0x18980]  }
0x644: {  	v38 =	vld [tilespmem:s30+$0x12190]  }
0x645: {  	v39 =	vld [tilespmem:s30+$0x18990]  }
0x646: {  	v40 =	vld [tilespmem:s30+$0x121A0]  }
0x647: {  	v41 =	vld [tilespmem:s30+$0x189A0]  }
0x648: {  	v42 =	vld [tilespmem:s30+$0x121B0]  }
0x649: {  	v43 =	vld [tilespmem:s30+$0x189B0]  }
0x64a: {  	v44 =	vld [tilespmem:s30+$0x121C0];
	v18 =	vmul.f32 v37, v18;
	v45 =	vmul.f32 v39, v38  }
0x64b: {  	v46 =	vld [tilespmem:s30+$0x189C0]  }
0x64c: {  	v47 =	vld [tilespmem:s30+$0x121D0];
	v48 =	vmul.f32 v41, v40;
	v18 =	vadd.f32 v45, v18  }
0x64d: {  	v49 =	vld [tilespmem:s30+$0x189D0]  }
0x64e: {  	v50 =	vld [tilespmem:s30+$0x121E0];
	v51 =	vmul.f32 v43, v42;
	v18 =	vadd.f32 v48, v18  }
0x64f: {  	v52 =	vld [tilespmem:s30+$0x189E0]  }
0x650: {  	v53 =	vld [tilespmem:s30+$0x121F0];
	v54 =	vmul.f32 v46, v44;
	v18 =	vadd.f32 v51, v18  }
0x651: {  	v55 =	vld [tilespmem:s30+$0x189F0]  }
0x652: {  	v56 =	vmul.f32 v49, v47;
	v18 =	vadd.f32 v54, v18;
	_ =	sdelay $0x1  }
0x653: {  	v57 =	vmul.f32 v52, v50;
	v18 =	vadd.f32 v56, v18;
	_ =	sdelay $0x1  }
0x654: {  	v58 =	vmul.f32 v55, v53;
	v18 =	vadd.f32 v57, v18;
	_ =	sdelay $0x1  }
0x655: {  	v18 =	vadd.f32 v58, v18;
	_ =	sdelay $0x1  }
0x656: {  	[tilespmem:s31+$0x1F155] =	vst v18  }
0x657: {  	v18 =	vld [tilespmem:s30+$0x12200]  }
0x658: {  	v59 =	vld [tilespmem:s30+$0x18A00]  }
0x659: {  	v60 =	vld [tilespmem:s30+$0x12210]  }
0x65a: {  	v61 =	vld [tilespmem:s30+$0x18A10]  }
0x65b: {  	v62 =	vld [tilespmem:s30+$0x12220]  }
0x65c: {  	v63 =	vld [tilespmem:s30+$0x18A20]  }
0x65d: {  	v28 =	vld [tilespmem:s30+$0x12230]  }
0x65e: {  	v29 =	vld [tilespmem:s30+$0x18A30]  }
0x65f: {  	v31 =	vld [tilespmem:s30+$0x12240];
	v18 =	vmul.f32 v59, v18;
	v30 =	vmul.f32 v61, v60  }
0x660: {  	v32 =	vld [tilespmem:s30+$0x18A40]  }
0x661: {  	v34 =	vld [tilespmem:s30+$0x12250];
	v33 =	vmul.f32 v63, v62;
	v18 =	vadd.f32 v30, v18  }
0x662: {  	v35 =	vld [tilespmem:s30+$0x18A50]  }
0x663: {  	v37 =	vld [tilespmem:s30+$0x12260];
	v36 =	vmul.f32 v29, v28;
	v18 =	vadd.f32 v33, v18  }
0x664: {  	v38 =	vld [tilespmem:s30+$0x18A60]  }
0x665: {  	v40 =	vld [tilespmem:s30+$0x12270];
	v39 =	vmul.f32 v32, v31;
	v18 =	vadd.f32 v36, v18  }
0x666: {  	v41 =	vld [tilespmem:s30+$0x18A70]  }
0x667: {  	v42 =	vmul.f32 v35, v34;
	v18 =	vadd.f32 v39, v18;
	_ =	sdelay $0x1  }
0x668: {  	v43 =	vmul.f32 v38, v37;
	v18 =	vadd.f32 v42, v18;
	_ =	sdelay $0x1  }
0x669: {  	v44 =	vmul.f32 v41, v40;
	v18 =	vadd.f32 v43, v18;
	_ =	sdelay $0x1  }
0x66a: {  	v18 =	vadd.f32 v44, v18;
	_ =	sdelay $0x1  }
0x66b: {  	[tilespmem:s31+$0x1F166] =	vst v18  }
0x66c: {  	v18 =	vld [tilespmem:s30+$0x12280]  }
0x66d: {  	v45 =	vld [tilespmem:s30+$0x18A80]  }
0x66e: {  	v46 =	vld [tilespmem:s30+$0x12290]  }
0x66f: {  	v47 =	vld [tilespmem:s30+$0x18A90]  }
0x670: {  	v48 =	vld [tilespmem:s30+$0x122A0]  }
0x671: {  	v49 =	vld [tilespmem:s30+$0x18AA0]  }
0x672: {  	v50 =	vld [tilespmem:s30+$0x122B0]  }
0x673: {  	v51 =	vld [tilespmem:s30+$0x18AB0]  }
0x674: {  	v53 =	vld [tilespmem:s30+$0x122C0];
	v18 =	vmul.f32 v45, v18;
	v52 =	vmul.f32 v47, v46  }
0x675: {  	v54 =	vld [tilespmem:s30+$0x18AC0]  }
0x676: {  	v56 =	vld [tilespmem:s30+$0x122D0];
	v55 =	vmul.f32 v49, v48;
	v18 =	vadd.f32 v52, v18  }
0x677: {  	v57 =	vld [tilespmem:s30+$0x18AD0]  }
0x678: {  	v59 =	vld [tilespmem:s30+$0x122E0];
	v58 =	vmul.f32 v51, v50;
	v18 =	vadd.f32 v55, v18  }
0x679: {  	v60 =	vld [tilespmem:s30+$0x18AE0]  }
0x67a: {  	v62 =	vld [tilespmem:s30+$0x122F0];
	v61 =	vmul.f32 v54, v53;
	v18 =	vadd.f32 v58, v18  }
0x67b: {  	v63 =	vld [tilespmem:s30+$0x18AF0]  }
0x67c: {  	v23 =	vmul.f32 v57, v56;
	v18 =	vadd.f32 v61, v18;
	_ =	sdelay $0x1  }
0x67d: {  	v26 =	vmul.f32 v60, v59;
	v18 =	vadd.f32 v23, v18;
	_ =	sdelay $0x1  }
0x67e: {  	v27 =	vmul.f32 v63, v62;
	v18 =	vadd.f32 v26, v18;
	_ =	sdelay $0x1  }
0x67f: {  	v18 =	vadd.f32 v27, v18;
	_ =	sdelay $0x1  }
0x680: {  	[tilespmem:s31+$0x1F177] =	vst v18  }
0x681: {  	v18 =	vld [tilespmem:s30+$0x12300]  }
0x682: {  	v28 =	vld [tilespmem:s30+$0x18B00]  }
0x683: {  	v29 =	vld [tilespmem:s30+$0x12310]  }
0x684: {  	v30 =	vld [tilespmem:s30+$0x18B10]  }
0x685: {  	v31 =	vld [tilespmem:s30+$0x12320]  }
0x686: {  	v32 =	vld [tilespmem:s30+$0x18B20]  }
0x687: {  	v33 =	vld [tilespmem:s30+$0x12330]  }
0x688: {  	v34 =	vld [tilespmem:s30+$0x18B30]  }
0x689: {  	v36 =	vld [tilespmem:s30+$0x12340];
	v18 =	vmul.f32 v28, v18;
	v35 =	vmul.f32 v30, v29  }
0x68a: {  	v37 =	vld [tilespmem:s30+$0x18B40]  }
0x68b: {  	v39 =	vld [tilespmem:s30+$0x12350];
	v38 =	vmul.f32 v32, v31;
	v18 =	vadd.f32 v35, v18  }
0x68c: {  	v40 =	vld [tilespmem:s30+$0x18B50]  }
0x68d: {  	v42 =	vld [tilespmem:s30+$0x12360];
	v41 =	vmul.f32 v34, v33;
	v18 =	vadd.f32 v38, v18  }
0x68e: {  	v43 =	vld [tilespmem:s30+$0x18B60]  }
0x68f: {  	v45 =	vld [tilespmem:s30+$0x12370];
	v44 =	vmul.f32 v37, v36;
	v18 =	vadd.f32 v41, v18  }
0x690: {  	v46 =	vld [tilespmem:s30+$0x18B70]  }
0x691: {  	v47 =	vmul.f32 v40, v39;
	v18 =	vadd.f32 v44, v18;
	_ =	sdelay $0x1  }
0x692: {  	v48 =	vmul.f32 v43, v42;
	v18 =	vadd.f32 v47, v18;
	_ =	sdelay $0x1  }
0x693: {  	v19 =	vld [tilespmem:s28+$0x18DA0];
	v49 =	vmul.f32 v46, v45;
	v18 =	vadd.f32 v48, v18  }
0x694: {  	v22 =	vld [tilespmem:s28+$0x12590]  }
0x695: {  	v21 =	vld [tilespmem:s28+$0x125A0];
	v18 =	vadd.f32 v49, v18  }
0x696: {  	v50 =	vld [tilespmem:s28+$0x18D90]  }
0x697: {  	v23 =	vld [tilespmem:s28+$0x125B0];
	[tilespmem:s31+$0x1F188] =	vst v18  }
0x698: {  	v18 =	vld [tilespmem:s30+$0x12380]  }
0x699: {  	v51 =	vld [tilespmem:s30+$0x18B80]  }
0x69a: {  	v52 =	vld [tilespmem:s30+$0x12390]  }
0x69b: {  	v53 =	vld [tilespmem:s30+$0x18B90]  }
0x69c: {  	v54 =	vld [tilespmem:s30+$0x123A0]  }
0x69d: {  	v55 =	vld [tilespmem:s30+$0x18BA0]  }
0x69e: {  	v56 =	vld [tilespmem:s30+$0x123B0]  }
0x69f: {  	v57 =	vld [tilespmem:s30+$0x18BB0]  }
0x6a0: {  	v59 =	vld [tilespmem:s30+$0x123C0];
	v18 =	vmul.f32 v51, v18;
	v58 =	vmul.f32 v53, v52  }
0x6a1: {  	v60 =	vld [tilespmem:s30+$0x18BC0]  }
0x6a2: {  	v62 =	vld [tilespmem:s30+$0x123D0];
	v61 =	vmul.f32 v55, v54;
	v18 =	vadd.f32 v58, v18  }
0x6a3: {  	v63 =	vld [tilespmem:s30+$0x18BD0]  }
0x6a4: {  	v34 =	vld [tilespmem:s30+$0x123E0];
	v33 =	vmul.f32 v57, v56;
	v18 =	vadd.f32 v61, v18  }
0x6a5: {  	v35 =	vld [tilespmem:s30+$0x18BE0]  }
0x6a6: {  	v37 =	vld [tilespmem:s30+$0x123F0];
	v36 =	vmul.f32 v60, v59;
	v18 =	vadd.f32 v33, v18  }
0x6a7: {  	v38 =	vld [tilespmem:s30+$0x18BF0]  }
0x6a8: {  	v39 =	vld [tilespmem:s28+$0x18DB0];
	v40 =	vmul.f32 v63, v62;
	v18 =	vadd.f32 v36, v18  }
0x6a9: {  	v42 =	vld [tilespmem:s28+$0x18DC0]  }
0x6aa: {  	v45 =	vld [tilespmem:s28+$0x18DD0];
	v43 =	vmul.f32 v35, v34;
	v18 =	vadd.f32 v40, v18  }
0x6ab: {  	v32 =	vld [tilespmem:s28+$0x18DF0]  }
0x6ac: {  	v41 =	vld [tilespmem:s28+$0x125C0];
	v46 =	vmul.f32 v38, v37;
	v18 =	vadd.f32 v43, v18  }
0x6ad: {  	v44 =	vld [tilespmem:s28+$0x125D0]  }
0x6ae: {  	v47 =	vld [tilespmem:s28+$0x125E0];
	v18 =	vadd.f32 v46, v18  }
0x6af: {  	v48 =	vld [tilespmem:s28+$0x18DE0]  }
0x6b0: {  	v49 =	vld [tilespmem:s28+$0x125F0];
	[tilespmem:s31+$0x1F199] =	vst v18  }
0x6b1: {  	v18 =	vld [tilespmem:s30+$0x12400]  }
0x6b2: {  	v16 =	vmul.f32 v17, v16;
	v17 =	vmul.f32 v50, v22;
	v50 =	vld [tilespmem:s30+$0x18C00]  }
0x6b3: {  	v51 =	vld [tilespmem:s30+$0x12410]  }
0x6b4: {  	v16 =	vadd.f32 v17, v16;
	v17 =	vmul.f32 v19, v21;
	v52 =	vld [tilespmem:s30+$0x18C10]  }
0x6b5: {  	v53 =	vld [tilespmem:s30+$0x12420]  }
0x6b6: {  	v16 =	vadd.f32 v17, v16;
	v17 =	vmul.f32 v39, v23;
	v54 =	vld [tilespmem:s30+$0x18C20]  }
0x6b7: {  	v55 =	vld [tilespmem:s30+$0x12430]  }
0x6b8: {  	v16 =	vadd.f32 v17, v16;
	v17 =	vmul.f32 v42, v41;
	v56 =	vld [tilespmem:s30+$0x18C30]  }
0x6b9: {  	v57 =	vld [tilespmem:s30+$0x12440];
	v18 =	vmul.f32 v50, v18;
	v19 =	vmul.f32 v52, v51  }
0x6ba: {  	v16 =	vadd.f32 v17, v16;
	v17 =	vmul.f32 v45, v44;
	v58 =	vld [tilespmem:s30+$0x18C40]  }
0x6bb: {  	v60 =	vld [tilespmem:s30+$0x12450];
	v59 =	vmul.f32 v54, v53;
	v18 =	vadd.f32 v19, v18  }
0x6bc: {  	v16 =	vadd.f32 v17, v16;
	v17 =	vmul.f32 v48, v47;
	v61 =	vld [tilespmem:s30+$0x18C50]  }
0x6bd: {  	v63 =	vld [tilespmem:s30+$0x12460];
	v62 =	vmul.f32 v56, v55;
	v18 =	vadd.f32 v59, v18  }
0x6be: {  	v16 =	vadd.f32 v17, v16;
	v17 =	vmul.f32 v32, v49;
	v28 =	vld [tilespmem:s30+$0x18C60]  }
0x6bf: {  	v30 =	vld [tilespmem:s30+$0x12470];
	v29 =	vmul.f32 v58, v57;
	v18 =	vadd.f32 v62, v18  }
0x6c0: {  	v16 =	vadd.f32 v17, v16;
	v17 =	vld [tilespmem:s30+$0x18C70]  }
0x6c1: {  	v31 =	vmul.f32 v61, v60;
	v18 =	vadd.f32 v29, v18  }
0x6c2: {  	[tilespmem:s26+$0x1F1DD] =	vst v16  }
0x6c3: {  	v16 =	vld [tilespmem:s28+$0x12600];
	v32 =	vmul.f32 v28, v63;
	v18 =	vadd.f32 v31, v18  }
0x6c4: {  	v21 =	vld [tilespmem:s28+$0x18E00]  }
0x6c5: {  	v22 =	vld [tilespmem:s28+$0x12610];
	v17 =	vmul.f32 v17, v30;
	v18 =	vadd.f32 v32, v18  }
0x6c6: {  	v20 =	vld [tilespmem:s28+$0x12620]  }
0x6c7: {  	v23 =	vld [tilespmem:s28+$0x12630];
	v17 =	vadd.f32 v17, v18  }
0x6c8: {  	v52 =	vld [tilespmem:s28+$0x18E30]  }
0x6c9: {  	v54 =	vld [tilespmem:s28+$0x12640];
	[tilespmem:s31+$0x1F1AA] =	vst v17  }
0x6ca: {  	v17 =	vld [tilespmem:s30+$0x12480]  }
0x6cb: {  	v33 =	vld [tilespmem:s30+$0x18C80]  }
0x6cc: {  	v34 =	vld [tilespmem:s30+$0x12490]  }
0x6cd: {  	v35 =	vld [tilespmem:s30+$0x18C90]  }
0x6ce: {  	v36 =	vld [tilespmem:s30+$0x124A0]  }
0x6cf: {  	v37 =	vld [tilespmem:s30+$0x18CA0]  }
0x6d0: {  	v38 =	vld [tilespmem:s30+$0x124B0]  }
0x6d1: {  	v39 =	vld [tilespmem:s30+$0x18CB0]  }
0x6d2: {  	v41 =	vld [tilespmem:s30+$0x124C0];
	v17 =	vmul.f32 v33, v17;
	v40 =	vmul.f32 v35, v34  }
0x6d3: {  	v42 =	vld [tilespmem:s30+$0x18CC0]  }
0x6d4: {  	v44 =	vld [tilespmem:s30+$0x124D0];
	v43 =	vmul.f32 v37, v36;
	v17 =	vadd.f32 v40, v17  }
0x6d5: {  	v45 =	vld [tilespmem:s30+$0x18CD0]  }
0x6d6: {  	v47 =	vld [tilespmem:s30+$0x124E0];
	v46 =	vmul.f32 v39, v38;
	v17 =	vadd.f32 v43, v17  }
0x6d7: {  	v48 =	vld [tilespmem:s30+$0x18CE0]  }
0x6d8: {  	v50 =	vld [tilespmem:s30+$0x124F0];
	v49 =	vmul.f32 v42, v41;
	v17 =	vadd.f32 v46, v17  }
0x6d9: {  	v51 =	vld [tilespmem:s30+$0x18CF0]  }
0x6da: {  	v55 =	vld [tilespmem:s28+$0x18E40];
	v53 =	vmul.f32 v45, v44;
	v17 =	vadd.f32 v49, v17  }
0x6db: {  	v57 =	vld [tilespmem:s28+$0x12650]  }
0x6dc: {  	v58 =	vld [tilespmem:s28+$0x18E50];
	v56 =	vmul.f32 v48, v47;
	v17 =	vadd.f32 v53, v17  }
0x6dd: {  	v60 =	vld [tilespmem:s28+$0x12660]  }
0x6de: {  	v61 =	vld [tilespmem:s28+$0x18E60];
	v59 =	vmul.f32 v51, v50;
	v17 =	vadd.f32 v56, v17  }
0x6df: {  	v19 =	vld [tilespmem:s28+$0x18E10]  }
0x6e0: {  	v63 =	vld [tilespmem:s28+$0x18E70];
	v17 =	vadd.f32 v59, v17  }
0x6e1: {  	v18 =	vld [tilespmem:s28+$0x18E20]  }
0x6e2: {  	v62 =	vld [tilespmem:s28+$0x12670];
	[tilespmem:s31+$0x1F1BB] =	vst v17  }
0x6e3: {  	v17 =	vld [tilespmem:s30+$0x12500]  }
0x6e4: {  	v16 =	vmul.f32 v21, v16;
	v19 =	vmul.f32 v19, v22;
	v34 =	vld [tilespmem:s30+$0x18D00]  }
0x6e5: {  	v35 =	vld [tilespmem:s30+$0x12510]  }
0x6e6: {  	v16 =	vadd.f32 v19, v16;
	v18 =	vmul.f32 v18, v20;
	v36 =	vld [tilespmem:s30+$0x18D10]  }
0x6e7: {  	v37 =	vld [tilespmem:s30+$0x12520]  }
0x6e8: {  	v16 =	vadd.f32 v18, v16;
	v38 =	vmul.f32 v52, v23;
	v39 =	vld [tilespmem:s30+$0x18D20]  }
0x6e9: {  	v40 =	vld [tilespmem:s30+$0x12530]  }
0x6ea: {  	v41 =	vmul.f32 v55, v54;
	v16 =	vadd.f32 v38, v16;
	v42 =	vld [tilespmem:s30+$0x18D30]  }
0x6eb: {  	v43 =	vld [tilespmem:s30+$0x12540];
	v17 =	vmul.f32 v34, v17;
	v19 =	vmul.f32 v36, v35  }
0x6ec: {  	v44 =	vmul.f32 v58, v57;
	v16 =	vadd.f32 v41, v16;
	v45 =	vld [tilespmem:s30+$0x18D40]  }
0x6ed: {  	v47 =	vld [tilespmem:s30+$0x12550];
	v46 =	vmul.f32 v39, v37;
	v17 =	vadd.f32 v19, v17  }
0x6ee: {  	v48 =	vmul.f32 v61, v60;
	v16 =	vadd.f32 v44, v16;
	v49 =	vld [tilespmem:s30+$0x18D50]  }
0x6ef: {  	v51 =	vld [tilespmem:s30+$0x12560];
	v50 =	vmul.f32 v42, v40;
	v17 =	vadd.f32 v46, v17  }
0x6f0: {  	v52 =	vmul.f32 v63, v62;
	v16 =	vadd.f32 v48, v16;
	v53 =	vld [tilespmem:s30+$0x18D60]  }
0x6f1: {  	v55 =	vld [tilespmem:s30+$0x12570];
	v54 =	vmul.f32 v45, v43;
	v17 =	vadd.f32 v50, v17  }
0x6f2: {  	v16 =	vadd.f32 v52, v16;
	v56 =	vld [tilespmem:s30+$0x18D70]  }
0x6f3: {  	v57 =	vmul.f32 v49, v47;
	v17 =	vadd.f32 v54, v17  }
0x6f4: {  	[tilespmem:s26+$0x1F1EE] =	vst v16  }
0x6f5: {  	v16 =	vld [tilespmem:s28+$0x12680];
	v58 =	vmul.f32 v53, v51;
	v17 =	vadd.f32 v57, v17  }
0x6f6: {  	v20 =	vld [tilespmem:s28+$0x18E80]  }
0x6f7: {  	v22 =	vld [tilespmem:s28+$0x12690];
	v18 =	vmul.f32 v56, v55;
	v17 =	vadd.f32 v58, v17  }
0x6f8: {  	v21 =	vld [tilespmem:s28+$0x126A0]  }
0x6f9: {  	v23 =	vld [tilespmem:s28+$0x126B0];
	v17 =	vadd.f32 v18, v17  }
0x6fa: {  	v52 =	vld [tilespmem:s28+$0x126D0]  }
0x6fb: {  	v47 =	vld [tilespmem:s28+$0x18EB0];
	[tilespmem:s31+$0x1F1CC] =	vst v17  }
0x6fc: {  	v17 =	vld [tilespmem:s30+$0x12580]  }
0x6fd: {  	v59 =	vld [tilespmem:s30+$0x18D80]  }
0x6fe: {  	v60 =	vld [tilespmem:s30+$0x12590]  }
0x6ff: {  	v61 =	vld [tilespmem:s30+$0x18D90]  }
0x700: {  	v62 =	vld [tilespmem:s30+$0x125A0]  }
0x701: {  	v63 =	vld [tilespmem:s30+$0x18DA0]  }
0x702: {  	v33 =	vld [tilespmem:s30+$0x125B0]  }
0x703: {  	v34 =	vld [tilespmem:s30+$0x18DB0]  }
0x704: {  	v36 =	vld [tilespmem:s30+$0x125C0];
	v17 =	vmul.f32 v59, v17;
	v35 =	vmul.f32 v61, v60  }
0x705: {  	v37 =	vld [tilespmem:s30+$0x18DC0]  }
0x706: {  	v39 =	vld [tilespmem:s30+$0x125D0];
	v38 =	vmul.f32 v63, v62;
	v17 =	vadd.f32 v35, v17  }
0x707: {  	v40 =	vld [tilespmem:s30+$0x18DD0]  }
0x708: {  	v42 =	vld [tilespmem:s30+$0x125E0];
	v41 =	vmul.f32 v34, v33;
	v17 =	vadd.f32 v38, v17  }
0x709: {  	v43 =	vld [tilespmem:s30+$0x18DE0]  }
0x70a: {  	v45 =	vld [tilespmem:s30+$0x125F0];
	v44 =	vmul.f32 v37, v36;
	v17 =	vadd.f32 v41, v17  }
0x70b: {  	v46 =	vld [tilespmem:s30+$0x18DF0]  }
0x70c: {  	v49 =	vld [tilespmem:s28+$0x126C0];
	v48 =	vmul.f32 v40, v39;
	v17 =	vadd.f32 v44, v17  }
0x70d: {  	v53 =	vld [tilespmem:s28+$0x18ED0]  }
0x70e: {  	v55 =	vld [tilespmem:s28+$0x126E0];
	v51 =	vmul.f32 v43, v42;
	v17 =	vadd.f32 v48, v17  }
0x70f: {  	v56 =	vld [tilespmem:s28+$0x18EE0]  }
0x710: {  	v19 =	vld [tilespmem:s28+$0x18E90];
	v54 =	vmul.f32 v46, v45;
	v17 =	vadd.f32 v51, v17  }
0x711: {  	v50 =	vld [tilespmem:s28+$0x18EC0]  }
0x712: {  	v57 =	vld [tilespmem:s28+$0x126F0];
	v17 =	vadd.f32 v54, v17  }
0x713: {  	v58 =	vld [tilespmem:s28+$0x18EF0]  }
0x714: {  	v18 =	vld [tilespmem:s28+$0x18EA0];
	[tilespmem:s31+$0x1F1DD] =	vst v17  }
0x715: {  	v17 =	vld [tilespmem:s30+$0x12600]  }
0x716: {  	v33 =	vld [tilespmem:s30+$0x18E00]  }
0x717: {  	v34 =	vld [tilespmem:s30+$0x12610]  }
0x718: {  	v35 =	vld [tilespmem:s30+$0x18E10]  }
0x719: {  	v36 =	vld [tilespmem:s30+$0x12620]  }
0x71a: {  	v16 =	vmul.f32 v20, v16;
	v19 =	vmul.f32 v19, v22;
	v59 =	vld [tilespmem:s30+$0x18E20]  }
0x71b: {  	v60 =	vld [tilespmem:s30+$0x12630]  }
0x71c: {  	v16 =	vadd.f32 v19, v16;
	v18 =	vmul.f32 v18, v21;
	v61 =	vld [tilespmem:s30+$0x18E30]  }
0x71d: {  	v63 =	vld [tilespmem:s30+$0x12640];
	v17 =	vmul.f32 v33, v17;
	v62 =	vmul.f32 v35, v34  }
0x71e: {  	v16 =	vadd.f32 v18, v16;
	v34 =	vmul.f32 v47, v23;
	v35 =	vld [tilespmem:s30+$0x18E40]  }
0x71f: {  	v38 =	vld [tilespmem:s30+$0x18E50];
	v20 =	vmul.f32 v59, v36;
	v17 =	vadd.f32 v62, v17  }
0x720: {  	v37 =	vmul.f32 v50, v49;
	v36 =	vld [tilespmem:s30+$0x12650];
	v16 =	vadd.f32 v34, v16  }
0x721: {  	v39 =	vld [tilespmem:s30+$0x12660];
	v19 =	vmul.f32 v61, v60;
	v17 =	vadd.f32 v20, v17  }
0x722: {  	v40 =	vmul.f32 v53, v52;
	v41 =	vld [tilespmem:s30+$0x18E60];
	v16 =	vadd.f32 v37, v16  }
0x723: {  	v43 =	vld [tilespmem:s30+$0x12670];
	v42 =	vmul.f32 v35, v63;
	v17 =	vadd.f32 v19, v17  }
0x724: {  	v44 =	vmul.f32 v56, v55;
	v45 =	vld [tilespmem:s30+$0x18E70];
	v16 =	vadd.f32 v40, v16  }
0x725: {  	v46 =	vmul.f32 v38, v36;
	v17 =	vadd.f32 v42, v17  }
0x726: {  	v48 =	vadd.s32 s26, v0;
	v47 =	vmul.f32 v58, v57;
	v16 =	vadd.f32 v44, v16  }
0x727: {  	v49 =	vadd.s32 s26, v1;
	v50 =	vmul.f32 v41, v39;
	v17 =	vadd.f32 v46, v17  }
0x728: {  	v51 =	vadd.s32 s26, v2;
	v16 =	vadd.f32 v47, v16  }
0x729: {  	v52 =	vmul.f32 v45, v43;
	v17 =	vadd.f32 v50, v17  }
0x72a: {  	[tilespmem:s26+$0x1F1FF] =	vst v16  }
0x72b: {  	v16 =	vld.idx.msk [tilespmem:v48+s20+$0x0], $0xffff;
	v17 =	vadd.f32 v52, v17  }
0x72c: {  	v53 =	vld.idx.msk [tilespmem:v49+s20+$0x0], $0xffff  }
0x72d: {  	v18 =	vld.idx.msk [tilespmem:v51+s20+$0x0], $0xffff;
	[tilespmem:s31+$0x1F1EE] =	vst v17  }
0x72e: {  	v17 =	vld [tilespmem:s30+$0x12680]  }
0x72f: {  	v54 =	vld [tilespmem:s30+$0x18E80]  }
0x730: {  	v55 =	vld [tilespmem:s30+$0x12690]  }
0x731: {  	v56 =	vld [tilespmem:s30+$0x18E90]  }
0x732: {  	v57 =	vld [tilespmem:s30+$0x126A0]  }
0x733: {  	v58 =	vld [tilespmem:s30+$0x18EA0]  }
0x734: {  	v59 =	vld [tilespmem:s30+$0x126B0]  }
0x735: {  	v60 =	vld [tilespmem:s30+$0x18EB0]  }
0x736: {  	v62 =	vld [tilespmem:s30+$0x126C0];
	v17 =	vmul.f32 v54, v17;
	v61 =	vmul.f32 v56, v55  }
0x737: {  	v63 =	vld [tilespmem:s30+$0x18EC0]  }
0x738: {  	v33 =	vld [tilespmem:s30+$0x126D0];
	v32 =	vmul.f32 v58, v57;
	v17 =	vadd.f32 v61, v17  }
0x739: {  	v34 =	vld [tilespmem:s30+$0x18ED0]  }
0x73a: {  	v35 =	vadd.s32 s26, v3;
	v37 =	vld [tilespmem:s30+$0x126E0];
	v36 =	vmul.f32 v60, v59;
	v17 =	vadd.f32 v32, v17  }
0x73b: {  	v38 =	vld [tilespmem:s30+$0x18EE0]  }
0x73c: {  	v39 =	vadd.s32 s26, v4;
	v41 =	vld [tilespmem:s30+$0x126F0];
	v40 =	vmul.f32 v63, v62;
	v17 =	vadd.f32 v36, v17  }
0x73d: {  	v42 =	vld [tilespmem:s30+$0x18EF0]  }
0x73e: {  	v43 =	vadd.s32 s26, v5;
	v44 =	vmul.f32 v34, v33;
	v17 =	vadd.f32 v40, v17  }
0x73f: {  	v46 =	vadd.s32 s26, v6;
	v45 =	vld.idx.msk [tilespmem:v35+s20+$0x0], $0xffff  }
0x740: {  	v16 =	vadd.f32 v53, v16;
	v47 =	vmul.f32 v38, v37;
	v17 =	vadd.f32 v44, v17  }
0x741: {  	v48 =	vld.idx.msk [tilespmem:v39+s20+$0x0], $0xffff;
	v49 =	vadd.s32 s26, v7;
	v51 =	vadd.s32 s31, v0  }
0x742: {  	v16 =	vadd.f32 v18, v16;
	v50 =	vmul.f32 v42, v41;
	v17 =	vadd.f32 v47, v17  }
0x743: {  	v52 =	vld.idx.msk [tilespmem:v43+s20+$0x0], $0xffff;
	v53 =	vadd.s32 s31, v1  }
0x744: {  	v54 =	vadd.s32 s26, v8;
	v16 =	vadd.f32 v45, v16;
	v17 =	vadd.f32 v50, v17  }
0x745: {  	v55 =	vld.idx.msk [tilespmem:v46+s20+$0x0], $0xffff;
	v56 =	vadd.s32 s31, v2  }
0x746: {  	v57 =	vadd.s32 s26, v9;
	v58 =	vld.idx.msk [tilespmem:v49+s20+$0x0], $0xffff;
	v16 =	vadd.f32 v48, v16;
	[tilespmem:s31+$0x1F1FF] =	vst v17  }
0x747: {  	v59 =	vadd.s32 s31, v3;
	v17 =	vld.idx.msk [tilespmem:v51+s20+$0x0], $0xffff  }
0x748: {  	v60 =	vadd.s32 s26, v10;
	v16 =	vadd.f32 v52, v16;
	v61 =	vld.idx.msk [tilespmem:v53+s20+$0x0], $0xffff  }
0x749: {  	v63 =	vadd.s32 s31, v4;
	v62 =	vld.idx.msk [tilespmem:v54+s20+$0x0], $0xffff  }
0x74a: {  	v32 =	vadd.s32 s26, v11;
	v16 =	vadd.f32 v55, v16;
	v33 =	vld.idx.msk [tilespmem:v56+s20+$0x0], $0xffff  }
0x74b: {  	v35 =	vadd.s32 s31, v5;
	v34 =	vld.idx.msk [tilespmem:v57+s20+$0x0], $0xffff  }
0x74c: {  	v36 =	vadd.s32 s26, v12;
	v16 =	vadd.f32 v58, v16;
	v20 =	vld.idx.msk [tilespmem:v59+s20+$0x0], $0xffff  }
0x74d: {  	v38 =	vadd.s32 s31, v6;
	v37 =	vld.idx.msk [tilespmem:v60+s20+$0x0], $0xffff;
	v17 =	vadd.f32 v61, v17  }
0x74e: {  	v39 =	vadd.s32 s26, v13;
	v16 =	vadd.f32 v62, v16;
	v40 =	vld.idx.msk [tilespmem:v63+s20+$0x0], $0xffff  }
0x74f: {  	v42 =	vadd.s32 s31, v7;
	v41 =	vld.idx.msk [tilespmem:v32+s20+$0x0], $0xffff;
	v17 =	vadd.f32 v33, v17  }
0x750: {  	v43 =	vadd.s32 s26, v14;
	v16 =	vadd.f32 v34, v16;
	v44 =	vld.idx.msk [tilespmem:v35+s20+$0x0], $0xffff  }
0x751: {  	v46 =	vadd.s32 s31, v8;
	v45 =	vld.idx.msk [tilespmem:v36+s20+$0x0], $0xffff;
	v17 =	vadd.f32 v20, v17  }
0x752: {  	v47 =	vadd.s32 s26, v15;
	v16 =	vadd.f32 v37, v16;
	v48 =	vld.idx.msk [tilespmem:v38+s20+$0x0], $0xffff  }
0x753: {  	v21 =	vld.idx.msk [tilespmem:v39+s20+$0x0], $0xffff;
	v49 =	vadd.s32 s31, v9;
	v17 =	vadd.f32 v40, v17  }
0x754: {  	v16 =	vadd.f32 v41, v16;
	v50 =	vld.idx.msk [tilespmem:v42+s20+$0x0], $0xffff  }
0x755: {  	v18 =	vld.idx.msk [tilespmem:v43+s20+$0x0], $0xffff;
	v51 =	vadd.s32 s31, v10;
	v17 =	vadd.f32 v44, v17  }
0x756: {  	v52 =	vld.idx.msk [tilespmem:v46+s20+$0x0], $0xffff;
	v16 =	vadd.f32 v45, v16  }
0x757: {  	v53 =	vadd.s32 s31, v11;
	v20 =	vld.idx.msk [tilespmem:v47+s20+$0x0], $0xffff;
	v17 =	vadd.f32 v48, v17  }
0x758: {  	v54 =	vld.idx.msk [tilespmem:v49+s20+$0x0], $0xffff;
	v16 =	vadd.f32 v21, v16  }
0x759: {  	v55 =	vadd.s32 s31, v12;
	v17 =	vadd.f32 v50, v17  }
0x75a: {  	v16 =	vadd.f32 v18, v16;
	v56 =	vld.idx.msk [tilespmem:v51+s20+$0x0], $0xffff  }
0x75b: {  	v57 =	vadd.s32 s31, v13;
	v17 =	vadd.f32 v52, v17  }
0x75c: {  	v58 =	vld.idx.msk [tilespmem:v53+s20+$0x0], $0xffff;
	v16 =	vadd.f32 v20, v16  }
0x75d: {  	v59 =	vadd.s32 s31, v14;
	v17 =	vadd.f32 v54, v17  }
0x75e: {  	v60 =	vld.idx.msk [tilespmem:v55+s20+$0x0], $0xffff;
	v16 =	vsub.f32 $0.0e+00, v16  }
0x75f: {  	v61 =	vadd.s32 s31, v15;
	v17 =	vadd.f32 v56, v17  }
0x760: {  	v62 =	vld.idx.msk [tilespmem:v57+s20+$0x0], $0xffff;
	v16 =	vmul.f32 $1.442695020e+00, v16  }
0x761: {  	v17 =	vadd.f32 v58, v17  }
0x762: {  	(erf) = vpow2.f32 v16;
	v16 =	vld.idx.msk [tilespmem:v59+s20+$0x0], $0xffff  }
0x763: {  	v17 =	vadd.f32 v60, v17  }
0x764: {  	v63 =	vld.idx.msk [tilespmem:v61+s20+$0x0], $0xffff  }
0x765: {  	v17 =	vadd.f32 v62, v17;
	_ =	sdelay $0x1  }
0x766: {  	v16 =	vadd.f32 v16, v17;
	_ =	sdelay $0x1  }
0x767: {  	v16 =	vadd.f32 v63, v16;
	_ =	sdelay $0x1  }
0x768: {  	v17 =	vpop (erf);
	v16 =	vsub.f32 $0.0e+00, v16  }
0x769: {  	v17 =	vadd.f32 $1.000000000e+00, v17  }
0x76a: {  	v16 =	vmul.f32 $1.442695020e+00, v16  }
0x76b: {  	(erf) = vrcp.f32 v17  }
0x76c: {  	(erf) = vpow2.f32 v16;
	_ =	sdelay $0x7  }
0x76d: {  	v16 =	vpop (erf)  }
0x76e: {  	v17 =	vpop (erf)  }
0x76f: {  	v17 =	vadd.f32 $1.000000000e+00, v17;
	_ =	sdelay $0x1  }
0x770: {  	(erf) = vrcp.f32 v17;
	_ =	sdelay $0x4  }
0x771: {  	s23 =	sadd.s32 $0x1, s23  }
0x772: {  	p0 =	sne.s32 s23, $0x19  }
.Ltmp2:
0x773: {  	s0 =	sshll.u32 s25, $0x4;
	(pc) =	sbr.rel @p0 .LBB2_2-.Ltmp2, $4  }
0x774: {  	s2 =	sshll.u32 s29, $0x4;
	s24 =	sadd.s32 s4, s24;
	s0 =	sand.u32 $0x3FFFFFF0, s0  }
0x775: {  	s29 =	sand.u32 $0x3FFFFFF0, s2;
	s30 =	sshrl.u32 s24, $0x3;
	[tilespmem:s0+$0x1EFC8] =	vst v16;
	v16 =	vpop (erf)  }
0x776: {  	s31 =	sadd.s32 s3, s30;
	[tilespmem:s29+$0x1EFC8] =	vst v16  }
0x777: {  	[hbm4b:s31+s5] =	stream.linear.scatter [tilespmem:s15], [sflag:$0x3], $0x190, $0x38;
	[tilespmem:$0x1FF00] =	vst v63  }
0x778: {  	_ =	swait.ge [sflag:s18], $0x190  }
0x779: {  	[sflag:s18] =	ssyncset.done $0x0  }
0x77a: {  	s22 =	sadd.s32 $0x1, s22;
	[sflag:s18] =	ssyncadd.s32 $0xFFFFFE70  }
0x77b: {  	p0 =	sne.s32 s22, s9;
	_ =	swait.ge [sflag:s19], $0x6400  }
.Ltmp3:
0x77c: {  	[sflag:s19] =	ssyncset.done $0x0;
	(pc) =	sbr.rel @p0 .LBB2_1-.Ltmp3, $4  }
0x77d: {  	[sflag:s19] =	ssyncadd.s32 $0xFFFF9C00  }
0x77e: {  	_ =	swait.ge [sflag:s19], $0x6400  }
0x77f: {  	[sflag:s19] =	ssyncset.done $0x0  }
0x780: {  	[sflag:s19] =	ssyncadd.s32 $0xFFFF9C00  }
0x781: {  	_ =	sfence.sel $0x180000  }
0x782: {  	[bflag:$0x0] =	sbarrier.arrive $0xFFFF  }
0x783: {  	_ =	strace $0x90000047  }
0x784: {  	s0 =	stileid.u32;
	[bflag:$0x2] =	sbarrier.arrive $0xFFFF  }
0x785: {  	p0 =	sne.s32 s0, $0x0;
	s0 =	rddreg [dreg:$0x3]  }
0x786: {  	s0 =	sadd.s32 @!p0 $0x100000, s0  }
0x787: {  	[sflag:s0] =	ssyncadd.tile.s32 @!p0 $0x1;
	_ =	shalt  }
.Lfunc_end2:
_tile_overlayer_lowered:
.L_overlay_start_2:
0x788: {  	(tag) =	ssettag $0x2  }
0x789: {  	s0 =	rddreg [dreg:$0x0];
	s2 =	stileid.u32  }
0x78a: {  	s1 =	rddreg [dreg:$0x1];
	p0 =	sne.s32 s2, $0x0  }
0x78b: {  	s3 =	rddreg [dreg:$0x2];
	[bflag:$0x3] =	sbarrier.arrive $0xFFFF;
	s2 =	simm.s32 @!p0 $0x1C04  }
0x78c: {  	[timem:s3], [sflag:s2] =	dma.local @!p0 [hbm:s0], s1  }
0x78d: {  	s0 =	simm.s32 @!p0 $0x4  }
0x78e: {  	_ =	swait.ge @!p0 [sflag:s0], s1  }
0x78f: {  	s1 =	ssub.s32 @!p0 $0x0, s1;
	[sflag:s0] =	ssyncset.done @!p0 $0x0  }
0x790: {  	[sflag:s0] =	ssyncadd.s32 @!p0 s1  }
0x791: {  	[bflag:$0x3] =	sbarrier.arrive $0xFFFF  }
0x792: {  	_ =	shalt  }

</sc_bundles>
